<compile_context>
chip_gen: v7x
topology: tpu7x:2x2x1
jax: 0.10.2.dev20260603
libtpu: 0.0.44.dev20260713+nightly
codegen_flags: <defaults>
</compile_context>

<pallas_src>
import functools

import jax
import jax.numpy as jnp
from jax import lax
from jax.experimental import pallas as pl
from jax.experimental.pallas import tpu as pltpu
from jax.experimental.pallas import tpu_sc as plsc

N = 32768
D = 128
K = 1024
NC = 2
NS = 16
NW = NC * NS
ROWS_PER_W = N // NW
CHUNK = 128
NCHUNKS = ROWS_PER_W // CHUNK
GPT = K // NS
HBLK = 2048

_mesh = plsc.VectorSubcoreMesh(
    core_axis_name="c", subcore_axis_name="s", num_cores=NC, num_subcores=NS)

_f32 = jnp.float32


def _fill(ref, rows, width, val):
    v = jnp.full((16,), val, _f32)

    def row(r, _):
        for cc in range(width // 16):
            ref[r, pl.ds(cc * 16, 16)] = v
        return 0

    lax.fori_loop(0, rows, row, 0)




def _hist_body(kb_ref, out_ref):
    kb = kb_ref[...]
    hi = kb >> 7
    lo = kb & 127
    u = (hi == lax.broadcasted_iota(jnp.int32, (1, 8), 1)).astype(jnp.bfloat16)
    v = (lo == lax.broadcasted_iota(jnp.int32, (1, 128), 1)).astype(jnp.bfloat16)
    part = lax.dot_general(u, v, (((0,), (0,)), ((), ())),
                           preferred_element_type=_f32)

    @pl.when(pl.program_id(0) == 0)
    def _():
        out_ref[...] = jnp.zeros_like(out_ref)

    out_ref[...] += part


_hist = pl.pallas_call(
    _hist_body,
    grid=(N // HBLK,),
    in_specs=[pl.BlockSpec((HBLK, 1), lambda i: (i, 0))],
    out_specs=pl.BlockSpec((8, 128), lambda i: (0, 0)),
    out_shape=jax.ShapeDtypeStruct((8, 128), _f32),
)


def _rcbc_body(c_ref, rc_ref):
    c = c_ref[...]
    rc = 1.0 / jnp.maximum(c, 1.0)
    rc_ref[...] = jnp.broadcast_to(rc, (K, D))


_rcbc = pl.pallas_call(
    _rcbc_body,
    out_shape=jax.ShapeDtypeStruct((K, D), _f32),
)




@functools.partial(
    pl.kernel,
    out_type=(
        jax.ShapeDtypeStruct((NC, K, D), _f32),
        jax.ShapeDtypeStruct((NC, K, D), _f32),
    ),
    mesh=_mesh,
    scratch_types=(
        pltpu.VMEM((CHUNK,), jnp.int32),
        pltpu.VMEM((CHUNK,), jnp.int32),
        pltpu.VMEM((CHUNK, D), _f32),
        pltpu.VMEM((CHUNK, D), _f32),
        pltpu.VMEM((CHUNK, D), _f32),
        pltpu.VMEM((CHUNK, D), _f32),
        pltpu.VMEM((GPT, D), _f32),
        pltpu.VMEM_SHARED((K, D), _f32),
        pltpu.VMEM_SHARED((K, D), _f32),
        pltpu.SemaphoreType.DMA,
        pltpu.SemaphoreType.DMA,
        pltpu.SemaphoreType.DMA,
        pltpu.SemaphoreType.DMA,
        pltpu.SemaphoreType.DMA,
        pltpu.SemaphoreType.DMA,
        pltpu.SemaphoreType.DMA,
        pltpu.SemaphoreType.DMA,
    ),
)
def _accum(key_hbm, x_hbm, s_out, q_out,
           idx0, idx1, x0, x1, sq0, sq1, zbuf, s_sh, q_sh,
           sem_li0, sem_li1, sem_lx0, sem_lx1, sem_sx0, sem_sx1,
           sem_sq0, sem_sq1):
    c = lax.axis_index("c")
    s = lax.axis_index("s")
    wid = c * NS + s
    base = wid * ROWS_PER_W

    idx = (idx0, idx1)
    xb = (x0, x1)
    sqb = (sq0, sq1)
    sem_li = (sem_li0, sem_li1)
    sem_lx = (sem_lx0, sem_lx1)
    sem_sx = (sem_sx0, sem_sx1)
    sem_sq = (sem_sq0, sem_sq1)

    ld_i = [None] * NCHUNKS
    ld_x = [None] * NCHUNKS
    sc_x = [None] * NCHUNKS
    sc_q = [None] * NCHUNKS

    def issue_load(j):
        p = j % 2
        rb = base + j * CHUNK
        ld_i[j] = pltpu.async_copy(key_hbm.at[pl.ds(rb, CHUNK)], idx[p], sem_li[p])
        ld_x[j] = pltpu.async_copy(x_hbm.at[pl.ds(rb, CHUNK)], xb[p], sem_lx[p])

    issue_load(0)

    _fill(zbuf, GPT, D, 0.0)
    gb = s * GPT
    pltpu.sync_copy(zbuf, s_sh.at[pl.ds(gb, GPT)])
    pltpu.sync_copy(zbuf, q_sh.at[pl.ds(gb, GPT)])
    plsc.subcore_barrier()

    for j in range(NCHUNKS):
        p = j % 2
        ld_i[j].wait()
        ld_x[j].wait()
        sc_x[j] = pltpu.async_copy(xb[p], s_sh.at[idx[p]], sem_sx[p], add=True)
        if j + 1 < NCHUNKS:
            if j >= 1:
                sc_x[j - 1].wait()
                sc_q[j - 1].wait()
            issue_load(j + 1)

        def srow(r, _):
            for cc in range(D // 16):
                sl = pl.ds(cc * 16, 16)
                v = xb[p][r, sl]
                sqb[p][r, sl] = v * v
            return 0

        lax.fori_loop(0, CHUNK, srow, 0)
        sc_q[j] = pltpu.async_copy(sqb[p], q_sh.at[idx[p]], sem_sq[p], add=True)

    for j in (NCHUNKS - 2, NCHUNKS - 1):
        sc_x[j].wait()
        sc_q[j].wait()
    plsc.subcore_barrier()

    pltpu.sync_copy(s_sh.at[pl.ds(gb, GPT)], zbuf)
    pltpu.sync_copy(zbuf, s_out.at[c, pl.ds(gb, GPT)])
    pltpu.sync_copy(q_sh.at[pl.ds(gb, GPT)], zbuf)
    pltpu.sync_copy(zbuf, q_out.at[c, pl.ds(gb, GPT)])




@functools.partial(
    pl.kernel,
    out_type=(
        jax.ShapeDtypeStruct((N, D), _f32),
        jax.ShapeDtypeStruct((N, D), _f32),
    ),
    mesh=_mesh,
    scratch_types=(
        pltpu.VMEM((ROWS_PER_W,), jnp.int32),
        pltpu.VMEM((CHUNK, D), _f32),
        pltpu.VMEM((CHUNK, D), _f32),
        pltpu.VMEM((CHUNK, D), _f32),
        pltpu.VMEM((CHUNK, D), _f32),
        pltpu.VMEM((GPT, D), _f32),
        pltpu.VMEM((GPT, D), _f32),
        pltpu.VMEM((GPT, D), _f32),
        pltpu.VMEM((GPT, D), _f32),
        pltpu.VMEM((GPT, D), _f32),
        pltpu.VMEM_SHARED((K, D), _f32),
        pltpu.VMEM_SHARED((K, D), _f32),
        pltpu.SemaphoreType.DMA,
        pltpu.SemaphoreType.DMA,
        pltpu.SemaphoreType.DMA,
        pltpu.SemaphoreType.DMA,
        pltpu.SemaphoreType.DMA,
        pltpu.SemaphoreType.DMA,
        pltpu.SemaphoreType.DMA,
        pltpu.SemaphoreType.DMA,
        pltpu.SemaphoreType.DMA,
        pltpu.SemaphoreType.DMA,
    ),
)
def _finalize_gather(key_hbm, s2, q2, rc_full, om, ov,
                     idx_all, bm0, bm1, bv0, bv1, t_s, t_t, t_q, t_u,
                     t_r, m_sh, v_sh,
                     sem_li0, sem_li1, sem_gm0, sem_gm1, sem_gv0, sem_gv1,
                     sem_wm0, sem_wm1, sem_wv0, sem_wv1):
    c = lax.axis_index("c")
    s = lax.axis_index("s")
    wid = c * NS + s
    gb = s * GPT
    base = wid * ROWS_PER_W

    bm = (bm0, bm1)
    bv = (bv0, bv1)
    sem_gm = (sem_gm0, sem_gm1)
    sem_gv = (sem_gv0, sem_gv1)
    sem_wm = (sem_wm0, sem_wm1)
    sem_wv = (sem_wv0, sem_wv1)

    ld_i = pltpu.async_copy(
        key_hbm.at[pl.ds(base, ROWS_PER_W)], idx_all, sem_li0)

    ld_s0 = pltpu.async_copy(s2.at[0, pl.ds(gb, GPT)], t_s, sem_gm0)
    ld_s1 = pltpu.async_copy(s2.at[1, pl.ds(gb, GPT)], t_t, sem_gm1)
    ld_q0 = pltpu.async_copy(q2.at[0, pl.ds(gb, GPT)], t_q, sem_gv0)
    ld_q1 = pltpu.async_copy(q2.at[1, pl.ds(gb, GPT)], t_u, sem_gv1)
    ld_rc = pltpu.async_copy(rc_full.at[pl.ds(gb, GPT)], t_r, sem_li1)
    ld_s0.wait()
    ld_s1.wait()
    ld_q0.wait()
    ld_q1.wait()
    ld_rc.wait()

    def frow(r, _):
        for cc in range(D // 16):
            sl = pl.ds(cc * 16, 16)
            rc = t_r[r, sl]
            m = (t_s[r, sl] + t_t[r, sl]) * rc
            t_s[r, sl] = m
            t_q[r, sl] = (t_q[r, sl] + t_u[r, sl]) * rc - m * m
        return 0

    lax.fori_loop(0, GPT, frow, 0)

    pltpu.sync_copy(t_s, m_sh.at[pl.ds(gb, GPT)])
    pltpu.sync_copy(t_q, v_sh.at[pl.ds(gb, GPT)])
    plsc.subcore_barrier()

    ld_i.wait()
    g_m = [None] * NCHUNKS
    g_v = [None] * NCHUNKS
    w_m = [None] * NCHUNKS
    w_v = [None] * NCHUNKS
    for j in range(NCHUNKS):
        p = j % 2
        rb = base + j * CHUNK
        if j >= 2:
            w_m[j - 2].wait()
            w_v[j - 2].wait()
        idx_j = idx_all.at[pl.ds(j * CHUNK, CHUNK)]
        g_m[j] = pltpu.async_copy(m_sh.at[idx_j], bm[p], sem_gm[p])
        g_v[j] = pltpu.async_copy(v_sh.at[idx_j], bv[p], sem_gv[p])
        g_m[j].wait()
        g_v[j].wait()
        w_m[j] = pltpu.async_copy(bm[p], om.at[pl.ds(rb, CHUNK)], sem_wm[p])
        w_v[j] = pltpu.async_copy(bv[p], ov.at[pl.ds(rb, CHUNK)], sem_wv[p])
    for j in (NCHUNKS - 2, NCHUNKS - 1):
        w_m[j].wait()
        w_v[j].wait()


def kernel(group_by_key, stacked_embeddings):
    key = group_by_key.astype(jnp.int32)
    x = stacked_embeddings
    rc_full = _rcbc(_hist(key[:, None]).reshape(K, 1))
    s2, q2 = _accum(key, x)
    return _finalize_gather(key, s2, q2, rc_full)

# --- scband reference (transcript-rebuilt; emitter-appended) ---
"""Pipeline reference for scband-group-by-64372969832782 (READ-ONLY COPY).

The authoritative reference and input builder live on the scoring server;
editing this copy changes nothing except your own understanding.
"""

import jax, jax.numpy as jnp
import numpy as np

N = 32768
D = 128
KMAX = 1024


def setup_inputs(seed: int = 0) -> dict:
    key = jax.random.key(seed)
    k1, k2 = jax.random.split(key)
    group_by_key = jax.random.randint(k1, (N,), 0, KMAX, dtype=jnp.int32)
    stacked_embeddings = jax.random.normal(k2, (N, D), dtype=jnp.float32)
    return {"group_by_key": group_by_key, "stacked_embeddings": stacked_embeddings}


def reference(group_by_key, stacked_embeddings):
    # tf.unique: map each key to a group index (inverse). Output is invariant to
    # unique ordering (first-appearance vs sorted), since we gather back by inverse.
    uniq, inv = jnp.unique(group_by_key, return_inverse=True, size=KMAX, fill_value=0)
    inv = inv.reshape(-1)
    num_groups = uniq.shape[0]
    ones = jnp.ones((group_by_key.shape[0],), dtype=stacked_embeddings.dtype)
    cnt = jax.ops.segment_sum(ones, inv, num_segments=num_groups)
    s = jax.ops.segment_sum(stacked_embeddings, inv, num_segments=num_groups)
    sq = jax.ops.segment_sum(stacked_embeddings * stacked_embeddings, inv, num_segments=num_groups)
    cnt_safe = jnp.maximum(cnt, 1.0)[:, None]
    mean = s / cnt_safe
    # tf.nn.moments: population variance E[x^2] - E[x]^2
    var = sq / cnt_safe - mean * mean
    return (jnp.take(mean, inv, axis=0), jnp.take(var, inv, axis=0))

if __name__ == "__main__":
    import jax
    _d = setup_inputs()
    print(jax.jit(kernel)(*tuple(_d.values())))

</pallas_src>

<mosaic_0001>
#map = affine_map<(d0, d1) -> (0)>
#map1 = affine_map<(d0, d1) -> (0, 0)>
#map2 = affine_map<(d0, d1) -> (0, 0, 0)>
module attributes {stable_mosaic.version = 14 : i64} {
  func.func @_accum(%arg0: i32, %arg1: i32, %arg2: memref<32768xi32, #tpu.memory_space<hbm>>, %arg3: memref<32768x128xf32, #tpu.memory_space<hbm>>, %arg4: memref<2x1024x128xf32, #tpu.memory_space<hbm>>, %arg5: memref<2x1024x128xf32, #tpu.memory_space<hbm>>, %arg6: memref<128xi32, #tpu.memory_space<vmem>>, %arg7: memref<128xi32, #tpu.memory_space<vmem>>, %arg8: memref<128x128xf32, #tpu.memory_space<vmem>>, %arg9: memref<128x128xf32, #tpu.memory_space<vmem>>, %arg10: memref<128x128xf32, #tpu.memory_space<vmem>>, %arg11: memref<128x128xf32, #tpu.memory_space<vmem>>, %arg12: memref<64x128xf32, #tpu.memory_space<vmem>>, %arg13: memref<1024x128xf32, #tpu.memory_space<vmem_shared>>, %arg14: memref<1024x128xf32, #tpu.memory_space<vmem_shared>>, %arg15: memref<!tpu.dma_semaphore, #tpu.memory_space<semaphore_mem>>, %arg16: memref<!tpu.dma_semaphore, #tpu.memory_space<semaphore_mem>>, %arg17: memref<!tpu.dma_semaphore, #tpu.memory_space<semaphore_mem>>, %arg18: memref<!tpu.dma_semaphore, #tpu.memory_space<semaphore_mem>>, %arg19: memref<!tpu.dma_semaphore, #tpu.memory_space<semaphore_mem>>, %arg20: memref<!tpu.dma_semaphore, #tpu.memory_space<semaphore_mem>>, %arg21: memref<!tpu.dma_semaphore, #tpu.memory_space<semaphore_mem>>, %arg22: memref<!tpu.dma_semaphore, #tpu.memory_space<semaphore_mem>>) attributes {dimension_semantics = [#tpu.dimension_semantics<core_parallel>, #tpu.dimension_semantics<subcore_parallel>], iteration_bounds = array<i64: 2, 16>, scalar_prefetch = 0 : i64, scratch_operands = 17 : i64, tpu.core_type = #tpu.core_type<sc_vector_subcore>, window_params = [{transform_indices = #map}, {transform_indices = #map1}, {transform_indices = #map2}, {transform_indices = #map2}]} {
    %mul3A = arith.constant 16 : i32
    %mul3A_0 = arith.muli %arg0, %mul3A : i32
    %add3A = arith.addi %mul3A_0, %arg1 : i32
    %mul3A_1 = arith.constant 1024 : i32
    %mul3A_2 = arith.muli %add3A, %mul3A_1 : i32
    %add3A_3 = arith.constant 0 : i32
    %add3A_4 = arith.addi %mul3A_2, %add3A_3 : i32
    %dma_start3A = tpu.memref_slice %arg2[%add3A_4] : memref<32768xi32, #tpu.memory_space<hbm>> -> memref<128xi32, #tpu.memory_space<hbm>>
    %dma_start3A_5 = tpu.memref_slice %arg2[%add3A_4] : memref<32768xi32, #tpu.memory_space<hbm>> -> memref<128xi32, #tpu.memory_space<hbm>>
    tpu.enqueue_dma source(%dma_start3A_5 : memref<128xi32, #tpu.memory_space<hbm>>) target(%arg6 : memref<128xi32, #tpu.memory_space<vmem>>) target_semaphore(%arg15 : memref<!tpu.dma_semaphore, #tpu.memory_space<semaphore_mem>>)
    %dma_start3A_6 = arith.constant 0 : i32
    %dma_start3A_7 = tpu.memref_slice %arg3[%add3A_4, %dma_start3A_6] : memref<32768x128xf32, #tpu.memory_space<hbm>> -> memref<128x128xf32, #tpu.memory_space<hbm>>
    %dma_start3A_8 = arith.constant 0 : i32
    %dma_start3A_9 = tpu.memref_slice %arg3[%add3A_4, %dma_start3A_8] : memref<32768x128xf32, #tpu.memory_space<hbm>> -> memref<128x128xf32, #tpu.memory_space<hbm>>
    tpu.enqueue_dma source(%dma_start3A_9 : memref<128x128xf32, #tpu.memory_space<hbm>>) target(%arg8 : memref<128x128xf32, #tpu.memory_space<vmem>>) target_semaphore(%arg17 : memref<!tpu.dma_semaphore, #tpu.memory_space<semaphore_mem>>)
    %broadcast_in_dim3A = arith.constant 0.000000e+00 : f32
    %broadcast_in_dim3A_10 = vector.broadcast %broadcast_in_dim3A : f32 to vector<16xf32>
    %scan3A = arith.constant 0 : i32
    %scan3A_11 = arith.constant 0 : i32
    %scan3A_12 = arith.constant 64 : i32
    %scan3A_13 = arith.addi %scan3A_11, %scan3A_12 : i32
    %scan3A_14 = arith.constant 1 : i32
    %scan3A_15 = scf.for %scan3A_275 = %scan3A_11 to %scan3A_13 step %scan3A_14 iter_args(%scan3A_276 = %scan3A) -> (i32)  : i32 {
      %swap3A = arith.index_cast %scan3A_275 : i32 to index
      %swap3A_277 = arith.constant 0 : index
      %swap3A_278 = tpu.vector_load %arg12[%swap3A, %swap3A_277] {strides = array<i32>} : memref<64x128xf32, #tpu.memory_space<vmem>>, vector<1x16xf32>,
      %swap3A_279 = vector.shape_cast %swap3A_278 : vector<1x16xf32> to vector<16xf32>
      %swap3A_280 = vector.shape_cast %broadcast_in_dim3A_10 : vector<16xf32> to vector<1x16xf32>
      tpu.vector_store %arg12[%swap3A, %swap3A_277], %swap3A_280 {strides = array<i32>} : memref<64x128xf32, #tpu.memory_space<vmem>>, vector<1x16xf32>,
      %swap3A_281 = arith.index_cast %scan3A_275 : i32 to index
      %swap3A_282 = arith.constant 16 : index
      %swap3A_283 = tpu.vector_load %arg12[%swap3A_281, %swap3A_282] {strides = array<i32>} : memref<64x128xf32, #tpu.memory_space<vmem>>, vector<1x16xf32>,
      %swap3A_284 = vector.shape_cast %swap3A_283 : vector<1x16xf32> to vector<16xf32>
      %swap3A_285 = vector.shape_cast %broadcast_in_dim3A_10 : vector<16xf32> to vector<1x16xf32>
      tpu.vector_store %arg12[%swap3A_281, %swap3A_282], %swap3A_285 {strides = array<i32>} : memref<64x128xf32, #tpu.memory_space<vmem>>, vector<1x16xf32>,
      %swap3A_286 = arith.index_cast %scan3A_275 : i32 to index
      %swap3A_287 = arith.constant 32 : index
      %swap3A_288 = tpu.vector_load %arg12[%swap3A_286, %swap3A_287] {strides = array<i32>} : memref<64x128xf32, #tpu.memory_space<vmem>>, vector<1x16xf32>,
      %swap3A_289 = vector.shape_cast %swap3A_288 : vector<1x16xf32> to vector<16xf32>
      %swap3A_290 = vector.shape_cast %broadcast_in_dim3A_10 : vector<16xf32> to vector<1x16xf32>
      tpu.vector_store %arg12[%swap3A_286, %swap3A_287], %swap3A_290 {strides = array<i32>} : memref<64x128xf32, #tpu.memory_space<vmem>>, vector<1x16xf32>,
      %swap3A_291 = arith.index_cast %scan3A_275 : i32 to index
      %swap3A_292 = arith.constant 48 : index
      %swap3A_293 = tpu.vector_load %arg12[%swap3A_291, %swap3A_292] {strides = array<i32>} : memref<64x128xf32, #tpu.memory_space<vmem>>, vector<1x16xf32>,
      %swap3A_294 = vector.shape_cast %swap3A_293 : vector<1x16xf32> to vector<16xf32>
      %swap3A_295 = vector.shape_cast %broadcast_in_dim3A_10 : vector<16xf32> to vector<1x16xf32>
      tpu.vector_store %arg12[%swap3A_291, %swap3A_292], %swap3A_295 {strides = array<i32>} : memref<64x128xf32, #tpu.memory_space<vmem>>, vector<1x16xf32>,
      %swap3A_296 = arith.index_cast %scan3A_275 : i32 to index
      %swap3A_297 = arith.constant 64 : index
      %swap3A_298 = tpu.vector_load %arg12[%swap3A_296, %swap3A_297] {strides = array<i32>} : memref<64x128xf32, #tpu.memory_space<vmem>>, vector<1x16xf32>,
      %swap3A_299 = vector.shape_cast %swap3A_298 : vector<1x16xf32> to vector<16xf32>
      %swap3A_300 = vector.shape_cast %broadcast_in_dim3A_10 : vector<16xf32> to vector<1x16xf32>
      tpu.vector_store %arg12[%swap3A_296, %swap3A_297], %swap3A_300 {strides = array<i32>} : memref<64x128xf32, #tpu.memory_space<vmem>>, vector<1x16xf32>,
      %swap3A_301 = arith.index_cast %scan3A_275 : i32 to index
      %swap3A_302 = arith.constant 80 : index
      %swap3A_303 = tpu.vector_load %arg12[%swap3A_301, %swap3A_302] {strides = array<i32>} : memref<64x128xf32, #tpu.memory_space<vmem>>, vector<1x16xf32>,
      %swap3A_304 = vector.shape_cast %swap3A_303 : vector<1x16xf32> to vector<16xf32>
      %swap3A_305 = vector.shape_cast %broadcast_in_dim3A_10 : vector<16xf32> to vector<1x16xf32>
      tpu.vector_store %arg12[%swap3A_301, %swap3A_302], %swap3A_305 {strides = array<i32>} : memref<64x128xf32, #tpu.memory_space<vmem>>, vector<1x16xf32>,
      %swap3A_306 = arith.index_cast %scan3A_275 : i32 to index
      %swap3A_307 = arith.constant 96 : index
      %swap3A_308 = tpu.vector_load %arg12[%swap3A_306, %swap3A_307] {strides = array<i32>} : memref<64x128xf32, #tpu.memory_space<vmem>>, vector<1x16xf32>,
      %swap3A_309 = vector.shape_cast %swap3A_308 : vector<1x16xf32> to vector<16xf32>
      %swap3A_310 = vector.shape_cast %broadcast_in_dim3A_10 : vector<16xf32> to vector<1x16xf32>
      tpu.vector_store %arg12[%swap3A_306, %swap3A_307], %swap3A_310 {strides = array<i32>} : memref<64x128xf32, #tpu.memory_space<vmem>>, vector<1x16xf32>,
      %swap3A_311 = arith.index_cast %scan3A_275 : i32 to index
      %swap3A_312 = arith.constant 112 : index
      %swap3A_313 = tpu.vector_load %arg12[%swap3A_311, %swap3A_312] {strides = array<i32>} : memref<64x128xf32, #tpu.memory_space<vmem>>, vector<1x16xf32>,
      %swap3A_314 = vector.shape_cast %swap3A_313 : vector<1x16xf32> to vector<16xf32>
      %swap3A_315 = vector.shape_cast %broadcast_in_dim3A_10 : vector<16xf32> to vector<1x16xf32>
      tpu.vector_store %arg12[%swap3A_311, %swap3A_312], %swap3A_315 {strides = array<i32>} : memref<64x128xf32, #tpu.memory_space<vmem>>, vector<1x16xf32>,
      %scan3A_316 = arith.constant 0 : i32
      scf.yield %scan3A_316 : i32
    }
    %scan3A_16 = arith.constant 64 : i32
    %mul3A_17 = arith.constant 64 : i32
    %mul3A_18 = arith.muli %arg1, %mul3A_17 : i32
    "tpu.region"() ({
      %run_scoped3A = tpu.sem_alloc : memref<!tpu.dma_semaphore, #tpu.memory_space<semaphore_mem>>
      %dma_start3A_275 = arith.constant 0 : i32
      %dma_start3A_276 = tpu.memref_slice %arg13[%mul3A_18, %dma_start3A_275] : memref<1024x128xf32, #tpu.memory_space<vmem_shared>> -> memref<64x128xf32, #tpu.memory_space<vmem_shared>>
      %dma_start3A_277 = arith.constant 0 : i32
      %dma_start3A_278 = tpu.memref_slice %arg13[%mul3A_18, %dma_start3A_277] : memref<1024x128xf32, #tpu.memory_space<vmem_shared>> -> memref<64x128xf32, #tpu.memory_space<vmem_shared>>
      tpu.enqueue_dma source(%arg12 : memref<64x128xf32, #tpu.memory_space<vmem>>) target(%dma_start3A_278 : memref<64x128xf32, #tpu.memory_space<vmem_shared>>) target_semaphore(%run_scoped3A : memref<!tpu.dma_semaphore, #tpu.memory_space<semaphore_mem>>)
      %dma_wait3A_279 = arith.constant 0 : i32
      %dma_wait3A_280 = tpu.memref_slice %arg13[%mul3A_18, %dma_wait3A_279] : memref<1024x128xf32, #tpu.memory_space<vmem_shared>> -> memref<64x128xf32, #tpu.memory_space<vmem_shared>>
      %dma_wait3A_281 = arith.constant 0 : i32
      %dma_wait3A_282 = tpu.memref_slice %arg13[%mul3A_18, %dma_wait3A_281] : memref<1024x128xf32, #tpu.memory_space<vmem_shared>> -> memref<64x128xf32, #tpu.memory_space<vmem_shared>>
      tpu.wait_dma2 semaphore(%run_scoped3A : memref<!tpu.dma_semaphore, #tpu.memory_space<semaphore_mem>>) src(%arg12 : memref<64x128xf32, #tpu.memory_space<vmem>>) dst(%dma_wait3A_282 : memref<64x128xf32, #tpu.memory_space<vmem_shared>>)
      tpu.yield
    }) : () -> ()
    "tpu.region"() ({
      %run_scoped3A = tpu.sem_alloc : memref<!tpu.dma_semaphore, #tpu.memory_space<semaphore_mem>>
      %dma_start3A_275 = arith.constant 0 : i32
      %dma_start3A_276 = tpu.memref_slice %arg14[%mul3A_18, %dma_start3A_275] : memref<1024x128xf32, #tpu.memory_space<vmem_shared>> -> memref<64x128xf32, #tpu.memory_space<vmem_shared>>
      %dma_start3A_277 = arith.constant 0 : i32
      %dma_start3A_278 = tpu.memref_slice %arg14[%mul3A_18, %dma_start3A_277] : memref<1024x128xf32, #tpu.memory_space<vmem_shared>> -> memref<64x128xf32, #tpu.memory_space<vmem_shared>>
      tpu.enqueue_dma source(%arg12 : memref<64x128xf32, #tpu.memory_space<vmem>>) target(%dma_start3A_278 : memref<64x128xf32, #tpu.memory_space<vmem_shared>>) target_semaphore(%run_scoped3A : memref<!tpu.dma_semaphore, #tpu.memory_space<semaphore_mem>>)
      %dma_wait3A_279 = arith.constant 0 : i32
      %dma_wait3A_280 = tpu.memref_slice %arg14[%mul3A_18, %dma_wait3A_279] : memref<1024x128xf32, #tpu.memory_space<vmem_shared>> -> memref<64x128xf32, #tpu.memory_space<vmem_shared>>
      %dma_wait3A_281 = arith.constant 0 : i32
      %dma_wait3A_282 = tpu.memref_slice %arg14[%mul3A_18, %dma_wait3A_281] : memref<1024x128xf32, #tpu.memory_space<vmem_shared>> -> memref<64x128xf32, #tpu.memory_space<vmem_shared>>
      tpu.wait_dma2 semaphore(%run_scoped3A : memref<!tpu.dma_semaphore, #tpu.memory_space<semaphore_mem>>) src(%arg12 : memref<64x128xf32, #tpu.memory_space<vmem>>) dst(%dma_wait3A_282 : memref<64x128xf32, #tpu.memory_space<vmem_shared>>)
      tpu.yield
    }) : () -> ()
    %barrier3A = arith.constant 0 : index
    tpu.barrier barrier_id(%barrier3A)
    %dma_wait3A = tpu.memref_slice %arg2[%add3A_4] : memref<32768xi32, #tpu.memory_space<hbm>> -> memref<128xi32, #tpu.memory_space<hbm>>
    %dma_wait3A_19 = tpu.memref_slice %arg2[%add3A_4] : memref<32768xi32, #tpu.memory_space<hbm>> -> memref<128xi32, #tpu.memory_space<hbm>>
    tpu.wait_dma2 semaphore(%arg15 : memref<!tpu.dma_semaphore, #tpu.memory_space<semaphore_mem>>) src(%dma_wait3A_19 : memref<128xi32, #tpu.memory_space<hbm>>) dst(%arg6 : memref<128xi32, #tpu.memory_space<vmem>>)
    %dma_wait3A_20 = arith.constant 0 : i32
    %dma_wait3A_21 = tpu.memref_slice %arg3[%add3A_4, %dma_wait3A_20] : memref<32768x128xf32, #tpu.memory_space<hbm>> -> memref<128x128xf32, #tpu.memory_space<hbm>>
    %dma_wait3A_22 = arith.constant 0 : i32
    %dma_wait3A_23 = tpu.memref_slice %arg3[%add3A_4, %dma_wait3A_22] : memref<32768x128xf32, #tpu.memory_space<hbm>> -> memref<128x128xf32, #tpu.memory_space<hbm>>
    tpu.wait_dma2 semaphore(%arg17 : memref<!tpu.dma_semaphore, #tpu.memory_space<semaphore_mem>>) src(%dma_wait3A_23 : memref<128x128xf32, #tpu.memory_space<hbm>>) dst(%arg8 : memref<128x128xf32, #tpu.memory_space<vmem>>)
    %dma_start3A_24 = arith.constant 0 : i32
    %dma_start3A_25 = arith.constant 0 : i32
    %dma_start3A_26 = tpu.memref_slice %arg13[%dma_start3A_24, %dma_start3A_25] : memref<1024x128xf32, #tpu.memory_space<vmem_shared>> -> memref<1024x128xf32, #tpu.memory_space<vmem_shared>>
    tpu.enqueue_indirect_dma source(%arg8 : memref<128x128xf32, #tpu.memory_space<vmem>>) target(%dma_start3A_26 : memref<1024x128xf32, #tpu.memory_space<vmem_shared>>) offsets(%arg6 : memref<128xi32, #tpu.memory_space<vmem>>) semaphore(%arg19 : memref<!tpu.dma_semaphore, #tpu.memory_space<semaphore_mem>>) {add = true}
    %add3A_27 = arith.constant 128 : i32
    %add3A_28 = arith.addi %mul3A_2, %add3A_27 : i32
    %dma_start3A_29 = tpu.memref_slice %arg2[%add3A_28] : memref<32768xi32, #tpu.memory_space<hbm>> -> memref<128xi32, #tpu.memory_space<hbm>>
    %dma_start3A_30 = tpu.memref_slice %arg2[%add3A_28] : memref<32768xi32, #tpu.memory_space<hbm>> -> memref<128xi32, #tpu.memory_space<hbm>>
    tpu.enqueue_dma source(%dma_start3A_30 : memref<128xi32, #tpu.memory_space<hbm>>) target(%arg7 : memref<128xi32, #tpu.memory_space<vmem>>) target_semaphore(%arg16 : memref<!tpu.dma_semaphore, #tpu.memory_space<semaphore_mem>>)
    %dma_start3A_31 = arith.constant 0 : i32
    %dma_start3A_32 = tpu.memref_slice %arg3[%add3A_28, %dma_start3A_31] : memref<32768x128xf32, #tpu.memory_space<hbm>> -> memref<128x128xf32, #tpu.memory_space<hbm>>
    %dma_start3A_33 = arith.constant 0 : i32
    %dma_start3A_34 = tpu.memref_slice %arg3[%add3A_28, %dma_start3A_33] : memref<32768x128xf32, #tpu.memory_space<hbm>> -> memref<128x128xf32, #tpu.memory_space<hbm>>
    tpu.enqueue_dma source(%dma_start3A_34 : memref<128x128xf32, #tpu.memory_space<hbm>>) target(%arg9 : memref<128x128xf32, #tpu.memory_space<vmem>>) target_semaphore(%arg18 : memref<!tpu.dma_semaphore, #tpu.memory_space<semaphore_mem>>)
    %scan3A_35 = arith.constant 0 : i32
    %scan3A_36 = arith.constant 0 : i32
    %scan3A_37 = arith.constant 128 : i32
    %scan3A_38 = arith.addi %scan3A_36, %scan3A_37 : i32
    %scan3A_39 = arith.constant 1 : i32
    %scan3A_40 = scf.for %scan3A_275 = %scan3A_36 to %scan3A_38 step %scan3A_39 iter_args(%scan3A_276 = %scan3A_35) -> (i32)  : i32 {
      %get3A = arith.index_cast %scan3A_275 : i32 to index
      %get3A_277 = arith.constant 0 : index
      %get3A_278 = tpu.vector_load %arg8[%get3A, %get3A_277] {strides = array<i32>} : memref<128x128xf32, #tpu.memory_space<vmem>>, vector<1x16xf32>,
      %get3A_279 = vector.shape_cast %get3A_278 : vector<1x16xf32> to vector<16xf32>
      %mul3A_280 = arith.mulf %get3A_279, %get3A_279 : vector<16xf32>
      %swap3A = arith.index_cast %scan3A_275 : i32 to index
      %swap3A_281 = arith.constant 0 : index
      %swap3A_282 = tpu.vector_load %arg10[%swap3A, %swap3A_281] {strides = array<i32>} : memref<128x128xf32, #tpu.memory_space<vmem>>, vector<1x16xf32>,
      %swap3A_283 = vector.shape_cast %swap3A_282 : vector<1x16xf32> to vector<16xf32>
      %swap3A_284 = vector.shape_cast %mul3A_280 : vector<16xf32> to vector<1x16xf32>
      tpu.vector_store %arg10[%swap3A, %swap3A_281], %swap3A_284 {strides = array<i32>} : memref<128x128xf32, #tpu.memory_space<vmem>>, vector<1x16xf32>,
      %get3A_285 = arith.index_cast %scan3A_275 : i32 to index
      %get3A_286 = arith.constant 16 : index
      %get3A_287 = tpu.vector_load %arg8[%get3A_285, %get3A_286] {strides = array<i32>} : memref<128x128xf32, #tpu.memory_space<vmem>>, vector<1x16xf32>,
      %get3A_288 = vector.shape_cast %get3A_287 : vector<1x16xf32> to vector<16xf32>
      %mul3A_289 = arith.mulf %get3A_288, %get3A_288 : vector<16xf32>
      %swap3A_290 = arith.index_cast %scan3A_275 : i32 to index
      %swap3A_291 = arith.constant 16 : index
      %swap3A_292 = tpu.vector_load %arg10[%swap3A_290, %swap3A_291] {strides = array<i32>} : memref<128x128xf32, #tpu.memory_space<vmem>>, vector<1x16xf32>,
      %swap3A_293 = vector.shape_cast %swap3A_292 : vector<1x16xf32> to vector<16xf32>
      %swap3A_294 = vector.shape_cast %mul3A_289 : vector<16xf32> to vector<1x16xf32>
      tpu.vector_store %arg10[%swap3A_290, %swap3A_291], %swap3A_294 {strides = array<i32>} : memref<128x128xf32, #tpu.memory_space<vmem>>, vector<1x16xf32>,
      %get3A_295 = arith.index_cast %scan3A_275 : i32 to index
      %get3A_296 = arith.constant 32 : index
      %get3A_297 = tpu.vector_load %arg8[%get3A_295, %get3A_296] {strides = array<i32>} : memref<128x128xf32, #tpu.memory_space<vmem>>, vector<1x16xf32>,
      %get3A_298 = vector.shape_cast %get3A_297 : vector<1x16xf32> to vector<16xf32>
      %mul3A_299 = arith.mulf %get3A_298, %get3A_298 : vector<16xf32>
      %swap3A_300 = arith.index_cast %scan3A_275 : i32 to index
      %swap3A_301 = arith.constant 32 : index
      %swap3A_302 = tpu.vector_load %arg10[%swap3A_300, %swap3A_301] {strides = array<i32>} : memref<128x128xf32, #tpu.memory_space<vmem>>, vector<1x16xf32>,
      %swap3A_303 = vector.shape_cast %swap3A_302 : vector<1x16xf32> to vector<16xf32>
      %swap3A_304 = vector.shape_cast %mul3A_299 : vector<16xf32> to vector<1x16xf32>
      tpu.vector_store %arg10[%swap3A_300, %swap3A_301], %swap3A_304 {strides = array<i32>} : memref<128x128xf32, #tpu.memory_space<vmem>>, vector<1x16xf32>,
      %get3A_305 = arith.index_cast %scan3A_275 : i32 to index
      %get3A_306 = arith.constant 48 : index
      %get3A_307 = tpu.vector_load %arg8[%get3A_305, %get3A_306] {strides = array<i32>} : memref<128x128xf32, #tpu.memory_space<vmem>>, vector<1x16xf32>,
      %get3A_308 = vector.shape_cast %get3A_307 : vector<1x16xf32> to vector<16xf32>
      %mul3A_309 = arith.mulf %get3A_308, %get3A_308 : vector<16xf32>
      %swap3A_310 = arith.index_cast %scan3A_275 : i32 to index
      %swap3A_311 = arith.constant 48 : index
      %swap3A_312 = tpu.vector_load %arg10[%swap3A_310, %swap3A_311] {strides = array<i32>} : memref<128x128xf32, #tpu.memory_space<vmem>>, vector<1x16xf32>,
      %swap3A_313 = vector.shape_cast %swap3A_312 : vector<1x16xf32> to vector<16xf32>
      %swap3A_314 = vector.shape_cast %mul3A_309 : vector<16xf32> to vector<1x16xf32>
      tpu.vector_store %arg10[%swap3A_310, %swap3A_311], %swap3A_314 {strides = array<i32>} : memref<128x128xf32, #tpu.memory_space<vmem>>, vector<1x16xf32>,
      %get3A_315 = arith.index_cast %scan3A_275 : i32 to index
      %get3A_316 = arith.constant 64 : index
      %get3A_317 = tpu.vector_load %arg8[%get3A_315, %get3A_316] {strides = array<i32>} : memref<128x128xf32, #tpu.memory_space<vmem>>, vector<1x16xf32>,
      %get3A_318 = vector.shape_cast %get3A_317 : vector<1x16xf32> to vector<16xf32>
      %mul3A_319 = arith.mulf %get3A_318, %get3A_318 : vector<16xf32>
      %swap3A_320 = arith.index_cast %scan3A_275 : i32 to index
      %swap3A_321 = arith.constant 64 : index
      %swap3A_322 = tpu.vector_load %arg10[%swap3A_320, %swap3A_321] {strides = array<i32>} : memref<128x128xf32, #tpu.memory_space<vmem>>, vector<1x16xf32>,
      %swap3A_323 = vector.shape_cast %swap3A_322 : vector<1x16xf32> to vector<16xf32>
      %swap3A_324 = vector.shape_cast %mul3A_319 : vector<16xf32> to vector<1x16xf32>
      tpu.vector_store %arg10[%swap3A_320, %swap3A_321], %swap3A_324 {strides = array<i32>} : memref<128x128xf32, #tpu.memory_space<vmem>>, vector<1x16xf32>,
      %get3A_325 = arith.index_cast %scan3A_275 : i32 to index
      %get3A_326 = arith.constant 80 : index
      %get3A_327 = tpu.vector_load %arg8[%get3A_325, %get3A_326] {strides = array<i32>} : memref<128x128xf32, #tpu.memory_space<vmem>>, vector<1x16xf32>,
      %get3A_328 = vector.shape_cast %get3A_327 : vector<1x16xf32> to vector<16xf32>
      %mul3A_329 = arith.mulf %get3A_328, %get3A_328 : vector<16xf32>
      %swap3A_330 = arith.index_cast %scan3A_275 : i32 to index
      %swap3A_331 = arith.constant 80 : index
      %swap3A_332 = tpu.vector_load %arg10[%swap3A_330, %swap3A_331] {strides = array<i32>} : memref<128x128xf32, #tpu.memory_space<vmem>>, vector<1x16xf32>,
      %swap3A_333 = vector.shape_cast %swap3A_332 : vector<1x16xf32> to vector<16xf32>
      %swap3A_334 = vector.shape_cast %mul3A_329 : vector<16xf32> to vector<1x16xf32>
      tpu.vector_store %arg10[%swap3A_330, %swap3A_331], %swap3A_334 {strides = array<i32>} : memref<128x128xf32, #tpu.memory_space<vmem>>, vector<1x16xf32>,
      %get3A_335 = arith.index_cast %scan3A_275 : i32 to index
      %get3A_336 = arith.constant 96 : index
      %get3A_337 = tpu.vector_load %arg8[%get3A_335, %get3A_336] {strides = array<i32>} : memref<128x128xf32, #tpu.memory_space<vmem>>, vector<1x16xf32>,
      %get3A_338 = vector.shape_cast %get3A_337 : vector<1x16xf32> to vector<16xf32>
      %mul3A_339 = arith.mulf %get3A_338, %get3A_338 : vector<16xf32>
      %swap3A_340 = arith.index_cast %scan3A_275 : i32 to index
      %swap3A_341 = arith.constant 96 : index
      %swap3A_342 = tpu.vector_load %arg10[%swap3A_340, %swap3A_341] {strides = array<i32>} : memref<128x128xf32, #tpu.memory_space<vmem>>, vector<1x16xf32>,
      %swap3A_343 = vector.shape_cast %swap3A_342 : vector<1x16xf32> to vector<16xf32>
      %swap3A_344 = vector.shape_cast %mul3A_339 : vector<16xf32> to vector<1x16xf32>
      tpu.vector_store %arg10[%swap3A_340, %swap3A_341], %swap3A_344 {strides = array<i32>} : memref<128x128xf32, #tpu.memory_space<vmem>>, vector<1x16xf32>,
      %get3A_345 = arith.index_cast %scan3A_275 : i32 to index
      %get3A_346 = arith.constant 112 : index
      %get3A_347 = tpu.vector_load %arg8[%get3A_345, %get3A_346] {strides = array<i32>} : memref<128x128xf32, #tpu.memory_space<vmem>>, vector<1x16xf32>,
      %get3A_348 = vector.shape_cast %get3A_347 : vector<1x16xf32> to vector<16xf32>
      %mul3A_349 = arith.mulf %get3A_348, %get3A_348 : vector<16xf32>
      %swap3A_350 = arith.index_cast %scan3A_275 : i32 to index
      %swap3A_351 = arith.constant 112 : index
      %swap3A_352 = tpu.vector_load %arg10[%swap3A_350, %swap3A_351] {strides = array<i32>} : memref<128x128xf32, #tpu.memory_space<vmem>>, vector<1x16xf32>,
      %swap3A_353 = vector.shape_cast %swap3A_352 : vector<1x16xf32> to vector<16xf32>
      %swap3A_354 = vector.shape_cast %mul3A_349 : vector<16xf32> to vector<1x16xf32>
      tpu.vector_store %arg10[%swap3A_350, %swap3A_351], %swap3A_354 {strides = array<i32>} : memref<128x128xf32, #tpu.memory_space<vmem>>, vector<1x16xf32>,
      %scan3A_355 = arith.constant 0 : i32
      scf.yield %scan3A_355 : i32
    }
    %scan3A_41 = arith.constant 128 : i32
    %dma_start3A_42 = arith.constant 0 : i32
    %dma_start3A_43 = arith.constant 0 : i32
    %dma_start3A_44 = tpu.memref_slice %arg14[%dma_start3A_42, %dma_start3A_43] : memref<1024x128xf32, #tpu.memory_space<vmem_shared>> -> memref<1024x128xf32, #tpu.memory_space<vmem_shared>>
    tpu.enqueue_indirect_dma source(%arg10 : memref<128x128xf32, #tpu.memory_space<vmem>>) target(%dma_start3A_44 : memref<1024x128xf32, #tpu.memory_space<vmem_shared>>) offsets(%arg6 : memref<128xi32, #tpu.memory_space<vmem>>) semaphore(%arg21 : memref<!tpu.dma_semaphore, #tpu.memory_space<semaphore_mem>>) {add = true}
    %dma_wait3A_45 = tpu.memref_slice %arg2[%add3A_28] : memref<32768xi32, #tpu.memory_space<hbm>> -> memref<128xi32, #tpu.memory_space<hbm>>
    %dma_wait3A_46 = tpu.memref_slice %arg2[%add3A_28] : memref<32768xi32, #tpu.memory_space<hbm>> -> memref<128xi32, #tpu.memory_space<hbm>>
    tpu.wait_dma2 semaphore(%arg16 : memref<!tpu.dma_semaphore, #tpu.memory_space<semaphore_mem>>) src(%dma_wait3A_46 : memref<128xi32, #tpu.memory_space<hbm>>) dst(%arg7 : memref<128xi32, #tpu.memory_space<vmem>>)
    %dma_wait3A_47 = arith.constant 0 : i32
    %dma_wait3A_48 = tpu.memref_slice %arg3[%add3A_28, %dma_wait3A_47] : memref<32768x128xf32, #tpu.memory_space<hbm>> -> memref<128x128xf32, #tpu.memory_space<hbm>>
    %dma_wait3A_49 = arith.constant 0 : i32
    %dma_wait3A_50 = tpu.memref_slice %arg3[%add3A_28, %dma_wait3A_49] : memref<32768x128xf32, #tpu.memory_space<hbm>> -> memref<128x128xf32, #tpu.memory_space<hbm>>
    tpu.wait_dma2 semaphore(%arg18 : memref<!tpu.dma_semaphore, #tpu.memory_space<semaphore_mem>>) src(%dma_wait3A_50 : memref<128x128xf32, #tpu.memory_space<hbm>>) dst(%arg9 : memref<128x128xf32, #tpu.memory_space<vmem>>)
    %dma_start3A_51 = arith.constant 0 : i32
    %dma_start3A_52 = arith.constant 0 : i32
    %dma_start3A_53 = tpu.memref_slice %arg13[%dma_start3A_51, %dma_start3A_52] : memref<1024x128xf32, #tpu.memory_space<vmem_shared>> -> memref<1024x128xf32, #tpu.memory_space<vmem_shared>>
    tpu.enqueue_indirect_dma source(%arg9 : memref<128x128xf32, #tpu.memory_space<vmem>>) target(%dma_start3A_53 : memref<1024x128xf32, #tpu.memory_space<vmem_shared>>) offsets(%arg7 : memref<128xi32, #tpu.memory_space<vmem>>) semaphore(%arg20 : memref<!tpu.dma_semaphore, #tpu.memory_space<semaphore_mem>>) {add = true}
    %dma_wait3A_54 = arith.constant 0 : i32
    %dma_wait3A_55 = arith.constant 0 : i32
    %dma_wait3A_56 = tpu.memref_slice %arg13[%dma_wait3A_54, %dma_wait3A_55] : memref<1024x128xf32, #tpu.memory_space<vmem_shared>> -> memref<1024x128xf32, #tpu.memory_space<vmem_shared>>
    tpu.wait_indirect_dma semaphore(%arg19 : memref<!tpu.dma_semaphore, #tpu.memory_space<semaphore_mem>>) src(%arg8 : memref<128x128xf32, #tpu.memory_space<vmem>>) dst(%dma_wait3A_56 : memref<1024x128xf32, #tpu.memory_space<vmem_shared>>)
    %dma_wait3A_57 = arith.constant 0 : i32
    %dma_wait3A_58 = arith.constant 0 : i32
    %dma_wait3A_59 = tpu.memref_slice %arg14[%dma_wait3A_57, %dma_wait3A_58] : memref<1024x128xf32, #tpu.memory_space<vmem_shared>> -> memref<1024x128xf32, #tpu.memory_space<vmem_shared>>
    tpu.wait_indirect_dma semaphore(%arg21 : memref<!tpu.dma_semaphore, #tpu.memory_space<semaphore_mem>>) src(%arg10 : memref<128x128xf32, #tpu.memory_space<vmem>>) dst(%dma_wait3A_59 : memref<1024x128xf32, #tpu.memory_space<vmem_shared>>)
    %add3A_60 = arith.constant 256 : i32
    %add3A_61 = arith.addi %mul3A_2, %add3A_60 : i32
    %dma_start3A_62 = tpu.memref_slice %arg2[%add3A_61] : memref<32768xi32, #tpu.memory_space<hbm>> -> memref<128xi32, #tpu.memory_space<hbm>>
    %dma_start3A_63 = tpu.memref_slice %arg2[%add3A_61] : memref<32768xi32, #tpu.memory_space<hbm>> -> memref<128xi32, #tpu.memory_space<hbm>>
    tpu.enqueue_dma source(%dma_start3A_63 : memref<128xi32, #tpu.memory_space<hbm>>) target(%arg6 : memref<128xi32, #tpu.memory_space<vmem>>) target_semaphore(%arg15 : memref<!tpu.dma_semaphore, #tpu.memory_space<semaphore_mem>>)
    %dma_start3A_64 = arith.constant 0 : i32
    %dma_start3A_65 = tpu.memref_slice %arg3[%add3A_61, %dma_start3A_64] : memref<32768x128xf32, #tpu.memory_space<hbm>> -> memref<128x128xf32, #tpu.memory_space<hbm>>
    %dma_start3A_66 = arith.constant 0 : i32
    %dma_start3A_67 = tpu.memref_slice %arg3[%add3A_61, %dma_start3A_66] : memref<32768x128xf32, #tpu.memory_space<hbm>> -> memref<128x128xf32, #tpu.memory_space<hbm>>
    tpu.enqueue_dma source(%dma_start3A_67 : memref<128x128xf32, #tpu.memory_space<hbm>>) target(%arg8 : memref<128x128xf32, #tpu.memory_space<vmem>>) target_semaphore(%arg17 : memref<!tpu.dma_semaphore, #tpu.memory_space<semaphore_mem>>)
    %scan3A_68 = arith.constant 0 : i32
    %scan3A_69 = arith.constant 0 : i32
    %scan3A_70 = arith.constant 128 : i32
    %scan3A_71 = arith.addi %scan3A_69, %scan3A_70 : i32
    %scan3A_72 = arith.constant 1 : i32
    %scan3A_73 = scf.for %scan3A_275 = %scan3A_69 to %scan3A_71 step %scan3A_72 iter_args(%scan3A_276 = %scan3A_68) -> (i32)  : i32 {
      %get3A = arith.index_cast %scan3A_275 : i32 to index
      %get3A_277 = arith.constant 0 : index
      %get3A_278 = tpu.vector_load %arg9[%get3A, %get3A_277] {strides = array<i32>} : memref<128x128xf32, #tpu.memory_space<vmem>>, vector<1x16xf32>,
      %get3A_279 = vector.shape_cast %get3A_278 : vector<1x16xf32> to vector<16xf32>
      %mul3A_280 = arith.mulf %get3A_279, %get3A_279 : vector<16xf32>
      %swap3A = arith.index_cast %scan3A_275 : i32 to index
      %swap3A_281 = arith.constant 0 : index
      %swap3A_282 = tpu.vector_load %arg11[%swap3A, %swap3A_281] {strides = array<i32>} : memref<128x128xf32, #tpu.memory_space<vmem>>, vector<1x16xf32>,
      %swap3A_283 = vector.shape_cast %swap3A_282 : vector<1x16xf32> to vector<16xf32>
      %swap3A_284 = vector.shape_cast %mul3A_280 : vector<16xf32> to vector<1x16xf32>
      tpu.vector_store %arg11[%swap3A, %swap3A_281], %swap3A_284 {strides = array<i32>} : memref<128x128xf32, #tpu.memory_space<vmem>>, vector<1x16xf32>,
      %get3A_285 = arith.index_cast %scan3A_275 : i32 to index
      %get3A_286 = arith.constant 16 : index
      %get3A_287 = tpu.vector_load %arg9[%get3A_285, %get3A_286] {strides = array<i32>} : memref<128x128xf32, #tpu.memory_space<vmem>>, vector<1x16xf32>,
      %get3A_288 = vector.shape_cast %get3A_287 : vector<1x16xf32> to vector<16xf32>
      %mul3A_289 = arith.mulf %get3A_288, %get3A_288 : vector<16xf32>
      %swap3A_290 = arith.index_cast %scan3A_275 : i32 to index
      %swap3A_291 = arith.constant 16 : index
      %swap3A_292 = tpu.vector_load %arg11[%swap3A_290, %swap3A_291] {strides = array<i32>} : memref<128x128xf32, #tpu.memory_space<vmem>>, vector<1x16xf32>,
      %swap3A_293 = vector.shape_cast %swap3A_292 : vector<1x16xf32> to vector<16xf32>
      %swap3A_294 = vector.shape_cast %mul3A_289 : vector<16xf32> to vector<1x16xf32>
      tpu.vector_store %arg11[%swap3A_290, %swap3A_291], %swap3A_294 {strides = array<i32>} : memref<128x128xf32, #tpu.memory_space<vmem>>, vector<1x16xf32>,
      %get3A_295 = arith.index_cast %scan3A_275 : i32 to index
      %get3A_296 = arith.constant 32 : index
      %get3A_297 = tpu.vector_load %arg9[%get3A_295, %get3A_296] {strides = array<i32>} : memref<128x128xf32, #tpu.memory_space<vmem>>, vector<1x16xf32>,
      %get3A_298 = vector.shape_cast %get3A_297 : vector<1x16xf32> to vector<16xf32>
      %mul3A_299 = arith.mulf %get3A_298, %get3A_298 : vector<16xf32>
      %swap3A_300 = arith.index_cast %scan3A_275 : i32 to index
      %swap3A_301 = arith.constant 32 : index
      %swap3A_302 = tpu.vector_load %arg11[%swap3A_300, %swap3A_301] {strides = array<i32>} : memref<128x128xf32, #tpu.memory_space<vmem>>, vector<1x16xf32>,
      %swap3A_303 = vector.shape_cast %swap3A_302 : vector<1x16xf32> to vector<16xf32>
      %swap3A_304 = vector.shape_cast %mul3A_299 : vector<16xf32> to vector<1x16xf32>
      tpu.vector_store %arg11[%swap3A_300, %swap3A_301], %swap3A_304 {strides = array<i32>} : memref<128x128xf32, #tpu.memory_space<vmem>>, vector<1x16xf32>,
      %get3A_305 = arith.index_cast %scan3A_275 : i32 to index
      %get3A_306 = arith.constant 48 : index
      %get3A_307 = tpu.vector_load %arg9[%get3A_305, %get3A_306] {strides = array<i32>} : memref<128x128xf32, #tpu.memory_space<vmem>>, vector<1x16xf32>,
      %get3A_308 = vector.shape_cast %get3A_307 : vector<1x16xf32> to vector<16xf32>
      %mul3A_309 = arith.mulf %get3A_308, %get3A_308 : vector<16xf32>
      %swap3A_310 = arith.index_cast %scan3A_275 : i32 to index
      %swap3A_311 = arith.constant 48 : index
      %swap3A_312 = tpu.vector_load %arg11[%swap3A_310, %swap3A_311] {strides = array<i32>} : memref<128x128xf32, #tpu.memory_space<vmem>>, vector<1x16xf32>,
      %swap3A_313 = vector.shape_cast %swap3A_312 : vector<1x16xf32> to vector<16xf32>
      %swap3A_314 = vector.shape_cast %mul3A_309 : vector<16xf32> to vector<1x16xf32>
      tpu.vector_store %arg11[%swap3A_310, %swap3A_311], %swap3A_314 {strides = array<i32>} : memref<128x128xf32, #tpu.memory_space<vmem>>, vector<1x16xf32>,
      %get3A_315 = arith.index_cast %scan3A_275 : i32 to index
      %get3A_316 = arith.constant 64 : index
      %get3A_317 = tpu.vector_load %arg9[%get3A_315, %get3A_316] {strides = array<i32>} : memref<128x128xf32, #tpu.memory_space<vmem>>, vector<1x16xf32>,
      %get3A_318 = vector.shape_cast %get3A_317 : vector<1x16xf32> to vector<16xf32>
      %mul3A_319 = arith.mulf %get3A_318, %get3A_318 : vector<16xf32>
      %swap3A_320 = arith.index_cast %scan3A_275 : i32 to index
      %swap3A_321 = arith.constant 64 : index
      %swap3A_322 = tpu.vector_load %arg11[%swap3A_320, %swap3A_321] {strides = array<i32>} : memref<128x128xf32, #tpu.memory_space<vmem>>, vector<1x16xf32>,
      %swap3A_323 = vector.shape_cast %swap3A_322 : vector<1x16xf32> to vector<16xf32>
      %swap3A_324 = vector.shape_cast %mul3A_319 : vector<16xf32> to vector<1x16xf32>
      tpu.vector_store %arg11[%swap3A_320, %swap3A_321], %swap3A_324 {strides = array<i32>} : memref<128x128xf32, #tpu.memory_space<vmem>>, vector<1x16xf32>,
      %get3A_325 = arith.index_cast %scan3A_275 : i32 to index
      %get3A_326 = arith.constant 80 : index
      %get3A_327 = tpu.vector_load %arg9[%get3A_325, %get3A_326] {strides = array<i32>} : memref<128x128xf32, #tpu.memory_space<vmem>>, vector<1x16xf32>,
      %get3A_328 = vector.shape_cast %get3A_327 : vector<1x16xf32> to vector<16xf32>
      %mul3A_329 = arith.mulf %get3A_328, %get3A_328 : vector<16xf32>
      %swap3A_330 = arith.index_cast %scan3A_275 : i32 to index
      %swap3A_331 = arith.constant 80 : index
      %swap3A_332 = tpu.vector_load %arg11[%swap3A_330, %swap3A_331] {strides = array<i32>} : memref<128x128xf32, #tpu.memory_space<vmem>>, vector<1x16xf32>,
      %swap3A_333 = vector.shape_cast %swap3A_332 : vector<1x16xf32> to vector<16xf32>
      %swap3A_334 = vector.shape_cast %mul3A_329 : vector<16xf32> to vector<1x16xf32>
      tpu.vector_store %arg11[%swap3A_330, %swap3A_331], %swap3A_334 {strides = array<i32>} : memref<128x128xf32, #tpu.memory_space<vmem>>, vector<1x16xf32>,
      %get3A_335 = arith.index_cast %scan3A_275 : i32 to index
      %get3A_336 = arith.constant 96 : index
      %get3A_337 = tpu.vector_load %arg9[%get3A_335, %get3A_336] {strides = array<i32>} : memref<128x128xf32, #tpu.memory_space<vmem>>, vector<1x16xf32>,
      %get3A_338 = vector.shape_cast %get3A_337 : vector<1x16xf32> to vector<16xf32>
      %mul3A_339 = arith.mulf %get3A_338, %get3A_338 : vector<16xf32>
      %swap3A_340 = arith.index_cast %scan3A_275 : i32 to index
      %swap3A_341 = arith.constant 96 : index
      %swap3A_342 = tpu.vector_load %arg11[%swap3A_340, %swap3A_341] {strides = array<i32>} : memref<128x128xf32, #tpu.memory_space<vmem>>, vector<1x16xf32>,
      %swap3A_343 = vector.shape_cast %swap3A_342 : vector<1x16xf32> to vector<16xf32>
      %swap3A_344 = vector.shape_cast %mul3A_339 : vector<16xf32> to vector<1x16xf32>
      tpu.vector_store %arg11[%swap3A_340, %swap3A_341], %swap3A_344 {strides = array<i32>} : memref<128x128xf32, #tpu.memory_space<vmem>>, vector<1x16xf32>,
      %get3A_345 = arith.index_cast %scan3A_275 : i32 to index
      %get3A_346 = arith.constant 112 : index
      %get3A_347 = tpu.vector_load %arg9[%get3A_345, %get3A_346] {strides = array<i32>} : memref<128x128xf32, #tpu.memory_space<vmem>>, vector<1x16xf32>,
      %get3A_348 = vector.shape_cast %get3A_347 : vector<1x16xf32> to vector<16xf32>
      %mul3A_349 = arith.mulf %get3A_348, %get3A_348 : vector<16xf32>
      %swap3A_350 = arith.index_cast %scan3A_275 : i32 to index
      %swap3A_351 = arith.constant 112 : index
      %swap3A_352 = tpu.vector_load %arg11[%swap3A_350, %swap3A_351] {strides = array<i32>} : memref<128x128xf32, #tpu.memory_space<vmem>>, vector<1x16xf32>,
      %swap3A_353 = vector.shape_cast %swap3A_352 : vector<1x16xf32> to vector<16xf32>
      %swap3A_354 = vector.shape_cast %mul3A_349 : vector<16xf32> to vector<1x16xf32>
      tpu.vector_store %arg11[%swap3A_350, %swap3A_351], %swap3A_354 {strides = array<i32>} : memref<128x128xf32, #tpu.memory_space<vmem>>, vector<1x16xf32>,
      %scan3A_355 = arith.constant 0 : i32
      scf.yield %scan3A_355 : i32
    }
    %scan3A_74 = arith.constant 128 : i32
    %dma_start3A_75 = arith.constant 0 : i32
    %dma_start3A_76 = arith.constant 0 : i32
    %dma_start3A_77 = tpu.memref_slice %arg14[%dma_start3A_75, %dma_start3A_76] : memref<1024x128xf32, #tpu.memory_space<vmem_shared>> -> memref<1024x128xf32, #tpu.memory_space<vmem_shared>>
    tpu.enqueue_indirect_dma source(%arg11 : memref<128x128xf32, #tpu.memory_space<vmem>>) target(%dma_start3A_77 : memref<1024x128xf32, #tpu.memory_space<vmem_shared>>) offsets(%arg7 : memref<128xi32, #tpu.memory_space<vmem>>) semaphore(%arg22 : memref<!tpu.dma_semaphore, #tpu.memory_space<semaphore_mem>>) {add = true}
    %dma_wait3A_78 = tpu.memref_slice %arg2[%add3A_61] : memref<32768xi32, #tpu.memory_space<hbm>> -> memref<128xi32, #tpu.memory_space<hbm>>
    %dma_wait3A_79 = tpu.memref_slice %arg2[%add3A_61] : memref<32768xi32, #tpu.memory_space<hbm>> -> memref<128xi32, #tpu.memory_space<hbm>>
    tpu.wait_dma2 semaphore(%arg15 : memref<!tpu.dma_semaphore, #tpu.memory_space<semaphore_mem>>) src(%dma_wait3A_79 : memref<128xi32, #tpu.memory_space<hbm>>) dst(%arg6 : memref<128xi32, #tpu.memory_space<vmem>>)
    %dma_wait3A_80 = arith.constant 0 : i32
    %dma_wait3A_81 = tpu.memref_slice %arg3[%add3A_61, %dma_wait3A_80] : memref<32768x128xf32, #tpu.memory_space<hbm>> -> memref<128x128xf32, #tpu.memory_space<hbm>>
    %dma_wait3A_82 = arith.constant 0 : i32
    %dma_wait3A_83 = tpu.memref_slice %arg3[%add3A_61, %dma_wait3A_82] : memref<32768x128xf32, #tpu.memory_space<hbm>> -> memref<128x128xf32, #tpu.memory_space<hbm>>
    tpu.wait_dma2 semaphore(%arg17 : memref<!tpu.dma_semaphore, #tpu.memory_space<semaphore_mem>>) src(%dma_wait3A_83 : memref<128x128xf32, #tpu.memory_space<hbm>>) dst(%arg8 : memref<128x128xf32, #tpu.memory_space<vmem>>)
    %dma_start3A_84 = arith.constant 0 : i32
    %dma_start3A_85 = arith.constant 0 : i32
    %dma_start3A_86 = tpu.memref_slice %arg13[%dma_start3A_84, %dma_start3A_85] : memref<1024x128xf32, #tpu.memory_space<vmem_shared>> -> memref<1024x128xf32, #tpu.memory_space<vmem_shared>>
    tpu.enqueue_indirect_dma source(%arg8 : memref<128x128xf32, #tpu.memory_space<vmem>>) target(%dma_start3A_86 : memref<1024x128xf32, #tpu.memory_space<vmem_shared>>) offsets(%arg6 : memref<128xi32, #tpu.memory_space<vmem>>) semaphore(%arg19 : memref<!tpu.dma_semaphore, #tpu.memory_space<semaphore_mem>>) {add = true}
    %dma_wait3A_87 = arith.constant 0 : i32
    %dma_wait3A_88 = arith.constant 0 : i32
    %dma_wait3A_89 = tpu.memref_slice %arg13[%dma_wait3A_87, %dma_wait3A_88] : memref<1024x128xf32, #tpu.memory_space<vmem_shared>> -> memref<1024x128xf32, #tpu.memory_space<vmem_shared>>
    tpu.wait_indirect_dma semaphore(%arg20 : memref<!tpu.dma_semaphore, #tpu.memory_space<semaphore_mem>>) src(%arg9 : memref<128x128xf32, #tpu.memory_space<vmem>>) dst(%dma_wait3A_89 : memref<1024x128xf32, #tpu.memory_space<vmem_shared>>)
    %dma_wait3A_90 = arith.constant 0 : i32
    %dma_wait3A_91 = arith.constant 0 : i32
    %dma_wait3A_92 = tpu.memref_slice %arg14[%dma_wait3A_90, %dma_wait3A_91] : memref<1024x128xf32, #tpu.memory_space<vmem_shared>> -> memref<1024x128xf32, #tpu.memory_space<vmem_shared>>
    tpu.wait_indirect_dma semaphore(%arg22 : memref<!tpu.dma_semaphore, #tpu.memory_space<semaphore_mem>>) src(%arg11 : memref<128x128xf32, #tpu.memory_space<vmem>>) dst(%dma_wait3A_92 : memref<1024x128xf32, #tpu.memory_space<vmem_shared>>)
    %add3A_93 = arith.constant 384 : i32
    %add3A_94 = arith.addi %mul3A_2, %add3A_93 : i32
    %dma_start3A_95 = tpu.memref_slice %arg2[%add3A_94] : memref<32768xi32, #tpu.memory_space<hbm>> -> memref<128xi32, #tpu.memory_space<hbm>>
    %dma_start3A_96 = tpu.memref_slice %arg2[%add3A_94] : memref<32768xi32, #tpu.memory_space<hbm>> -> memref<128xi32, #tpu.memory_space<hbm>>
    tpu.enqueue_dma source(%dma_start3A_96 : memref<128xi32, #tpu.memory_space<hbm>>) target(%arg7 : memref<128xi32, #tpu.memory_space<vmem>>) target_semaphore(%arg16 : memref<!tpu.dma_semaphore, #tpu.memory_space<semaphore_mem>>)
    %dma_start3A_97 = arith.constant 0 : i32
    %dma_start3A_98 = tpu.memref_slice %arg3[%add3A_94, %dma_start3A_97] : memref<32768x128xf32, #tpu.memory_space<hbm>> -> memref<128x128xf32, #tpu.memory_space<hbm>>
    %dma_start3A_99 = arith.constant 0 : i32
    %dma_start3A_100 = tpu.memref_slice %arg3[%add3A_94, %dma_start3A_99] : memref<32768x128xf32, #tpu.memory_space<hbm>> -> memref<128x128xf32, #tpu.memory_space<hbm>>
    tpu.enqueue_dma source(%dma_start3A_100 : memref<128x128xf32, #tpu.memory_space<hbm>>) target(%arg9 : memref<128x128xf32, #tpu.memory_space<vmem>>) target_semaphore(%arg18 : memref<!tpu.dma_semaphore, #tpu.memory_space<semaphore_mem>>)
    %scan3A_101 = arith.constant 0 : i32
    %scan3A_102 = arith.constant 0 : i32
    %scan3A_103 = arith.constant 128 : i32
    %scan3A_104 = arith.addi %scan3A_102, %scan3A_103 : i32
    %scan3A_105 = arith.constant 1 : i32
    %scan3A_106 = scf.for %scan3A_275 = %scan3A_102 to %scan3A_104 step %scan3A_105 iter_args(%scan3A_276 = %scan3A_101) -> (i32)  : i32 {
      %get3A = arith.index_cast %scan3A_275 : i32 to index
      %get3A_277 = arith.constant 0 : index
      %get3A_278 = tpu.vector_load %arg8[%get3A, %get3A_277] {strides = array<i32>} : memref<128x128xf32, #tpu.memory_space<vmem>>, vector<1x16xf32>,
      %get3A_279 = vector.shape_cast %get3A_278 : vector<1x16xf32> to vector<16xf32>
      %mul3A_280 = arith.mulf %get3A_279, %get3A_279 : vector<16xf32>
      %swap3A = arith.index_cast %scan3A_275 : i32 to index
      %swap3A_281 = arith.constant 0 : index
      %swap3A_282 = tpu.vector_load %arg10[%swap3A, %swap3A_281] {strides = array<i32>} : memref<128x128xf32, #tpu.memory_space<vmem>>, vector<1x16xf32>,
      %swap3A_283 = vector.shape_cast %swap3A_282 : vector<1x16xf32> to vector<16xf32>
      %swap3A_284 = vector.shape_cast %mul3A_280 : vector<16xf32> to vector<1x16xf32>
      tpu.vector_store %arg10[%swap3A, %swap3A_281], %swap3A_284 {strides = array<i32>} : memref<128x128xf32, #tpu.memory_space<vmem>>, vector<1x16xf32>,
      %get3A_285 = arith.index_cast %scan3A_275 : i32 to index
      %get3A_286 = arith.constant 16 : index
      %get3A_287 = tpu.vector_load %arg8[%get3A_285, %get3A_286] {strides = array<i32>} : memref<128x128xf32, #tpu.memory_space<vmem>>, vector<1x16xf32>,
      %get3A_288 = vector.shape_cast %get3A_287 : vector<1x16xf32> to vector<16xf32>
      %mul3A_289 = arith.mulf %get3A_288, %get3A_288 : vector<16xf32>
      %swap3A_290 = arith.index_cast %scan3A_275 : i32 to index
      %swap3A_291 = arith.constant 16 : index
      %swap3A_292 = tpu.vector_load %arg10[%swap3A_290, %swap3A_291] {strides = array<i32>} : memref<128x128xf32, #tpu.memory_space<vmem>>, vector<1x16xf32>,
      %swap3A_293 = vector.shape_cast %swap3A_292 : vector<1x16xf32> to vector<16xf32>
      %swap3A_294 = vector.shape_cast %mul3A_289 : vector<16xf32> to vector<1x16xf32>
      tpu.vector_store %arg10[%swap3A_290, %swap3A_291], %swap3A_294 {strides = array<i32>} : memref<128x128xf32, #tpu.memory_space<vmem>>, vector<1x16xf32>,
      %get3A_295 = arith.index_cast %scan3A_275 : i32 to index
      %get3A_296 = arith.constant 32 : index
      %get3A_297 = tpu.vector_load %arg8[%get3A_295, %get3A_296] {strides = array<i32>} : memref<128x128xf32, #tpu.memory_space<vmem>>, vector<1x16xf32>,
      %get3A_298 = vector.shape_cast %get3A_297 : vector<1x16xf32> to vector<16xf32>
      %mul3A_299 = arith.mulf %get3A_298, %get3A_298 : vector<16xf32>
      %swap3A_300 = arith.index_cast %scan3A_275 : i32 to index
      %swap3A_301 = arith.constant 32 : index
      %swap3A_302 = tpu.vector_load %arg10[%swap3A_300, %swap3A_301] {strides = array<i32>} : memref<128x128xf32, #tpu.memory_space<vmem>>, vector<1x16xf32>,
      %swap3A_303 = vector.shape_cast %swap3A_302 : vector<1x16xf32> to vector<16xf32>
      %swap3A_304 = vector.shape_cast %mul3A_299 : vector<16xf32> to vector<1x16xf32>
      tpu.vector_store %arg10[%swap3A_300, %swap3A_301], %swap3A_304 {strides = array<i32>} : memref<128x128xf32, #tpu.memory_space<vmem>>, vector<1x16xf32>,
      %get3A_305 = arith.index_cast %scan3A_275 : i32 to index
      %get3A_306 = arith.constant 48 : index
      %get3A_307 = tpu.vector_load %arg8[%get3A_305, %get3A_306] {strides = array<i32>} : memref<128x128xf32, #tpu.memory_space<vmem>>, vector<1x16xf32>,
      %get3A_308 = vector.shape_cast %get3A_307 : vector<1x16xf32> to vector<16xf32>
      %mul3A_309 = arith.mulf %get3A_308, %get3A_308 : vector<16xf32>
      %swap3A_310 = arith.index_cast %scan3A_275 : i32 to index
      %swap3A_311 = arith.constant 48 : index
      %swap3A_312 = tpu.vector_load %arg10[%swap3A_310, %swap3A_311] {strides = array<i32>} : memref<128x128xf32, #tpu.memory_space<vmem>>, vector<1x16xf32>,
      %swap3A_313 = vector.shape_cast %swap3A_312 : vector<1x16xf32> to vector<16xf32>
      %swap3A_314 = vector.shape_cast %mul3A_309 : vector<16xf32> to vector<1x16xf32>
      tpu.vector_store %arg10[%swap3A_310, %swap3A_311], %swap3A_314 {strides = array<i32>} : memref<128x128xf32, #tpu.memory_space<vmem>>, vector<1x16xf32>,
      %get3A_315 = arith.index_cast %scan3A_275 : i32 to index
      %get3A_316 = arith.constant 64 : index
      %get3A_317 = tpu.vector_load %arg8[%get3A_315, %get3A_316] {strides = array<i32>} : memref<128x128xf32, #tpu.memory_space<vmem>>, vector<1x16xf32>,
      %get3A_318 = vector.shape_cast %get3A_317 : vector<1x16xf32> to vector<16xf32>
      %mul3A_319 = arith.mulf %get3A_318, %get3A_318 : vector<16xf32>
      %swap3A_320 = arith.index_cast %scan3A_275 : i32 to index
      %swap3A_321 = arith.constant 64 : index
      %swap3A_322 = tpu.vector_load %arg10[%swap3A_320, %swap3A_321] {strides = array<i32>} : memref<128x128xf32, #tpu.memory_space<vmem>>, vector<1x16xf32>,
      %swap3A_323 = vector.shape_cast %swap3A_322 : vector<1x16xf32> to vector<16xf32>
      %swap3A_324 = vector.shape_cast %mul3A_319 : vector<16xf32> to vector<1x16xf32>
      tpu.vector_store %arg10[%swap3A_320, %swap3A_321], %swap3A_324 {strides = array<i32>} : memref<128x128xf32, #tpu.memory_space<vmem>>, vector<1x16xf32>,
      %get3A_325 = arith.index_cast %scan3A_275 : i32 to index
      %get3A_326 = arith.constant 80 : index
      %get3A_327 = tpu.vector_load %arg8[%get3A_325, %get3A_326] {strides = array<i32>} : memref<128x128xf32, #tpu.memory_space<vmem>>, vector<1x16xf32>,
      %get3A_328 = vector.shape_cast %get3A_327 : vector<1x16xf32> to vector<16xf32>
      %mul3A_329 = arith.mulf %get3A_328, %get3A_328 : vector<16xf32>
      %swap3A_330 = arith.index_cast %scan3A_275 : i32 to index
      %swap3A_331 = arith.constant 80 : index
      %swap3A_332 = tpu.vector_load %arg10[%swap3A_330, %swap3A_331] {strides = array<i32>} : memref<128x128xf32, #tpu.memory_space<vmem>>, vector<1x16xf32>,
      %swap3A_333 = vector.shape_cast %swap3A_332 : vector<1x16xf32> to vector<16xf32>
      %swap3A_334 = vector.shape_cast %mul3A_329 : vector<16xf32> to vector<1x16xf32>
      tpu.vector_store %arg10[%swap3A_330, %swap3A_331], %swap3A_334 {strides = array<i32>} : memref<128x128xf32, #tpu.memory_space<vmem>>, vector<1x16xf32>,
      %get3A_335 = arith.index_cast %scan3A_275 : i32 to index
      %get3A_336 = arith.constant 96 : index
      %get3A_337 = tpu.vector_load %arg8[%get3A_335, %get3A_336] {strides = array<i32>} : memref<128x128xf32, #tpu.memory_space<vmem>>, vector<1x16xf32>,
      %get3A_338 = vector.shape_cast %get3A_337 : vector<1x16xf32> to vector<16xf32>
      %mul3A_339 = arith.mulf %get3A_338, %get3A_338 : vector<16xf32>
      %swap3A_340 = arith.index_cast %scan3A_275 : i32 to index
      %swap3A_341 = arith.constant 96 : index
      %swap3A_342 = tpu.vector_load %arg10[%swap3A_340, %swap3A_341] {strides = array<i32>} : memref<128x128xf32, #tpu.memory_space<vmem>>, vector<1x16xf32>,
      %swap3A_343 = vector.shape_cast %swap3A_342 : vector<1x16xf32> to vector<16xf32>
      %swap3A_344 = vector.shape_cast %mul3A_339 : vector<16xf32> to vector<1x16xf32>
      tpu.vector_store %arg10[%swap3A_340, %swap3A_341], %swap3A_344 {strides = array<i32>} : memref<128x128xf32, #tpu.memory_space<vmem>>, vector<1x16xf32>,
      %get3A_345 = arith.index_cast %scan3A_275 : i32 to index
      %get3A_346 = arith.constant 112 : index
      %get3A_347 = tpu.vector_load %arg8[%get3A_345, %get3A_346] {strides = array<i32>} : memref<128x128xf32, #tpu.memory_space<vmem>>, vector<1x16xf32>,
      %get3A_348 = vector.shape_cast %get3A_347 : vector<1x16xf32> to vector<16xf32>
      %mul3A_349 = arith.mulf %get3A_348, %get3A_348 : vector<16xf32>
      %swap3A_350 = arith.index_cast %scan3A_275 : i32 to index
      %swap3A_351 = arith.constant 112 : index
      %swap3A_352 = tpu.vector_load %arg10[%swap3A_350, %swap3A_351] {strides = array<i32>} : memref<128x128xf32, #tpu.memory_space<vmem>>, vector<1x16xf32>,
      %swap3A_353 = vector.shape_cast %swap3A_352 : vector<1x16xf32> to vector<16xf32>
      %swap3A_354 = vector.shape_cast %mul3A_349 : vector<16xf32> to vector<1x16xf32>
      tpu.vector_store %arg10[%swap3A_350, %swap3A_351], %swap3A_354 {strides = array<i32>} : memref<128x128xf32, #tpu.memory_space<vmem>>, vector<1x16xf32>,
      %scan3A_355 = arith.constant 0 : i32
      scf.yield %scan3A_355 : i32
    }
    %scan3A_107 = arith.constant 128 : i32
    %dma_start3A_108 = arith.constant 0 : i32
    %dma_start3A_109 = arith.constant 0 : i32
    %dma_start3A_110 = tpu.memref_slice %arg14[%dma_start3A_108, %dma_start3A_109] : memref<1024x128xf32, #tpu.memory_space<vmem_shared>> -> memref<1024x128xf32, #tpu.memory_space<vmem_shared>>
    tpu.enqueue_indirect_dma source(%arg10 : memref<128x128xf32, #tpu.memory_space<vmem>>) target(%dma_start3A_110 : memref<1024x128xf32, #tpu.memory_space<vmem_shared>>) offsets(%arg6 : memref<128xi32, #tpu.memory_space<vmem>>) semaphore(%arg21 : memref<!tpu.dma_semaphore, #tpu.memory_space<semaphore_mem>>) {add = true}
    %dma_wait3A_111 = tpu.memref_slice %arg2[%add3A_94] : memref<32768xi32, #tpu.memory_space<hbm>> -> memref<128xi32, #tpu.memory_space<hbm>>
    %dma_wait3A_112 = tpu.memref_slice %arg2[%add3A_94] : memref<32768xi32, #tpu.memory_space<hbm>> -> memref<128xi32, #tpu.memory_space<hbm>>
    tpu.wait_dma2 semaphore(%arg16 : memref<!tpu.dma_semaphore, #tpu.memory_space<semaphore_mem>>) src(%dma_wait3A_112 : memref<128xi32, #tpu.memory_space<hbm>>) dst(%arg7 : memref<128xi32, #tpu.memory_space<vmem>>)
    %dma_wait3A_113 = arith.constant 0 : i32
    %dma_wait3A_114 = tpu.memref_slice %arg3[%add3A_94, %dma_wait3A_113] : memref<32768x128xf32, #tpu.memory_space<hbm>> -> memref<128x128xf32, #tpu.memory_space<hbm>>
    %dma_wait3A_115 = arith.constant 0 : i32
    %dma_wait3A_116 = tpu.memref_slice %arg3[%add3A_94, %dma_wait3A_115] : memref<32768x128xf32, #tpu.memory_space<hbm>> -> memref<128x128xf32, #tpu.memory_space<hbm>>
    tpu.wait_dma2 semaphore(%arg18 : memref<!tpu.dma_semaphore, #tpu.memory_space<semaphore_mem>>) src(%dma_wait3A_116 : memref<128x128xf32, #tpu.memory_space<hbm>>) dst(%arg9 : memref<128x128xf32, #tpu.memory_space<vmem>>)
    %dma_start3A_117 = arith.constant 0 : i32
    %dma_start3A_118 = arith.constant 0 : i32
    %dma_start3A_119 = tpu.memref_slice %arg13[%dma_start3A_117, %dma_start3A_118] : memref<1024x128xf32, #tpu.memory_space<vmem_shared>> -> memref<1024x128xf32, #tpu.memory_space<vmem_shared>>
    tpu.enqueue_indirect_dma source(%arg9 : memref<128x128xf32, #tpu.memory_space<vmem>>) target(%dma_start3A_119 : memref<1024x128xf32, #tpu.memory_space<vmem_shared>>) offsets(%arg7 : memref<128xi32, #tpu.memory_space<vmem>>) semaphore(%arg20 : memref<!tpu.dma_semaphore, #tpu.memory_space<semaphore_mem>>) {add = true}
    %dma_wait3A_120 = arith.constant 0 : i32
    %dma_wait3A_121 = arith.constant 0 : i32
    %dma_wait3A_122 = tpu.memref_slice %arg13[%dma_wait3A_120, %dma_wait3A_121] : memref<1024x128xf32, #tpu.memory_space<vmem_shared>> -> memref<1024x128xf32, #tpu.memory_space<vmem_shared>>
    tpu.wait_indirect_dma semaphore(%arg19 : memref<!tpu.dma_semaphore, #tpu.memory_space<semaphore_mem>>) src(%arg8 : memref<128x128xf32, #tpu.memory_space<vmem>>) dst(%dma_wait3A_122 : memref<1024x128xf32, #tpu.memory_space<vmem_shared>>)
    %dma_wait3A_123 = arith.constant 0 : i32
    %dma_wait3A_124 = arith.constant 0 : i32
    %dma_wait3A_125 = tpu.memref_slice %arg14[%dma_wait3A_123, %dma_wait3A_124] : memref<1024x128xf32, #tpu.memory_space<vmem_shared>> -> memref<1024x128xf32, #tpu.memory_space<vmem_shared>>
    tpu.wait_indirect_dma semaphore(%arg21 : memref<!tpu.dma_semaphore, #tpu.memory_space<semaphore_mem>>) src(%arg10 : memref<128x128xf32, #tpu.memory_space<vmem>>) dst(%dma_wait3A_125 : memref<1024x128xf32, #tpu.memory_space<vmem_shared>>)
    %add3A_126 = arith.constant 512 : i32
    %add3A_127 = arith.addi %mul3A_2, %add3A_126 : i32
    %dma_start3A_128 = tpu.memref_slice %arg2[%add3A_127] : memref<32768xi32, #tpu.memory_space<hbm>> -> memref<128xi32, #tpu.memory_space<hbm>>
    %dma_start3A_129 = tpu.memref_slice %arg2[%add3A_127] : memref<32768xi32, #tpu.memory_space<hbm>> -> memref<128xi32, #tpu.memory_space<hbm>>
    tpu.enqueue_dma source(%dma_start3A_129 : memref<128xi32, #tpu.memory_space<hbm>>) target(%arg6 : memref<128xi32, #tpu.memory_space<vmem>>) target_semaphore(%arg15 : memref<!tpu.dma_semaphore, #tpu.memory_space<semaphore_mem>>)
    %dma_start3A_130 = arith.constant 0 : i32
    %dma_start3A_131 = tpu.memref_slice %arg3[%add3A_127, %dma_start3A_130] : memref<32768x128xf32, #tpu.memory_space<hbm>> -> memref<128x128xf32, #tpu.memory_space<hbm>>
    %dma_start3A_132 = arith.constant 0 : i32
    %dma_start3A_133 = tpu.memref_slice %arg3[%add3A_127, %dma_start3A_132] : memref<32768x128xf32, #tpu.memory_space<hbm>> -> memref<128x128xf32, #tpu.memory_space<hbm>>
    tpu.enqueue_dma source(%dma_start3A_133 : memref<128x128xf32, #tpu.memory_space<hbm>>) target(%arg8 : memref<128x128xf32, #tpu.memory_space<vmem>>) target_semaphore(%arg17 : memref<!tpu.dma_semaphore, #tpu.memory_space<semaphore_mem>>)
    %scan3A_134 = arith.constant 0 : i32
    %scan3A_135 = arith.constant 0 : i32
    %scan3A_136 = arith.constant 128 : i32
    %scan3A_137 = arith.addi %scan3A_135, %scan3A_136 : i32
    %scan3A_138 = arith.constant 1 : i32
    %scan3A_139 = scf.for %scan3A_275 = %scan3A_135 to %scan3A_137 step %scan3A_138 iter_args(%scan3A_276 = %scan3A_134) -> (i32)  : i32 {
      %get3A = arith.index_cast %scan3A_275 : i32 to index
      %get3A_277 = arith.constant 0 : index
      %get3A_278 = tpu.vector_load %arg9[%get3A, %get3A_277] {strides = array<i32>} : memref<128x128xf32, #tpu.memory_space<vmem>>, vector<1x16xf32>,
      %get3A_279 = vector.shape_cast %get3A_278 : vector<1x16xf32> to vector<16xf32>
      %mul3A_280 = arith.mulf %get3A_279, %get3A_279 : vector<16xf32>
      %swap3A = arith.index_cast %scan3A_275 : i32 to index
      %swap3A_281 = arith.constant 0 : index
      %swap3A_282 = tpu.vector_load %arg11[%swap3A, %swap3A_281] {strides = array<i32>} : memref<128x128xf32, #tpu.memory_space<vmem>>, vector<1x16xf32>,
      %swap3A_283 = vector.shape_cast %swap3A_282 : vector<1x16xf32> to vector<16xf32>
      %swap3A_284 = vector.shape_cast %mul3A_280 : vector<16xf32> to vector<1x16xf32>
      tpu.vector_store %arg11[%swap3A, %swap3A_281], %swap3A_284 {strides = array<i32>} : memref<128x128xf32, #tpu.memory_space<vmem>>, vector<1x16xf32>,
      %get3A_285 = arith.index_cast %scan3A_275 : i32 to index
      %get3A_286 = arith.constant 16 : index
      %get3A_287 = tpu.vector_load %arg9[%get3A_285, %get3A_286] {strides = array<i32>} : memref<128x128xf32, #tpu.memory_space<vmem>>, vector<1x16xf32>,
      %get3A_288 = vector.shape_cast %get3A_287 : vector<1x16xf32> to vector<16xf32>
      %mul3A_289 = arith.mulf %get3A_288, %get3A_288 : vector<16xf32>
      %swap3A_290 = arith.index_cast %scan3A_275 : i32 to index
      %swap3A_291 = arith.constant 16 : index
      %swap3A_292 = tpu.vector_load %arg11[%swap3A_290, %swap3A_291] {strides = array<i32>} : memref<128x128xf32, #tpu.memory_space<vmem>>, vector<1x16xf32>,
      %swap3A_293 = vector.shape_cast %swap3A_292 : vector<1x16xf32> to vector<16xf32>
      %swap3A_294 = vector.shape_cast %mul3A_289 : vector<16xf32> to vector<1x16xf32>
      tpu.vector_store %arg11[%swap3A_290, %swap3A_291], %swap3A_294 {strides = array<i32>} : memref<128x128xf32, #tpu.memory_space<vmem>>, vector<1x16xf32>,
      %get3A_295 = arith.index_cast %scan3A_275 : i32 to index
      %get3A_296 = arith.constant 32 : index
      %get3A_297 = tpu.vector_load %arg9[%get3A_295, %get3A_296] {strides = array<i32>} : memref<128x128xf32, #tpu.memory_space<vmem>>, vector<1x16xf32>,
      %get3A_298 = vector.shape_cast %get3A_297 : vector<1x16xf32> to vector<16xf32>
      %mul3A_299 = arith.mulf %get3A_298, %get3A_298 : vector<16xf32>
      %swap3A_300 = arith.index_cast %scan3A_275 : i32 to index
      %swap3A_301 = arith.constant 32 : index
      %swap3A_302 = tpu.vector_load %arg11[%swap3A_300, %swap3A_301] {strides = array<i32>} : memref<128x128xf32, #tpu.memory_space<vmem>>, vector<1x16xf32>,
      %swap3A_303 = vector.shape_cast %swap3A_302 : vector<1x16xf32> to vector<16xf32>
      %swap3A_304 = vector.shape_cast %mul3A_299 : vector<16xf32> to vector<1x16xf32>
      tpu.vector_store %arg11[%swap3A_300, %swap3A_301], %swap3A_304 {strides = array<i32>} : memref<128x128xf32, #tpu.memory_space<vmem>>, vector<1x16xf32>,
      %get3A_305 = arith.index_cast %scan3A_275 : i32 to index
      %get3A_306 = arith.constant 48 : index
      %get3A_307 = tpu.vector_load %arg9[%get3A_305, %get3A_306] {strides = array<i32>} : memref<128x128xf32, #tpu.memory_space<vmem>>, vector<1x16xf32>,
      %get3A_308 = vector.shape_cast %get3A_307 : vector<1x16xf32> to vector<16xf32>
      %mul3A_309 = arith.mulf %get3A_308, %get3A_308 : vector<16xf32>
      %swap3A_310 = arith.index_cast %scan3A_275 : i32 to index
      %swap3A_311 = arith.constant 48 : index
      %swap3A_312 = tpu.vector_load %arg11[%swap3A_310, %swap3A_311] {strides = array<i32>} : memref<128x128xf32, #tpu.memory_space<vmem>>, vector<1x16xf32>,
      %swap3A_313 = vector.shape_cast %swap3A_312 : vector<1x16xf32> to vector<16xf32>
      %swap3A_314 = vector.shape_cast %mul3A_309 : vector<16xf32> to vector<1x16xf32>
      tpu.vector_store %arg11[%swap3A_310, %swap3A_311], %swap3A_314 {strides = array<i32>} : memref<128x128xf32, #tpu.memory_space<vmem>>, vector<1x16xf32>,
      %get3A_315 = arith.index_cast %scan3A_275 : i32 to index
      %get3A_316 = arith.constant 64 : index
      %get3A_317 = tpu.vector_load %arg9[%get3A_315, %get3A_316] {strides = array<i32>} : memref<128x128xf32, #tpu.memory_space<vmem>>, vector<1x16xf32>,
      %get3A_318 = vector.shape_cast %get3A_317 : vector<1x16xf32> to vector<16xf32>
      %mul3A_319 = arith.mulf %get3A_318, %get3A_318 : vector<16xf32>
      %swap3A_320 = arith.index_cast %scan3A_275 : i32 to index
      %swap3A_321 = arith.constant 64 : index
      %swap3A_322 = tpu.vector_load %arg11[%swap3A_320, %swap3A_321] {strides = array<i32>} : memref<128x128xf32, #tpu.memory_space<vmem>>, vector<1x16xf32>,
      %swap3A_323 = vector.shape_cast %swap3A_322 : vector<1x16xf32> to vector<16xf32>
      %swap3A_324 = vector.shape_cast %mul3A_319 : vector<16xf32> to vector<1x16xf32>
      tpu.vector_store %arg11[%swap3A_320, %swap3A_321], %swap3A_324 {strides = array<i32>} : memref<128x128xf32, #tpu.memory_space<vmem>>, vector<1x16xf32>,
      %get3A_325 = arith.index_cast %scan3A_275 : i32 to index
      %get3A_326 = arith.constant 80 : index
      %get3A_327 = tpu.vector_load %arg9[%get3A_325, %get3A_326] {strides = array<i32>} : memref<128x128xf32, #tpu.memory_space<vmem>>, vector<1x16xf32>,
      %get3A_328 = vector.shape_cast %get3A_327 : vector<1x16xf32> to vector<16xf32>
      %mul3A_329 = arith.mulf %get3A_328, %get3A_328 : vector<16xf32>
      %swap3A_330 = arith.index_cast %scan3A_275 : i32 to index
      %swap3A_331 = arith.constant 80 : index
      %swap3A_332 = tpu.vector_load %arg11[%swap3A_330, %swap3A_331] {strides = array<i32>} : memref<128x128xf32, #tpu.memory_space<vmem>>, vector<1x16xf32>,
      %swap3A_333 = vector.shape_cast %swap3A_332 : vector<1x16xf32> to vector<16xf32>
      %swap3A_334 = vector.shape_cast %mul3A_329 : vector<16xf32> to vector<1x16xf32>
      tpu.vector_store %arg11[%swap3A_330, %swap3A_331], %swap3A_334 {strides = array<i32>} : memref<128x128xf32, #tpu.memory_space<vmem>>, vector<1x16xf32>,
      %get3A_335 = arith.index_cast %scan3A_275 : i32 to index
      %get3A_336 = arith.constant 96 : index
      %get3A_337 = tpu.vector_load %arg9[%get3A_335, %get3A_336] {strides = array<i32>} : memref<128x128xf32, #tpu.memory_space<vmem>>, vector<1x16xf32>,
      %get3A_338 = vector.shape_cast %get3A_337 : vector<1x16xf32> to vector<16xf32>
      %mul3A_339 = arith.mulf %get3A_338, %get3A_338 : vector<16xf32>
      %swap3A_340 = arith.index_cast %scan3A_275 : i32 to index
      %swap3A_341 = arith.constant 96 : index
      %swap3A_342 = tpu.vector_load %arg11[%swap3A_340, %swap3A_341] {strides = array<i32>} : memref<128x128xf32, #tpu.memory_space<vmem>>, vector<1x16xf32>,
      %swap3A_343 = vector.shape_cast %swap3A_342 : vector<1x16xf32> to vector<16xf32>
      %swap3A_344 = vector.shape_cast %mul3A_339 : vector<16xf32> to vector<1x16xf32>
      tpu.vector_store %arg11[%swap3A_340, %swap3A_341], %swap3A_344 {strides = array<i32>} : memref<128x128xf32, #tpu.memory_space<vmem>>, vector<1x16xf32>,
      %get3A_345 = arith.index_cast %scan3A_275 : i32 to index
      %get3A_346 = arith.constant 112 : index
      %get3A_347 = tpu.vector_load %arg9[%get3A_345, %get3A_346] {strides = array<i32>} : memref<128x128xf32, #tpu.memory_space<vmem>>, vector<1x16xf32>,
      %get3A_348 = vector.shape_cast %get3A_347 : vector<1x16xf32> to vector<16xf32>
      %mul3A_349 = arith.mulf %get3A_348, %get3A_348 : vector<16xf32>
      %swap3A_350 = arith.index_cast %scan3A_275 : i32 to index
      %swap3A_351 = arith.constant 112 : index
      %swap3A_352 = tpu.vector_load %arg11[%swap3A_350, %swap3A_351] {strides = array<i32>} : memref<128x128xf32, #tpu.memory_space<vmem>>, vector<1x16xf32>,
      %swap3A_353 = vector.shape_cast %swap3A_352 : vector<1x16xf32> to vector<16xf32>
      %swap3A_354 = vector.shape_cast %mul3A_349 : vector<16xf32> to vector<1x16xf32>
      tpu.vector_store %arg11[%swap3A_350, %swap3A_351], %swap3A_354 {strides = array<i32>} : memref<128x128xf32, #tpu.memory_space<vmem>>, vector<1x16xf32>,
      %scan3A_355 = arith.constant 0 : i32
      scf.yield %scan3A_355 : i32
    }
    %scan3A_140 = arith.constant 128 : i32
    %dma_start3A_141 = arith.constant 0 : i32
    %dma_start3A_142 = arith.constant 0 : i32
    %dma_start3A_143 = tpu.memref_slice %arg14[%dma_start3A_141, %dma_start3A_142] : memref<1024x128xf32, #tpu.memory_space<vmem_shared>> -> memref<1024x128xf32, #tpu.memory_space<vmem_shared>>
    tpu.enqueue_indirect_dma source(%arg11 : memref<128x128xf32, #tpu.memory_space<vmem>>) target(%dma_start3A_143 : memref<1024x128xf32, #tpu.memory_space<vmem_shared>>) offsets(%arg7 : memref<128xi32, #tpu.memory_space<vmem>>) semaphore(%arg22 : memref<!tpu.dma_semaphore, #tpu.memory_space<semaphore_mem>>) {add = true}
    %dma_wait3A_144 = tpu.memref_slice %arg2[%add3A_127] : memref<32768xi32, #tpu.memory_space<hbm>> -> memref<128xi32, #tpu.memory_space<hbm>>
    %dma_wait3A_145 = tpu.memref_slice %arg2[%add3A_127] : memref<32768xi32, #tpu.memory_space<hbm>> -> memref<128xi32, #tpu.memory_space<hbm>>
    tpu.wait_dma2 semaphore(%arg15 : memref<!tpu.dma_semaphore, #tpu.memory_space<semaphore_mem>>) src(%dma_wait3A_145 : memref<128xi32, #tpu.memory_space<hbm>>) dst(%arg6 : memref<128xi32, #tpu.memory_space<vmem>>)
    %dma_wait3A_146 = arith.constant 0 : i32
    %dma_wait3A_147 = tpu.memref_slice %arg3[%add3A_127, %dma_wait3A_146] : memref<32768x128xf32, #tpu.memory_space<hbm>> -> memref<128x128xf32, #tpu.memory_space<hbm>>
    %dma_wait3A_148 = arith.constant 0 : i32
    %dma_wait3A_149 = tpu.memref_slice %arg3[%add3A_127, %dma_wait3A_148] : memref<32768x128xf32, #tpu.memory_space<hbm>> -> memref<128x128xf32, #tpu.memory_space<hbm>>
    tpu.wait_dma2 semaphore(%arg17 : memref<!tpu.dma_semaphore, #tpu.memory_space<semaphore_mem>>) src(%dma_wait3A_149 : memref<128x128xf32, #tpu.memory_space<hbm>>) dst(%arg8 : memref<128x128xf32, #tpu.memory_space<vmem>>)
    %dma_start3A_150 = arith.constant 0 : i32
    %dma_start3A_151 = arith.constant 0 : i32
    %dma_start3A_152 = tpu.memref_slice %arg13[%dma_start3A_150, %dma_start3A_151] : memref<1024x128xf32, #tpu.memory_space<vmem_shared>> -> memref<1024x128xf32, #tpu.memory_space<vmem_shared>>
    tpu.enqueue_indirect_dma source(%arg8 : memref<128x128xf32, #tpu.memory_space<vmem>>) target(%dma_start3A_152 : memref<1024x128xf32, #tpu.memory_space<vmem_shared>>) offsets(%arg6 : memref<128xi32, #tpu.memory_space<vmem>>) semaphore(%arg19 : memref<!tpu.dma_semaphore, #tpu.memory_space<semaphore_mem>>) {add = true}
    %dma_wait3A_153 = arith.constant 0 : i32
    %dma_wait3A_154 = arith.constant 0 : i32
    %dma_wait3A_155 = tpu.memref_slice %arg13[%dma_wait3A_153, %dma_wait3A_154] : memref<1024x128xf32, #tpu.memory_space<vmem_shared>> -> memref<1024x128xf32, #tpu.memory_space<vmem_shared>>
    tpu.wait_indirect_dma semaphore(%arg20 : memref<!tpu.dma_semaphore, #tpu.memory_space<semaphore_mem>>) src(%arg9 : memref<128x128xf32, #tpu.memory_space<vmem>>) dst(%dma_wait3A_155 : memref<1024x128xf32, #tpu.memory_space<vmem_shared>>)
    %dma_wait3A_156 = arith.constant 0 : i32
    %dma_wait3A_157 = arith.constant 0 : i32
    %dma_wait3A_158 = tpu.memref_slice %arg14[%dma_wait3A_156, %dma_wait3A_157] : memref<1024x128xf32, #tpu.memory_space<vmem_shared>> -> memref<1024x128xf32, #tpu.memory_space<vmem_shared>>
    tpu.wait_indirect_dma semaphore(%arg22 : memref<!tpu.dma_semaphore, #tpu.memory_space<semaphore_mem>>) src(%arg11 : memref<128x128xf32, #tpu.memory_space<vmem>>) dst(%dma_wait3A_158 : memref<1024x128xf32, #tpu.memory_space<vmem_shared>>)
    %add3A_159 = arith.constant 640 : i32
    %add3A_160 = arith.addi %mul3A_2, %add3A_159 : i32
    %dma_start3A_161 = tpu.memref_slice %arg2[%add3A_160] : memref<32768xi32, #tpu.memory_space<hbm>> -> memref<128xi32, #tpu.memory_space<hbm>>
    %dma_start3A_162 = tpu.memref_slice %arg2[%add3A_160] : memref<32768xi32, #tpu.memory_space<hbm>> -> memref<128xi32, #tpu.memory_space<hbm>>
    tpu.enqueue_dma source(%dma_start3A_162 : memref<128xi32, #tpu.memory_space<hbm>>) target(%arg7 : memref<128xi32, #tpu.memory_space<vmem>>) target_semaphore(%arg16 : memref<!tpu.dma_semaphore, #tpu.memory_space<semaphore_mem>>)
    %dma_start3A_163 = arith.constant 0 : i32
    %dma_start3A_164 = tpu.memref_slice %arg3[%add3A_160, %dma_start3A_163] : memref<32768x128xf32, #tpu.memory_space<hbm>> -> memref<128x128xf32, #tpu.memory_space<hbm>>
    %dma_start3A_165 = arith.constant 0 : i32
    %dma_start3A_166 = tpu.memref_slice %arg3[%add3A_160, %dma_start3A_165] : memref<32768x128xf32, #tpu.memory_space<hbm>> -> memref<128x128xf32, #tpu.memory_space<hbm>>
    tpu.enqueue_dma source(%dma_start3A_166 : memref<128x128xf32, #tpu.memory_space<hbm>>) target(%arg9 : memref<128x128xf32, #tpu.memory_space<vmem>>) target_semaphore(%arg18 : memref<!tpu.dma_semaphore, #tpu.memory_space<semaphore_mem>>)
    %scan3A_167 = arith.constant 0 : i32
    %scan3A_168 = arith.constant 0 : i32
    %scan3A_169 = arith.constant 128 : i32
    %scan3A_170 = arith.addi %scan3A_168, %scan3A_169 : i32
    %scan3A_171 = arith.constant 1 : i32
    %scan3A_172 = scf.for %scan3A_275 = %scan3A_168 to %scan3A_170 step %scan3A_171 iter_args(%scan3A_276 = %scan3A_167) -> (i32)  : i32 {
      %get3A = arith.index_cast %scan3A_275 : i32 to index
      %get3A_277 = arith.constant 0 : index
      %get3A_278 = tpu.vector_load %arg8[%get3A, %get3A_277] {strides = array<i32>} : memref<128x128xf32, #tpu.memory_space<vmem>>, vector<1x16xf32>,
      %get3A_279 = vector.shape_cast %get3A_278 : vector<1x16xf32> to vector<16xf32>
      %mul3A_280 = arith.mulf %get3A_279, %get3A_279 : vector<16xf32>
      %swap3A = arith.index_cast %scan3A_275 : i32 to index
      %swap3A_281 = arith.constant 0 : index
      %swap3A_282 = tpu.vector_load %arg10[%swap3A, %swap3A_281] {strides = array<i32>} : memref<128x128xf32, #tpu.memory_space<vmem>>, vector<1x16xf32>,
      %swap3A_283 = vector.shape_cast %swap3A_282 : vector<1x16xf32> to vector<16xf32>
      %swap3A_284 = vector.shape_cast %mul3A_280 : vector<16xf32> to vector<1x16xf32>
      tpu.vector_store %arg10[%swap3A, %swap3A_281], %swap3A_284 {strides = array<i32>} : memref<128x128xf32, #tpu.memory_space<vmem>>, vector<1x16xf32>,
      %get3A_285 = arith.index_cast %scan3A_275 : i32 to index
      %get3A_286 = arith.constant 16 : index
      %get3A_287 = tpu.vector_load %arg8[%get3A_285, %get3A_286] {strides = array<i32>} : memref<128x128xf32, #tpu.memory_space<vmem>>, vector<1x16xf32>,
      %get3A_288 = vector.shape_cast %get3A_287 : vector<1x16xf32> to vector<16xf32>
      %mul3A_289 = arith.mulf %get3A_288, %get3A_288 : vector<16xf32>
      %swap3A_290 = arith.index_cast %scan3A_275 : i32 to index
      %swap3A_291 = arith.constant 16 : index
      %swap3A_292 = tpu.vector_load %arg10[%swap3A_290, %swap3A_291] {strides = array<i32>} : memref<128x128xf32, #tpu.memory_space<vmem>>, vector<1x16xf32>,
      %swap3A_293 = vector.shape_cast %swap3A_292 : vector<1x16xf32> to vector<16xf32>
      %swap3A_294 = vector.shape_cast %mul3A_289 : vector<16xf32> to vector<1x16xf32>
      tpu.vector_store %arg10[%swap3A_290, %swap3A_291], %swap3A_294 {strides = array<i32>} : memref<128x128xf32, #tpu.memory_space<vmem>>, vector<1x16xf32>,
      %get3A_295 = arith.index_cast %scan3A_275 : i32 to index
      %get3A_296 = arith.constant 32 : index
      %get3A_297 = tpu.vector_load %arg8[%get3A_295, %get3A_296] {strides = array<i32>} : memref<128x128xf32, #tpu.memory_space<vmem>>, vector<1x16xf32>,
      %get3A_298 = vector.shape_cast %get3A_297 : vector<1x16xf32> to vector<16xf32>
      %mul3A_299 = arith.mulf %get3A_298, %get3A_298 : vector<16xf32>
      %swap3A_300 = arith.index_cast %scan3A_275 : i32 to index
      %swap3A_301 = arith.constant 32 : index
      %swap3A_302 = tpu.vector_load %arg10[%swap3A_300, %swap3A_301] {strides = array<i32>} : memref<128x128xf32, #tpu.memory_space<vmem>>, vector<1x16xf32>,
      %swap3A_303 = vector.shape_cast %swap3A_302 : vector<1x16xf32> to vector<16xf32>
      %swap3A_304 = vector.shape_cast %mul3A_299 : vector<16xf32> to vector<1x16xf32>
      tpu.vector_store %arg10[%swap3A_300, %swap3A_301], %swap3A_304 {strides = array<i32>} : memref<128x128xf32, #tpu.memory_space<vmem>>, vector<1x16xf32>,
      %get3A_305 = arith.index_cast %scan3A_275 : i32 to index
      %get3A_306 = arith.constant 48 : index
      %get3A_307 = tpu.vector_load %arg8[%get3A_305, %get3A_306] {strides = array<i32>} : memref<128x128xf32, #tpu.memory_space<vmem>>, vector<1x16xf32>,
      %get3A_308 = vector.shape_cast %get3A_307 : vector<1x16xf32> to vector<16xf32>
      %mul3A_309 = arith.mulf %get3A_308, %get3A_308 : vector<16xf32>
      %swap3A_310 = arith.index_cast %scan3A_275 : i32 to index
      %swap3A_311 = arith.constant 48 : index
      %swap3A_312 = tpu.vector_load %arg10[%swap3A_310, %swap3A_311] {strides = array<i32>} : memref<128x128xf32, #tpu.memory_space<vmem>>, vector<1x16xf32>,
      %swap3A_313 = vector.shape_cast %swap3A_312 : vector<1x16xf32> to vector<16xf32>
      %swap3A_314 = vector.shape_cast %mul3A_309 : vector<16xf32> to vector<1x16xf32>
      tpu.vector_store %arg10[%swap3A_310, %swap3A_311], %swap3A_314 {strides = array<i32>} : memref<128x128xf32, #tpu.memory_space<vmem>>, vector<1x16xf32>,
      %get3A_315 = arith.index_cast %scan3A_275 : i32 to index
      %get3A_316 = arith.constant 64 : index
      %get3A_317 = tpu.vector_load %arg8[%get3A_315, %get3A_316] {strides = array<i32>} : memref<128x128xf32, #tpu.memory_space<vmem>>, vector<1x16xf32>,
      %get3A_318 = vector.shape_cast %get3A_317 : vector<1x16xf32> to vector<16xf32>
      %mul3A_319 = arith.mulf %get3A_318, %get3A_318 : vector<16xf32>
      %swap3A_320 = arith.index_cast %scan3A_275 : i32 to index
      %swap3A_321 = arith.constant 64 : index
      %swap3A_322 = tpu.vector_load %arg10[%swap3A_320, %swap3A_321] {strides = array<i32>} : memref<128x128xf32, #tpu.memory_space<vmem>>, vector<1x16xf32>,
      %swap3A_323 = vector.shape_cast %swap3A_322 : vector<1x16xf32> to vector<16xf32>
      %swap3A_324 = vector.shape_cast %mul3A_319 : vector<16xf32> to vector<1x16xf32>
      tpu.vector_store %arg10[%swap3A_320, %swap3A_321], %swap3A_324 {strides = array<i32>} : memref<128x128xf32, #tpu.memory_space<vmem>>, vector<1x16xf32>,
      %get3A_325 = arith.index_cast %scan3A_275 : i32 to index
      %get3A_326 = arith.constant 80 : index
      %get3A_327 = tpu.vector_load %arg8[%get3A_325, %get3A_326] {strides = array<i32>} : memref<128x128xf32, #tpu.memory_space<vmem>>, vector<1x16xf32>,
      %get3A_328 = vector.shape_cast %get3A_327 : vector<1x16xf32> to vector<16xf32>
      %mul3A_329 = arith.mulf %get3A_328, %get3A_328 : vector<16xf32>
      %swap3A_330 = arith.index_cast %scan3A_275 : i32 to index
      %swap3A_331 = arith.constant 80 : index
      %swap3A_332 = tpu.vector_load %arg10[%swap3A_330, %swap3A_331] {strides = array<i32>} : memref<128x128xf32, #tpu.memory_space<vmem>>, vector<1x16xf32>,
      %swap3A_333 = vector.shape_cast %swap3A_332 : vector<1x16xf32> to vector<16xf32>
      %swap3A_334 = vector.shape_cast %mul3A_329 : vector<16xf32> to vector<1x16xf32>
      tpu.vector_store %arg10[%swap3A_330, %swap3A_331], %swap3A_334 {strides = array<i32>} : memref<128x128xf32, #tpu.memory_space<vmem>>, vector<1x16xf32>,
      %get3A_335 = arith.index_cast %scan3A_275 : i32 to index
      %get3A_336 = arith.constant 96 : index
      %get3A_337 = tpu.vector_load %arg8[%get3A_335, %get3A_336] {strides = array<i32>} : memref<128x128xf32, #tpu.memory_space<vmem>>, vector<1x16xf32>,
      %get3A_338 = vector.shape_cast %get3A_337 : vector<1x16xf32> to vector<16xf32>
      %mul3A_339 = arith.mulf %get3A_338, %get3A_338 : vector<16xf32>
      %swap3A_340 = arith.index_cast %scan3A_275 : i32 to index
      %swap3A_341 = arith.constant 96 : index
      %swap3A_342 = tpu.vector_load %arg10[%swap3A_340, %swap3A_341] {strides = array<i32>} : memref<128x128xf32, #tpu.memory_space<vmem>>, vector<1x16xf32>,
      %swap3A_343 = vector.shape_cast %swap3A_342 : vector<1x16xf32> to vector<16xf32>
      %swap3A_344 = vector.shape_cast %mul3A_339 : vector<16xf32> to vector<1x16xf32>
      tpu.vector_store %arg10[%swap3A_340, %swap3A_341], %swap3A_344 {strides = array<i32>} : memref<128x128xf32, #tpu.memory_space<vmem>>, vector<1x16xf32>,
      %get3A_345 = arith.index_cast %scan3A_275 : i32 to index
      %get3A_346 = arith.constant 112 : index
      %get3A_347 = tpu.vector_load %arg8[%get3A_345, %get3A_346] {strides = array<i32>} : memref<128x128xf32, #tpu.memory_space<vmem>>, vector<1x16xf32>,
      %get3A_348 = vector.shape_cast %get3A_347 : vector<1x16xf32> to vector<16xf32>
      %mul3A_349 = arith.mulf %get3A_348, %get3A_348 : vector<16xf32>
      %swap3A_350 = arith.index_cast %scan3A_275 : i32 to index
      %swap3A_351 = arith.constant 112 : index
      %swap3A_352 = tpu.vector_load %arg10[%swap3A_350, %swap3A_351] {strides = array<i32>} : memref<128x128xf32, #tpu.memory_space<vmem>>, vector<1x16xf32>,
      %swap3A_353 = vector.shape_cast %swap3A_352 : vector<1x16xf32> to vector<16xf32>
      %swap3A_354 = vector.shape_cast %mul3A_349 : vector<16xf32> to vector<1x16xf32>
      tpu.vector_store %arg10[%swap3A_350, %swap3A_351], %swap3A_354 {strides = array<i32>} : memref<128x128xf32, #tpu.memory_space<vmem>>, vector<1x16xf32>,
      %scan3A_355 = arith.constant 0 : i32
      scf.yield %scan3A_355 : i32
    }
    %scan3A_173 = arith.constant 128 : i32
    %dma_start3A_174 = arith.constant 0 : i32
    %dma_start3A_175 = arith.constant 0 : i32
    %dma_start3A_176 = tpu.memref_slice %arg14[%dma_start3A_174, %dma_start3A_175] : memref<1024x128xf32, #tpu.memory_space<vmem_shared>> -> memref<1024x128xf32, #tpu.memory_space<vmem_shared>>
    tpu.enqueue_indirect_dma source(%arg10 : memref<128x128xf32, #tpu.memory_space<vmem>>) target(%dma_start3A_176 : memref<1024x128xf32, #tpu.memory_space<vmem_shared>>) offsets(%arg6 : memref<128xi32, #tpu.memory_space<vmem>>) semaphore(%arg21 : memref<!tpu.dma_semaphore, #tpu.memory_space<semaphore_mem>>) {add = true}
    %dma_wait3A_177 = tpu.memref_slice %arg2[%add3A_160] : memref<32768xi32, #tpu.memory_space<hbm>> -> memref<128xi32, #tpu.memory_space<hbm>>
    %dma_wait3A_178 = tpu.memref_slice %arg2[%add3A_160] : memref<32768xi32, #tpu.memory_space<hbm>> -> memref<128xi32, #tpu.memory_space<hbm>>
    tpu.wait_dma2 semaphore(%arg16 : memref<!tpu.dma_semaphore, #tpu.memory_space<semaphore_mem>>) src(%dma_wait3A_178 : memref<128xi32, #tpu.memory_space<hbm>>) dst(%arg7 : memref<128xi32, #tpu.memory_space<vmem>>)
    %dma_wait3A_179 = arith.constant 0 : i32
    %dma_wait3A_180 = tpu.memref_slice %arg3[%add3A_160, %dma_wait3A_179] : memref<32768x128xf32, #tpu.memory_space<hbm>> -> memref<128x128xf32, #tpu.memory_space<hbm>>
    %dma_wait3A_181 = arith.constant 0 : i32
    %dma_wait3A_182 = tpu.memref_slice %arg3[%add3A_160, %dma_wait3A_181] : memref<32768x128xf32, #tpu.memory_space<hbm>> -> memref<128x128xf32, #tpu.memory_space<hbm>>
    tpu.wait_dma2 semaphore(%arg18 : memref<!tpu.dma_semaphore, #tpu.memory_space<semaphore_mem>>) src(%dma_wait3A_182 : memref<128x128xf32, #tpu.memory_space<hbm>>) dst(%arg9 : memref<128x128xf32, #tpu.memory_space<vmem>>)
    %dma_start3A_183 = arith.constant 0 : i32
    %dma_start3A_184 = arith.constant 0 : i32
    %dma_start3A_185 = tpu.memref_slice %arg13[%dma_start3A_183, %dma_start3A_184] : memref<1024x128xf32, #tpu.memory_space<vmem_shared>> -> memref<1024x128xf32, #tpu.memory_space<vmem_shared>>
    tpu.enqueue_indirect_dma source(%arg9 : memref<128x128xf32, #tpu.memory_space<vmem>>) target(%dma_start3A_185 : memref<1024x128xf32, #tpu.memory_space<vmem_shared>>) offsets(%arg7 : memref<128xi32, #tpu.memory_space<vmem>>) semaphore(%arg20 : memref<!tpu.dma_semaphore, #tpu.memory_space<semaphore_mem>>) {add = true}
    %dma_wait3A_186 = arith.constant 0 : i32
    %dma_wait3A_187 = arith.constant 0 : i32
    %dma_wait3A_188 = tpu.memref_slice %arg13[%dma_wait3A_186, %dma_wait3A_187] : memref<1024x128xf32, #tpu.memory_space<vmem_shared>> -> memref<1024x128xf32, #tpu.memory_space<vmem_shared>>
    tpu.wait_indirect_dma semaphore(%arg19 : memref<!tpu.dma_semaphore, #tpu.memory_space<semaphore_mem>>) src(%arg8 : memref<128x128xf32, #tpu.memory_space<vmem>>) dst(%dma_wait3A_188 : memref<1024x128xf32, #tpu.memory_space<vmem_shared>>)
    %dma_wait3A_189 = arith.constant 0 : i32
    %dma_wait3A_190 = arith.constant 0 : i32
    %dma_wait3A_191 = tpu.memref_slice %arg14[%dma_wait3A_189, %dma_wait3A_190] : memref<1024x128xf32, #tpu.memory_space<vmem_shared>> -> memref<1024x128xf32, #tpu.memory_space<vmem_shared>>
    tpu.wait_indirect_dma semaphore(%arg21 : memref<!tpu.dma_semaphore, #tpu.memory_space<semaphore_mem>>) src(%arg10 : memref<128x128xf32, #tpu.memory_space<vmem>>) dst(%dma_wait3A_191 : memref<1024x128xf32, #tpu.memory_space<vmem_shared>>)
    %add3A_192 = arith.constant 768 : i32
    %add3A_193 = arith.addi %mul3A_2, %add3A_192 : i32
    %dma_start3A_194 = tpu.memref_slice %arg2[%add3A_193] : memref<32768xi32, #tpu.memory_space<hbm>> -> memref<128xi32, #tpu.memory_space<hbm>>
    %dma_start3A_195 = tpu.memref_slice %arg2[%add3A_193] : memref<32768xi32, #tpu.memory_space<hbm>> -> memref<128xi32, #tpu.memory_space<hbm>>
    tpu.enqueue_dma source(%dma_start3A_195 : memref<128xi32, #tpu.memory_space<hbm>>) target(%arg6 : memref<128xi32, #tpu.memory_space<vmem>>) target_semaphore(%arg15 : memref<!tpu.dma_semaphore, #tpu.memory_space<semaphore_mem>>)
    %dma_start3A_196 = arith.constant 0 : i32
    %dma_start3A_197 = tpu.memref_slice %arg3[%add3A_193, %dma_start3A_196] : memref<32768x128xf32, #tpu.memory_space<hbm>> -> memref<128x128xf32, #tpu.memory_space<hbm>>
    %dma_start3A_198 = arith.constant 0 : i32
    %dma_start3A_199 = tpu.memref_slice %arg3[%add3A_193, %dma_start3A_198] : memref<32768x128xf32, #tpu.memory_space<hbm>> -> memref<128x128xf32, #tpu.memory_space<hbm>>
    tpu.enqueue_dma source(%dma_start3A_199 : memref<128x128xf32, #tpu.memory_space<hbm>>) target(%arg8 : memref<128x128xf32, #tpu.memory_space<vmem>>) target_semaphore(%arg17 : memref<!tpu.dma_semaphore, #tpu.memory_space<semaphore_mem>>)
    %scan3A_200 = arith.constant 0 : i32
    %scan3A_201 = arith.constant 0 : i32
    %scan3A_202 = arith.constant 128 : i32
    %scan3A_203 = arith.addi %scan3A_201, %scan3A_202 : i32
    %scan3A_204 = arith.constant 1 : i32
    %scan3A_205 = scf.for %scan3A_275 = %scan3A_201 to %scan3A_203 step %scan3A_204 iter_args(%scan3A_276 = %scan3A_200) -> (i32)  : i32 {
      %get3A = arith.index_cast %scan3A_275 : i32 to index
      %get3A_277 = arith.constant 0 : index
      %get3A_278 = tpu.vector_load %arg9[%get3A, %get3A_277] {strides = array<i32>} : memref<128x128xf32, #tpu.memory_space<vmem>>, vector<1x16xf32>,
      %get3A_279 = vector.shape_cast %get3A_278 : vector<1x16xf32> to vector<16xf32>
      %mul3A_280 = arith.mulf %get3A_279, %get3A_279 : vector<16xf32>
      %swap3A = arith.index_cast %scan3A_275 : i32 to index
      %swap3A_281 = arith.constant 0 : index
      %swap3A_282 = tpu.vector_load %arg11[%swap3A, %swap3A_281] {strides = array<i32>} : memref<128x128xf32, #tpu.memory_space<vmem>>, vector<1x16xf32>,
      %swap3A_283 = vector.shape_cast %swap3A_282 : vector<1x16xf32> to vector<16xf32>
      %swap3A_284 = vector.shape_cast %mul3A_280 : vector<16xf32> to vector<1x16xf32>
      tpu.vector_store %arg11[%swap3A, %swap3A_281], %swap3A_284 {strides = array<i32>} : memref<128x128xf32, #tpu.memory_space<vmem>>, vector<1x16xf32>,
      %get3A_285 = arith.index_cast %scan3A_275 : i32 to index
      %get3A_286 = arith.constant 16 : index
      %get3A_287 = tpu.vector_load %arg9[%get3A_285, %get3A_286] {strides = array<i32>} : memref<128x128xf32, #tpu.memory_space<vmem>>, vector<1x16xf32>,
      %get3A_288 = vector.shape_cast %get3A_287 : vector<1x16xf32> to vector<16xf32>
      %mul3A_289 = arith.mulf %get3A_288, %get3A_288 : vector<16xf32>
      %swap3A_290 = arith.index_cast %scan3A_275 : i32 to index
      %swap3A_291 = arith.constant 16 : index
      %swap3A_292 = tpu.vector_load %arg11[%swap3A_290, %swap3A_291] {strides = array<i32>} : memref<128x128xf32, #tpu.memory_space<vmem>>, vector<1x16xf32>,
      %swap3A_293 = vector.shape_cast %swap3A_292 : vector<1x16xf32> to vector<16xf32>
      %swap3A_294 = vector.shape_cast %mul3A_289 : vector<16xf32> to vector<1x16xf32>
      tpu.vector_store %arg11[%swap3A_290, %swap3A_291], %swap3A_294 {strides = array<i32>} : memref<128x128xf32, #tpu.memory_space<vmem>>, vector<1x16xf32>,
      %get3A_295 = arith.index_cast %scan3A_275 : i32 to index
      %get3A_296 = arith.constant 32 : index
      %get3A_297 = tpu.vector_load %arg9[%get3A_295, %get3A_296] {strides = array<i32>} : memref<128x128xf32, #tpu.memory_space<vmem>>, vector<1x16xf32>,
      %get3A_298 = vector.shape_cast %get3A_297 : vector<1x16xf32> to vector<16xf32>
      %mul3A_299 = arith.mulf %get3A_298, %get3A_298 : vector<16xf32>
      %swap3A_300 = arith.index_cast %scan3A_275 : i32 to index
      %swap3A_301 = arith.constant 32 : index
      %swap3A_302 = tpu.vector_load %arg11[%swap3A_300, %swap3A_301] {strides = array<i32>} : memref<128x128xf32, #tpu.memory_space<vmem>>, vector<1x16xf32>,
      %swap3A_303 = vector.shape_cast %swap3A_302 : vector<1x16xf32> to vector<16xf32>
      %swap3A_304 = vector.shape_cast %mul3A_299 : vector<16xf32> to vector<1x16xf32>
      tpu.vector_store %arg11[%swap3A_300, %swap3A_301], %swap3A_304 {strides = array<i32>} : memref<128x128xf32, #tpu.memory_space<vmem>>, vector<1x16xf32>,
      %get3A_305 = arith.index_cast %scan3A_275 : i32 to index
      %get3A_306 = arith.constant 48 : index
      %get3A_307 = tpu.vector_load %arg9[%get3A_305, %get3A_306] {strides = array<i32>} : memref<128x128xf32, #tpu.memory_space<vmem>>, vector<1x16xf32>,
      %get3A_308 = vector.shape_cast %get3A_307 : vector<1x16xf32> to vector<16xf32>
      %mul3A_309 = arith.mulf %get3A_308, %get3A_308 : vector<16xf32>
      %swap3A_310 = arith.index_cast %scan3A_275 : i32 to index
      %swap3A_311 = arith.constant 48 : index
      %swap3A_312 = tpu.vector_load %arg11[%swap3A_310, %swap3A_311] {strides = array<i32>} : memref<128x128xf32, #tpu.memory_space<vmem>>, vector<1x16xf32>,
      %swap3A_313 = vector.shape_cast %swap3A_312 : vector<1x16xf32> to vector<16xf32>
      %swap3A_314 = vector.shape_cast %mul3A_309 : vector<16xf32> to vector<1x16xf32>
      tpu.vector_store %arg11[%swap3A_310, %swap3A_311], %swap3A_314 {strides = array<i32>} : memref<128x128xf32, #tpu.memory_space<vmem>>, vector<1x16xf32>,
      %get3A_315 = arith.index_cast %scan3A_275 : i32 to index
      %get3A_316 = arith.constant 64 : index
      %get3A_317 = tpu.vector_load %arg9[%get3A_315, %get3A_316] {strides = array<i32>} : memref<128x128xf32, #tpu.memory_space<vmem>>, vector<1x16xf32>,
      %get3A_318 = vector.shape_cast %get3A_317 : vector<1x16xf32> to vector<16xf32>
      %mul3A_319 = arith.mulf %get3A_318, %get3A_318 : vector<16xf32>
      %swap3A_320 = arith.index_cast %scan3A_275 : i32 to index
      %swap3A_321 = arith.constant 64 : index
      %swap3A_322 = tpu.vector_load %arg11[%swap3A_320, %swap3A_321] {strides = array<i32>} : memref<128x128xf32, #tpu.memory_space<vmem>>, vector<1x16xf32>,
      %swap3A_323 = vector.shape_cast %swap3A_322 : vector<1x16xf32> to vector<16xf32>
      %swap3A_324 = vector.shape_cast %mul3A_319 : vector<16xf32> to vector<1x16xf32>
      tpu.vector_store %arg11[%swap3A_320, %swap3A_321], %swap3A_324 {strides = array<i32>} : memref<128x128xf32, #tpu.memory_space<vmem>>, vector<1x16xf32>,
      %get3A_325 = arith.index_cast %scan3A_275 : i32 to index
      %get3A_326 = arith.constant 80 : index
      %get3A_327 = tpu.vector_load %arg9[%get3A_325, %get3A_326] {strides = array<i32>} : memref<128x128xf32, #tpu.memory_space<vmem>>, vector<1x16xf32>,
      %get3A_328 = vector.shape_cast %get3A_327 : vector<1x16xf32> to vector<16xf32>
      %mul3A_329 = arith.mulf %get3A_328, %get3A_328 : vector<16xf32>
      %swap3A_330 = arith.index_cast %scan3A_275 : i32 to index
      %swap3A_331 = arith.constant 80 : index
      %swap3A_332 = tpu.vector_load %arg11[%swap3A_330, %swap3A_331] {strides = array<i32>} : memref<128x128xf32, #tpu.memory_space<vmem>>, vector<1x16xf32>,
      %swap3A_333 = vector.shape_cast %swap3A_332 : vector<1x16xf32> to vector<16xf32>
      %swap3A_334 = vector.shape_cast %mul3A_329 : vector<16xf32> to vector<1x16xf32>
      tpu.vector_store %arg11[%swap3A_330, %swap3A_331], %swap3A_334 {strides = array<i32>} : memref<128x128xf32, #tpu.memory_space<vmem>>, vector<1x16xf32>,
      %get3A_335 = arith.index_cast %scan3A_275 : i32 to index
      %get3A_336 = arith.constant 96 : index
      %get3A_337 = tpu.vector_load %arg9[%get3A_335, %get3A_336] {strides = array<i32>} : memref<128x128xf32, #tpu.memory_space<vmem>>, vector<1x16xf32>,
      %get3A_338 = vector.shape_cast %get3A_337 : vector<1x16xf32> to vector<16xf32>
      %mul3A_339 = arith.mulf %get3A_338, %get3A_338 : vector<16xf32>
      %swap3A_340 = arith.index_cast %scan3A_275 : i32 to index
      %swap3A_341 = arith.constant 96 : index
      %swap3A_342 = tpu.vector_load %arg11[%swap3A_340, %swap3A_341] {strides = array<i32>} : memref<128x128xf32, #tpu.memory_space<vmem>>, vector<1x16xf32>,
      %swap3A_343 = vector.shape_cast %swap3A_342 : vector<1x16xf32> to vector<16xf32>
      %swap3A_344 = vector.shape_cast %mul3A_339 : vector<16xf32> to vector<1x16xf32>
      tpu.vector_store %arg11[%swap3A_340, %swap3A_341], %swap3A_344 {strides = array<i32>} : memref<128x128xf32, #tpu.memory_space<vmem>>, vector<1x16xf32>,
      %get3A_345 = arith.index_cast %scan3A_275 : i32 to index
      %get3A_346 = arith.constant 112 : index
      %get3A_347 = tpu.vector_load %arg9[%get3A_345, %get3A_346] {strides = array<i32>} : memref<128x128xf32, #tpu.memory_space<vmem>>, vector<1x16xf32>,
      %get3A_348 = vector.shape_cast %get3A_347 : vector<1x16xf32> to vector<16xf32>
      %mul3A_349 = arith.mulf %get3A_348, %get3A_348 : vector<16xf32>
      %swap3A_350 = arith.index_cast %scan3A_275 : i32 to index
      %swap3A_351 = arith.constant 112 : index
      %swap3A_352 = tpu.vector_load %arg11[%swap3A_350, %swap3A_351] {strides = array<i32>} : memref<128x128xf32, #tpu.memory_space<vmem>>, vector<1x16xf32>,
      %swap3A_353 = vector.shape_cast %swap3A_352 : vector<1x16xf32> to vector<16xf32>
      %swap3A_354 = vector.shape_cast %mul3A_349 : vector<16xf32> to vector<1x16xf32>
      tpu.vector_store %arg11[%swap3A_350, %swap3A_351], %swap3A_354 {strides = array<i32>} : memref<128x128xf32, #tpu.memory_space<vmem>>, vector<1x16xf32>,
      %scan3A_355 = arith.constant 0 : i32
      scf.yield %scan3A_355 : i32
    }
    %scan3A_206 = arith.constant 128 : i32
    %dma_start3A_207 = arith.constant 0 : i32
    %dma_start3A_208 = arith.constant 0 : i32
    %dma_start3A_209 = tpu.memref_slice %arg14[%dma_start3A_207, %dma_start3A_208] : memref<1024x128xf32, #tpu.memory_space<vmem_shared>> -> memref<1024x128xf32, #tpu.memory_space<vmem_shared>>
    tpu.enqueue_indirect_dma source(%arg11 : memref<128x128xf32, #tpu.memory_space<vmem>>) target(%dma_start3A_209 : memref<1024x128xf32, #tpu.memory_space<vmem_shared>>) offsets(%arg7 : memref<128xi32, #tpu.memory_space<vmem>>) semaphore(%arg22 : memref<!tpu.dma_semaphore, #tpu.memory_space<semaphore_mem>>) {add = true}
    %dma_wait3A_210 = tpu.memref_slice %arg2[%add3A_193] : memref<32768xi32, #tpu.memory_space<hbm>> -> memref<128xi32, #tpu.memory_space<hbm>>
    %dma_wait3A_211 = tpu.memref_slice %arg2[%add3A_193] : memref<32768xi32, #tpu.memory_space<hbm>> -> memref<128xi32, #tpu.memory_space<hbm>>
    tpu.wait_dma2 semaphore(%arg15 : memref<!tpu.dma_semaphore, #tpu.memory_space<semaphore_mem>>) src(%dma_wait3A_211 : memref<128xi32, #tpu.memory_space<hbm>>) dst(%arg6 : memref<128xi32, #tpu.memory_space<vmem>>)
    %dma_wait3A_212 = arith.constant 0 : i32
    %dma_wait3A_213 = tpu.memref_slice %arg3[%add3A_193, %dma_wait3A_212] : memref<32768x128xf32, #tpu.memory_space<hbm>> -> memref<128x128xf32, #tpu.memory_space<hbm>>
    %dma_wait3A_214 = arith.constant 0 : i32
    %dma_wait3A_215 = tpu.memref_slice %arg3[%add3A_193, %dma_wait3A_214] : memref<32768x128xf32, #tpu.memory_space<hbm>> -> memref<128x128xf32, #tpu.memory_space<hbm>>
    tpu.wait_dma2 semaphore(%arg17 : memref<!tpu.dma_semaphore, #tpu.memory_space<semaphore_mem>>) src(%dma_wait3A_215 : memref<128x128xf32, #tpu.memory_space<hbm>>) dst(%arg8 : memref<128x128xf32, #tpu.memory_space<vmem>>)
    %dma_start3A_216 = arith.constant 0 : i32
    %dma_start3A_217 = arith.constant 0 : i32
    %dma_start3A_218 = tpu.memref_slice %arg13[%dma_start3A_216, %dma_start3A_217] : memref<1024x128xf32, #tpu.memory_space<vmem_shared>> -> memref<1024x128xf32, #tpu.memory_space<vmem_shared>>
    tpu.enqueue_indirect_dma source(%arg8 : memref<128x128xf32, #tpu.memory_space<vmem>>) target(%dma_start3A_218 : memref<1024x128xf32, #tpu.memory_space<vmem_shared>>) offsets(%arg6 : memref<128xi32, #tpu.memory_space<vmem>>) semaphore(%arg19 : memref<!tpu.dma_semaphore, #tpu.memory_space<semaphore_mem>>) {add = true}
    %dma_wait3A_219 = arith.constant 0 : i32
    %dma_wait3A_220 = arith.constant 0 : i32
    %dma_wait3A_221 = tpu.memref_slice %arg13[%dma_wait3A_219, %dma_wait3A_220] : memref<1024x128xf32, #tpu.memory_space<vmem_shared>> -> memref<1024x128xf32, #tpu.memory_space<vmem_shared>>
    tpu.wait_indirect_dma semaphore(%arg20 : memref<!tpu.dma_semaphore, #tpu.memory_space<semaphore_mem>>) src(%arg9 : memref<128x128xf32, #tpu.memory_space<vmem>>) dst(%dma_wait3A_221 : memref<1024x128xf32, #tpu.memory_space<vmem_shared>>)
    %dma_wait3A_222 = arith.constant 0 : i32
    %dma_wait3A_223 = arith.constant 0 : i32
    %dma_wait3A_224 = tpu.memref_slice %arg14[%dma_wait3A_222, %dma_wait3A_223] : memref<1024x128xf32, #tpu.memory_space<vmem_shared>> -> memref<1024x128xf32, #tpu.memory_space<vmem_shared>>
    tpu.wait_indirect_dma semaphore(%arg22 : memref<!tpu.dma_semaphore, #tpu.memory_space<semaphore_mem>>) src(%arg11 : memref<128x128xf32, #tpu.memory_space<vmem>>) dst(%dma_wait3A_224 : memref<1024x128xf32, #tpu.memory_space<vmem_shared>>)
    %add3A_225 = arith.constant 896 : i32
    %add3A_226 = arith.addi %mul3A_2, %add3A_225 : i32
    %dma_start3A_227 = tpu.memref_slice %arg2[%add3A_226] : memref<32768xi32, #tpu.memory_space<hbm>> -> memref<128xi32, #tpu.memory_space<hbm>>
    %dma_start3A_228 = tpu.memref_slice %arg2[%add3A_226] : memref<32768xi32, #tpu.memory_space<hbm>> -> memref<128xi32, #tpu.memory_space<hbm>>
    tpu.enqueue_dma source(%dma_start3A_228 : memref<128xi32, #tpu.memory_space<hbm>>) target(%arg7 : memref<128xi32, #tpu.memory_space<vmem>>) target_semaphore(%arg16 : memref<!tpu.dma_semaphore, #tpu.memory_space<semaphore_mem>>)
    %dma_start3A_229 = arith.constant 0 : i32
    %dma_start3A_230 = tpu.memref_slice %arg3[%add3A_226, %dma_start3A_229] : memref<32768x128xf32, #tpu.memory_space<hbm>> -> memref<128x128xf32, #tpu.memory_space<hbm>>
    %dma_start3A_231 = arith.constant 0 : i32
    %dma_start3A_232 = tpu.memref_slice %arg3[%add3A_226, %dma_start3A_231] : memref<32768x128xf32, #tpu.memory_space<hbm>> -> memref<128x128xf32, #tpu.memory_space<hbm>>
    tpu.enqueue_dma source(%dma_start3A_232 : memref<128x128xf32, #tpu.memory_space<hbm>>) target(%arg9 : memref<128x128xf32, #tpu.memory_space<vmem>>) target_semaphore(%arg18 : memref<!tpu.dma_semaphore, #tpu.memory_space<semaphore_mem>>)
    %scan3A_233 = arith.constant 0 : i32
    %scan3A_234 = arith.constant 0 : i32
    %scan3A_235 = arith.constant 128 : i32
    %scan3A_236 = arith.addi %scan3A_234, %scan3A_235 : i32
    %scan3A_237 = arith.constant 1 : i32
    %scan3A_238 = scf.for %scan3A_275 = %scan3A_234 to %scan3A_236 step %scan3A_237 iter_args(%scan3A_276 = %scan3A_233) -> (i32)  : i32 {
      %get3A = arith.index_cast %scan3A_275 : i32 to index
      %get3A_277 = arith.constant 0 : index
      %get3A_278 = tpu.vector_load %arg8[%get3A, %get3A_277] {strides = array<i32>} : memref<128x128xf32, #tpu.memory_space<vmem>>, vector<1x16xf32>,
      %get3A_279 = vector.shape_cast %get3A_278 : vector<1x16xf32> to vector<16xf32>
      %mul3A_280 = arith.mulf %get3A_279, %get3A_279 : vector<16xf32>
      %swap3A = arith.index_cast %scan3A_275 : i32 to index
      %swap3A_281 = arith.constant 0 : index
      %swap3A_282 = tpu.vector_load %arg10[%swap3A, %swap3A_281] {strides = array<i32>} : memref<128x128xf32, #tpu.memory_space<vmem>>, vector<1x16xf32>,
      %swap3A_283 = vector.shape_cast %swap3A_282 : vector<1x16xf32> to vector<16xf32>
      %swap3A_284 = vector.shape_cast %mul3A_280 : vector<16xf32> to vector<1x16xf32>
      tpu.vector_store %arg10[%swap3A, %swap3A_281], %swap3A_284 {strides = array<i32>} : memref<128x128xf32, #tpu.memory_space<vmem>>, vector<1x16xf32>,
      %get3A_285 = arith.index_cast %scan3A_275 : i32 to index
      %get3A_286 = arith.constant 16 : index
      %get3A_287 = tpu.vector_load %arg8[%get3A_285, %get3A_286] {strides = array<i32>} : memref<128x128xf32, #tpu.memory_space<vmem>>, vector<1x16xf32>,
      %get3A_288 = vector.shape_cast %get3A_287 : vector<1x16xf32> to vector<16xf32>
      %mul3A_289 = arith.mulf %get3A_288, %get3A_288 : vector<16xf32>
      %swap3A_290 = arith.index_cast %scan3A_275 : i32 to index
      %swap3A_291 = arith.constant 16 : index
      %swap3A_292 = tpu.vector_load %arg10[%swap3A_290, %swap3A_291] {strides = array<i32>} : memref<128x128xf32, #tpu.memory_space<vmem>>, vector<1x16xf32>,
      %swap3A_293 = vector.shape_cast %swap3A_292 : vector<1x16xf32> to vector<16xf32>
      %swap3A_294 = vector.shape_cast %mul3A_289 : vector<16xf32> to vector<1x16xf32>
      tpu.vector_store %arg10[%swap3A_290, %swap3A_291], %swap3A_294 {strides = array<i32>} : memref<128x128xf32, #tpu.memory_space<vmem>>, vector<1x16xf32>,
      %get3A_295 = arith.index_cast %scan3A_275 : i32 to index
      %get3A_296 = arith.constant 32 : index
      %get3A_297 = tpu.vector_load %arg8[%get3A_295, %get3A_296] {strides = array<i32>} : memref<128x128xf32, #tpu.memory_space<vmem>>, vector<1x16xf32>,
      %get3A_298 = vector.shape_cast %get3A_297 : vector<1x16xf32> to vector<16xf32>
      %mul3A_299 = arith.mulf %get3A_298, %get3A_298 : vector<16xf32>
      %swap3A_300 = arith.index_cast %scan3A_275 : i32 to index
      %swap3A_301 = arith.constant 32 : index
      %swap3A_302 = tpu.vector_load %arg10[%swap3A_300, %swap3A_301] {strides = array<i32>} : memref<128x128xf32, #tpu.memory_space<vmem>>, vector<1x16xf32>,
      %swap3A_303 = vector.shape_cast %swap3A_302 : vector<1x16xf32> to vector<16xf32>
      %swap3A_304 = vector.shape_cast %mul3A_299 : vector<16xf32> to vector<1x16xf32>
      tpu.vector_store %arg10[%swap3A_300, %swap3A_301], %swap3A_304 {strides = array<i32>} : memref<128x128xf32, #tpu.memory_space<vmem>>, vector<1x16xf32>,
      %get3A_305 = arith.index_cast %scan3A_275 : i32 to index
      %get3A_306 = arith.constant 48 : index
      %get3A_307 = tpu.vector_load %arg8[%get3A_305, %get3A_306] {strides = array<i32>} : memref<128x128xf32, #tpu.memory_space<vmem>>, vector<1x16xf32>,
      %get3A_308 = vector.shape_cast %get3A_307 : vector<1x16xf32> to vector<16xf32>
      %mul3A_309 = arith.mulf %get3A_308, %get3A_308 : vector<16xf32>
      %swap3A_310 = arith.index_cast %scan3A_275 : i32 to index
      %swap3A_311 = arith.constant 48 : index
      %swap3A_312 = tpu.vector_load %arg10[%swap3A_310, %swap3A_311] {strides = array<i32>} : memref<128x128xf32, #tpu.memory_space<vmem>>, vector<1x16xf32>,
      %swap3A_313 = vector.shape_cast %swap3A_312 : vector<1x16xf32> to vector<16xf32>
      %swap3A_314 = vector.shape_cast %mul3A_309 : vector<16xf32> to vector<1x16xf32>
      tpu.vector_store %arg10[%swap3A_310, %swap3A_311], %swap3A_314 {strides = array<i32>} : memref<128x128xf32, #tpu.memory_space<vmem>>, vector<1x16xf32>,
      %get3A_315 = arith.index_cast %scan3A_275 : i32 to index
      %get3A_316 = arith.constant 64 : index
      %get3A_317 = tpu.vector_load %arg8[%get3A_315, %get3A_316] {strides = array<i32>} : memref<128x128xf32, #tpu.memory_space<vmem>>, vector<1x16xf32>,
      %get3A_318 = vector.shape_cast %get3A_317 : vector<1x16xf32> to vector<16xf32>
      %mul3A_319 = arith.mulf %get3A_318, %get3A_318 : vector<16xf32>
      %swap3A_320 = arith.index_cast %scan3A_275 : i32 to index
      %swap3A_321 = arith.constant 64 : index
      %swap3A_322 = tpu.vector_load %arg10[%swap3A_320, %swap3A_321] {strides = array<i32>} : memref<128x128xf32, #tpu.memory_space<vmem>>, vector<1x16xf32>,
      %swap3A_323 = vector.shape_cast %swap3A_322 : vector<1x16xf32> to vector<16xf32>
      %swap3A_324 = vector.shape_cast %mul3A_319 : vector<16xf32> to vector<1x16xf32>
      tpu.vector_store %arg10[%swap3A_320, %swap3A_321], %swap3A_324 {strides = array<i32>} : memref<128x128xf32, #tpu.memory_space<vmem>>, vector<1x16xf32>,
      %get3A_325 = arith.index_cast %scan3A_275 : i32 to index
      %get3A_326 = arith.constant 80 : index
      %get3A_327 = tpu.vector_load %arg8[%get3A_325, %get3A_326] {strides = array<i32>} : memref<128x128xf32, #tpu.memory_space<vmem>>, vector<1x16xf32>,
      %get3A_328 = vector.shape_cast %get3A_327 : vector<1x16xf32> to vector<16xf32>
      %mul3A_329 = arith.mulf %get3A_328, %get3A_328 : vector<16xf32>
      %swap3A_330 = arith.index_cast %scan3A_275 : i32 to index
      %swap3A_331 = arith.constant 80 : index
      %swap3A_332 = tpu.vector_load %arg10[%swap3A_330, %swap3A_331] {strides = array<i32>} : memref<128x128xf32, #tpu.memory_space<vmem>>, vector<1x16xf32>,
      %swap3A_333 = vector.shape_cast %swap3A_332 : vector<1x16xf32> to vector<16xf32>
      %swap3A_334 = vector.shape_cast %mul3A_329 : vector<16xf32> to vector<1x16xf32>
      tpu.vector_store %arg10[%swap3A_330, %swap3A_331], %swap3A_334 {strides = array<i32>} : memref<128x128xf32, #tpu.memory_space<vmem>>, vector<1x16xf32>,
      %get3A_335 = arith.index_cast %scan3A_275 : i32 to index
      %get3A_336 = arith.constant 96 : index
      %get3A_337 = tpu.vector_load %arg8[%get3A_335, %get3A_336] {strides = array<i32>} : memref<128x128xf32, #tpu.memory_space<vmem>>, vector<1x16xf32>,
      %get3A_338 = vector.shape_cast %get3A_337 : vector<1x16xf32> to vector<16xf32>
      %mul3A_339 = arith.mulf %get3A_338, %get3A_338 : vector<16xf32>
      %swap3A_340 = arith.index_cast %scan3A_275 : i32 to index
      %swap3A_341 = arith.constant 96 : index
      %swap3A_342 = tpu.vector_load %arg10[%swap3A_340, %swap3A_341] {strides = array<i32>} : memref<128x128xf32, #tpu.memory_space<vmem>>, vector<1x16xf32>,
      %swap3A_343 = vector.shape_cast %swap3A_342 : vector<1x16xf32> to vector<16xf32>
      %swap3A_344 = vector.shape_cast %mul3A_339 : vector<16xf32> to vector<1x16xf32>
      tpu.vector_store %arg10[%swap3A_340, %swap3A_341], %swap3A_344 {strides = array<i32>} : memref<128x128xf32, #tpu.memory_space<vmem>>, vector<1x16xf32>,
      %get3A_345 = arith.index_cast %scan3A_275 : i32 to index
      %get3A_346 = arith.constant 112 : index
      %get3A_347 = tpu.vector_load %arg8[%get3A_345, %get3A_346] {strides = array<i32>} : memref<128x128xf32, #tpu.memory_space<vmem>>, vector<1x16xf32>,
      %get3A_348 = vector.shape_cast %get3A_347 : vector<1x16xf32> to vector<16xf32>
      %mul3A_349 = arith.mulf %get3A_348, %get3A_348 : vector<16xf32>
      %swap3A_350 = arith.index_cast %scan3A_275 : i32 to index
      %swap3A_351 = arith.constant 112 : index
      %swap3A_352 = tpu.vector_load %arg10[%swap3A_350, %swap3A_351] {strides = array<i32>} : memref<128x128xf32, #tpu.memory_space<vmem>>, vector<1x16xf32>,
      %swap3A_353 = vector.shape_cast %swap3A_352 : vector<1x16xf32> to vector<16xf32>
      %swap3A_354 = vector.shape_cast %mul3A_349 : vector<16xf32> to vector<1x16xf32>
      tpu.vector_store %arg10[%swap3A_350, %swap3A_351], %swap3A_354 {strides = array<i32>} : memref<128x128xf32, #tpu.memory_space<vmem>>, vector<1x16xf32>,
      %scan3A_355 = arith.constant 0 : i32
      scf.yield %scan3A_355 : i32
    }
    %scan3A_239 = arith.constant 128 : i32
    %dma_start3A_240 = arith.constant 0 : i32
    %dma_start3A_241 = arith.constant 0 : i32
    %dma_start3A_242 = tpu.memref_slice %arg14[%dma_start3A_240, %dma_start3A_241] : memref<1024x128xf32, #tpu.memory_space<vmem_shared>> -> memref<1024x128xf32, #tpu.memory_space<vmem_shared>>
    tpu.enqueue_indirect_dma source(%arg10 : memref<128x128xf32, #tpu.memory_space<vmem>>) target(%dma_start3A_242 : memref<1024x128xf32, #tpu.memory_space<vmem_shared>>) offsets(%arg6 : memref<128xi32, #tpu.memory_space<vmem>>) semaphore(%arg21 : memref<!tpu.dma_semaphore, #tpu.memory_space<semaphore_mem>>) {add = true}
    %dma_wait3A_243 = tpu.memref_slice %arg2[%add3A_226] : memref<32768xi32, #tpu.memory_space<hbm>> -> memref<128xi32, #tpu.memory_space<hbm>>
    %dma_wait3A_244 = tpu.memref_slice %arg2[%add3A_226] : memref<32768xi32, #tpu.memory_space<hbm>> -> memref<128xi32, #tpu.memory_space<hbm>>
    tpu.wait_dma2 semaphore(%arg16 : memref<!tpu.dma_semaphore, #tpu.memory_space<semaphore_mem>>) src(%dma_wait3A_244 : memref<128xi32, #tpu.memory_space<hbm>>) dst(%arg7 : memref<128xi32, #tpu.memory_space<vmem>>)
    %dma_wait3A_245 = arith.constant 0 : i32
    %dma_wait3A_246 = tpu.memref_slice %arg3[%add3A_226, %dma_wait3A_245] : memref<32768x128xf32, #tpu.memory_space<hbm>> -> memref<128x128xf32, #tpu.memory_space<hbm>>
    %dma_wait3A_247 = arith.constant 0 : i32
    %dma_wait3A_248 = tpu.memref_slice %arg3[%add3A_226, %dma_wait3A_247] : memref<32768x128xf32, #tpu.memory_space<hbm>> -> memref<128x128xf32, #tpu.memory_space<hbm>>
    tpu.wait_dma2 semaphore(%arg18 : memref<!tpu.dma_semaphore, #tpu.memory_space<semaphore_mem>>) src(%dma_wait3A_248 : memref<128x128xf32, #tpu.memory_space<hbm>>) dst(%arg9 : memref<128x128xf32, #tpu.memory_space<vmem>>)
    %dma_start3A_249 = arith.constant 0 : i32
    %dma_start3A_250 = arith.constant 0 : i32
    %dma_start3A_251 = tpu.memref_slice %arg13[%dma_start3A_249, %dma_start3A_250] : memref<1024x128xf32, #tpu.memory_space<vmem_shared>> -> memref<1024x128xf32, #tpu.memory_space<vmem_shared>>
    tpu.enqueue_indirect_dma source(%arg9 : memref<128x128xf32, #tpu.memory_space<vmem>>) target(%dma_start3A_251 : memref<1024x128xf32, #tpu.memory_space<vmem_shared>>) offsets(%arg7 : memref<128xi32, #tpu.memory_space<vmem>>) semaphore(%arg20 : memref<!tpu.dma_semaphore, #tpu.memory_space<semaphore_mem>>) {add = true}
    %scan3A_252 = arith.constant 0 : i32
    %scan3A_253 = arith.constant 0 : i32
    %scan3A_254 = arith.constant 128 : i32
    %scan3A_255 = arith.addi %scan3A_253, %scan3A_254 : i32
    %scan3A_256 = arith.constant 1 : i32
    %scan3A_257 = scf.for %scan3A_275 = %scan3A_253 to %scan3A_255 step %scan3A_256 iter_args(%scan3A_276 = %scan3A_252) -> (i32)  : i32 {
      %get3A = arith.index_cast %scan3A_275 : i32 to index
      %get3A_277 = arith.constant 0 : index
      %get3A_278 = tpu.vector_load %arg9[%get3A, %get3A_277] {strides = array<i32>} : memref<128x128xf32, #tpu.memory_space<vmem>>, vector<1x16xf32>,
      %get3A_279 = vector.shape_cast %get3A_278 : vector<1x16xf32> to vector<16xf32>
      %mul3A_280 = arith.mulf %get3A_279, %get3A_279 : vector<16xf32>
      %swap3A = arith.index_cast %scan3A_275 : i32 to index
      %swap3A_281 = arith.constant 0 : index
      %swap3A_282 = tpu.vector_load %arg11[%swap3A, %swap3A_281] {strides = array<i32>} : memref<128x128xf32, #tpu.memory_space<vmem>>, vector<1x16xf32>,
      %swap3A_283 = vector.shape_cast %swap3A_282 : vector<1x16xf32> to vector<16xf32>
      %swap3A_284 = vector.shape_cast %mul3A_280 : vector<16xf32> to vector<1x16xf32>
      tpu.vector_store %arg11[%swap3A, %swap3A_281], %swap3A_284 {strides = array<i32>} : memref<128x128xf32, #tpu.memory_space<vmem>>, vector<1x16xf32>,
      %get3A_285 = arith.index_cast %scan3A_275 : i32 to index
      %get3A_286 = arith.constant 16 : index
      %get3A_287 = tpu.vector_load %arg9[%get3A_285, %get3A_286] {strides = array<i32>} : memref<128x128xf32, #tpu.memory_space<vmem>>, vector<1x16xf32>,
      %get3A_288 = vector.shape_cast %get3A_287 : vector<1x16xf32> to vector<16xf32>
      %mul3A_289 = arith.mulf %get3A_288, %get3A_288 : vector<16xf32>
      %swap3A_290 = arith.index_cast %scan3A_275 : i32 to index
      %swap3A_291 = arith.constant 16 : index
      %swap3A_292 = tpu.vector_load %arg11[%swap3A_290, %swap3A_291] {strides = array<i32>} : memref<128x128xf32, #tpu.memory_space<vmem>>, vector<1x16xf32>,
      %swap3A_293 = vector.shape_cast %swap3A_292 : vector<1x16xf32> to vector<16xf32>
      %swap3A_294 = vector.shape_cast %mul3A_289 : vector<16xf32> to vector<1x16xf32>
      tpu.vector_store %arg11[%swap3A_290, %swap3A_291], %swap3A_294 {strides = array<i32>} : memref<128x128xf32, #tpu.memory_space<vmem>>, vector<1x16xf32>,
      %get3A_295 = arith.index_cast %scan3A_275 : i32 to index
      %get3A_296 = arith.constant 32 : index
      %get3A_297 = tpu.vector_load %arg9[%get3A_295, %get3A_296] {strides = array<i32>} : memref<128x128xf32, #tpu.memory_space<vmem>>, vector<1x16xf32>,
      %get3A_298 = vector.shape_cast %get3A_297 : vector<1x16xf32> to vector<16xf32>
      %mul3A_299 = arith.mulf %get3A_298, %get3A_298 : vector<16xf32>
      %swap3A_300 = arith.index_cast %scan3A_275 : i32 to index
      %swap3A_301 = arith.constant 32 : index
      %swap3A_302 = tpu.vector_load %arg11[%swap3A_300, %swap3A_301] {strides = array<i32>} : memref<128x128xf32, #tpu.memory_space<vmem>>, vector<1x16xf32>,
      %swap3A_303 = vector.shape_cast %swap3A_302 : vector<1x16xf32> to vector<16xf32>
      %swap3A_304 = vector.shape_cast %mul3A_299 : vector<16xf32> to vector<1x16xf32>
      tpu.vector_store %arg11[%swap3A_300, %swap3A_301], %swap3A_304 {strides = array<i32>} : memref<128x128xf32, #tpu.memory_space<vmem>>, vector<1x16xf32>,
      %get3A_305 = arith.index_cast %scan3A_275 : i32 to index
      %get3A_306 = arith.constant 48 : index
      %get3A_307 = tpu.vector_load %arg9[%get3A_305, %get3A_306] {strides = array<i32>} : memref<128x128xf32, #tpu.memory_space<vmem>>, vector<1x16xf32>,
      %get3A_308 = vector.shape_cast %get3A_307 : vector<1x16xf32> to vector<16xf32>
      %mul3A_309 = arith.mulf %get3A_308, %get3A_308 : vector<16xf32>
      %swap3A_310 = arith.index_cast %scan3A_275 : i32 to index
      %swap3A_311 = arith.constant 48 : index
      %swap3A_312 = tpu.vector_load %arg11[%swap3A_310, %swap3A_311] {strides = array<i32>} : memref<128x128xf32, #tpu.memory_space<vmem>>, vector<1x16xf32>,
      %swap3A_313 = vector.shape_cast %swap3A_312 : vector<1x16xf32> to vector<16xf32>
      %swap3A_314 = vector.shape_cast %mul3A_309 : vector<16xf32> to vector<1x16xf32>
      tpu.vector_store %arg11[%swap3A_310, %swap3A_311], %swap3A_314 {strides = array<i32>} : memref<128x128xf32, #tpu.memory_space<vmem>>, vector<1x16xf32>,
      %get3A_315 = arith.index_cast %scan3A_275 : i32 to index
      %get3A_316 = arith.constant 64 : index
      %get3A_317 = tpu.vector_load %arg9[%get3A_315, %get3A_316] {strides = array<i32>} : memref<128x128xf32, #tpu.memory_space<vmem>>, vector<1x16xf32>,
      %get3A_318 = vector.shape_cast %get3A_317 : vector<1x16xf32> to vector<16xf32>
      %mul3A_319 = arith.mulf %get3A_318, %get3A_318 : vector<16xf32>
      %swap3A_320 = arith.index_cast %scan3A_275 : i32 to index
      %swap3A_321 = arith.constant 64 : index
      %swap3A_322 = tpu.vector_load %arg11[%swap3A_320, %swap3A_321] {strides = array<i32>} : memref<128x128xf32, #tpu.memory_space<vmem>>, vector<1x16xf32>,
      %swap3A_323 = vector.shape_cast %swap3A_322 : vector<1x16xf32> to vector<16xf32>
      %swap3A_324 = vector.shape_cast %mul3A_319 : vector<16xf32> to vector<1x16xf32>
      tpu.vector_store %arg11[%swap3A_320, %swap3A_321], %swap3A_324 {strides = array<i32>} : memref<128x128xf32, #tpu.memory_space<vmem>>, vector<1x16xf32>,
      %get3A_325 = arith.index_cast %scan3A_275 : i32 to index
      %get3A_326 = arith.constant 80 : index
      %get3A_327 = tpu.vector_load %arg9[%get3A_325, %get3A_326] {strides = array<i32>} : memref<128x128xf32, #tpu.memory_space<vmem>>, vector<1x16xf32>,
      %get3A_328 = vector.shape_cast %get3A_327 : vector<1x16xf32> to vector<16xf32>
      %mul3A_329 = arith.mulf %get3A_328, %get3A_328 : vector<16xf32>
      %swap3A_330 = arith.index_cast %scan3A_275 : i32 to index
      %swap3A_331 = arith.constant 80 : index
      %swap3A_332 = tpu.vector_load %arg11[%swap3A_330, %swap3A_331] {strides = array<i32>} : memref<128x128xf32, #tpu.memory_space<vmem>>, vector<1x16xf32>,
      %swap3A_333 = vector.shape_cast %swap3A_332 : vector<1x16xf32> to vector<16xf32>
      %swap3A_334 = vector.shape_cast %mul3A_329 : vector<16xf32> to vector<1x16xf32>
      tpu.vector_store %arg11[%swap3A_330, %swap3A_331], %swap3A_334 {strides = array<i32>} : memref<128x128xf32, #tpu.memory_space<vmem>>, vector<1x16xf32>,
      %get3A_335 = arith.index_cast %scan3A_275 : i32 to index
      %get3A_336 = arith.constant 96 : index
      %get3A_337 = tpu.vector_load %arg9[%get3A_335, %get3A_336] {strides = array<i32>} : memref<128x128xf32, #tpu.memory_space<vmem>>, vector<1x16xf32>,
      %get3A_338 = vector.shape_cast %get3A_337 : vector<1x16xf32> to vector<16xf32>
      %mul3A_339 = arith.mulf %get3A_338, %get3A_338 : vector<16xf32>
      %swap3A_340 = arith.index_cast %scan3A_275 : i32 to index
      %swap3A_341 = arith.constant 96 : index
      %swap3A_342 = tpu.vector_load %arg11[%swap3A_340, %swap3A_341] {strides = array<i32>} : memref<128x128xf32, #tpu.memory_space<vmem>>, vector<1x16xf32>,
      %swap3A_343 = vector.shape_cast %swap3A_342 : vector<1x16xf32> to vector<16xf32>
      %swap3A_344 = vector.shape_cast %mul3A_339 : vector<16xf32> to vector<1x16xf32>
      tpu.vector_store %arg11[%swap3A_340, %swap3A_341], %swap3A_344 {strides = array<i32>} : memref<128x128xf32, #tpu.memory_space<vmem>>, vector<1x16xf32>,
      %get3A_345 = arith.index_cast %scan3A_275 : i32 to index
      %get3A_346 = arith.constant 112 : index
      %get3A_347 = tpu.vector_load %arg9[%get3A_345, %get3A_346] {strides = array<i32>} : memref<128x128xf32, #tpu.memory_space<vmem>>, vector<1x16xf32>,
      %get3A_348 = vector.shape_cast %get3A_347 : vector<1x16xf32> to vector<16xf32>
      %mul3A_349 = arith.mulf %get3A_348, %get3A_348 : vector<16xf32>
      %swap3A_350 = arith.index_cast %scan3A_275 : i32 to index
      %swap3A_351 = arith.constant 112 : index
      %swap3A_352 = tpu.vector_load %arg11[%swap3A_350, %swap3A_351] {strides = array<i32>} : memref<128x128xf32, #tpu.memory_space<vmem>>, vector<1x16xf32>,
      %swap3A_353 = vector.shape_cast %swap3A_352 : vector<1x16xf32> to vector<16xf32>
      %swap3A_354 = vector.shape_cast %mul3A_349 : vector<16xf32> to vector<1x16xf32>
      tpu.vector_store %arg11[%swap3A_350, %swap3A_351], %swap3A_354 {strides = array<i32>} : memref<128x128xf32, #tpu.memory_space<vmem>>, vector<1x16xf32>,
      %scan3A_355 = arith.constant 0 : i32
      scf.yield %scan3A_355 : i32
    }
    %scan3A_258 = arith.constant 128 : i32
    %dma_start3A_259 = arith.constant 0 : i32
    %dma_start3A_260 = arith.constant 0 : i32
    %dma_start3A_261 = tpu.memref_slice %arg14[%dma_start3A_259, %dma_start3A_260] : memref<1024x128xf32, #tpu.memory_space<vmem_shared>> -> memref<1024x128xf32, #tpu.memory_space<vmem_shared>>
    tpu.enqueue_indirect_dma source(%arg11 : memref<128x128xf32, #tpu.memory_space<vmem>>) target(%dma_start3A_261 : memref<1024x128xf32, #tpu.memory_space<vmem_shared>>) offsets(%arg7 : memref<128xi32, #tpu.memory_space<vmem>>) semaphore(%arg22 : memref<!tpu.dma_semaphore, #tpu.memory_space<semaphore_mem>>) {add = true}
    %dma_wait3A_262 = arith.constant 0 : i32
    %dma_wait3A_263 = arith.constant 0 : i32
    %dma_wait3A_264 = tpu.memref_slice %arg13[%dma_wait3A_262, %dma_wait3A_263] : memref<1024x128xf32, #tpu.memory_space<vmem_shared>> -> memref<1024x128xf32, #tpu.memory_space<vmem_shared>>
    tpu.wait_indirect_dma semaphore(%arg19 : memref<!tpu.dma_semaphore, #tpu.memory_space<semaphore_mem>>) src(%arg8 : memref<128x128xf32, #tpu.memory_space<vmem>>) dst(%dma_wait3A_264 : memref<1024x128xf32, #tpu.memory_space<vmem_shared>>)
    %dma_wait3A_265 = arith.constant 0 : i32
    %dma_wait3A_266 = arith.constant 0 : i32
    %dma_wait3A_267 = tpu.memref_slice %arg14[%dma_wait3A_265, %dma_wait3A_266] : memref<1024x128xf32, #tpu.memory_space<vmem_shared>> -> memref<1024x128xf32, #tpu.memory_space<vmem_shared>>
    tpu.wait_indirect_dma semaphore(%arg21 : memref<!tpu.dma_semaphore, #tpu.memory_space<semaphore_mem>>) src(%arg10 : memref<128x128xf32, #tpu.memory_space<vmem>>) dst(%dma_wait3A_267 : memref<1024x128xf32, #tpu.memory_space<vmem_shared>>)
    %dma_wait3A_268 = arith.constant 0 : i32
    %dma_wait3A_269 = arith.constant 0 : i32
    %dma_wait3A_270 = tpu.memref_slice %arg13[%dma_wait3A_268, %dma_wait3A_269] : memref<1024x128xf32, #tpu.memory_space<vmem_shared>> -> memref<1024x128xf32, #tpu.memory_space<vmem_shared>>
    tpu.wait_indirect_dma semaphore(%arg20 : memref<!tpu.dma_semaphore, #tpu.memory_space<semaphore_mem>>) src(%arg9 : memref<128x128xf32, #tpu.memory_space<vmem>>) dst(%dma_wait3A_270 : memref<1024x128xf32, #tpu.memory_space<vmem_shared>>)
    %dma_wait3A_271 = arith.constant 0 : i32
    %dma_wait3A_272 = arith.constant 0 : i32
    %dma_wait3A_273 = tpu.memref_slice %arg14[%dma_wait3A_271, %dma_wait3A_272] : memref<1024x128xf32, #tpu.memory_space<vmem_shared>> -> memref<1024x128xf32, #tpu.memory_space<vmem_shared>>
    tpu.wait_indirect_dma semaphore(%arg22 : memref<!tpu.dma_semaphore, #tpu.memory_space<semaphore_mem>>) src(%arg11 : memref<128x128xf32, #tpu.memory_space<vmem>>) dst(%dma_wait3A_273 : memref<1024x128xf32, #tpu.memory_space<vmem_shared>>)
    %barrier3A_274 = arith.constant 0 : index
    tpu.barrier barrier_id(%barrier3A_274)
    "tpu.region"() ({
      %run_scoped3A = tpu.sem_alloc : memref<!tpu.dma_semaphore, #tpu.memory_space<semaphore_mem>>
      %dma_start3A_275 = arith.constant 0 : i32
      %dma_start3A_276 = tpu.memref_slice %arg13[%mul3A_18, %dma_start3A_275] : memref<1024x128xf32, #tpu.memory_space<vmem_shared>> -> memref<64x128xf32, #tpu.memory_space<vmem_shared>>
      %dma_start3A_277 = arith.constant 0 : i32
      %dma_start3A_278 = tpu.memref_slice %arg13[%mul3A_18, %dma_start3A_277] : memref<1024x128xf32, #tpu.memory_space<vmem_shared>> -> memref<64x128xf32, #tpu.memory_space<vmem_shared>>
      tpu.enqueue_dma source(%dma_start3A_278 : memref<64x128xf32, #tpu.memory_space<vmem_shared>>) target(%arg12 : memref<64x128xf32, #tpu.memory_space<vmem>>) target_semaphore(%run_scoped3A : memref<!tpu.dma_semaphore, #tpu.memory_space<semaphore_mem>>)
      %dma_wait3A_279 = arith.constant 0 : i32
      %dma_wait3A_280 = tpu.memref_slice %arg13[%mul3A_18, %dma_wait3A_279] : memref<1024x128xf32, #tpu.memory_space<vmem_shared>> -> memref<64x128xf32, #tpu.memory_space<vmem_shared>>
      %dma_wait3A_281 = arith.constant 0 : i32
      %dma_wait3A_282 = tpu.memref_slice %arg13[%mul3A_18, %dma_wait3A_281] : memref<1024x128xf32, #tpu.memory_space<vmem_shared>> -> memref<64x128xf32, #tpu.memory_space<vmem_shared>>
      tpu.wait_dma2 semaphore(%run_scoped3A : memref<!tpu.dma_semaphore, #tpu.memory_space<semaphore_mem>>) src(%dma_wait3A_282 : memref<64x128xf32, #tpu.memory_space<vmem_shared>>) dst(%arg12 : memref<64x128xf32, #tpu.memory_space<vmem>>)
      tpu.yield
    }) : () -> ()
    "tpu.region"() ({
      %run_scoped3A = tpu.sem_alloc : memref<!tpu.dma_semaphore, #tpu.memory_space<semaphore_mem>>
      %dma_start3A_275 = arith.constant 0 : i32
      %dma_start3A_276 = tpu.memref_slice %arg4[%arg0, %mul3A_18, %dma_start3A_275] : memref<2x1024x128xf32, #tpu.memory_space<hbm>> -> memref<1x64x128xf32, #tpu.memory_space<hbm>>
      %dma_start3A_277 = tpu.memref_squeeze %dma_start3A_276 : memref<1x64x128xf32, #tpu.memory_space<hbm>> -> memref<64x128xf32, #tpu.memory_space<hbm>>
      %dma_start3A_278 = arith.constant 0 : i32
      %dma_start3A_279 = tpu.memref_slice %arg4[%arg0, %mul3A_18, %dma_start3A_278] : memref<2x1024x128xf32, #tpu.memory_space<hbm>> -> memref<1x64x128xf32, #tpu.memory_space<hbm>>
      %dma_start3A_280 = tpu.memref_squeeze %dma_start3A_279 : memref<1x64x128xf32, #tpu.memory_space<hbm>> -> memref<64x128xf32, #tpu.memory_space<hbm>>
      tpu.enqueue_dma source(%arg12 : memref<64x128xf32, #tpu.memory_space<vmem>>) target(%dma_start3A_280 : memref<64x128xf32, #tpu.memory_space<hbm>>) target_semaphore(%run_scoped3A : memref<!tpu.dma_semaphore, #tpu.memory_space<semaphore_mem>>)
      %dma_wait3A_281 = arith.constant 0 : i32
      %dma_wait3A_282 = tpu.memref_slice %arg4[%arg0, %mul3A_18, %dma_wait3A_281] : memref<2x1024x128xf32, #tpu.memory_space<hbm>> -> memref<1x64x128xf32, #tpu.memory_space<hbm>>
      %dma_wait3A_283 = tpu.memref_squeeze %dma_wait3A_282 : memref<1x64x128xf32, #tpu.memory_space<hbm>> -> memref<64x128xf32, #tpu.memory_space<hbm>>
      %dma_wait3A_284 = arith.constant 0 : i32
      %dma_wait3A_285 = tpu.memref_slice %arg4[%arg0, %mul3A_18, %dma_wait3A_284] : memref<2x1024x128xf32, #tpu.memory_space<hbm>> -> memref<1x64x128xf32, #tpu.memory_space<hbm>>
      %dma_wait3A_286 = tpu.memref_squeeze %dma_wait3A_285 : memref<1x64x128xf32, #tpu.memory_space<hbm>> -> memref<64x128xf32, #tpu.memory_space<hbm>>
      tpu.wait_dma2 semaphore(%run_scoped3A : memref<!tpu.dma_semaphore, #tpu.memory_space<semaphore_mem>>) src(%arg12 : memref<64x128xf32, #tpu.memory_space<vmem>>) dst(%dma_wait3A_286 : memref<64x128xf32, #tpu.memory_space<hbm>>)
      tpu.yield
    }) : () -> ()
    "tpu.region"() ({
      %run_scoped3A = tpu.sem_alloc : memref<!tpu.dma_semaphore, #tpu.memory_space<semaphore_mem>>
      %dma_start3A_275 = arith.constant 0 : i32
      %dma_start3A_276 = tpu.memref_slice %arg14[%mul3A_18, %dma_start3A_275] : memref<1024x128xf32, #tpu.memory_space<vmem_shared>> -> memref<64x128xf32, #tpu.memory_space<vmem_shared>>
      %dma_start3A_277 = arith.constant 0 : i32
      %dma_start3A_278 = tpu.memref_slice %arg14[%mul3A_18, %dma_start3A_277] : memref<1024x128xf32, #tpu.memory_space<vmem_shared>> -> memref<64x128xf32, #tpu.memory_space<vmem_shared>>
      tpu.enqueue_dma source(%dma_start3A_278 : memref<64x128xf32, #tpu.memory_space<vmem_shared>>) target(%arg12 : memref<64x128xf32, #tpu.memory_space<vmem>>) target_semaphore(%run_scoped3A : memref<!tpu.dma_semaphore, #tpu.memory_space<semaphore_mem>>)
      %dma_wait3A_279 = arith.constant 0 : i32
      %dma_wait3A_280 = tpu.memref_slice %arg14[%mul3A_18, %dma_wait3A_279] : memref<1024x128xf32, #tpu.memory_space<vmem_shared>> -> memref<64x128xf32, #tpu.memory_space<vmem_shared>>
      %dma_wait3A_281 = arith.constant 0 : i32
      %dma_wait3A_282 = tpu.memref_slice %arg14[%mul3A_18, %dma_wait3A_281] : memref<1024x128xf32, #tpu.memory_space<vmem_shared>> -> memref<64x128xf32, #tpu.memory_space<vmem_shared>>
      tpu.wait_dma2 semaphore(%run_scoped3A : memref<!tpu.dma_semaphore, #tpu.memory_space<semaphore_mem>>) src(%dma_wait3A_282 : memref<64x128xf32, #tpu.memory_space<vmem_shared>>) dst(%arg12 : memref<64x128xf32, #tpu.memory_space<vmem>>)
      tpu.yield
    }) : () -> ()
    "tpu.region"() ({
      %run_scoped3A = tpu.sem_alloc : memref<!tpu.dma_semaphore, #tpu.memory_space<semaphore_mem>>
      %dma_start3A_275 = arith.constant 0 : i32
      %dma_start3A_276 = tpu.memref_slice %arg5[%arg0, %mul3A_18, %dma_start3A_275] : memref<2x1024x128xf32, #tpu.memory_space<hbm>> -> memref<1x64x128xf32, #tpu.memory_space<hbm>>
      %dma_start3A_277 = tpu.memref_squeeze %dma_start3A_276 : memref<1x64x128xf32, #tpu.memory_space<hbm>> -> memref<64x128xf32, #tpu.memory_space<hbm>>
      %dma_start3A_278 = arith.constant 0 : i32
      %dma_start3A_279 = tpu.memref_slice %arg5[%arg0, %mul3A_18, %dma_start3A_278] : memref<2x1024x128xf32, #tpu.memory_space<hbm>> -> memref<1x64x128xf32, #tpu.memory_space<hbm>>
      %dma_start3A_280 = tpu.memref_squeeze %dma_start3A_279 : memref<1x64x128xf32, #tpu.memory_space<hbm>> -> memref<64x128xf32, #tpu.memory_space<hbm>>
      tpu.enqueue_dma source(%arg12 : memref<64x128xf32, #tpu.memory_space<vmem>>) target(%dma_start3A_280 : memref<64x128xf32, #tpu.memory_space<hbm>>) target_semaphore(%run_scoped3A : memref<!tpu.dma_semaphore, #tpu.memory_space<semaphore_mem>>)
      %dma_wait3A_281 = arith.constant 0 : i32
      %dma_wait3A_282 = tpu.memref_slice %arg5[%arg0, %mul3A_18, %dma_wait3A_281] : memref<2x1024x128xf32, #tpu.memory_space<hbm>> -> memref<1x64x128xf32, #tpu.memory_space<hbm>>
      %dma_wait3A_283 = tpu.memref_squeeze %dma_wait3A_282 : memref<1x64x128xf32, #tpu.memory_space<hbm>> -> memref<64x128xf32, #tpu.memory_space<hbm>>
      %dma_wait3A_284 = arith.constant 0 : i32
      %dma_wait3A_285 = tpu.memref_slice %arg5[%arg0, %mul3A_18, %dma_wait3A_284] : memref<2x1024x128xf32, #tpu.memory_space<hbm>> -> memref<1x64x128xf32, #tpu.memory_space<hbm>>
      %dma_wait3A_286 = tpu.memref_squeeze %dma_wait3A_285 : memref<1x64x128xf32, #tpu.memory_space<hbm>> -> memref<64x128xf32, #tpu.memory_space<hbm>>
      tpu.wait_dma2 semaphore(%run_scoped3A : memref<!tpu.dma_semaphore, #tpu.memory_space<semaphore_mem>>) src(%arg12 : memref<64x128xf32, #tpu.memory_space<vmem>>) dst(%dma_wait3A_286 : memref<64x128xf32, #tpu.memory_space<hbm>>)
      tpu.yield
    }) : () -> ()
    return
  }
}

#map = affine_map<(d0, d1) -> (0)>
#map1 = affine_map<(d0, d1) -> (0, 0, 0)>
#map2 = affine_map<(d0, d1) -> (0, 0)>
module attributes {stable_mosaic.version = 14 : i64} {
  func.func @_finalize_gather(%arg0: i32, %arg1: i32, %arg2: memref<32768xi32, #tpu.memory_space<hbm>>, %arg3: memref<2x1024x128xf32, #tpu.memory_space<hbm>>, %arg4: memref<2x1024x128xf32, #tpu.memory_space<hbm>>, %arg5: memref<1024x128xf32, #tpu.memory_space<hbm>>, %arg6: memref<32768x128xf32, #tpu.memory_space<hbm>>, %arg7: memref<32768x128xf32, #tpu.memory_space<hbm>>, %arg8: memref<1024xi32, #tpu.memory_space<vmem>>, %arg9: memref<128x128xf32, #tpu.memory_space<vmem>>, %arg10: memref<128x128xf32, #tpu.memory_space<vmem>>, %arg11: memref<128x128xf32, #tpu.memory_space<vmem>>, %arg12: memref<128x128xf32, #tpu.memory_space<vmem>>, %arg13: memref<64x128xf32, #tpu.memory_space<vmem>>, %arg14: memref<64x128xf32, #tpu.memory_space<vmem>>, %arg15: memref<64x128xf32, #tpu.memory_space<vmem>>, %arg16: memref<64x128xf32, #tpu.memory_space<vmem>>, %arg17: memref<64x128xf32, #tpu.memory_space<vmem>>, %arg18: memref<1024x128xf32, #tpu.memory_space<vmem_shared>>, %arg19: memref<1024x128xf32, #tpu.memory_space<vmem_shared>>, %arg20: memref<!tpu.dma_semaphore, #tpu.memory_space<semaphore_mem>>, %arg21: memref<!tpu.dma_semaphore, #tpu.memory_space<semaphore_mem>>, %arg22: memref<!tpu.dma_semaphore, #tpu.memory_space<semaphore_mem>>, %arg23: memref<!tpu.dma_semaphore, #tpu.memory_space<semaphore_mem>>, %arg24: memref<!tpu.dma_semaphore, #tpu.memory_space<semaphore_mem>>, %arg25: memref<!tpu.dma_semaphore, #tpu.memory_space<semaphore_mem>>, %arg26: memref<!tpu.dma_semaphore, #tpu.memory_space<semaphore_mem>>, %arg27: memref<!tpu.dma_semaphore, #tpu.memory_space<semaphore_mem>>, %arg28: memref<!tpu.dma_semaphore, #tpu.memory_space<semaphore_mem>>, %arg29: memref<!tpu.dma_semaphore, #tpu.memory_space<semaphore_mem>>) attributes {dimension_semantics = [#tpu.dimension_semantics<core_parallel>, #tpu.dimension_semantics<subcore_parallel>], iteration_bounds = array<i64: 2, 16>, scalar_prefetch = 0 : i64, scratch_operands = 22 : i64, tpu.core_type = #tpu.core_type<sc_vector_subcore>, window_params = [{transform_indices = #map}, {transform_indices = #map1}, {transform_indices = #map1}, {transform_indices = #map2}, {transform_indices = #map2}, {transform_indices = #map2}]} {
    %mul3A = arith.constant 16 : i32
    %mul3A_0 = arith.muli %arg0, %mul3A : i32
    %add3A = arith.addi %mul3A_0, %arg1 : i32
    %mul3A_1 = arith.constant 64 : i32
    %mul3A_2 = arith.muli %arg1, %mul3A_1 : i32
    %mul3A_3 = arith.constant 1024 : i32
    %mul3A_4 = arith.muli %add3A, %mul3A_3 : i32
    %dma_start3A = tpu.memref_slice %arg2[%mul3A_4] : memref<32768xi32, #tpu.memory_space<hbm>> -> memref<1024xi32, #tpu.memory_space<hbm>>
    %dma_start3A_5 = tpu.memref_slice %arg2[%mul3A_4] : memref<32768xi32, #tpu.memory_space<hbm>> -> memref<1024xi32, #tpu.memory_space<hbm>>
    tpu.enqueue_dma source(%dma_start3A_5 : memref<1024xi32, #tpu.memory_space<hbm>>) target(%arg8 : memref<1024xi32, #tpu.memory_space<vmem>>) target_semaphore(%arg20 : memref<!tpu.dma_semaphore, #tpu.memory_space<semaphore_mem>>)
    %dma_start3A_6 = arith.constant 0 : i32
    %dma_start3A_7 = arith.constant 0 : i32
    %dma_start3A_8 = tpu.memref_slice %arg3[%dma_start3A_6, %mul3A_2, %dma_start3A_7] : memref<2x1024x128xf32, #tpu.memory_space<hbm>> -> memref<1x64x128xf32, #tpu.memory_space<hbm>>
    %dma_start3A_9 = tpu.memref_squeeze %dma_start3A_8 : memref<1x64x128xf32, #tpu.memory_space<hbm>> -> memref<64x128xf32, #tpu.memory_space<hbm>>
    %dma_start3A_10 = arith.constant 0 : i32
    %dma_start3A_11 = tpu.memref_slice %arg3[%dma_start3A_6, %mul3A_2, %dma_start3A_10] : memref<2x1024x128xf32, #tpu.memory_space<hbm>> -> memref<1x64x128xf32, #tpu.memory_space<hbm>>
    %dma_start3A_12 = tpu.memref_squeeze %dma_start3A_11 : memref<1x64x128xf32, #tpu.memory_space<hbm>> -> memref<64x128xf32, #tpu.memory_space<hbm>>
    tpu.enqueue_dma source(%dma_start3A_12 : memref<64x128xf32, #tpu.memory_space<hbm>>) target(%arg13 : memref<64x128xf32, #tpu.memory_space<vmem>>) target_semaphore(%arg22 : memref<!tpu.dma_semaphore, #tpu.memory_space<semaphore_mem>>)
    %dma_start3A_13 = arith.constant 1 : i32
    %dma_start3A_14 = arith.constant 0 : i32
    %dma_start3A_15 = tpu.memref_slice %arg3[%dma_start3A_13, %mul3A_2, %dma_start3A_14] : memref<2x1024x128xf32, #tpu.memory_space<hbm>> -> memref<1x64x128xf32, #tpu.memory_space<hbm>>
    %dma_start3A_16 = tpu.memref_squeeze %dma_start3A_15 : memref<1x64x128xf32, #tpu.memory_space<hbm>> -> memref<64x128xf32, #tpu.memory_space<hbm>>
    %dma_start3A_17 = arith.constant 0 : i32
    %dma_start3A_18 = tpu.memref_slice %arg3[%dma_start3A_13, %mul3A_2, %dma_start3A_17] : memref<2x1024x128xf32, #tpu.memory_space<hbm>> -> memref<1x64x128xf32, #tpu.memory_space<hbm>>
    %dma_start3A_19 = tpu.memref_squeeze %dma_start3A_18 : memref<1x64x128xf32, #tpu.memory_space<hbm>> -> memref<64x128xf32, #tpu.memory_space<hbm>>
    tpu.enqueue_dma source(%dma_start3A_19 : memref<64x128xf32, #tpu.memory_space<hbm>>) target(%arg14 : memref<64x128xf32, #tpu.memory_space<vmem>>) target_semaphore(%arg23 : memref<!tpu.dma_semaphore, #tpu.memory_space<semaphore_mem>>)
    %dma_start3A_20 = arith.constant 0 : i32
    %dma_start3A_21 = arith.constant 0 : i32
    %dma_start3A_22 = tpu.memref_slice %arg4[%dma_start3A_20, %mul3A_2, %dma_start3A_21] : memref<2x1024x128xf32, #tpu.memory_space<hbm>> -> memref<1x64x128xf32, #tpu.memory_space<hbm>>
    %dma_start3A_23 = tpu.memref_squeeze %dma_start3A_22 : memref<1x64x128xf32, #tpu.memory_space<hbm>> -> memref<64x128xf32, #tpu.memory_space<hbm>>
    %dma_start3A_24 = arith.constant 0 : i32
    %dma_start3A_25 = tpu.memref_slice %arg4[%dma_start3A_20, %mul3A_2, %dma_start3A_24] : memref<2x1024x128xf32, #tpu.memory_space<hbm>> -> memref<1x64x128xf32, #tpu.memory_space<hbm>>
    %dma_start3A_26 = tpu.memref_squeeze %dma_start3A_25 : memref<1x64x128xf32, #tpu.memory_space<hbm>> -> memref<64x128xf32, #tpu.memory_space<hbm>>
    tpu.enqueue_dma source(%dma_start3A_26 : memref<64x128xf32, #tpu.memory_space<hbm>>) target(%arg15 : memref<64x128xf32, #tpu.memory_space<vmem>>) target_semaphore(%arg24 : memref<!tpu.dma_semaphore, #tpu.memory_space<semaphore_mem>>)
    %dma_start3A_27 = arith.constant 1 : i32
    %dma_start3A_28 = arith.constant 0 : i32
    %dma_start3A_29 = tpu.memref_slice %arg4[%dma_start3A_27, %mul3A_2, %dma_start3A_28] : memref<2x1024x128xf32, #tpu.memory_space<hbm>> -> memref<1x64x128xf32, #tpu.memory_space<hbm>>
    %dma_start3A_30 = tpu.memref_squeeze %dma_start3A_29 : memref<1x64x128xf32, #tpu.memory_space<hbm>> -> memref<64x128xf32, #tpu.memory_space<hbm>>
    %dma_start3A_31 = arith.constant 0 : i32
    %dma_start3A_32 = tpu.memref_slice %arg4[%dma_start3A_27, %mul3A_2, %dma_start3A_31] : memref<2x1024x128xf32, #tpu.memory_space<hbm>> -> memref<1x64x128xf32, #tpu.memory_space<hbm>>
    %dma_start3A_33 = tpu.memref_squeeze %dma_start3A_32 : memref<1x64x128xf32, #tpu.memory_space<hbm>> -> memref<64x128xf32, #tpu.memory_space<hbm>>
    tpu.enqueue_dma source(%dma_start3A_33 : memref<64x128xf32, #tpu.memory_space<hbm>>) target(%arg16 : memref<64x128xf32, #tpu.memory_space<vmem>>) target_semaphore(%arg25 : memref<!tpu.dma_semaphore, #tpu.memory_space<semaphore_mem>>)
    %dma_start3A_34 = arith.constant 0 : i32
    %dma_start3A_35 = tpu.memref_slice %arg5[%mul3A_2, %dma_start3A_34] : memref<1024x128xf32, #tpu.memory_space<hbm>> -> memref<64x128xf32, #tpu.memory_space<hbm>>
    %dma_start3A_36 = arith.constant 0 : i32
    %dma_start3A_37 = tpu.memref_slice %arg5[%mul3A_2, %dma_start3A_36] : memref<1024x128xf32, #tpu.memory_space<hbm>> -> memref<64x128xf32, #tpu.memory_space<hbm>>
    tpu.enqueue_dma source(%dma_start3A_37 : memref<64x128xf32, #tpu.memory_space<hbm>>) target(%arg17 : memref<64x128xf32, #tpu.memory_space<vmem>>) target_semaphore(%arg21 : memref<!tpu.dma_semaphore, #tpu.memory_space<semaphore_mem>>)
    %dma_wait3A = arith.constant 0 : i32
    %dma_wait3A_38 = arith.constant 0 : i32
    %dma_wait3A_39 = tpu.memref_slice %arg3[%dma_wait3A, %mul3A_2, %dma_wait3A_38] : memref<2x1024x128xf32, #tpu.memory_space<hbm>> -> memref<1x64x128xf32, #tpu.memory_space<hbm>>
    %dma_wait3A_40 = tpu.memref_squeeze %dma_wait3A_39 : memref<1x64x128xf32, #tpu.memory_space<hbm>> -> memref<64x128xf32, #tpu.memory_space<hbm>>
    %dma_wait3A_41 = arith.constant 0 : i32
    %dma_wait3A_42 = tpu.memref_slice %arg3[%dma_wait3A, %mul3A_2, %dma_wait3A_41] : memref<2x1024x128xf32, #tpu.memory_space<hbm>> -> memref<1x64x128xf32, #tpu.memory_space<hbm>>
    %dma_wait3A_43 = tpu.memref_squeeze %dma_wait3A_42 : memref<1x64x128xf32, #tpu.memory_space<hbm>> -> memref<64x128xf32, #tpu.memory_space<hbm>>
    tpu.wait_dma2 semaphore(%arg22 : memref<!tpu.dma_semaphore, #tpu.memory_space<semaphore_mem>>) src(%dma_wait3A_43 : memref<64x128xf32, #tpu.memory_space<hbm>>) dst(%arg13 : memref<64x128xf32, #tpu.memory_space<vmem>>)
    %dma_wait3A_44 = arith.constant 1 : i32
    %dma_wait3A_45 = arith.constant 0 : i32
    %dma_wait3A_46 = tpu.memref_slice %arg3[%dma_wait3A_44, %mul3A_2, %dma_wait3A_45] : memref<2x1024x128xf32, #tpu.memory_space<hbm>> -> memref<1x64x128xf32, #tpu.memory_space<hbm>>
    %dma_wait3A_47 = tpu.memref_squeeze %dma_wait3A_46 : memref<1x64x128xf32, #tpu.memory_space<hbm>> -> memref<64x128xf32, #tpu.memory_space<hbm>>
    %dma_wait3A_48 = arith.constant 0 : i32
    %dma_wait3A_49 = tpu.memref_slice %arg3[%dma_wait3A_44, %mul3A_2, %dma_wait3A_48] : memref<2x1024x128xf32, #tpu.memory_space<hbm>> -> memref<1x64x128xf32, #tpu.memory_space<hbm>>
    %dma_wait3A_50 = tpu.memref_squeeze %dma_wait3A_49 : memref<1x64x128xf32, #tpu.memory_space<hbm>> -> memref<64x128xf32, #tpu.memory_space<hbm>>
    tpu.wait_dma2 semaphore(%arg23 : memref<!tpu.dma_semaphore, #tpu.memory_space<semaphore_mem>>) src(%dma_wait3A_50 : memref<64x128xf32, #tpu.memory_space<hbm>>) dst(%arg14 : memref<64x128xf32, #tpu.memory_space<vmem>>)
    %dma_wait3A_51 = arith.constant 0 : i32
    %dma_wait3A_52 = arith.constant 0 : i32
    %dma_wait3A_53 = tpu.memref_slice %arg4[%dma_wait3A_51, %mul3A_2, %dma_wait3A_52] : memref<2x1024x128xf32, #tpu.memory_space<hbm>> -> memref<1x64x128xf32, #tpu.memory_space<hbm>>
    %dma_wait3A_54 = tpu.memref_squeeze %dma_wait3A_53 : memref<1x64x128xf32, #tpu.memory_space<hbm>> -> memref<64x128xf32, #tpu.memory_space<hbm>>
    %dma_wait3A_55 = arith.constant 0 : i32
    %dma_wait3A_56 = tpu.memref_slice %arg4[%dma_wait3A_51, %mul3A_2, %dma_wait3A_55] : memref<2x1024x128xf32, #tpu.memory_space<hbm>> -> memref<1x64x128xf32, #tpu.memory_space<hbm>>
    %dma_wait3A_57 = tpu.memref_squeeze %dma_wait3A_56 : memref<1x64x128xf32, #tpu.memory_space<hbm>> -> memref<64x128xf32, #tpu.memory_space<hbm>>
    tpu.wait_dma2 semaphore(%arg24 : memref<!tpu.dma_semaphore, #tpu.memory_space<semaphore_mem>>) src(%dma_wait3A_57 : memref<64x128xf32, #tpu.memory_space<hbm>>) dst(%arg15 : memref<64x128xf32, #tpu.memory_space<vmem>>)
    %dma_wait3A_58 = arith.constant 1 : i32
    %dma_wait3A_59 = arith.constant 0 : i32
    %dma_wait3A_60 = tpu.memref_slice %arg4[%dma_wait3A_58, %mul3A_2, %dma_wait3A_59] : memref<2x1024x128xf32, #tpu.memory_space<hbm>> -> memref<1x64x128xf32, #tpu.memory_space<hbm>>
    %dma_wait3A_61 = tpu.memref_squeeze %dma_wait3A_60 : memref<1x64x128xf32, #tpu.memory_space<hbm>> -> memref<64x128xf32, #tpu.memory_space<hbm>>
    %dma_wait3A_62 = arith.constant 0 : i32
    %dma_wait3A_63 = tpu.memref_slice %arg4[%dma_wait3A_58, %mul3A_2, %dma_wait3A_62] : memref<2x1024x128xf32, #tpu.memory_space<hbm>> -> memref<1x64x128xf32, #tpu.memory_space<hbm>>
    %dma_wait3A_64 = tpu.memref_squeeze %dma_wait3A_63 : memref<1x64x128xf32, #tpu.memory_space<hbm>> -> memref<64x128xf32, #tpu.memory_space<hbm>>
    tpu.wait_dma2 semaphore(%arg25 : memref<!tpu.dma_semaphore, #tpu.memory_space<semaphore_mem>>) src(%dma_wait3A_64 : memref<64x128xf32, #tpu.memory_space<hbm>>) dst(%arg16 : memref<64x128xf32, #tpu.memory_space<vmem>>)
    %dma_wait3A_65 = arith.constant 0 : i32
    %dma_wait3A_66 = tpu.memref_slice %arg5[%mul3A_2, %dma_wait3A_65] : memref<1024x128xf32, #tpu.memory_space<hbm>> -> memref<64x128xf32, #tpu.memory_space<hbm>>
    %dma_wait3A_67 = arith.constant 0 : i32
    %dma_wait3A_68 = tpu.memref_slice %arg5[%mul3A_2, %dma_wait3A_67] : memref<1024x128xf32, #tpu.memory_space<hbm>> -> memref<64x128xf32, #tpu.memory_space<hbm>>
    tpu.wait_dma2 semaphore(%arg21 : memref<!tpu.dma_semaphore, #tpu.memory_space<semaphore_mem>>) src(%dma_wait3A_68 : memref<64x128xf32, #tpu.memory_space<hbm>>) dst(%arg17 : memref<64x128xf32, #tpu.memory_space<vmem>>)
    %scan3A = arith.constant 0 : i32
    %scan3A_69 = arith.constant 0 : i32
    %scan3A_70 = arith.constant 64 : i32
    %scan3A_71 = arith.addi %scan3A_69, %scan3A_70 : i32
    %scan3A_72 = arith.constant 1 : i32
    %scan3A_73 = scf.for %scan3A_381 = %scan3A_69 to %scan3A_71 step %scan3A_72 iter_args(%scan3A_382 = %scan3A) -> (i32)  : i32 {
      %get3A = arith.index_cast %scan3A_381 : i32 to index
      %get3A_383 = arith.constant 0 : index
      %get3A_384 = tpu.vector_load %arg17[%get3A, %get3A_383] {strides = array<i32>} : memref<64x128xf32, #tpu.memory_space<vmem>>, vector<1x16xf32>,
      %get3A_385 = vector.shape_cast %get3A_384 : vector<1x16xf32> to vector<16xf32>
      %get3A_386 = arith.index_cast %scan3A_381 : i32 to index
      %get3A_387 = arith.constant 0 : index
      %get3A_388 = tpu.vector_load %arg13[%get3A_386, %get3A_387] {strides = array<i32>} : memref<64x128xf32, #tpu.memory_space<vmem>>, vector<1x16xf32>,
      %get3A_389 = vector.shape_cast %get3A_388 : vector<1x16xf32> to vector<16xf32>
      %get3A_390 = arith.index_cast %scan3A_381 : i32 to index
      %get3A_391 = arith.constant 0 : index
      %get3A_392 = tpu.vector_load %arg14[%get3A_390, %get3A_391] {strides = array<i32>} : memref<64x128xf32, #tpu.memory_space<vmem>>, vector<1x16xf32>,
      %get3A_393 = vector.shape_cast %get3A_392 : vector<1x16xf32> to vector<16xf32>
      %add3A_394 = arith.addf %get3A_389, %get3A_393 : vector<16xf32>
      %mul3A_395 = arith.mulf %add3A_394, %get3A_385 : vector<16xf32>
      %swap3A = arith.index_cast %scan3A_381 : i32 to index
      %swap3A_396 = arith.constant 0 : index
      %swap3A_397 = tpu.vector_load %arg13[%swap3A, %swap3A_396] {strides = array<i32>} : memref<64x128xf32, #tpu.memory_space<vmem>>, vector<1x16xf32>,
      %swap3A_398 = vector.shape_cast %swap3A_397 : vector<1x16xf32> to vector<16xf32>
      %swap3A_399 = vector.shape_cast %mul3A_395 : vector<16xf32> to vector<1x16xf32>
      tpu.vector_store %arg13[%swap3A, %swap3A_396], %swap3A_399 {strides = array<i32>} : memref<64x128xf32, #tpu.memory_space<vmem>>, vector<1x16xf32>,
      %get3A_400 = arith.index_cast %scan3A_381 : i32 to index
      %get3A_401 = arith.constant 0 : index
      %get3A_402 = tpu.vector_load %arg15[%get3A_400, %get3A_401] {strides = array<i32>} : memref<64x128xf32, #tpu.memory_space<vmem>>, vector<1x16xf32>,
      %get3A_403 = vector.shape_cast %get3A_402 : vector<1x16xf32> to vector<16xf32>
      %get3A_404 = arith.index_cast %scan3A_381 : i32 to index
      %get3A_405 = arith.constant 0 : index
      %get3A_406 = tpu.vector_load %arg16[%get3A_404, %get3A_405] {strides = array<i32>} : memref<64x128xf32, #tpu.memory_space<vmem>>, vector<1x16xf32>,
      %get3A_407 = vector.shape_cast %get3A_406 : vector<1x16xf32> to vector<16xf32>
      %add3A_408 = arith.addf %get3A_403, %get3A_407 : vector<16xf32>
      %mul3A_409 = arith.mulf %add3A_408, %get3A_385 : vector<16xf32>
      %mul3A_410 = arith.mulf %mul3A_395, %mul3A_395 : vector<16xf32>
      %sub3A = arith.subf %mul3A_409, %mul3A_410 : vector<16xf32>
      %swap3A_411 = arith.index_cast %scan3A_381 : i32 to index
      %swap3A_412 = arith.constant 0 : index
      %swap3A_413 = tpu.vector_load %arg15[%swap3A_411, %swap3A_412] {strides = array<i32>} : memref<64x128xf32, #tpu.memory_space<vmem>>, vector<1x16xf32>,
      %swap3A_414 = vector.shape_cast %swap3A_413 : vector<1x16xf32> to vector<16xf32>
      %swap3A_415 = vector.shape_cast %sub3A : vector<16xf32> to vector<1x16xf32>
      tpu.vector_store %arg15[%swap3A_411, %swap3A_412], %swap3A_415 {strides = array<i32>} : memref<64x128xf32, #tpu.memory_space<vmem>>, vector<1x16xf32>,
      %get3A_416 = arith.index_cast %scan3A_381 : i32 to index
      %get3A_417 = arith.constant 16 : index
      %get3A_418 = tpu.vector_load %arg17[%get3A_416, %get3A_417] {strides = array<i32>} : memref<64x128xf32, #tpu.memory_space<vmem>>, vector<1x16xf32>,
      %get3A_419 = vector.shape_cast %get3A_418 : vector<1x16xf32> to vector<16xf32>
      %get3A_420 = arith.index_cast %scan3A_381 : i32 to index
      %get3A_421 = arith.constant 16 : index
      %get3A_422 = tpu.vector_load %arg13[%get3A_420, %get3A_421] {strides = array<i32>} : memref<64x128xf32, #tpu.memory_space<vmem>>, vector<1x16xf32>,
      %get3A_423 = vector.shape_cast %get3A_422 : vector<1x16xf32> to vector<16xf32>
      %get3A_424 = arith.index_cast %scan3A_381 : i32 to index
      %get3A_425 = arith.constant 16 : index
      %get3A_426 = tpu.vector_load %arg14[%get3A_424, %get3A_425] {strides = array<i32>} : memref<64x128xf32, #tpu.memory_space<vmem>>, vector<1x16xf32>,
      %get3A_427 = vector.shape_cast %get3A_426 : vector<1x16xf32> to vector<16xf32>
      %add3A_428 = arith.addf %get3A_423, %get3A_427 : vector<16xf32>
      %mul3A_429 = arith.mulf %add3A_428, %get3A_419 : vector<16xf32>
      %swap3A_430 = arith.index_cast %scan3A_381 : i32 to index
      %swap3A_431 = arith.constant 16 : index
      %swap3A_432 = tpu.vector_load %arg13[%swap3A_430, %swap3A_431] {strides = array<i32>} : memref<64x128xf32, #tpu.memory_space<vmem>>, vector<1x16xf32>,
      %swap3A_433 = vector.shape_cast %swap3A_432 : vector<1x16xf32> to vector<16xf32>
      %swap3A_434 = vector.shape_cast %mul3A_429 : vector<16xf32> to vector<1x16xf32>
      tpu.vector_store %arg13[%swap3A_430, %swap3A_431], %swap3A_434 {strides = array<i32>} : memref<64x128xf32, #tpu.memory_space<vmem>>, vector<1x16xf32>,
      %get3A_435 = arith.index_cast %scan3A_381 : i32 to index
      %get3A_436 = arith.constant 16 : index
      %get3A_437 = tpu.vector_load %arg15[%get3A_435, %get3A_436] {strides = array<i32>} : memref<64x128xf32, #tpu.memory_space<vmem>>, vector<1x16xf32>,
      %get3A_438 = vector.shape_cast %get3A_437 : vector<1x16xf32> to vector<16xf32>
      %get3A_439 = arith.index_cast %scan3A_381 : i32 to index
      %get3A_440 = arith.constant 16 : index
      %get3A_441 = tpu.vector_load %arg16[%get3A_439, %get3A_440] {strides = array<i32>} : memref<64x128xf32, #tpu.memory_space<vmem>>, vector<1x16xf32>,
      %get3A_442 = vector.shape_cast %get3A_441 : vector<1x16xf32> to vector<16xf32>
      %add3A_443 = arith.addf %get3A_438, %get3A_442 : vector<16xf32>
      %mul3A_444 = arith.mulf %add3A_443, %get3A_419 : vector<16xf32>
      %mul3A_445 = arith.mulf %mul3A_429, %mul3A_429 : vector<16xf32>
      %sub3A_446 = arith.subf %mul3A_444, %mul3A_445 : vector<16xf32>
      %swap3A_447 = arith.index_cast %scan3A_381 : i32 to index
      %swap3A_448 = arith.constant 16 : index
      %swap3A_449 = tpu.vector_load %arg15[%swap3A_447, %swap3A_448] {strides = array<i32>} : memref<64x128xf32, #tpu.memory_space<vmem>>, vector<1x16xf32>,
      %swap3A_450 = vector.shape_cast %swap3A_449 : vector<1x16xf32> to vector<16xf32>
      %swap3A_451 = vector.shape_cast %sub3A_446 : vector<16xf32> to vector<1x16xf32>
      tpu.vector_store %arg15[%swap3A_447, %swap3A_448], %swap3A_451 {strides = array<i32>} : memref<64x128xf32, #tpu.memory_space<vmem>>, vector<1x16xf32>,
      %get3A_452 = arith.index_cast %scan3A_381 : i32 to index
      %get3A_453 = arith.constant 32 : index
      %get3A_454 = tpu.vector_load %arg17[%get3A_452, %get3A_453] {strides = array<i32>} : memref<64x128xf32, #tpu.memory_space<vmem>>, vector<1x16xf32>,
      %get3A_455 = vector.shape_cast %get3A_454 : vector<1x16xf32> to vector<16xf32>
      %get3A_456 = arith.index_cast %scan3A_381 : i32 to index
      %get3A_457 = arith.constant 32 : index
      %get3A_458 = tpu.vector_load %arg13[%get3A_456, %get3A_457] {strides = array<i32>} : memref<64x128xf32, #tpu.memory_space<vmem>>, vector<1x16xf32>,
      %get3A_459 = vector.shape_cast %get3A_458 : vector<1x16xf32> to vector<16xf32>
      %get3A_460 = arith.index_cast %scan3A_381 : i32 to index
      %get3A_461 = arith.constant 32 : index
      %get3A_462 = tpu.vector_load %arg14[%get3A_460, %get3A_461] {strides = array<i32>} : memref<64x128xf32, #tpu.memory_space<vmem>>, vector<1x16xf32>,
      %get3A_463 = vector.shape_cast %get3A_462 : vector<1x16xf32> to vector<16xf32>
      %add3A_464 = arith.addf %get3A_459, %get3A_463 : vector<16xf32>
      %mul3A_465 = arith.mulf %add3A_464, %get3A_455 : vector<16xf32>
      %swap3A_466 = arith.index_cast %scan3A_381 : i32 to index
      %swap3A_467 = arith.constant 32 : index
      %swap3A_468 = tpu.vector_load %arg13[%swap3A_466, %swap3A_467] {strides = array<i32>} : memref<64x128xf32, #tpu.memory_space<vmem>>, vector<1x16xf32>,
      %swap3A_469 = vector.shape_cast %swap3A_468 : vector<1x16xf32> to vector<16xf32>
      %swap3A_470 = vector.shape_cast %mul3A_465 : vector<16xf32> to vector<1x16xf32>
      tpu.vector_store %arg13[%swap3A_466, %swap3A_467], %swap3A_470 {strides = array<i32>} : memref<64x128xf32, #tpu.memory_space<vmem>>, vector<1x16xf32>,
      %get3A_471 = arith.index_cast %scan3A_381 : i32 to index
      %get3A_472 = arith.constant 32 : index
      %get3A_473 = tpu.vector_load %arg15[%get3A_471, %get3A_472] {strides = array<i32>} : memref<64x128xf32, #tpu.memory_space<vmem>>, vector<1x16xf32>,
      %get3A_474 = vector.shape_cast %get3A_473 : vector<1x16xf32> to vector<16xf32>
      %get3A_475 = arith.index_cast %scan3A_381 : i32 to index
      %get3A_476 = arith.constant 32 : index
      %get3A_477 = tpu.vector_load %arg16[%get3A_475, %get3A_476] {strides = array<i32>} : memref<64x128xf32, #tpu.memory_space<vmem>>, vector<1x16xf32>,
      %get3A_478 = vector.shape_cast %get3A_477 : vector<1x16xf32> to vector<16xf32>
      %add3A_479 = arith.addf %get3A_474, %get3A_478 : vector<16xf32>
      %mul3A_480 = arith.mulf %add3A_479, %get3A_455 : vector<16xf32>
      %mul3A_481 = arith.mulf %mul3A_465, %mul3A_465 : vector<16xf32>
      %sub3A_482 = arith.subf %mul3A_480, %mul3A_481 : vector<16xf32>
      %swap3A_483 = arith.index_cast %scan3A_381 : i32 to index
      %swap3A_484 = arith.constant 32 : index
      %swap3A_485 = tpu.vector_load %arg15[%swap3A_483, %swap3A_484] {strides = array<i32>} : memref<64x128xf32, #tpu.memory_space<vmem>>, vector<1x16xf32>,
      %swap3A_486 = vector.shape_cast %swap3A_485 : vector<1x16xf32> to vector<16xf32>
      %swap3A_487 = vector.shape_cast %sub3A_482 : vector<16xf32> to vector<1x16xf32>
      tpu.vector_store %arg15[%swap3A_483, %swap3A_484], %swap3A_487 {strides = array<i32>} : memref<64x128xf32, #tpu.memory_space<vmem>>, vector<1x16xf32>,
      %get3A_488 = arith.index_cast %scan3A_381 : i32 to index
      %get3A_489 = arith.constant 48 : index
      %get3A_490 = tpu.vector_load %arg17[%get3A_488, %get3A_489] {strides = array<i32>} : memref<64x128xf32, #tpu.memory_space<vmem>>, vector<1x16xf32>,
      %get3A_491 = vector.shape_cast %get3A_490 : vector<1x16xf32> to vector<16xf32>
      %get3A_492 = arith.index_cast %scan3A_381 : i32 to index
      %get3A_493 = arith.constant 48 : index
      %get3A_494 = tpu.vector_load %arg13[%get3A_492, %get3A_493] {strides = array<i32>} : memref<64x128xf32, #tpu.memory_space<vmem>>, vector<1x16xf32>,
      %get3A_495 = vector.shape_cast %get3A_494 : vector<1x16xf32> to vector<16xf32>
      %get3A_496 = arith.index_cast %scan3A_381 : i32 to index
      %get3A_497 = arith.constant 48 : index
      %get3A_498 = tpu.vector_load %arg14[%get3A_496, %get3A_497] {strides = array<i32>} : memref<64x128xf32, #tpu.memory_space<vmem>>, vector<1x16xf32>,
      %get3A_499 = vector.shape_cast %get3A_498 : vector<1x16xf32> to vector<16xf32>
      %add3A_500 = arith.addf %get3A_495, %get3A_499 : vector<16xf32>
      %mul3A_501 = arith.mulf %add3A_500, %get3A_491 : vector<16xf32>
      %swap3A_502 = arith.index_cast %scan3A_381 : i32 to index
      %swap3A_503 = arith.constant 48 : index
      %swap3A_504 = tpu.vector_load %arg13[%swap3A_502, %swap3A_503] {strides = array<i32>} : memref<64x128xf32, #tpu.memory_space<vmem>>, vector<1x16xf32>,
      %swap3A_505 = vector.shape_cast %swap3A_504 : vector<1x16xf32> to vector<16xf32>
      %swap3A_506 = vector.shape_cast %mul3A_501 : vector<16xf32> to vector<1x16xf32>
      tpu.vector_store %arg13[%swap3A_502, %swap3A_503], %swap3A_506 {strides = array<i32>} : memref<64x128xf32, #tpu.memory_space<vmem>>, vector<1x16xf32>,
      %get3A_507 = arith.index_cast %scan3A_381 : i32 to index
      %get3A_508 = arith.constant 48 : index
      %get3A_509 = tpu.vector_load %arg15[%get3A_507, %get3A_508] {strides = array<i32>} : memref<64x128xf32, #tpu.memory_space<vmem>>, vector<1x16xf32>,
      %get3A_510 = vector.shape_cast %get3A_509 : vector<1x16xf32> to vector<16xf32>
      %get3A_511 = arith.index_cast %scan3A_381 : i32 to index
      %get3A_512 = arith.constant 48 : index
      %get3A_513 = tpu.vector_load %arg16[%get3A_511, %get3A_512] {strides = array<i32>} : memref<64x128xf32, #tpu.memory_space<vmem>>, vector<1x16xf32>,
      %get3A_514 = vector.shape_cast %get3A_513 : vector<1x16xf32> to vector<16xf32>
      %add3A_515 = arith.addf %get3A_510, %get3A_514 : vector<16xf32>
      %mul3A_516 = arith.mulf %add3A_515, %get3A_491 : vector<16xf32>
      %mul3A_517 = arith.mulf %mul3A_501, %mul3A_501 : vector<16xf32>
      %sub3A_518 = arith.subf %mul3A_516, %mul3A_517 : vector<16xf32>
      %swap3A_519 = arith.index_cast %scan3A_381 : i32 to index
      %swap3A_520 = arith.constant 48 : index
      %swap3A_521 = tpu.vector_load %arg15[%swap3A_519, %swap3A_520] {strides = array<i32>} : memref<64x128xf32, #tpu.memory_space<vmem>>, vector<1x16xf32>,
      %swap3A_522 = vector.shape_cast %swap3A_521 : vector<1x16xf32> to vector<16xf32>
      %swap3A_523 = vector.shape_cast %sub3A_518 : vector<16xf32> to vector<1x16xf32>
      tpu.vector_store %arg15[%swap3A_519, %swap3A_520], %swap3A_523 {strides = array<i32>} : memref<64x128xf32, #tpu.memory_space<vmem>>, vector<1x16xf32>,
      %get3A_524 = arith.index_cast %scan3A_381 : i32 to index
      %get3A_525 = arith.constant 64 : index
      %get3A_526 = tpu.vector_load %arg17[%get3A_524, %get3A_525] {strides = array<i32>} : memref<64x128xf32, #tpu.memory_space<vmem>>, vector<1x16xf32>,
      %get3A_527 = vector.shape_cast %get3A_526 : vector<1x16xf32> to vector<16xf32>
      %get3A_528 = arith.index_cast %scan3A_381 : i32 to index
      %get3A_529 = arith.constant 64 : index
      %get3A_530 = tpu.vector_load %arg13[%get3A_528, %get3A_529] {strides = array<i32>} : memref<64x128xf32, #tpu.memory_space<vmem>>, vector<1x16xf32>,
      %get3A_531 = vector.shape_cast %get3A_530 : vector<1x16xf32> to vector<16xf32>
      %get3A_532 = arith.index_cast %scan3A_381 : i32 to index
      %get3A_533 = arith.constant 64 : index
      %get3A_534 = tpu.vector_load %arg14[%get3A_532, %get3A_533] {strides = array<i32>} : memref<64x128xf32, #tpu.memory_space<vmem>>, vector<1x16xf32>,
      %get3A_535 = vector.shape_cast %get3A_534 : vector<1x16xf32> to vector<16xf32>
      %add3A_536 = arith.addf %get3A_531, %get3A_535 : vector<16xf32>
      %mul3A_537 = arith.mulf %add3A_536, %get3A_527 : vector<16xf32>
      %swap3A_538 = arith.index_cast %scan3A_381 : i32 to index
      %swap3A_539 = arith.constant 64 : index
      %swap3A_540 = tpu.vector_load %arg13[%swap3A_538, %swap3A_539] {strides = array<i32>} : memref<64x128xf32, #tpu.memory_space<vmem>>, vector<1x16xf32>,
      %swap3A_541 = vector.shape_cast %swap3A_540 : vector<1x16xf32> to vector<16xf32>
      %swap3A_542 = vector.shape_cast %mul3A_537 : vector<16xf32> to vector<1x16xf32>
      tpu.vector_store %arg13[%swap3A_538, %swap3A_539], %swap3A_542 {strides = array<i32>} : memref<64x128xf32, #tpu.memory_space<vmem>>, vector<1x16xf32>,
      %get3A_543 = arith.index_cast %scan3A_381 : i32 to index
      %get3A_544 = arith.constant 64 : index
      %get3A_545 = tpu.vector_load %arg15[%get3A_543, %get3A_544] {strides = array<i32>} : memref<64x128xf32, #tpu.memory_space<vmem>>, vector<1x16xf32>,
      %get3A_546 = vector.shape_cast %get3A_545 : vector<1x16xf32> to vector<16xf32>
      %get3A_547 = arith.index_cast %scan3A_381 : i32 to index
      %get3A_548 = arith.constant 64 : index
      %get3A_549 = tpu.vector_load %arg16[%get3A_547, %get3A_548] {strides = array<i32>} : memref<64x128xf32, #tpu.memory_space<vmem>>, vector<1x16xf32>,
      %get3A_550 = vector.shape_cast %get3A_549 : vector<1x16xf32> to vector<16xf32>
      %add3A_551 = arith.addf %get3A_546, %get3A_550 : vector<16xf32>
      %mul3A_552 = arith.mulf %add3A_551, %get3A_527 : vector<16xf32>
      %mul3A_553 = arith.mulf %mul3A_537, %mul3A_537 : vector<16xf32>
      %sub3A_554 = arith.subf %mul3A_552, %mul3A_553 : vector<16xf32>
      %swap3A_555 = arith.index_cast %scan3A_381 : i32 to index
      %swap3A_556 = arith.constant 64 : index
      %swap3A_557 = tpu.vector_load %arg15[%swap3A_555, %swap3A_556] {strides = array<i32>} : memref<64x128xf32, #tpu.memory_space<vmem>>, vector<1x16xf32>,
      %swap3A_558 = vector.shape_cast %swap3A_557 : vector<1x16xf32> to vector<16xf32>
      %swap3A_559 = vector.shape_cast %sub3A_554 : vector<16xf32> to vector<1x16xf32>
      tpu.vector_store %arg15[%swap3A_555, %swap3A_556], %swap3A_559 {strides = array<i32>} : memref<64x128xf32, #tpu.memory_space<vmem>>, vector<1x16xf32>,
      %get3A_560 = arith.index_cast %scan3A_381 : i32 to index
      %get3A_561 = arith.constant 80 : index
      %get3A_562 = tpu.vector_load %arg17[%get3A_560, %get3A_561] {strides = array<i32>} : memref<64x128xf32, #tpu.memory_space<vmem>>, vector<1x16xf32>,
      %get3A_563 = vector.shape_cast %get3A_562 : vector<1x16xf32> to vector<16xf32>
      %get3A_564 = arith.index_cast %scan3A_381 : i32 to index
      %get3A_565 = arith.constant 80 : index
      %get3A_566 = tpu.vector_load %arg13[%get3A_564, %get3A_565] {strides = array<i32>} : memref<64x128xf32, #tpu.memory_space<vmem>>, vector<1x16xf32>,
      %get3A_567 = vector.shape_cast %get3A_566 : vector<1x16xf32> to vector<16xf32>
      %get3A_568 = arith.index_cast %scan3A_381 : i32 to index
      %get3A_569 = arith.constant 80 : index
      %get3A_570 = tpu.vector_load %arg14[%get3A_568, %get3A_569] {strides = array<i32>} : memref<64x128xf32, #tpu.memory_space<vmem>>, vector<1x16xf32>,
      %get3A_571 = vector.shape_cast %get3A_570 : vector<1x16xf32> to vector<16xf32>
      %add3A_572 = arith.addf %get3A_567, %get3A_571 : vector<16xf32>
      %mul3A_573 = arith.mulf %add3A_572, %get3A_563 : vector<16xf32>
      %swap3A_574 = arith.index_cast %scan3A_381 : i32 to index
      %swap3A_575 = arith.constant 80 : index
      %swap3A_576 = tpu.vector_load %arg13[%swap3A_574, %swap3A_575] {strides = array<i32>} : memref<64x128xf32, #tpu.memory_space<vmem>>, vector<1x16xf32>,
      %swap3A_577 = vector.shape_cast %swap3A_576 : vector<1x16xf32> to vector<16xf32>
      %swap3A_578 = vector.shape_cast %mul3A_573 : vector<16xf32> to vector<1x16xf32>
      tpu.vector_store %arg13[%swap3A_574, %swap3A_575], %swap3A_578 {strides = array<i32>} : memref<64x128xf32, #tpu.memory_space<vmem>>, vector<1x16xf32>,
      %get3A_579 = arith.index_cast %scan3A_381 : i32 to index
      %get3A_580 = arith.constant 80 : index
      %get3A_581 = tpu.vector_load %arg15[%get3A_579, %get3A_580] {strides = array<i32>} : memref<64x128xf32, #tpu.memory_space<vmem>>, vector<1x16xf32>,
      %get3A_582 = vector.shape_cast %get3A_581 : vector<1x16xf32> to vector<16xf32>
      %get3A_583 = arith.index_cast %scan3A_381 : i32 to index
      %get3A_584 = arith.constant 80 : index
      %get3A_585 = tpu.vector_load %arg16[%get3A_583, %get3A_584] {strides = array<i32>} : memref<64x128xf32, #tpu.memory_space<vmem>>, vector<1x16xf32>,
      %get3A_586 = vector.shape_cast %get3A_585 : vector<1x16xf32> to vector<16xf32>
      %add3A_587 = arith.addf %get3A_582, %get3A_586 : vector<16xf32>
      %mul3A_588 = arith.mulf %add3A_587, %get3A_563 : vector<16xf32>
      %mul3A_589 = arith.mulf %mul3A_573, %mul3A_573 : vector<16xf32>
      %sub3A_590 = arith.subf %mul3A_588, %mul3A_589 : vector<16xf32>
      %swap3A_591 = arith.index_cast %scan3A_381 : i32 to index
      %swap3A_592 = arith.constant 80 : index
      %swap3A_593 = tpu.vector_load %arg15[%swap3A_591, %swap3A_592] {strides = array<i32>} : memref<64x128xf32, #tpu.memory_space<vmem>>, vector<1x16xf32>,
      %swap3A_594 = vector.shape_cast %swap3A_593 : vector<1x16xf32> to vector<16xf32>
      %swap3A_595 = vector.shape_cast %sub3A_590 : vector<16xf32> to vector<1x16xf32>
      tpu.vector_store %arg15[%swap3A_591, %swap3A_592], %swap3A_595 {strides = array<i32>} : memref<64x128xf32, #tpu.memory_space<vmem>>, vector<1x16xf32>,
      %get3A_596 = arith.index_cast %scan3A_381 : i32 to index
      %get3A_597 = arith.constant 96 : index
      %get3A_598 = tpu.vector_load %arg17[%get3A_596, %get3A_597] {strides = array<i32>} : memref<64x128xf32, #tpu.memory_space<vmem>>, vector<1x16xf32>,
      %get3A_599 = vector.shape_cast %get3A_598 : vector<1x16xf32> to vector<16xf32>
      %get3A_600 = arith.index_cast %scan3A_381 : i32 to index
      %get3A_601 = arith.constant 96 : index
      %get3A_602 = tpu.vector_load %arg13[%get3A_600, %get3A_601] {strides = array<i32>} : memref<64x128xf32, #tpu.memory_space<vmem>>, vector<1x16xf32>,
      %get3A_603 = vector.shape_cast %get3A_602 : vector<1x16xf32> to vector<16xf32>
      %get3A_604 = arith.index_cast %scan3A_381 : i32 to index
      %get3A_605 = arith.constant 96 : index
      %get3A_606 = tpu.vector_load %arg14[%get3A_604, %get3A_605] {strides = array<i32>} : memref<64x128xf32, #tpu.memory_space<vmem>>, vector<1x16xf32>,
      %get3A_607 = vector.shape_cast %get3A_606 : vector<1x16xf32> to vector<16xf32>
      %add3A_608 = arith.addf %get3A_603, %get3A_607 : vector<16xf32>
      %mul3A_609 = arith.mulf %add3A_608, %get3A_599 : vector<16xf32>
      %swap3A_610 = arith.index_cast %scan3A_381 : i32 to index
      %swap3A_611 = arith.constant 96 : index
      %swap3A_612 = tpu.vector_load %arg13[%swap3A_610, %swap3A_611] {strides = array<i32>} : memref<64x128xf32, #tpu.memory_space<vmem>>, vector<1x16xf32>,
      %swap3A_613 = vector.shape_cast %swap3A_612 : vector<1x16xf32> to vector<16xf32>
      %swap3A_614 = vector.shape_cast %mul3A_609 : vector<16xf32> to vector<1x16xf32>
      tpu.vector_store %arg13[%swap3A_610, %swap3A_611], %swap3A_614 {strides = array<i32>} : memref<64x128xf32, #tpu.memory_space<vmem>>, vector<1x16xf32>,
      %get3A_615 = arith.index_cast %scan3A_381 : i32 to index
      %get3A_616 = arith.constant 96 : index
      %get3A_617 = tpu.vector_load %arg15[%get3A_615, %get3A_616] {strides = array<i32>} : memref<64x128xf32, #tpu.memory_space<vmem>>, vector<1x16xf32>,
      %get3A_618 = vector.shape_cast %get3A_617 : vector<1x16xf32> to vector<16xf32>
      %get3A_619 = arith.index_cast %scan3A_381 : i32 to index
      %get3A_620 = arith.constant 96 : index
      %get3A_621 = tpu.vector_load %arg16[%get3A_619, %get3A_620] {strides = array<i32>} : memref<64x128xf32, #tpu.memory_space<vmem>>, vector<1x16xf32>,
      %get3A_622 = vector.shape_cast %get3A_621 : vector<1x16xf32> to vector<16xf32>
      %add3A_623 = arith.addf %get3A_618, %get3A_622 : vector<16xf32>
      %mul3A_624 = arith.mulf %add3A_623, %get3A_599 : vector<16xf32>
      %mul3A_625 = arith.mulf %mul3A_609, %mul3A_609 : vector<16xf32>
      %sub3A_626 = arith.subf %mul3A_624, %mul3A_625 : vector<16xf32>
      %swap3A_627 = arith.index_cast %scan3A_381 : i32 to index
      %swap3A_628 = arith.constant 96 : index
      %swap3A_629 = tpu.vector_load %arg15[%swap3A_627, %swap3A_628] {strides = array<i32>} : memref<64x128xf32, #tpu.memory_space<vmem>>, vector<1x16xf32>,
      %swap3A_630 = vector.shape_cast %swap3A_629 : vector<1x16xf32> to vector<16xf32>
      %swap3A_631 = vector.shape_cast %sub3A_626 : vector<16xf32> to vector<1x16xf32>
      tpu.vector_store %arg15[%swap3A_627, %swap3A_628], %swap3A_631 {strides = array<i32>} : memref<64x128xf32, #tpu.memory_space<vmem>>, vector<1x16xf32>,
      %get3A_632 = arith.index_cast %scan3A_381 : i32 to index
      %get3A_633 = arith.constant 112 : index
      %get3A_634 = tpu.vector_load %arg17[%get3A_632, %get3A_633] {strides = array<i32>} : memref<64x128xf32, #tpu.memory_space<vmem>>, vector<1x16xf32>,
      %get3A_635 = vector.shape_cast %get3A_634 : vector<1x16xf32> to vector<16xf32>
      %get3A_636 = arith.index_cast %scan3A_381 : i32 to index
      %get3A_637 = arith.constant 112 : index
      %get3A_638 = tpu.vector_load %arg13[%get3A_636, %get3A_637] {strides = array<i32>} : memref<64x128xf32, #tpu.memory_space<vmem>>, vector<1x16xf32>,
      %get3A_639 = vector.shape_cast %get3A_638 : vector<1x16xf32> to vector<16xf32>
      %get3A_640 = arith.index_cast %scan3A_381 : i32 to index
      %get3A_641 = arith.constant 112 : index
      %get3A_642 = tpu.vector_load %arg14[%get3A_640, %get3A_641] {strides = array<i32>} : memref<64x128xf32, #tpu.memory_space<vmem>>, vector<1x16xf32>,
      %get3A_643 = vector.shape_cast %get3A_642 : vector<1x16xf32> to vector<16xf32>
      %add3A_644 = arith.addf %get3A_639, %get3A_643 : vector<16xf32>
      %mul3A_645 = arith.mulf %add3A_644, %get3A_635 : vector<16xf32>
      %swap3A_646 = arith.index_cast %scan3A_381 : i32 to index
      %swap3A_647 = arith.constant 112 : index
      %swap3A_648 = tpu.vector_load %arg13[%swap3A_646, %swap3A_647] {strides = array<i32>} : memref<64x128xf32, #tpu.memory_space<vmem>>, vector<1x16xf32>,
      %swap3A_649 = vector.shape_cast %swap3A_648 : vector<1x16xf32> to vector<16xf32>
      %swap3A_650 = vector.shape_cast %mul3A_645 : vector<16xf32> to vector<1x16xf32>
      tpu.vector_store %arg13[%swap3A_646, %swap3A_647], %swap3A_650 {strides = array<i32>} : memref<64x128xf32, #tpu.memory_space<vmem>>, vector<1x16xf32>,
      %get3A_651 = arith.index_cast %scan3A_381 : i32 to index
      %get3A_652 = arith.constant 112 : index
      %get3A_653 = tpu.vector_load %arg15[%get3A_651, %get3A_652] {strides = array<i32>} : memref<64x128xf32, #tpu.memory_space<vmem>>, vector<1x16xf32>,
      %get3A_654 = vector.shape_cast %get3A_653 : vector<1x16xf32> to vector<16xf32>
      %get3A_655 = arith.index_cast %scan3A_381 : i32 to index
      %get3A_656 = arith.constant 112 : index
      %get3A_657 = tpu.vector_load %arg16[%get3A_655, %get3A_656] {strides = array<i32>} : memref<64x128xf32, #tpu.memory_space<vmem>>, vector<1x16xf32>,
      %get3A_658 = vector.shape_cast %get3A_657 : vector<1x16xf32> to vector<16xf32>
      %add3A_659 = arith.addf %get3A_654, %get3A_658 : vector<16xf32>
      %mul3A_660 = arith.mulf %add3A_659, %get3A_635 : vector<16xf32>
      %mul3A_661 = arith.mulf %mul3A_645, %mul3A_645 : vector<16xf32>
      %sub3A_662 = arith.subf %mul3A_660, %mul3A_661 : vector<16xf32>
      %swap3A_663 = arith.index_cast %scan3A_381 : i32 to index
      %swap3A_664 = arith.constant 112 : index
      %swap3A_665 = tpu.vector_load %arg15[%swap3A_663, %swap3A_664] {strides = array<i32>} : memref<64x128xf32, #tpu.memory_space<vmem>>, vector<1x16xf32>,
      %swap3A_666 = vector.shape_cast %swap3A_665 : vector<1x16xf32> to vector<16xf32>
      %swap3A_667 = vector.shape_cast %sub3A_662 : vector<16xf32> to vector<1x16xf32>
      tpu.vector_store %arg15[%swap3A_663, %swap3A_664], %swap3A_667 {strides = array<i32>} : memref<64x128xf32, #tpu.memory_space<vmem>>, vector<1x16xf32>,
      %scan3A_668 = arith.constant 0 : i32
      scf.yield %scan3A_668 : i32
    }
    %scan3A_74 = arith.constant 64 : i32
    "tpu.region"() ({
      %run_scoped3A = tpu.sem_alloc : memref<!tpu.dma_semaphore, #tpu.memory_space<semaphore_mem>>
      %dma_start3A_381 = arith.constant 0 : i32
      %dma_start3A_382 = tpu.memref_slice %arg18[%mul3A_2, %dma_start3A_381] : memref<1024x128xf32, #tpu.memory_space<vmem_shared>> -> memref<64x128xf32, #tpu.memory_space<vmem_shared>>
      %dma_start3A_383 = arith.constant 0 : i32
      %dma_start3A_384 = tpu.memref_slice %arg18[%mul3A_2, %dma_start3A_383] : memref<1024x128xf32, #tpu.memory_space<vmem_shared>> -> memref<64x128xf32, #tpu.memory_space<vmem_shared>>
      tpu.enqueue_dma source(%arg13 : memref<64x128xf32, #tpu.memory_space<vmem>>) target(%dma_start3A_384 : memref<64x128xf32, #tpu.memory_space<vmem_shared>>) target_semaphore(%run_scoped3A : memref<!tpu.dma_semaphore, #tpu.memory_space<semaphore_mem>>)
      %dma_wait3A_385 = arith.constant 0 : i32
      %dma_wait3A_386 = tpu.memref_slice %arg18[%mul3A_2, %dma_wait3A_385] : memref<1024x128xf32, #tpu.memory_space<vmem_shared>> -> memref<64x128xf32, #tpu.memory_space<vmem_shared>>
      %dma_wait3A_387 = arith.constant 0 : i32
      %dma_wait3A_388 = tpu.memref_slice %arg18[%mul3A_2, %dma_wait3A_387] : memref<1024x128xf32, #tpu.memory_space<vmem_shared>> -> memref<64x128xf32, #tpu.memory_space<vmem_shared>>
      tpu.wait_dma2 semaphore(%run_scoped3A : memref<!tpu.dma_semaphore, #tpu.memory_space<semaphore_mem>>) src(%arg13 : memref<64x128xf32, #tpu.memory_space<vmem>>) dst(%dma_wait3A_388 : memref<64x128xf32, #tpu.memory_space<vmem_shared>>)
      tpu.yield
    }) : () -> ()
    "tpu.region"() ({
      %run_scoped3A = tpu.sem_alloc : memref<!tpu.dma_semaphore, #tpu.memory_space<semaphore_mem>>
      %dma_start3A_381 = arith.constant 0 : i32
      %dma_start3A_382 = tpu.memref_slice %arg19[%mul3A_2, %dma_start3A_381] : memref<1024x128xf32, #tpu.memory_space<vmem_shared>> -> memref<64x128xf32, #tpu.memory_space<vmem_shared>>
      %dma_start3A_383 = arith.constant 0 : i32
      %dma_start3A_384 = tpu.memref_slice %arg19[%mul3A_2, %dma_start3A_383] : memref<1024x128xf32, #tpu.memory_space<vmem_shared>> -> memref<64x128xf32, #tpu.memory_space<vmem_shared>>
      tpu.enqueue_dma source(%arg15 : memref<64x128xf32, #tpu.memory_space<vmem>>) target(%dma_start3A_384 : memref<64x128xf32, #tpu.memory_space<vmem_shared>>) target_semaphore(%run_scoped3A : memref<!tpu.dma_semaphore, #tpu.memory_space<semaphore_mem>>)
      %dma_wait3A_385 = arith.constant 0 : i32
      %dma_wait3A_386 = tpu.memref_slice %arg19[%mul3A_2, %dma_wait3A_385] : memref<1024x128xf32, #tpu.memory_space<vmem_shared>> -> memref<64x128xf32, #tpu.memory_space<vmem_shared>>
      %dma_wait3A_387 = arith.constant 0 : i32
      %dma_wait3A_388 = tpu.memref_slice %arg19[%mul3A_2, %dma_wait3A_387] : memref<1024x128xf32, #tpu.memory_space<vmem_shared>> -> memref<64x128xf32, #tpu.memory_space<vmem_shared>>
      tpu.wait_dma2 semaphore(%run_scoped3A : memref<!tpu.dma_semaphore, #tpu.memory_space<semaphore_mem>>) src(%arg15 : memref<64x128xf32, #tpu.memory_space<vmem>>) dst(%dma_wait3A_388 : memref<64x128xf32, #tpu.memory_space<vmem_shared>>)
      tpu.yield
    }) : () -> ()
    %barrier3A = arith.constant 0 : index
    tpu.barrier barrier_id(%barrier3A)
    %dma_wait3A_75 = tpu.memref_slice %arg2[%mul3A_4] : memref<32768xi32, #tpu.memory_space<hbm>> -> memref<1024xi32, #tpu.memory_space<hbm>>
    %dma_wait3A_76 = tpu.memref_slice %arg2[%mul3A_4] : memref<32768xi32, #tpu.memory_space<hbm>> -> memref<1024xi32, #tpu.memory_space<hbm>>
    tpu.wait_dma2 semaphore(%arg20 : memref<!tpu.dma_semaphore, #tpu.memory_space<semaphore_mem>>) src(%dma_wait3A_76 : memref<1024xi32, #tpu.memory_space<hbm>>) dst(%arg8 : memref<1024xi32, #tpu.memory_space<vmem>>)
    %add3A_77 = arith.constant 0 : i32
    %add3A_78 = arith.addi %mul3A_4, %add3A_77 : i32
    %dma_start3A_79 = arith.constant 0 : i32
    %dma_start3A_80 = tpu.memref_slice %arg8[%dma_start3A_79] : memref<1024xi32, #tpu.memory_space<vmem>> -> memref<128xi32, #tpu.memory_space<vmem>>
    %dma_start3A_81 = arith.constant 0 : i32
    %dma_start3A_82 = arith.constant 0 : i32
    %dma_start3A_83 = tpu.memref_slice %arg18[%dma_start3A_81, %dma_start3A_82] : memref<1024x128xf32, #tpu.memory_space<vmem_shared>> -> memref<1024x128xf32, #tpu.memory_space<vmem_shared>>
    tpu.enqueue_indirect_dma source(%dma_start3A_83 : memref<1024x128xf32, #tpu.memory_space<vmem_shared>>) target(%arg9 : memref<128x128xf32, #tpu.memory_space<vmem>>) offsets(%dma_start3A_80 : memref<128xi32, #tpu.memory_space<vmem>>) semaphore(%arg22 : memref<!tpu.dma_semaphore, #tpu.memory_space<semaphore_mem>>)
    %dma_start3A_84 = arith.constant 0 : i32
    %dma_start3A_85 = tpu.memref_slice %arg8[%dma_start3A_84] : memref<1024xi32, #tpu.memory_space<vmem>> -> memref<128xi32, #tpu.memory_space<vmem>>
    %dma_start3A_86 = arith.constant 0 : i32
    %dma_start3A_87 = arith.constant 0 : i32
    %dma_start3A_88 = tpu.memref_slice %arg19[%dma_start3A_86, %dma_start3A_87] : memref<1024x128xf32, #tpu.memory_space<vmem_shared>> -> memref<1024x128xf32, #tpu.memory_space<vmem_shared>>
    tpu.enqueue_indirect_dma source(%dma_start3A_88 : memref<1024x128xf32, #tpu.memory_space<vmem_shared>>) target(%arg11 : memref<128x128xf32, #tpu.memory_space<vmem>>) offsets(%dma_start3A_85 : memref<128xi32, #tpu.memory_space<vmem>>) semaphore(%arg24 : memref<!tpu.dma_semaphore, #tpu.memory_space<semaphore_mem>>)
    %dma_wait3A_89 = arith.constant 0 : i32
    %dma_wait3A_90 = tpu.memref_slice %arg8[%dma_wait3A_89] : memref<1024xi32, #tpu.memory_space<vmem>> -> memref<128xi32, #tpu.memory_space<vmem>>
    %dma_wait3A_91 = arith.constant 0 : i32
    %dma_wait3A_92 = arith.constant 0 : i32
    %dma_wait3A_93 = tpu.memref_slice %arg18[%dma_wait3A_91, %dma_wait3A_92] : memref<1024x128xf32, #tpu.memory_space<vmem_shared>> -> memref<1024x128xf32, #tpu.memory_space<vmem_shared>>
    tpu.wait_indirect_dma semaphore(%arg22 : memref<!tpu.dma_semaphore, #tpu.memory_space<semaphore_mem>>) src(%dma_wait3A_93 : memref<1024x128xf32, #tpu.memory_space<vmem_shared>>) dst(%arg9 : memref<128x128xf32, #tpu.memory_space<vmem>>)
    %dma_wait3A_94 = arith.constant 0 : i32
    %dma_wait3A_95 = tpu.memref_slice %arg8[%dma_wait3A_94] : memref<1024xi32, #tpu.memory_space<vmem>> -> memref<128xi32, #tpu.memory_space<vmem>>
    %dma_wait3A_96 = arith.constant 0 : i32
    %dma_wait3A_97 = arith.constant 0 : i32
    %dma_wait3A_98 = tpu.memref_slice %arg19[%dma_wait3A_96, %dma_wait3A_97] : memref<1024x128xf32, #tpu.memory_space<vmem_shared>> -> memref<1024x128xf32, #tpu.memory_space<vmem_shared>>
    tpu.wait_indirect_dma semaphore(%arg24 : memref<!tpu.dma_semaphore, #tpu.memory_space<semaphore_mem>>) src(%dma_wait3A_98 : memref<1024x128xf32, #tpu.memory_space<vmem_shared>>) dst(%arg11 : memref<128x128xf32, #tpu.memory_space<vmem>>)
    %dma_start3A_99 = arith.constant 0 : i32
    %dma_start3A_100 = tpu.memref_slice %arg6[%add3A_78, %dma_start3A_99] : memref<32768x128xf32, #tpu.memory_space<hbm>> -> memref<128x128xf32, #tpu.memory_space<hbm>>
    %dma_start3A_101 = arith.constant 0 : i32
    %dma_start3A_102 = tpu.memref_slice %arg6[%add3A_78, %dma_start3A_101] : memref<32768x128xf32, #tpu.memory_space<hbm>> -> memref<128x128xf32, #tpu.memory_space<hbm>>
    tpu.enqueue_dma source(%arg9 : memref<128x128xf32, #tpu.memory_space<vmem>>) target(%dma_start3A_102 : memref<128x128xf32, #tpu.memory_space<hbm>>) target_semaphore(%arg26 : memref<!tpu.dma_semaphore, #tpu.memory_space<semaphore_mem>>)
    %dma_start3A_103 = arith.constant 0 : i32
    %dma_start3A_104 = tpu.memref_slice %arg7[%add3A_78, %dma_start3A_103] : memref<32768x128xf32, #tpu.memory_space<hbm>> -> memref<128x128xf32, #tpu.memory_space<hbm>>
    %dma_start3A_105 = arith.constant 0 : i32
    %dma_start3A_106 = tpu.memref_slice %arg7[%add3A_78, %dma_start3A_105] : memref<32768x128xf32, #tpu.memory_space<hbm>> -> memref<128x128xf32, #tpu.memory_space<hbm>>
    tpu.enqueue_dma source(%arg11 : memref<128x128xf32, #tpu.memory_space<vmem>>) target(%dma_start3A_106 : memref<128x128xf32, #tpu.memory_space<hbm>>) target_semaphore(%arg28 : memref<!tpu.dma_semaphore, #tpu.memory_space<semaphore_mem>>)
    %add3A_107 = arith.constant 128 : i32
    %add3A_108 = arith.addi %mul3A_4, %add3A_107 : i32
    %dma_start3A_109 = arith.constant 128 : i32
    %dma_start3A_110 = tpu.memref_slice %arg8[%dma_start3A_109] : memref<1024xi32, #tpu.memory_space<vmem>> -> memref<128xi32, #tpu.memory_space<vmem>>
    %dma_start3A_111 = arith.constant 0 : i32
    %dma_start3A_112 = arith.constant 0 : i32
    %dma_start3A_113 = tpu.memref_slice %arg18[%dma_start3A_111, %dma_start3A_112] : memref<1024x128xf32, #tpu.memory_space<vmem_shared>> -> memref<1024x128xf32, #tpu.memory_space<vmem_shared>>
    tpu.enqueue_indirect_dma source(%dma_start3A_113 : memref<1024x128xf32, #tpu.memory_space<vmem_shared>>) target(%arg10 : memref<128x128xf32, #tpu.memory_space<vmem>>) offsets(%dma_start3A_110 : memref<128xi32, #tpu.memory_space<vmem>>) semaphore(%arg23 : memref<!tpu.dma_semaphore, #tpu.memory_space<semaphore_mem>>)
    %dma_start3A_114 = arith.constant 128 : i32
    %dma_start3A_115 = tpu.memref_slice %arg8[%dma_start3A_114] : memref<1024xi32, #tpu.memory_space<vmem>> -> memref<128xi32, #tpu.memory_space<vmem>>
    %dma_start3A_116 = arith.constant 0 : i32
    %dma_start3A_117 = arith.constant 0 : i32
    %dma_start3A_118 = tpu.memref_slice %arg19[%dma_start3A_116, %dma_start3A_117] : memref<1024x128xf32, #tpu.memory_space<vmem_shared>> -> memref<1024x128xf32, #tpu.memory_space<vmem_shared>>
    tpu.enqueue_indirect_dma source(%dma_start3A_118 : memref<1024x128xf32, #tpu.memory_space<vmem_shared>>) target(%arg12 : memref<128x128xf32, #tpu.memory_space<vmem>>) offsets(%dma_start3A_115 : memref<128xi32, #tpu.memory_space<vmem>>) semaphore(%arg25 : memref<!tpu.dma_semaphore, #tpu.memory_space<semaphore_mem>>)
    %dma_wait3A_119 = arith.constant 128 : i32
    %dma_wait3A_120 = tpu.memref_slice %arg8[%dma_wait3A_119] : memref<1024xi32, #tpu.memory_space<vmem>> -> memref<128xi32, #tpu.memory_space<vmem>>
    %dma_wait3A_121 = arith.constant 0 : i32
    %dma_wait3A_122 = arith.constant 0 : i32
    %dma_wait3A_123 = tpu.memref_slice %arg18[%dma_wait3A_121, %dma_wait3A_122] : memref<1024x128xf32, #tpu.memory_space<vmem_shared>> -> memref<1024x128xf32, #tpu.memory_space<vmem_shared>>
    tpu.wait_indirect_dma semaphore(%arg23 : memref<!tpu.dma_semaphore, #tpu.memory_space<semaphore_mem>>) src(%dma_wait3A_123 : memref<1024x128xf32, #tpu.memory_space<vmem_shared>>) dst(%arg10 : memref<128x128xf32, #tpu.memory_space<vmem>>)
    %dma_wait3A_124 = arith.constant 128 : i32
    %dma_wait3A_125 = tpu.memref_slice %arg8[%dma_wait3A_124] : memref<1024xi32, #tpu.memory_space<vmem>> -> memref<128xi32, #tpu.memory_space<vmem>>
    %dma_wait3A_126 = arith.constant 0 : i32
    %dma_wait3A_127 = arith.constant 0 : i32
    %dma_wait3A_128 = tpu.memref_slice %arg19[%dma_wait3A_126, %dma_wait3A_127] : memref<1024x128xf32, #tpu.memory_space<vmem_shared>> -> memref<1024x128xf32, #tpu.memory_space<vmem_shared>>
    tpu.wait_indirect_dma semaphore(%arg25 : memref<!tpu.dma_semaphore, #tpu.memory_space<semaphore_mem>>) src(%dma_wait3A_128 : memref<1024x128xf32, #tpu.memory_space<vmem_shared>>) dst(%arg12 : memref<128x128xf32, #tpu.memory_space<vmem>>)
    %dma_start3A_129 = arith.constant 0 : i32
    %dma_start3A_130 = tpu.memref_slice %arg6[%add3A_108, %dma_start3A_129] : memref<32768x128xf32, #tpu.memory_space<hbm>> -> memref<128x128xf32, #tpu.memory_space<hbm>>
    %dma_start3A_131 = arith.constant 0 : i32
    %dma_start3A_132 = tpu.memref_slice %arg6[%add3A_108, %dma_start3A_131] : memref<32768x128xf32, #tpu.memory_space<hbm>> -> memref<128x128xf32, #tpu.memory_space<hbm>>
    tpu.enqueue_dma source(%arg10 : memref<128x128xf32, #tpu.memory_space<vmem>>) target(%dma_start3A_132 : memref<128x128xf32, #tpu.memory_space<hbm>>) target_semaphore(%arg27 : memref<!tpu.dma_semaphore, #tpu.memory_space<semaphore_mem>>)
    %dma_start3A_133 = arith.constant 0 : i32
    %dma_start3A_134 = tpu.memref_slice %arg7[%add3A_108, %dma_start3A_133] : memref<32768x128xf32, #tpu.memory_space<hbm>> -> memref<128x128xf32, #tpu.memory_space<hbm>>
    %dma_start3A_135 = arith.constant 0 : i32
    %dma_start3A_136 = tpu.memref_slice %arg7[%add3A_108, %dma_start3A_135] : memref<32768x128xf32, #tpu.memory_space<hbm>> -> memref<128x128xf32, #tpu.memory_space<hbm>>
    tpu.enqueue_dma source(%arg12 : memref<128x128xf32, #tpu.memory_space<vmem>>) target(%dma_start3A_136 : memref<128x128xf32, #tpu.memory_space<hbm>>) target_semaphore(%arg29 : memref<!tpu.dma_semaphore, #tpu.memory_space<semaphore_mem>>)
    %add3A_137 = arith.constant 256 : i32
    %add3A_138 = arith.addi %mul3A_4, %add3A_137 : i32
    %dma_wait3A_139 = arith.constant 0 : i32
    %dma_wait3A_140 = tpu.memref_slice %arg6[%add3A_78, %dma_wait3A_139] : memref<32768x128xf32, #tpu.memory_space<hbm>> -> memref<128x128xf32, #tpu.memory_space<hbm>>
    %dma_wait3A_141 = arith.constant 0 : i32
    %dma_wait3A_142 = tpu.memref_slice %arg6[%add3A_78, %dma_wait3A_141] : memref<32768x128xf32, #tpu.memory_space<hbm>> -> memref<128x128xf32, #tpu.memory_space<hbm>>
    tpu.wait_dma2 semaphore(%arg26 : memref<!tpu.dma_semaphore, #tpu.memory_space<semaphore_mem>>) src(%arg9 : memref<128x128xf32, #tpu.memory_space<vmem>>) dst(%dma_wait3A_142 : memref<128x128xf32, #tpu.memory_space<hbm>>)
    %dma_wait3A_143 = arith.constant 0 : i32
    %dma_wait3A_144 = tpu.memref_slice %arg7[%add3A_78, %dma_wait3A_143] : memref<32768x128xf32, #tpu.memory_space<hbm>> -> memref<128x128xf32, #tpu.memory_space<hbm>>
    %dma_wait3A_145 = arith.constant 0 : i32
    %dma_wait3A_146 = tpu.memref_slice %arg7[%add3A_78, %dma_wait3A_145] : memref<32768x128xf32, #tpu.memory_space<hbm>> -> memref<128x128xf32, #tpu.memory_space<hbm>>
    tpu.wait_dma2 semaphore(%arg28 : memref<!tpu.dma_semaphore, #tpu.memory_space<semaphore_mem>>) src(%arg11 : memref<128x128xf32, #tpu.memory_space<vmem>>) dst(%dma_wait3A_146 : memref<128x128xf32, #tpu.memory_space<hbm>>)
    %dma_start3A_147 = arith.constant 256 : i32
    %dma_start3A_148 = tpu.memref_slice %arg8[%dma_start3A_147] : memref<1024xi32, #tpu.memory_space<vmem>> -> memref<128xi32, #tpu.memory_space<vmem>>
    %dma_start3A_149 = arith.constant 0 : i32
    %dma_start3A_150 = arith.constant 0 : i32
    %dma_start3A_151 = tpu.memref_slice %arg18[%dma_start3A_149, %dma_start3A_150] : memref<1024x128xf32, #tpu.memory_space<vmem_shared>> -> memref<1024x128xf32, #tpu.memory_space<vmem_shared>>
    tpu.enqueue_indirect_dma source(%dma_start3A_151 : memref<1024x128xf32, #tpu.memory_space<vmem_shared>>) target(%arg9 : memref<128x128xf32, #tpu.memory_space<vmem>>) offsets(%dma_start3A_148 : memref<128xi32, #tpu.memory_space<vmem>>) semaphore(%arg22 : memref<!tpu.dma_semaphore, #tpu.memory_space<semaphore_mem>>)
    %dma_start3A_152 = arith.constant 256 : i32
    %dma_start3A_153 = tpu.memref_slice %arg8[%dma_start3A_152] : memref<1024xi32, #tpu.memory_space<vmem>> -> memref<128xi32, #tpu.memory_space<vmem>>
    %dma_start3A_154 = arith.constant 0 : i32
    %dma_start3A_155 = arith.constant 0 : i32
    %dma_start3A_156 = tpu.memref_slice %arg19[%dma_start3A_154, %dma_start3A_155] : memref<1024x128xf32, #tpu.memory_space<vmem_shared>> -> memref<1024x128xf32, #tpu.memory_space<vmem_shared>>
    tpu.enqueue_indirect_dma source(%dma_start3A_156 : memref<1024x128xf32, #tpu.memory_space<vmem_shared>>) target(%arg11 : memref<128x128xf32, #tpu.memory_space<vmem>>) offsets(%dma_start3A_153 : memref<128xi32, #tpu.memory_space<vmem>>) semaphore(%arg24 : memref<!tpu.dma_semaphore, #tpu.memory_space<semaphore_mem>>)
    %dma_wait3A_157 = arith.constant 256 : i32
    %dma_wait3A_158 = tpu.memref_slice %arg8[%dma_wait3A_157] : memref<1024xi32, #tpu.memory_space<vmem>> -> memref<128xi32, #tpu.memory_space<vmem>>
    %dma_wait3A_159 = arith.constant 0 : i32
    %dma_wait3A_160 = arith.constant 0 : i32
    %dma_wait3A_161 = tpu.memref_slice %arg18[%dma_wait3A_159, %dma_wait3A_160] : memref<1024x128xf32, #tpu.memory_space<vmem_shared>> -> memref<1024x128xf32, #tpu.memory_space<vmem_shared>>
    tpu.wait_indirect_dma semaphore(%arg22 : memref<!tpu.dma_semaphore, #tpu.memory_space<semaphore_mem>>) src(%dma_wait3A_161 : memref<1024x128xf32, #tpu.memory_space<vmem_shared>>) dst(%arg9 : memref<128x128xf32, #tpu.memory_space<vmem>>)
    %dma_wait3A_162 = arith.constant 256 : i32
    %dma_wait3A_163 = tpu.memref_slice %arg8[%dma_wait3A_162] : memref<1024xi32, #tpu.memory_space<vmem>> -> memref<128xi32, #tpu.memory_space<vmem>>
    %dma_wait3A_164 = arith.constant 0 : i32
    %dma_wait3A_165 = arith.constant 0 : i32
    %dma_wait3A_166 = tpu.memref_slice %arg19[%dma_wait3A_164, %dma_wait3A_165] : memref<1024x128xf32, #tpu.memory_space<vmem_shared>> -> memref<1024x128xf32, #tpu.memory_space<vmem_shared>>
    tpu.wait_indirect_dma semaphore(%arg24 : memref<!tpu.dma_semaphore, #tpu.memory_space<semaphore_mem>>) src(%dma_wait3A_166 : memref<1024x128xf32, #tpu.memory_space<vmem_shared>>) dst(%arg11 : memref<128x128xf32, #tpu.memory_space<vmem>>)
    %dma_start3A_167 = arith.constant 0 : i32
    %dma_start3A_168 = tpu.memref_slice %arg6[%add3A_138, %dma_start3A_167] : memref<32768x128xf32, #tpu.memory_space<hbm>> -> memref<128x128xf32, #tpu.memory_space<hbm>>
    %dma_start3A_169 = arith.constant 0 : i32
    %dma_start3A_170 = tpu.memref_slice %arg6[%add3A_138, %dma_start3A_169] : memref<32768x128xf32, #tpu.memory_space<hbm>> -> memref<128x128xf32, #tpu.memory_space<hbm>>
    tpu.enqueue_dma source(%arg9 : memref<128x128xf32, #tpu.memory_space<vmem>>) target(%dma_start3A_170 : memref<128x128xf32, #tpu.memory_space<hbm>>) target_semaphore(%arg26 : memref<!tpu.dma_semaphore, #tpu.memory_space<semaphore_mem>>)
    %dma_start3A_171 = arith.constant 0 : i32
    %dma_start3A_172 = tpu.memref_slice %arg7[%add3A_138, %dma_start3A_171] : memref<32768x128xf32, #tpu.memory_space<hbm>> -> memref<128x128xf32, #tpu.memory_space<hbm>>
    %dma_start3A_173 = arith.constant 0 : i32
    %dma_start3A_174 = tpu.memref_slice %arg7[%add3A_138, %dma_start3A_173] : memref<32768x128xf32, #tpu.memory_space<hbm>> -> memref<128x128xf32, #tpu.memory_space<hbm>>
    tpu.enqueue_dma source(%arg11 : memref<128x128xf32, #tpu.memory_space<vmem>>) target(%dma_start3A_174 : memref<128x128xf32, #tpu.memory_space<hbm>>) target_semaphore(%arg28 : memref<!tpu.dma_semaphore, #tpu.memory_space<semaphore_mem>>)
    %add3A_175 = arith.constant 384 : i32
    %add3A_176 = arith.addi %mul3A_4, %add3A_175 : i32
    %dma_wait3A_177 = arith.constant 0 : i32
    %dma_wait3A_178 = tpu.memref_slice %arg6[%add3A_108, %dma_wait3A_177] : memref<32768x128xf32, #tpu.memory_space<hbm>> -> memref<128x128xf32, #tpu.memory_space<hbm>>
    %dma_wait3A_179 = arith.constant 0 : i32
    %dma_wait3A_180 = tpu.memref_slice %arg6[%add3A_108, %dma_wait3A_179] : memref<32768x128xf32, #tpu.memory_space<hbm>> -> memref<128x128xf32, #tpu.memory_space<hbm>>
    tpu.wait_dma2 semaphore(%arg27 : memref<!tpu.dma_semaphore, #tpu.memory_space<semaphore_mem>>) src(%arg10 : memref<128x128xf32, #tpu.memory_space<vmem>>) dst(%dma_wait3A_180 : memref<128x128xf32, #tpu.memory_space<hbm>>)
    %dma_wait3A_181 = arith.constant 0 : i32
    %dma_wait3A_182 = tpu.memref_slice %arg7[%add3A_108, %dma_wait3A_181] : memref<32768x128xf32, #tpu.memory_space<hbm>> -> memref<128x128xf32, #tpu.memory_space<hbm>>
    %dma_wait3A_183 = arith.constant 0 : i32
    %dma_wait3A_184 = tpu.memref_slice %arg7[%add3A_108, %dma_wait3A_183] : memref<32768x128xf32, #tpu.memory_space<hbm>> -> memref<128x128xf32, #tpu.memory_space<hbm>>
    tpu.wait_dma2 semaphore(%arg29 : memref<!tpu.dma_semaphore, #tpu.memory_space<semaphore_mem>>) src(%arg12 : memref<128x128xf32, #tpu.memory_space<vmem>>) dst(%dma_wait3A_184 : memref<128x128xf32, #tpu.memory_space<hbm>>)
    %dma_start3A_185 = arith.constant 384 : i32
    %dma_start3A_186 = tpu.memref_slice %arg8[%dma_start3A_185] : memref<1024xi32, #tpu.memory_space<vmem>> -> memref<128xi32, #tpu.memory_space<vmem>>
    %dma_start3A_187 = arith.constant 0 : i32
    %dma_start3A_188 = arith.constant 0 : i32
    %dma_start3A_189 = tpu.memref_slice %arg18[%dma_start3A_187, %dma_start3A_188] : memref<1024x128xf32, #tpu.memory_space<vmem_shared>> -> memref<1024x128xf32, #tpu.memory_space<vmem_shared>>
    tpu.enqueue_indirect_dma source(%dma_start3A_189 : memref<1024x128xf32, #tpu.memory_space<vmem_shared>>) target(%arg10 : memref<128x128xf32, #tpu.memory_space<vmem>>) offsets(%dma_start3A_186 : memref<128xi32, #tpu.memory_space<vmem>>) semaphore(%arg23 : memref<!tpu.dma_semaphore, #tpu.memory_space<semaphore_mem>>)
    %dma_start3A_190 = arith.constant 384 : i32
    %dma_start3A_191 = tpu.memref_slice %arg8[%dma_start3A_190] : memref<1024xi32, #tpu.memory_space<vmem>> -> memref<128xi32, #tpu.memory_space<vmem>>
    %dma_start3A_192 = arith.constant 0 : i32
    %dma_start3A_193 = arith.constant 0 : i32
    %dma_start3A_194 = tpu.memref_slice %arg19[%dma_start3A_192, %dma_start3A_193] : memref<1024x128xf32, #tpu.memory_space<vmem_shared>> -> memref<1024x128xf32, #tpu.memory_space<vmem_shared>>
    tpu.enqueue_indirect_dma source(%dma_start3A_194 : memref<1024x128xf32, #tpu.memory_space<vmem_shared>>) target(%arg12 : memref<128x128xf32, #tpu.memory_space<vmem>>) offsets(%dma_start3A_191 : memref<128xi32, #tpu.memory_space<vmem>>) semaphore(%arg25 : memref<!tpu.dma_semaphore, #tpu.memory_space<semaphore_mem>>)
    %dma_wait3A_195 = arith.constant 384 : i32
    %dma_wait3A_196 = tpu.memref_slice %arg8[%dma_wait3A_195] : memref<1024xi32, #tpu.memory_space<vmem>> -> memref<128xi32, #tpu.memory_space<vmem>>
    %dma_wait3A_197 = arith.constant 0 : i32
    %dma_wait3A_198 = arith.constant 0 : i32
    %dma_wait3A_199 = tpu.memref_slice %arg18[%dma_wait3A_197, %dma_wait3A_198] : memref<1024x128xf32, #tpu.memory_space<vmem_shared>> -> memref<1024x128xf32, #tpu.memory_space<vmem_shared>>
    tpu.wait_indirect_dma semaphore(%arg23 : memref<!tpu.dma_semaphore, #tpu.memory_space<semaphore_mem>>) src(%dma_wait3A_199 : memref<1024x128xf32, #tpu.memory_space<vmem_shared>>) dst(%arg10 : memref<128x128xf32, #tpu.memory_space<vmem>>)
    %dma_wait3A_200 = arith.constant 384 : i32
    %dma_wait3A_201 = tpu.memref_slice %arg8[%dma_wait3A_200] : memref<1024xi32, #tpu.memory_space<vmem>> -> memref<128xi32, #tpu.memory_space<vmem>>
    %dma_wait3A_202 = arith.constant 0 : i32
    %dma_wait3A_203 = arith.constant 0 : i32
    %dma_wait3A_204 = tpu.memref_slice %arg19[%dma_wait3A_202, %dma_wait3A_203] : memref<1024x128xf32, #tpu.memory_space<vmem_shared>> -> memref<1024x128xf32, #tpu.memory_space<vmem_shared>>
    tpu.wait_indirect_dma semaphore(%arg25 : memref<!tpu.dma_semaphore, #tpu.memory_space<semaphore_mem>>) src(%dma_wait3A_204 : memref<1024x128xf32, #tpu.memory_space<vmem_shared>>) dst(%arg12 : memref<128x128xf32, #tpu.memory_space<vmem>>)
    %dma_start3A_205 = arith.constant 0 : i32
    %dma_start3A_206 = tpu.memref_slice %arg6[%add3A_176, %dma_start3A_205] : memref<32768x128xf32, #tpu.memory_space<hbm>> -> memref<128x128xf32, #tpu.memory_space<hbm>>
    %dma_start3A_207 = arith.constant 0 : i32
    %dma_start3A_208 = tpu.memref_slice %arg6[%add3A_176, %dma_start3A_207] : memref<32768x128xf32, #tpu.memory_space<hbm>> -> memref<128x128xf32, #tpu.memory_space<hbm>>
    tpu.enqueue_dma source(%arg10 : memref<128x128xf32, #tpu.memory_space<vmem>>) target(%dma_start3A_208 : memref<128x128xf32, #tpu.memory_space<hbm>>) target_semaphore(%arg27 : memref<!tpu.dma_semaphore, #tpu.memory_space<semaphore_mem>>)
    %dma_start3A_209 = arith.constant 0 : i32
    %dma_start3A_210 = tpu.memref_slice %arg7[%add3A_176, %dma_start3A_209] : memref<32768x128xf32, #tpu.memory_space<hbm>> -> memref<128x128xf32, #tpu.memory_space<hbm>>
    %dma_start3A_211 = arith.constant 0 : i32
    %dma_start3A_212 = tpu.memref_slice %arg7[%add3A_176, %dma_start3A_211] : memref<32768x128xf32, #tpu.memory_space<hbm>> -> memref<128x128xf32, #tpu.memory_space<hbm>>
    tpu.enqueue_dma source(%arg12 : memref<128x128xf32, #tpu.memory_space<vmem>>) target(%dma_start3A_212 : memref<128x128xf32, #tpu.memory_space<hbm>>) target_semaphore(%arg29 : memref<!tpu.dma_semaphore, #tpu.memory_space<semaphore_mem>>)
    %add3A_213 = arith.constant 512 : i32
    %add3A_214 = arith.addi %mul3A_4, %add3A_213 : i32
    %dma_wait3A_215 = arith.constant 0 : i32
    %dma_wait3A_216 = tpu.memref_slice %arg6[%add3A_138, %dma_wait3A_215] : memref<32768x128xf32, #tpu.memory_space<hbm>> -> memref<128x128xf32, #tpu.memory_space<hbm>>
    %dma_wait3A_217 = arith.constant 0 : i32
    %dma_wait3A_218 = tpu.memref_slice %arg6[%add3A_138, %dma_wait3A_217] : memref<32768x128xf32, #tpu.memory_space<hbm>> -> memref<128x128xf32, #tpu.memory_space<hbm>>
    tpu.wait_dma2 semaphore(%arg26 : memref<!tpu.dma_semaphore, #tpu.memory_space<semaphore_mem>>) src(%arg9 : memref<128x128xf32, #tpu.memory_space<vmem>>) dst(%dma_wait3A_218 : memref<128x128xf32, #tpu.memory_space<hbm>>)
    %dma_wait3A_219 = arith.constant 0 : i32
    %dma_wait3A_220 = tpu.memref_slice %arg7[%add3A_138, %dma_wait3A_219] : memref<32768x128xf32, #tpu.memory_space<hbm>> -> memref<128x128xf32, #tpu.memory_space<hbm>>
    %dma_wait3A_221 = arith.constant 0 : i32
    %dma_wait3A_222 = tpu.memref_slice %arg7[%add3A_138, %dma_wait3A_221] : memref<32768x128xf32, #tpu.memory_space<hbm>> -> memref<128x128xf32, #tpu.memory_space<hbm>>
    tpu.wait_dma2 semaphore(%arg28 : memref<!tpu.dma_semaphore, #tpu.memory_space<semaphore_mem>>) src(%arg11 : memref<128x128xf32, #tpu.memory_space<vmem>>) dst(%dma_wait3A_222 : memref<128x128xf32, #tpu.memory_space<hbm>>)
    %dma_start3A_223 = arith.constant 512 : i32
    %dma_start3A_224 = tpu.memref_slice %arg8[%dma_start3A_223] : memref<1024xi32, #tpu.memory_space<vmem>> -> memref<128xi32, #tpu.memory_space<vmem>>
    %dma_start3A_225 = arith.constant 0 : i32
    %dma_start3A_226 = arith.constant 0 : i32
    %dma_start3A_227 = tpu.memref_slice %arg18[%dma_start3A_225, %dma_start3A_226] : memref<1024x128xf32, #tpu.memory_space<vmem_shared>> -> memref<1024x128xf32, #tpu.memory_space<vmem_shared>>
    tpu.enqueue_indirect_dma source(%dma_start3A_227 : memref<1024x128xf32, #tpu.memory_space<vmem_shared>>) target(%arg9 : memref<128x128xf32, #tpu.memory_space<vmem>>) offsets(%dma_start3A_224 : memref<128xi32, #tpu.memory_space<vmem>>) semaphore(%arg22 : memref<!tpu.dma_semaphore, #tpu.memory_space<semaphore_mem>>)
    %dma_start3A_228 = arith.constant 512 : i32
    %dma_start3A_229 = tpu.memref_slice %arg8[%dma_start3A_228] : memref<1024xi32, #tpu.memory_space<vmem>> -> memref<128xi32, #tpu.memory_space<vmem>>
    %dma_start3A_230 = arith.constant 0 : i32
    %dma_start3A_231 = arith.constant 0 : i32
    %dma_start3A_232 = tpu.memref_slice %arg19[%dma_start3A_230, %dma_start3A_231] : memref<1024x128xf32, #tpu.memory_space<vmem_shared>> -> memref<1024x128xf32, #tpu.memory_space<vmem_shared>>
    tpu.enqueue_indirect_dma source(%dma_start3A_232 : memref<1024x128xf32, #tpu.memory_space<vmem_shared>>) target(%arg11 : memref<128x128xf32, #tpu.memory_space<vmem>>) offsets(%dma_start3A_229 : memref<128xi32, #tpu.memory_space<vmem>>) semaphore(%arg24 : memref<!tpu.dma_semaphore, #tpu.memory_space<semaphore_mem>>)
    %dma_wait3A_233 = arith.constant 512 : i32
    %dma_wait3A_234 = tpu.memref_slice %arg8[%dma_wait3A_233] : memref<1024xi32, #tpu.memory_space<vmem>> -> memref<128xi32, #tpu.memory_space<vmem>>
    %dma_wait3A_235 = arith.constant 0 : i32
    %dma_wait3A_236 = arith.constant 0 : i32
    %dma_wait3A_237 = tpu.memref_slice %arg18[%dma_wait3A_235, %dma_wait3A_236] : memref<1024x128xf32, #tpu.memory_space<vmem_shared>> -> memref<1024x128xf32, #tpu.memory_space<vmem_shared>>
    tpu.wait_indirect_dma semaphore(%arg22 : memref<!tpu.dma_semaphore, #tpu.memory_space<semaphore_mem>>) src(%dma_wait3A_237 : memref<1024x128xf32, #tpu.memory_space<vmem_shared>>) dst(%arg9 : memref<128x128xf32, #tpu.memory_space<vmem>>)
    %dma_wait3A_238 = arith.constant 512 : i32
    %dma_wait3A_239 = tpu.memref_slice %arg8[%dma_wait3A_238] : memref<1024xi32, #tpu.memory_space<vmem>> -> memref<128xi32, #tpu.memory_space<vmem>>
    %dma_wait3A_240 = arith.constant 0 : i32
    %dma_wait3A_241 = arith.constant 0 : i32
    %dma_wait3A_242 = tpu.memref_slice %arg19[%dma_wait3A_240, %dma_wait3A_241] : memref<1024x128xf32, #tpu.memory_space<vmem_shared>> -> memref<1024x128xf32, #tpu.memory_space<vmem_shared>>
    tpu.wait_indirect_dma semaphore(%arg24 : memref<!tpu.dma_semaphore, #tpu.memory_space<semaphore_mem>>) src(%dma_wait3A_242 : memref<1024x128xf32, #tpu.memory_space<vmem_shared>>) dst(%arg11 : memref<128x128xf32, #tpu.memory_space<vmem>>)
    %dma_start3A_243 = arith.constant 0 : i32
    %dma_start3A_244 = tpu.memref_slice %arg6[%add3A_214, %dma_start3A_243] : memref<32768x128xf32, #tpu.memory_space<hbm>> -> memref<128x128xf32, #tpu.memory_space<hbm>>
    %dma_start3A_245 = arith.constant 0 : i32
    %dma_start3A_246 = tpu.memref_slice %arg6[%add3A_214, %dma_start3A_245] : memref<32768x128xf32, #tpu.memory_space<hbm>> -> memref<128x128xf32, #tpu.memory_space<hbm>>
    tpu.enqueue_dma source(%arg9 : memref<128x128xf32, #tpu.memory_space<vmem>>) target(%dma_start3A_246 : memref<128x128xf32, #tpu.memory_space<hbm>>) target_semaphore(%arg26 : memref<!tpu.dma_semaphore, #tpu.memory_space<semaphore_mem>>)
    %dma_start3A_247 = arith.constant 0 : i32
    %dma_start3A_248 = tpu.memref_slice %arg7[%add3A_214, %dma_start3A_247] : memref<32768x128xf32, #tpu.memory_space<hbm>> -> memref<128x128xf32, #tpu.memory_space<hbm>>
    %dma_start3A_249 = arith.constant 0 : i32
    %dma_start3A_250 = tpu.memref_slice %arg7[%add3A_214, %dma_start3A_249] : memref<32768x128xf32, #tpu.memory_space<hbm>> -> memref<128x128xf32, #tpu.memory_space<hbm>>
    tpu.enqueue_dma source(%arg11 : memref<128x128xf32, #tpu.memory_space<vmem>>) target(%dma_start3A_250 : memref<128x128xf32, #tpu.memory_space<hbm>>) target_semaphore(%arg28 : memref<!tpu.dma_semaphore, #tpu.memory_space<semaphore_mem>>)
    %add3A_251 = arith.constant 640 : i32
    %add3A_252 = arith.addi %mul3A_4, %add3A_251 : i32
    %dma_wait3A_253 = arith.constant 0 : i32
    %dma_wait3A_254 = tpu.memref_slice %arg6[%add3A_176, %dma_wait3A_253] : memref<32768x128xf32, #tpu.memory_space<hbm>> -> memref<128x128xf32, #tpu.memory_space<hbm>>
    %dma_wait3A_255 = arith.constant 0 : i32
    %dma_wait3A_256 = tpu.memref_slice %arg6[%add3A_176, %dma_wait3A_255] : memref<32768x128xf32, #tpu.memory_space<hbm>> -> memref<128x128xf32, #tpu.memory_space<hbm>>
    tpu.wait_dma2 semaphore(%arg27 : memref<!tpu.dma_semaphore, #tpu.memory_space<semaphore_mem>>) src(%arg10 : memref<128x128xf32, #tpu.memory_space<vmem>>) dst(%dma_wait3A_256 : memref<128x128xf32, #tpu.memory_space<hbm>>)
    %dma_wait3A_257 = arith.constant 0 : i32
    %dma_wait3A_258 = tpu.memref_slice %arg7[%add3A_176, %dma_wait3A_257] : memref<32768x128xf32, #tpu.memory_space<hbm>> -> memref<128x128xf32, #tpu.memory_space<hbm>>
    %dma_wait3A_259 = arith.constant 0 : i32
    %dma_wait3A_260 = tpu.memref_slice %arg7[%add3A_176, %dma_wait3A_259] : memref<32768x128xf32, #tpu.memory_space<hbm>> -> memref<128x128xf32, #tpu.memory_space<hbm>>
    tpu.wait_dma2 semaphore(%arg29 : memref<!tpu.dma_semaphore, #tpu.memory_space<semaphore_mem>>) src(%arg12 : memref<128x128xf32, #tpu.memory_space<vmem>>) dst(%dma_wait3A_260 : memref<128x128xf32, #tpu.memory_space<hbm>>)
    %dma_start3A_261 = arith.constant 640 : i32
    %dma_start3A_262 = tpu.memref_slice %arg8[%dma_start3A_261] : memref<1024xi32, #tpu.memory_space<vmem>> -> memref<128xi32, #tpu.memory_space<vmem>>
    %dma_start3A_263 = arith.constant 0 : i32
    %dma_start3A_264 = arith.constant 0 : i32
    %dma_start3A_265 = tpu.memref_slice %arg18[%dma_start3A_263, %dma_start3A_264] : memref<1024x128xf32, #tpu.memory_space<vmem_shared>> -> memref<1024x128xf32, #tpu.memory_space<vmem_shared>>
    tpu.enqueue_indirect_dma source(%dma_start3A_265 : memref<1024x128xf32, #tpu.memory_space<vmem_shared>>) target(%arg10 : memref<128x128xf32, #tpu.memory_space<vmem>>) offsets(%dma_start3A_262 : memref<128xi32, #tpu.memory_space<vmem>>) semaphore(%arg23 : memref<!tpu.dma_semaphore, #tpu.memory_space<semaphore_mem>>)
    %dma_start3A_266 = arith.constant 640 : i32
    %dma_start3A_267 = tpu.memref_slice %arg8[%dma_start3A_266] : memref<1024xi32, #tpu.memory_space<vmem>> -> memref<128xi32, #tpu.memory_space<vmem>>
    %dma_start3A_268 = arith.constant 0 : i32
    %dma_start3A_269 = arith.constant 0 : i32
    %dma_start3A_270 = tpu.memref_slice %arg19[%dma_start3A_268, %dma_start3A_269] : memref<1024x128xf32, #tpu.memory_space<vmem_shared>> -> memref<1024x128xf32, #tpu.memory_space<vmem_shared>>
    tpu.enqueue_indirect_dma source(%dma_start3A_270 : memref<1024x128xf32, #tpu.memory_space<vmem_shared>>) target(%arg12 : memref<128x128xf32, #tpu.memory_space<vmem>>) offsets(%dma_start3A_267 : memref<128xi32, #tpu.memory_space<vmem>>) semaphore(%arg25 : memref<!tpu.dma_semaphore, #tpu.memory_space<semaphore_mem>>)
    %dma_wait3A_271 = arith.constant 640 : i32
    %dma_wait3A_272 = tpu.memref_slice %arg8[%dma_wait3A_271] : memref<1024xi32, #tpu.memory_space<vmem>> -> memref<128xi32, #tpu.memory_space<vmem>>
    %dma_wait3A_273 = arith.constant 0 : i32
    %dma_wait3A_274 = arith.constant 0 : i32
    %dma_wait3A_275 = tpu.memref_slice %arg18[%dma_wait3A_273, %dma_wait3A_274] : memref<1024x128xf32, #tpu.memory_space<vmem_shared>> -> memref<1024x128xf32, #tpu.memory_space<vmem_shared>>
    tpu.wait_indirect_dma semaphore(%arg23 : memref<!tpu.dma_semaphore, #tpu.memory_space<semaphore_mem>>) src(%dma_wait3A_275 : memref<1024x128xf32, #tpu.memory_space<vmem_shared>>) dst(%arg10 : memref<128x128xf32, #tpu.memory_space<vmem>>)
    %dma_wait3A_276 = arith.constant 640 : i32
    %dma_wait3A_277 = tpu.memref_slice %arg8[%dma_wait3A_276] : memref<1024xi32, #tpu.memory_space<vmem>> -> memref<128xi32, #tpu.memory_space<vmem>>
    %dma_wait3A_278 = arith.constant 0 : i32
    %dma_wait3A_279 = arith.constant 0 : i32
    %dma_wait3A_280 = tpu.memref_slice %arg19[%dma_wait3A_278, %dma_wait3A_279] : memref<1024x128xf32, #tpu.memory_space<vmem_shared>> -> memref<1024x128xf32, #tpu.memory_space<vmem_shared>>
    tpu.wait_indirect_dma semaphore(%arg25 : memref<!tpu.dma_semaphore, #tpu.memory_space<semaphore_mem>>) src(%dma_wait3A_280 : memref<1024x128xf32, #tpu.memory_space<vmem_shared>>) dst(%arg12 : memref<128x128xf32, #tpu.memory_space<vmem>>)
    %dma_start3A_281 = arith.constant 0 : i32
    %dma_start3A_282 = tpu.memref_slice %arg6[%add3A_252, %dma_start3A_281] : memref<32768x128xf32, #tpu.memory_space<hbm>> -> memref<128x128xf32, #tpu.memory_space<hbm>>
    %dma_start3A_283 = arith.constant 0 : i32
    %dma_start3A_284 = tpu.memref_slice %arg6[%add3A_252, %dma_start3A_283] : memref<32768x128xf32, #tpu.memory_space<hbm>> -> memref<128x128xf32, #tpu.memory_space<hbm>>
    tpu.enqueue_dma source(%arg10 : memref<128x128xf32, #tpu.memory_space<vmem>>) target(%dma_start3A_284 : memref<128x128xf32, #tpu.memory_space<hbm>>) target_semaphore(%arg27 : memref<!tpu.dma_semaphore, #tpu.memory_space<semaphore_mem>>)
    %dma_start3A_285 = arith.constant 0 : i32
    %dma_start3A_286 = tpu.memref_slice %arg7[%add3A_252, %dma_start3A_285] : memref<32768x128xf32, #tpu.memory_space<hbm>> -> memref<128x128xf32, #tpu.memory_space<hbm>>
    %dma_start3A_287 = arith.constant 0 : i32
    %dma_start3A_288 = tpu.memref_slice %arg7[%add3A_252, %dma_start3A_287] : memref<32768x128xf32, #tpu.memory_space<hbm>> -> memref<128x128xf32, #tpu.memory_space<hbm>>
    tpu.enqueue_dma source(%arg12 : memref<128x128xf32, #tpu.memory_space<vmem>>) target(%dma_start3A_288 : memref<128x128xf32, #tpu.memory_space<hbm>>) target_semaphore(%arg29 : memref<!tpu.dma_semaphore, #tpu.memory_space<semaphore_mem>>)
    %add3A_289 = arith.constant 768 : i32
    %add3A_290 = arith.addi %mul3A_4, %add3A_289 : i32
    %dma_wait3A_291 = arith.constant 0 : i32
    %dma_wait3A_292 = tpu.memref_slice %arg6[%add3A_214, %dma_wait3A_291] : memref<32768x128xf32, #tpu.memory_space<hbm>> -> memref<128x128xf32, #tpu.memory_space<hbm>>
    %dma_wait3A_293 = arith.constant 0 : i32
    %dma_wait3A_294 = tpu.memref_slice %arg6[%add3A_214, %dma_wait3A_293] : memref<32768x128xf32, #tpu.memory_space<hbm>> -> memref<128x128xf32, #tpu.memory_space<hbm>>
    tpu.wait_dma2 semaphore(%arg26 : memref<!tpu.dma_semaphore, #tpu.memory_space<semaphore_mem>>) src(%arg9 : memref<128x128xf32, #tpu.memory_space<vmem>>) dst(%dma_wait3A_294 : memref<128x128xf32, #tpu.memory_space<hbm>>)
    %dma_wait3A_295 = arith.constant 0 : i32
    %dma_wait3A_296 = tpu.memref_slice %arg7[%add3A_214, %dma_wait3A_295] : memref<32768x128xf32, #tpu.memory_space<hbm>> -> memref<128x128xf32, #tpu.memory_space<hbm>>
    %dma_wait3A_297 = arith.constant 0 : i32
    %dma_wait3A_298 = tpu.memref_slice %arg7[%add3A_214, %dma_wait3A_297] : memref<32768x128xf32, #tpu.memory_space<hbm>> -> memref<128x128xf32, #tpu.memory_space<hbm>>
    tpu.wait_dma2 semaphore(%arg28 : memref<!tpu.dma_semaphore, #tpu.memory_space<semaphore_mem>>) src(%arg11 : memref<128x128xf32, #tpu.memory_space<vmem>>) dst(%dma_wait3A_298 : memref<128x128xf32, #tpu.memory_space<hbm>>)
    %dma_start3A_299 = arith.constant 768 : i32
    %dma_start3A_300 = tpu.memref_slice %arg8[%dma_start3A_299] : memref<1024xi32, #tpu.memory_space<vmem>> -> memref<128xi32, #tpu.memory_space<vmem>>
    %dma_start3A_301 = arith.constant 0 : i32
    %dma_start3A_302 = arith.constant 0 : i32
    %dma_start3A_303 = tpu.memref_slice %arg18[%dma_start3A_301, %dma_start3A_302] : memref<1024x128xf32, #tpu.memory_space<vmem_shared>> -> memref<1024x128xf32, #tpu.memory_space<vmem_shared>>
    tpu.enqueue_indirect_dma source(%dma_start3A_303 : memref<1024x128xf32, #tpu.memory_space<vmem_shared>>) target(%arg9 : memref<128x128xf32, #tpu.memory_space<vmem>>) offsets(%dma_start3A_300 : memref<128xi32, #tpu.memory_space<vmem>>) semaphore(%arg22 : memref<!tpu.dma_semaphore, #tpu.memory_space<semaphore_mem>>)
    %dma_start3A_304 = arith.constant 768 : i32
    %dma_start3A_305 = tpu.memref_slice %arg8[%dma_start3A_304] : memref<1024xi32, #tpu.memory_space<vmem>> -> memref<128xi32, #tpu.memory_space<vmem>>
    %dma_start3A_306 = arith.constant 0 : i32
    %dma_start3A_307 = arith.constant 0 : i32
    %dma_start3A_308 = tpu.memref_slice %arg19[%dma_start3A_306, %dma_start3A_307] : memref<1024x128xf32, #tpu.memory_space<vmem_shared>> -> memref<1024x128xf32, #tpu.memory_space<vmem_shared>>
    tpu.enqueue_indirect_dma source(%dma_start3A_308 : memref<1024x128xf32, #tpu.memory_space<vmem_shared>>) target(%arg11 : memref<128x128xf32, #tpu.memory_space<vmem>>) offsets(%dma_start3A_305 : memref<128xi32, #tpu.memory_space<vmem>>) semaphore(%arg24 : memref<!tpu.dma_semaphore, #tpu.memory_space<semaphore_mem>>)
    %dma_wait3A_309 = arith.constant 768 : i32
    %dma_wait3A_310 = tpu.memref_slice %arg8[%dma_wait3A_309] : memref<1024xi32, #tpu.memory_space<vmem>> -> memref<128xi32, #tpu.memory_space<vmem>>
    %dma_wait3A_311 = arith.constant 0 : i32
    %dma_wait3A_312 = arith.constant 0 : i32
    %dma_wait3A_313 = tpu.memref_slice %arg18[%dma_wait3A_311, %dma_wait3A_312] : memref<1024x128xf32, #tpu.memory_space<vmem_shared>> -> memref<1024x128xf32, #tpu.memory_space<vmem_shared>>
    tpu.wait_indirect_dma semaphore(%arg22 : memref<!tpu.dma_semaphore, #tpu.memory_space<semaphore_mem>>) src(%dma_wait3A_313 : memref<1024x128xf32, #tpu.memory_space<vmem_shared>>) dst(%arg9 : memref<128x128xf32, #tpu.memory_space<vmem>>)
    %dma_wait3A_314 = arith.constant 768 : i32
    %dma_wait3A_315 = tpu.memref_slice %arg8[%dma_wait3A_314] : memref<1024xi32, #tpu.memory_space<vmem>> -> memref<128xi32, #tpu.memory_space<vmem>>
    %dma_wait3A_316 = arith.constant 0 : i32
    %dma_wait3A_317 = arith.constant 0 : i32
    %dma_wait3A_318 = tpu.memref_slice %arg19[%dma_wait3A_316, %dma_wait3A_317] : memref<1024x128xf32, #tpu.memory_space<vmem_shared>> -> memref<1024x128xf32, #tpu.memory_space<vmem_shared>>
    tpu.wait_indirect_dma semaphore(%arg24 : memref<!tpu.dma_semaphore, #tpu.memory_space<semaphore_mem>>) src(%dma_wait3A_318 : memref<1024x128xf32, #tpu.memory_space<vmem_shared>>) dst(%arg11 : memref<128x128xf32, #tpu.memory_space<vmem>>)
    %dma_start3A_319 = arith.constant 0 : i32
    %dma_start3A_320 = tpu.memref_slice %arg6[%add3A_290, %dma_start3A_319] : memref<32768x128xf32, #tpu.memory_space<hbm>> -> memref<128x128xf32, #tpu.memory_space<hbm>>
    %dma_start3A_321 = arith.constant 0 : i32
    %dma_start3A_322 = tpu.memref_slice %arg6[%add3A_290, %dma_start3A_321] : memref<32768x128xf32, #tpu.memory_space<hbm>> -> memref<128x128xf32, #tpu.memory_space<hbm>>
    tpu.enqueue_dma source(%arg9 : memref<128x128xf32, #tpu.memory_space<vmem>>) target(%dma_start3A_322 : memref<128x128xf32, #tpu.memory_space<hbm>>) target_semaphore(%arg26 : memref<!tpu.dma_semaphore, #tpu.memory_space<semaphore_mem>>)
    %dma_start3A_323 = arith.constant 0 : i32
    %dma_start3A_324 = tpu.memref_slice %arg7[%add3A_290, %dma_start3A_323] : memref<32768x128xf32, #tpu.memory_space<hbm>> -> memref<128x128xf32, #tpu.memory_space<hbm>>
    %dma_start3A_325 = arith.constant 0 : i32
    %dma_start3A_326 = tpu.memref_slice %arg7[%add3A_290, %dma_start3A_325] : memref<32768x128xf32, #tpu.memory_space<hbm>> -> memref<128x128xf32, #tpu.memory_space<hbm>>
    tpu.enqueue_dma source(%arg11 : memref<128x128xf32, #tpu.memory_space<vmem>>) target(%dma_start3A_326 : memref<128x128xf32, #tpu.memory_space<hbm>>) target_semaphore(%arg28 : memref<!tpu.dma_semaphore, #tpu.memory_space<semaphore_mem>>)
    %add3A_327 = arith.constant 896 : i32
    %add3A_328 = arith.addi %mul3A_4, %add3A_327 : i32
    %dma_wait3A_329 = arith.constant 0 : i32
    %dma_wait3A_330 = tpu.memref_slice %arg6[%add3A_252, %dma_wait3A_329] : memref<32768x128xf32, #tpu.memory_space<hbm>> -> memref<128x128xf32, #tpu.memory_space<hbm>>
    %dma_wait3A_331 = arith.constant 0 : i32
    %dma_wait3A_332 = tpu.memref_slice %arg6[%add3A_252, %dma_wait3A_331] : memref<32768x128xf32, #tpu.memory_space<hbm>> -> memref<128x128xf32, #tpu.memory_space<hbm>>
    tpu.wait_dma2 semaphore(%arg27 : memref<!tpu.dma_semaphore, #tpu.memory_space<semaphore_mem>>) src(%arg10 : memref<128x128xf32, #tpu.memory_space<vmem>>) dst(%dma_wait3A_332 : memref<128x128xf32, #tpu.memory_space<hbm>>)
    %dma_wait3A_333 = arith.constant 0 : i32
    %dma_wait3A_334 = tpu.memref_slice %arg7[%add3A_252, %dma_wait3A_333] : memref<32768x128xf32, #tpu.memory_space<hbm>> -> memref<128x128xf32, #tpu.memory_space<hbm>>
    %dma_wait3A_335 = arith.constant 0 : i32
    %dma_wait3A_336 = tpu.memref_slice %arg7[%add3A_252, %dma_wait3A_335] : memref<32768x128xf32, #tpu.memory_space<hbm>> -> memref<128x128xf32, #tpu.memory_space<hbm>>
    tpu.wait_dma2 semaphore(%arg29 : memref<!tpu.dma_semaphore, #tpu.memory_space<semaphore_mem>>) src(%arg12 : memref<128x128xf32, #tpu.memory_space<vmem>>) dst(%dma_wait3A_336 : memref<128x128xf32, #tpu.memory_space<hbm>>)
    %dma_start3A_337 = arith.constant 896 : i32
    %dma_start3A_338 = tpu.memref_slice %arg8[%dma_start3A_337] : memref<1024xi32, #tpu.memory_space<vmem>> -> memref<128xi32, #tpu.memory_space<vmem>>
    %dma_start3A_339 = arith.constant 0 : i32
    %dma_start3A_340 = arith.constant 0 : i32
    %dma_start3A_341 = tpu.memref_slice %arg18[%dma_start3A_339, %dma_start3A_340] : memref<1024x128xf32, #tpu.memory_space<vmem_shared>> -> memref<1024x128xf32, #tpu.memory_space<vmem_shared>>
    tpu.enqueue_indirect_dma source(%dma_start3A_341 : memref<1024x128xf32, #tpu.memory_space<vmem_shared>>) target(%arg10 : memref<128x128xf32, #tpu.memory_space<vmem>>) offsets(%dma_start3A_338 : memref<128xi32, #tpu.memory_space<vmem>>) semaphore(%arg23 : memref<!tpu.dma_semaphore, #tpu.memory_space<semaphore_mem>>)
    %dma_start3A_342 = arith.constant 896 : i32
    %dma_start3A_343 = tpu.memref_slice %arg8[%dma_start3A_342] : memref<1024xi32, #tpu.memory_space<vmem>> -> memref<128xi32, #tpu.memory_space<vmem>>
    %dma_start3A_344 = arith.constant 0 : i32
    %dma_start3A_345 = arith.constant 0 : i32
    %dma_start3A_346 = tpu.memref_slice %arg19[%dma_start3A_344, %dma_start3A_345] : memref<1024x128xf32, #tpu.memory_space<vmem_shared>> -> memref<1024x128xf32, #tpu.memory_space<vmem_shared>>
    tpu.enqueue_indirect_dma source(%dma_start3A_346 : memref<1024x128xf32, #tpu.memory_space<vmem_shared>>) target(%arg12 : memref<128x128xf32, #tpu.memory_space<vmem>>) offsets(%dma_start3A_343 : memref<128xi32, #tpu.memory_space<vmem>>) semaphore(%arg25 : memref<!tpu.dma_semaphore, #tpu.memory_space<semaphore_mem>>)
    %dma_wait3A_347 = arith.constant 896 : i32
    %dma_wait3A_348 = tpu.memref_slice %arg8[%dma_wait3A_347] : memref<1024xi32, #tpu.memory_space<vmem>> -> memref<128xi32, #tpu.memory_space<vmem>>
    %dma_wait3A_349 = arith.constant 0 : i32
    %dma_wait3A_350 = arith.constant 0 : i32
    %dma_wait3A_351 = tpu.memref_slice %arg18[%dma_wait3A_349, %dma_wait3A_350] : memref<1024x128xf32, #tpu.memory_space<vmem_shared>> -> memref<1024x128xf32, #tpu.memory_space<vmem_shared>>
    tpu.wait_indirect_dma semaphore(%arg23 : memref<!tpu.dma_semaphore, #tpu.memory_space<semaphore_mem>>) src(%dma_wait3A_351 : memref<1024x128xf32, #tpu.memory_space<vmem_shared>>) dst(%arg10 : memref<128x128xf32, #tpu.memory_space<vmem>>)
    %dma_wait3A_352 = arith.constant 896 : i32
    %dma_wait3A_353 = tpu.memref_slice %arg8[%dma_wait3A_352] : memref<1024xi32, #tpu.memory_space<vmem>> -> memref<128xi32, #tpu.memory_space<vmem>>
    %dma_wait3A_354 = arith.constant 0 : i32
    %dma_wait3A_355 = arith.constant 0 : i32
    %dma_wait3A_356 = tpu.memref_slice %arg19[%dma_wait3A_354, %dma_wait3A_355] : memref<1024x128xf32, #tpu.memory_space<vmem_shared>> -> memref<1024x128xf32, #tpu.memory_space<vmem_shared>>
    tpu.wait_indirect_dma semaphore(%arg25 : memref<!tpu.dma_semaphore, #tpu.memory_space<semaphore_mem>>) src(%dma_wait3A_356 : memref<1024x128xf32, #tpu.memory_space<vmem_shared>>) dst(%arg12 : memref<128x128xf32, #tpu.memory_space<vmem>>)
    %dma_start3A_357 = arith.constant 0 : i32
    %dma_start3A_358 = tpu.memref_slice %arg6[%add3A_328, %dma_start3A_357] : memref<32768x128xf32, #tpu.memory_space<hbm>> -> memref<128x128xf32, #tpu.memory_space<hbm>>
    %dma_start3A_359 = arith.constant 0 : i32
    %dma_start3A_360 = tpu.memref_slice %arg6[%add3A_328, %dma_start3A_359] : memref<32768x128xf32, #tpu.memory_space<hbm>> -> memref<128x128xf32, #tpu.memory_space<hbm>>
    tpu.enqueue_dma source(%arg10 : memref<128x128xf32, #tpu.memory_space<vmem>>) target(%dma_start3A_360 : memref<128x128xf32, #tpu.memory_space<hbm>>) target_semaphore(%arg27 : memref<!tpu.dma_semaphore, #tpu.memory_space<semaphore_mem>>)
    %dma_start3A_361 = arith.constant 0 : i32
    %dma_start3A_362 = tpu.memref_slice %arg7[%add3A_328, %dma_start3A_361] : memref<32768x128xf32, #tpu.memory_space<hbm>> -> memref<128x128xf32, #tpu.memory_space<hbm>>
    %dma_start3A_363 = arith.constant 0 : i32
    %dma_start3A_364 = tpu.memref_slice %arg7[%add3A_328, %dma_start3A_363] : memref<32768x128xf32, #tpu.memory_space<hbm>> -> memref<128x128xf32, #tpu.memory_space<hbm>>
    tpu.enqueue_dma source(%arg12 : memref<128x128xf32, #tpu.memory_space<vmem>>) target(%dma_start3A_364 : memref<128x128xf32, #tpu.memory_space<hbm>>) target_semaphore(%arg29 : memref<!tpu.dma_semaphore, #tpu.memory_space<semaphore_mem>>)
    %dma_wait3A_365 = arith.constant 0 : i32
    %dma_wait3A_366 = tpu.memref_slice %arg6[%add3A_290, %dma_wait3A_365] : memref<32768x128xf32, #tpu.memory_space<hbm>> -> memref<128x128xf32, #tpu.memory_space<hbm>>
    %dma_wait3A_367 = arith.constant 0 : i32
    %dma_wait3A_368 = tpu.memref_slice %arg6[%add3A_290, %dma_wait3A_367] : memref<32768x128xf32, #tpu.memory_space<hbm>> -> memref<128x128xf32, #tpu.memory_space<hbm>>
    tpu.wait_dma2 semaphore(%arg26 : memref<!tpu.dma_semaphore, #tpu.memory_space<semaphore_mem>>) src(%arg9 : memref<128x128xf32, #tpu.memory_space<vmem>>) dst(%dma_wait3A_368 : memref<128x128xf32, #tpu.memory_space<hbm>>)
    %dma_wait3A_369 = arith.constant 0 : i32
    %dma_wait3A_370 = tpu.memref_slice %arg7[%add3A_290, %dma_wait3A_369] : memref<32768x128xf32, #tpu.memory_space<hbm>> -> memref<128x128xf32, #tpu.memory_space<hbm>>
    %dma_wait3A_371 = arith.constant 0 : i32
    %dma_wait3A_372 = tpu.memref_slice %arg7[%add3A_290, %dma_wait3A_371] : memref<32768x128xf32, #tpu.memory_space<hbm>> -> memref<128x128xf32, #tpu.memory_space<hbm>>
    tpu.wait_dma2 semaphore(%arg28 : memref<!tpu.dma_semaphore, #tpu.memory_space<semaphore_mem>>) src(%arg11 : memref<128x128xf32, #tpu.memory_space<vmem>>) dst(%dma_wait3A_372 : memref<128x128xf32, #tpu.memory_space<hbm>>)
    %dma_wait3A_373 = arith.constant 0 : i32
    %dma_wait3A_374 = tpu.memref_slice %arg6[%add3A_328, %dma_wait3A_373] : memref<32768x128xf32, #tpu.memory_space<hbm>> -> memref<128x128xf32, #tpu.memory_space<hbm>>
    %dma_wait3A_375 = arith.constant 0 : i32
    %dma_wait3A_376 = tpu.memref_slice %arg6[%add3A_328, %dma_wait3A_375] : memref<32768x128xf32, #tpu.memory_space<hbm>> -> memref<128x128xf32, #tpu.memory_space<hbm>>
    tpu.wait_dma2 semaphore(%arg27 : memref<!tpu.dma_semaphore, #tpu.memory_space<semaphore_mem>>) src(%arg10 : memref<128x128xf32, #tpu.memory_space<vmem>>) dst(%dma_wait3A_376 : memref<128x128xf32, #tpu.memory_space<hbm>>)
    %dma_wait3A_377 = arith.constant 0 : i32
    %dma_wait3A_378 = tpu.memref_slice %arg7[%add3A_328, %dma_wait3A_377] : memref<32768x128xf32, #tpu.memory_space<hbm>> -> memref<128x128xf32, #tpu.memory_space<hbm>>
    %dma_wait3A_379 = arith.constant 0 : i32
    %dma_wait3A_380 = tpu.memref_slice %arg7[%add3A_328, %dma_wait3A_379] : memref<32768x128xf32, #tpu.memory_space<hbm>> -> memref<128x128xf32, #tpu.memory_space<hbm>>
    tpu.wait_dma2 semaphore(%arg29 : memref<!tpu.dma_semaphore, #tpu.memory_space<semaphore_mem>>) src(%arg12 : memref<128x128xf32, #tpu.memory_space<vmem>>) dst(%dma_wait3A_380 : memref<128x128xf32, #tpu.memory_space<hbm>>)
    return
  }
}

module attributes {stable_mosaic.version = 14 : i64} {
  func.func @_hist_body(%arg0: i32, %arg1: memref<2048x1xi32, #tpu.memory_space<vmem>>, %arg2: memref<8x128xf32, #tpu.memory_space<vmem>>) attributes {dimension_semantics = [#tpu.dimension_semantics<arbitrary>], iteration_bounds = array<i64: 16>, scalar_prefetch = 0 : i64, scratch_operands = 0 : i64, tpu.core_type = #tpu.core_type<tc>, window_params = [{transform_indices = @transform_0, window_bounds = array<i64: 2048, 1>}, {pipeline_mode = #tpu.pipeline_mode<synchronous>, transform_indices = @transform_1, window_bounds = array<i64: 8, 128>}]} {
    %get3A = arith.constant 0 : index
    %get3A_0 = arith.constant 0 : index
    %get3A_1 = vector.load %arg1[%get3A, %get3A_0] : memref<2048x1xi32, #tpu.memory_space<vmem>>, vector<2048x1xi32>
    %shift_right_arithmetic3A = arith.constant 7 : i32
    %shift_right_arithmetic3A_2 = vector.broadcast %shift_right_arithmetic3A : i32 to vector<2048x1xi32>
    %shift_right_arithmetic3A_3 = arith.shrsi %get3A_1, %shift_right_arithmetic3A_2 : vector<2048x1xi32>
    %and3A = arith.constant 127 : i32
    %and3A_4 = vector.broadcast %and3A : i32 to vector<2048x1xi32>
    %and3A_5 = arith.andi %get3A_1, %and3A_4 : vector<2048x1xi32>
    %iota3A = tpu.iota {dimensions = array<i32: 1>} : vector<1x8xi32>
    %eq3A = vector.broadcast %shift_right_arithmetic3A_3 : vector<2048x1xi32> to vector<2048x8xi32>
    %eq3A_6 = vector.broadcast %iota3A : vector<1x8xi32> to vector<2048x8xi32>
    %eq3A_7 = arith.cmpi eq, %eq3A, %eq3A_6 : vector<2048x8xi32>
    %convert_element_type3A = arith.extui %eq3A_7 : vector<2048x8xi1> to vector<2048x8xi32>
    %convert_element_type3A_8 = arith.sitofp %convert_element_type3A : vector<2048x8xi32> to vector<2048x8xf32>
    %convert_element_type3A_9 = arith.truncf %convert_element_type3A_8 : vector<2048x8xf32> to vector<2048x8xbf16>
    %iota3A_10 = tpu.iota {dimensions = array<i32: 1>} : vector<1x128xi32>
    %eq3A_11 = vector.broadcast %and3A_5 : vector<2048x1xi32> to vector<2048x128xi32>
    %eq3A_12 = vector.broadcast %iota3A_10 : vector<1x128xi32> to vector<2048x128xi32>
    %eq3A_13 = arith.cmpi eq, %eq3A_11, %eq3A_12 : vector<2048x128xi32>
    %convert_element_type3A_14 = arith.extui %eq3A_13 : vector<2048x128xi1> to vector<2048x128xi32>
    %convert_element_type3A_15 = arith.sitofp %convert_element_type3A_14 : vector<2048x128xi32> to vector<2048x128xf32>
    %convert_element_type3A_16 = arith.truncf %convert_element_type3A_15 : vector<2048x128xf32> to vector<2048x128xbf16>
    %dot_general3A = arith.constant dense<0.000000e+00> : vector<8x128xf32>
    %dot_general3A_17 = tpu.matmul %convert_element_type3A_9, %convert_element_type3A_16, %dot_general3A {dimension_numbers = #tpu.dot_dimension_numbers<[0], [0], [1], [1], [0, 1, 1, 1], [], []>, transpose_lhs_hint = false} : vector<2048x8xbf16>, vector<2048x128xbf16>, vector<8x128xf32> -> vector<8x128xf32>
    %eq3A_18 = arith.constant 0 : i32
    %eq3A_19 = arith.cmpi eq, %arg0, %eq3A_18 : i32
    %convert_element_type3A_20 = arith.extui %eq3A_19 : i1 to i32
    %cond3A = arith.constant 0 : i32
    %cond3A_21 = arith.cmpi ne, %convert_element_type3A_20, %cond3A : i32
    scf.if %cond3A_21 {
      %broadcast_in_dim3A = arith.constant 0.000000e+00 : f32
      %broadcast_in_dim3A_27 = vector.broadcast %broadcast_in_dim3A : f32 to vector<8x128xf32>
      %swap3A_28 = arith.constant 0 : index
      %swap3A_29 = arith.constant 0 : index
      %swap3A_30 = vector.load %arg2[%swap3A_28, %swap3A_29] : memref<8x128xf32, #tpu.memory_space<vmem>>, vector<8x128xf32>
      tpu.vector_store %arg2[%swap3A_28, %swap3A_29], %broadcast_in_dim3A_27 {strides = array<i32>} : memref<8x128xf32, #tpu.memory_space<vmem>>, vector<8x128xf32>,
    } else {
    }
    %get3A_22 = arith.constant 0 : index
    %get3A_23 = arith.constant 0 : index
    %get3A_24 = vector.load %arg2[%get3A_22, %get3A_23] : memref<8x128xf32, #tpu.memory_space<vmem>>, vector<8x128xf32>
    %add3A = arith.addf %get3A_24, %dot_general3A_17 : vector<8x128xf32>
    %swap3A = arith.constant 0 : index
    %swap3A_25 = arith.constant 0 : index
    %swap3A_26 = vector.load %arg2[%swap3A, %swap3A_25] : memref<8x128xf32, #tpu.memory_space<vmem>>, vector<8x128xf32>
    tpu.vector_store %arg2[%swap3A, %swap3A_25], %add3A {strides = array<i32>} : memref<8x128xf32, #tpu.memory_space<vmem>>, vector<8x128xf32>,
    return
  }
  func.func @transform_0(%arg0: i32) -> (i32, i32) {
    %c0_i32 = arith.constant 0 : i32
    %c0_i32_0 = arith.constant 0 : i32
    return %arg0, %c0_i32 : i32, i32
  }
  func.func @transform_1(%arg0: i32) -> (i32, i32) {
    %c0_i32 = arith.constant 0 : i32
    %c0_i32_0 = arith.constant 0 : i32
    %c0_i32_1 = arith.constant 0 : i32
    return %c0_i32, %c0_i32_0 : i32, i32
  }
}

module attributes {stable_mosaic.version = 14 : i64} {
  func.func @_rcbc_body(%arg0: memref<1024x1xf32, #tpu.memory_space<vmem>>, %arg1: memref<1024x128xf32, #tpu.memory_space<vmem>>) attributes {dimension_semantics = [], scalar_prefetch = 0 : i64, scratch_operands = 0 : i64, tpu.core_type = #tpu.core_type<tc>} {
    %get3A = arith.constant 0 : index
    %get3A_0 = arith.constant 0 : index
    %get3A_1 = vector.load %arg0[%get3A, %get3A_0] : memref<1024x1xf32, #tpu.memory_space<vmem>>, vector<1024x1xf32>
    %max3A = arith.constant 1.000000e+00 : f32
    %max3A_2 = vector.broadcast %max3A : f32 to vector<1024x1xf32>
    %max3A_3 = arith.maximumf %get3A_1, %max3A_2 : vector<1024x1xf32>
    %div3A = arith.constant 1.000000e+00 : f32
    %div3A_4 = vector.broadcast %div3A : f32 to vector<1024x1xf32>
    %div3A_5 = arith.divf %div3A_4, %max3A_3 : vector<1024x1xf32>
    %broadcast_in_dim3A = vector.shape_cast %div3A_5 : vector<1024x1xf32> to vector<1024x1xf32>
    %broadcast_in_dim3A_6 = vector.broadcast %broadcast_in_dim3A : vector<1024x1xf32> to vector<1024x128xf32>
    %swap3A = arith.constant 0 : index
    %swap3A_7 = arith.constant 0 : index
    %swap3A_8 = vector.load %arg1[%swap3A, %swap3A_7] : memref<1024x128xf32, #tpu.memory_space<vmem>>, vector<1024x128xf32>
    tpu.vector_store %arg1[%swap3A, %swap3A_7], %broadcast_in_dim3A_6 {strides = array<i32>} : memref<1024x128xf32, #tpu.memory_space<vmem>>, vector<1024x128xf32>,
    return
  }
}

</mosaic_0001>

<sc_bundles>
// kernel: kernel.6.cloned.1.call-start
scs
__scs_entry_jumppad:
0x0: {  	(pc) =	sbr.rel $0x88, $3  }
0x1: {  	(tag) =	ssettag $0x0;
	lr =	simm.s32 $0x1  }
0x2: {  	[smem:$0x3F9F] =	sst lr;
	_ =	strace $0xD0000000  }
0x3: {  	_ = 	snop  }
0x4: {  	_ = 	snop  }
0x5: {  	_ = 	snop  }
0x6: {  	_ = 	snop  }
0x7: {  	_ = 	snop  }
__scs_overlays_trampoline_lowered:
0x8: {  	[smem:$0x3FAE] =	sst s0  }
0x9: {  	[smem:$0x3FAF] =	sst s1  }
0xa: {  	[smem:$0x3FB0] =	sst s2  }
0xb: {  	[smem:$0x3FB1] =	sst s3  }
0xc: {  	[smem:$0x3FB2] =	sst s4  }
0xd: {  	[smem:$0x3FB3] =	sst s5  }
0xe: {  	[smem:$0x3FB4] =	sst s6  }
0xf: {  	[smem:$0x3FB5] =	sst s7  }
0x10: {  	[smem:$0x3FB6] =	sst s8  }
0x11: {  	[smem:$0x3FB7] =	sst s9;
	s0 =	simm.s32 @!p0 $0x0  }
0x12: {  	s1 =	sld [smem:$0x3F9D];
	s0 =	simm.s32 @p0 $0x1  }
0x13: {  	[smem:$0x3FB8] =	sst s0;
	s0 =	simm.s32 @!p1 $0x0  }
0x14: {  	s2 =	sld [smem:$0x3F9C];
	s0 =	simm.s32 @p1 $0x1  }
0x15: {  	[smem:$0x3FB9] =	sst s0;
	s0 =	simm.s32 @!p2 $0x0  }
0x16: {  	s3 =	sld [smem:$0x3FDB];
	s0 =	simm.s32 @p2 $0x1  }
0x17: {  	s4 =	simm.s32 $0x1BF5;
	[smem:$0x3FBB] =	sst s0  }
0x18: {  	s0 =	sld [smem:$0x3F9E];
	_ =	swait.ge [sflag:s4], $0x0  }
0x19: {  	s7 =	sld [smem:$0x3F9F]  }
0x1a: {  	s8 =	sadd.s32 $0xFFFFE003, lr  }
0x1b: {  	s9 =	sadd.s32 $0xFFFFFEF7, lr;
	s5 =	simm.s32 $0xFFFFFFFF;
	p2 =	slt.u32 s8, $0xFFFFF086  }
0x1c: {  	p1 =	slt.u32 s9, $0xF7A;
	s5 =	simm.s32 @!p2 $0x0  }
0x1d: {  	s5 =	simm.s32 @p1 $0x1;
	p0 =	seq.s32 s7, s2  }
0x1e: {  	s7 =	smul.u32 @!p0 $0xF7A, s2;
	p2 =	seq.s32 @!p0 s5, $0x0  }
0x1f: {  	s9 =	smul.u32 $0xF7A, s1;
	s8 =	simm.s32 @!p0 $0x1BF5;
	p2 =	por !p2, p0  }
0x20: {  	[sflag:s8] =	ssyncset.s32 @!p0 $0xFFFFF086;
	s6 =	sadd.s32 @!p0 s3, s7;
	s7 =	simm.s32 @!p0 $0x108  }
0x21: {  	s3 =	sadd.s32 s3, s9;
	s6 =	sadd.s32 @!p0 $0x88, s6;
	s7 =	simm.s32 @p2 $0x1082  }
0x22: {  	[simem:s7], [sflag:s8] =	dma.local @!p0 [hbm:s6], $0xF7A  }
0x23: {  	s9 =	sor.u32 $0xD0000000, s2;
	s6 =	simm.s32 $0x108;
	_ =	swait.ge @!p0 [sflag:s8], $0x0  }
0x24: {  	s3 =	sadd.s32 $0x88, s3;
	s6 =	simm.s32 @!p1 $0x1082;
	[sflag:s4] =	ssyncset.s32 $0xFFFFF086  }
0x25: {  	[simem:s6], [sflag:s4] =	dma.local [hbm:s3], $0xF7A  }
0x26: {  	[smem:$0x3F9F] =	sst s1;
	(tag) =	ssettag s2;
	_ =	strace s9  }
0x27: {  	s1 =	sld [smem:$0x3FAF]  }
0x28: {  	s2 =	sld [smem:$0x3FB0]  }
0x29: {  	s4 =	sld [smem:$0x3FB2]  }
0x2a: {  	p0 =	seq.s32 s5, $0x0;
	s5 =	sld [smem:$0x3FB3]  }
0x2b: {  	s6 =	sld [smem:$0x3FB4]  }
0x2c: {  	s7 =	sld [smem:$0x3FB5]  }
0x2d: {  	s3 =	simm.s32 $0x108;
	s8 =	sld [smem:$0x3FB6]  }
0x2e: {  	s3 =	simm.s32 @!p0 $0x1082;
	s9 =	sld [smem:$0x3FB7]  }
0x2f: {  	lr =	sadd.s32 s0, s3;
	s0 =	sld [smem:$0x3FAE]  }
0x30: {  	s3 =	sld [smem:$0x3FB1]  }
0x31: {  	[smem:$0x3FBA] =	sst s10  }
0x32: {  	s10 =	sld [smem:$0x3FB8];
	_ =	sdelay $0x3  }
0x33: {  	p0 =	seq.s32 s10, $0x1;
	s10 =	sld [smem:$0x3FBA];
	_ =	sdelay $0x3  }
0x34: {  	[smem:$0x3FBA] =	sst s10  }
0x35: {  	s10 =	sld [smem:$0x3FB9];
	_ =	sdelay $0x3  }
0x36: {  	p1 =	seq.s32 s10, $0x1;
	s10 =	sld [smem:$0x3FBA];
	_ =	sdelay $0x3  }
0x37: {  	[smem:$0x3FBA] =	sst s10  }
0x38: {  	s10 =	sld [smem:$0x3FBB]  }
0x39: {  	_ = 	snop;
	(pc) =	sbr.ind lr, $3  }
0x3a: {  	_ = 	snop  }
0x3b: {  	_ = 	snop  }
0x3c: {  	p2 =	seq.s32 s10, $0x1;
	s10 =	sld [smem:$0x3FBA]  }
0x3d: {  	_ =	shalt  }
0x3e: {  	_ =	shalt  }
0x3f: {  	_ =	shalt  }
0x40: {  	_ =	shalt  }
0x41: {  	_ =	shalt  }
0x42: {  	_ =	shalt  }
0x43: {  	_ =	shalt  }
0x44: {  	_ =	shalt  }
0x45: {  	_ =	shalt  }
0x46: {  	_ =	shalt  }
0x47: {  	_ =	shalt  }
0x48: {  	_ =	shalt  }
0x49: {  	_ =	shalt  }
0x4a: {  	_ =	shalt  }
0x4b: {  	_ =	shalt  }
0x4c: {  	_ =	shalt  }
0x4d: {  	_ =	shalt  }
0x4e: {  	_ =	shalt  }
0x4f: {  	_ =	shalt  }
0x50: {  	_ =	shalt  }
0x51: {  	_ =	shalt  }
0x52: {  	_ =	shalt  }
0x53: {  	_ =	shalt  }
0x54: {  	_ =	shalt  }
0x55: {  	_ =	shalt  }
0x56: {  	_ =	shalt  }
0x57: {  	_ =	shalt  }
0x58: {  	_ =	shalt  }
0x59: {  	_ =	shalt  }
0x5a: {  	_ =	shalt  }
0x5b: {  	_ =	shalt  }
0x5c: {  	_ =	shalt  }
0x5d: {  	_ =	shalt  }
0x5e: {  	_ =	shalt  }
0x5f: {  	_ =	shalt  }
0x60: {  	_ =	shalt  }
0x61: {  	_ =	shalt  }
0x62: {  	_ =	shalt  }
0x63: {  	_ =	shalt  }
0x64: {  	_ =	shalt  }
0x65: {  	_ =	shalt  }
0x66: {  	_ =	shalt  }
0x67: {  	_ =	shalt  }
0x68: {  	_ =	shalt  }
0x69: {  	_ =	shalt  }
0x6a: {  	_ =	shalt  }
0x6b: {  	_ =	shalt  }
0x6c: {  	_ =	shalt  }
0x6d: {  	_ =	shalt  }
0x6e: {  	_ =	shalt  }
0x6f: {  	_ =	shalt  }
0x70: {  	_ =	shalt  }
0x71: {  	_ =	shalt  }
0x72: {  	_ =	shalt  }
0x73: {  	_ =	shalt  }
0x74: {  	_ =	shalt  }
0x75: {  	_ =	shalt  }
0x76: {  	_ =	shalt  }
0x77: {  	_ =	shalt  }
0x78: {  	_ =	shalt  }
0x79: {  	_ =	shalt  }
0x7a: {  	_ =	shalt  }
0x7b: {  	_ =	shalt  }
0x7c: {  	_ =	shalt  }
0x7d: {  	_ =	shalt  }
0x7e: {  	_ =	shalt  }
0x7f: {  	_ =	shalt  }
0x80: {  	_ =	shalt  }
0x81: {  	_ =	shalt  }
0x82: {  	_ =	shalt  }
0x83: {  	_ =	shalt  }
0x84: {  	_ =	shalt  }
0x85: {  	_ =	shalt  }
0x86: {  	_ =	shalt  }
0x87: {  	_ =	shalt  }
.Lfunc_end0:
.L_simem_size_0:
called_computation_lowered:
.L_overlay_start_0:
0x88: {  	s2 =	sld [smem:$0x3FD9]  }
0x89: {  	s3 =	sld [smem:$0x3FFE];
	_ =	sdelay $0x1  }
0x8a: {  	s1 =	srdreg.scid  }
0x8b: {  	s0 =	sand.u32 $0x1, s1  }
0x8c: {  	s17 =	sshll.u32 s0, $0xA;
	s2 =	sadd.s32 s3, s2  }
0x8d: {  	s2 =	sadd.s32 s2, s17  }
0x8e: {  	[smem:$0x3FC6] =	sst s2  }
0x8f: {  	_ = 	snop  }
0x90: {  	s2 =	sld [smem:$0x3FC9]  }
0x91: {  	s18 =	sld [smem:$0x3FC8];
	(tm) =	ssettm $0x1  }
0x92: {  	s4 =	sld [smem:$0x3FFB];
	_ =	sdelay $0x3  }
0x93: {  	_ =	strace s4  }
0x94: {  	s4 =	sld [smem:$0x3FFC];
	_ =	sdelay $0x3  }
0x95: {  	_ =	strace s4  }
0x96: {  	s4 =	sld [smem:$0x3FFD];
	_ =	sdelay $0x3  }
0x97: {  	_ =	strace s4  }
0x98: {  	_ =	strace $0x8FFFFFFF  }
0x99: {  	s19 =	sld [smem:$0x3FDB];
	_ =	sdelay $0x1  }
0x9a: {  	s5 =	simm.s32 $_scs_section_size  }
0x9b: {  	s6 =	simm.s32 $_size__tile_overlayer_lowered;
	s7 =	simm.s32 $_tile_overlayer_lowered  }
0x9c: {  	s22 =	simm.s32 $0x1BFF;
	s21 =	sshll.u32 s7, $0x1;
	s4 =	sadd.s32 s5, s19  }
0x9d: {  	s8 =	simm.s32 $0x0;
	s20 =	sshll.u32 s6, $0x1;
	s6 =	sadd.s32 s21, s4  }
0x9e: {  	[timem:s8], [sflag:s22] =	dma.local [hbm:s6], s20  }
0x9f: {  	_ =	swait.ge [sflag:s22], s20  }
0xa0: {  	s5 =	ssub.s32 $0x0, s20;
	[sflag:s22] =	ssyncset.done $0x0  }
0xa1: {  	[sflag:s22] =	ssyncadd.s32 s5;
	_ =	sdelay $0x1  }
0xa2: {  	s23 =	simm.s32 $0x1B8B  }
0xa3: {  	_ =	swait.ge [sflag:s23], $0x1  }
0xa4: {  	[sflag:s23] =	ssyncset.done $0x0  }
0xa5: {  	s25 =	simm.s32 $0x1B8E;
	s24 =	sld [smem:$0x3FFE];
	[sflag:s23] =	ssyncadd.s32 $0xFFFFFFFF  }
0xa6: {  	s26 =	simm.s32 $execute0_lowered;
	[smem:$0x3FD2] =	sst s25  }
0xa7: {  	s6 =	sshll.u32 s26, $0x1;
	_ =	strace $0x80000046;
	[dreg:$0x1] =	wrdreg $0xFFFFFFFF  }
0xa8: {  	s28 =	simm.s32 $_size_execute0_lowered;
	s4 =	sadd.s32 s4, s6;
	[dreg:$0x0] =	wrdreg $0x0  }
0xa9: {  	s6 =	sshll.u32 s28, $0x1;
	[dreg:$0x2] =	wrdreg s4  }
0xaa: {  	[dreg:$0x3] =	wrdreg s6  }
0xab: {  	[dreg:$0x4] =	wrdreg $0xC0  }
0xac: {  	_ =	task [dreg:s8], $0x5FFFF  }
0xad: {  	[dreg:$0x1] =	wrdreg $0xFFFFFFFF  }
0xae: {  	[dreg:$0x0] =	wrdreg $0x60  }
0xaf: {  	[dreg:$0x2] =	wrdreg s2  }
0xb0: {  	[dreg:$0x3] =	wrdreg s18  }
0xb1: {  	[dreg:$0x4] =	wrdreg s24  }
0xb2: {  	[dreg:$0x5] =	wrdreg $0x121000  }
0xb3: {  	[dreg:$0x6] =	wrdreg $0x141000  }
0xb4: {  	[dreg:$0x7] =	wrdreg $0x9  }
0xb5: {  	_ =	task.clear_ibuf [dreg:s8], $0x8FFFF;
	_ =	strace $0x90000046  }
0xb6: {  	s29 =	simm.s32 $0x9;
	_ =	strace $0x80000048  }
0xb7: {  	_ =	swait.ge [sflag:s29], $0x1  }
0xb8: {  	[sflag:s29] =	ssyncadd.s32 $0xFFFFFFFF  }
0xb9: {  	_ =	strace $0x90000048  }
0xba: {  	_ =	sfence  }
0xbb: {  	s30 =	sld [smem:$0x0];
	_ =	sdelay $0x2  }
0xbc: {  	s31 =	sshll.u32 s1, $0xD;
	s1 =	sshrl.u32 s1, $0x2  }
0xbd: {  	s3 =	sand.u32 $0x4000, s31;
	s1 =	sadd.s32 s1, s30  }
0xbe: {  	s0 =	sor.u32 s3, s0;
	s1 =	sshll.u32 s1, $0x11  }
0xbf: {  	s0 =	sor.u32 s1, s0  }
0xc0: {  	s0 =	sadd.s32 $0x8F2B, s0  }
0xc1: {  	[sflag:s0] =	ssyncadd.remote.s32 $0x1  }
0xc2: {  	_ =	sfence.sel $0xFFFF  }
0xc3: {  	[dreg:$0x0] =	wrdreg $0xFFFFFFFF;
	(pc) =	sbr.abs _section_cstart, $3  }
0xc4: {  	[dreg:$0x1] =	wrdreg $0xFFFFFFFF  }
0xc5: {  	_ =	task.clear_ibuf [dreg:s8], $0x2FFFF;
	_ =	strace $0x9FFFFFFF  }
0xc6: {  	(tm) =	ssettm $0x7FFFFFFF  }
0xc7: {  	_ =	shalt  }
tec
execute0_lowered:
.L_overlay_start_1:
0x0: {  	(tag) =	ssettag $0x1  }
0x1: {  	s0 =	rddreg [dreg:$0x0]  }
0x2: {  	s1 =	rddreg [dreg:$0x1]  }
0x3: {  	s5 =	rddreg [dreg:$0x2]  }
0x4: {  	s2 =	rddreg [dreg:$0x3]  }
0x5: {  	s3 =	rddreg [dreg:$0x4]  }
0x6: {  	s4 =	srdreg.scid;
	s11 =	stileid.u32  }
0x7: {  	s28 =	simm.s32 $0x10100;
	s29 =	simm.s32 $0x9;
	s30 =	simm.s32 $0x1  }
0x8: {  	s31 =	simm.s32 $0x3;
	s6 =	sand.u32 $0x1, s4;
	s4 =	simm.s32 $0x0  }
0x9: {  	s7 =	sshll.u32 s11, $0xD;
	s11 =	sshll.u32 s11, $0xA;
	s8 =	sshll.u32 s6, $0x11  }
0xa: {  	[smem:$0x7FF] =	sst s4;
	s9 =	ssub.s32 $0x2, s6;
	s6 =	sshll.u32 s6, $0xE  }
0xb: {  	s8 =	sor.u32 s7, s8;
	_ =	strace $0x80000047;
	s6 =	sor.u32 s11, s6  }
0xc: {  	s10 =	sshrl.u32 s9, $0x1;
	s8 =	sshrl.u32 s8, $0x3;
	s21 =	sshrl.u32 s6, $0x3  }
0xd: {  	s22 =	sshll.u32 s6, $0x4;
	s11 =	sor.u32 $0x80, s6;
	s25 =	sor.u32 $0x100, s6  }
0xe: {  	s26 =	sor.u32 $0x180, s6;
	s16 =	sor.u32 $0x200, s6;
	s17 =	sor.u32 $0x280, s6  }
0xf: {  	s18 =	sor.u32 $0x300, s6;
	s6 =	sor.u32 $0x380, s6;
	s5 =	sadd.s32 s8, s5  }
0x10: {  	s8 =	ssub.s32 s9, s10;
	s9 =	sadd.s32 s0, s21;
	s23 =	sadd.s32 s1, s22  }
0x11: {  	s24 =	sshrl.u32 s11, $0x3;
	s12 =	sshrl.u32 s25, $0x3;
	s13 =	sshrl.u32 s26, $0x3  }
0x12: {  	s15 =	sshrl.u32 s16, $0x3;
	s20 =	sshrl.u32 s6, $0x3;
	s21 =	sshll.u32 s11, $0x4  }
0x13: {  	s22 =	sshll.u32 s25, $0x4;
	s25 =	sshll.u32 s17, $0x4;
	s6 =	sshll.u32 s6, $0x4  }
0x14: {  	s10 =	simm.s32 $0xC100;
	s11 =	simm.s32 $0x6;
	[dreg:$0x6] =	wrdreg s9  }
0x15: {  	[dreg:$0x7] =	wrdreg s23;
	s9 =	sadd.s32 s0, s24;
	s12 =	sadd.s32 s0, s12  }
0x16: {  	s14 =	sadd.s32 s0, s13;
	s23 =	sshll.u32 s26, $0x4;
	[dreg:$0x8] =	wrdreg s9  }
0x17: {  	s24 =	sshll.u32 s16, $0x4;
	s26 =	sshll.u32 s18, $0x4;
	[dreg:$0x9] =	wrdreg s12  }
0x18: {  	s13 =	simm.s32 $0x0;
	[dreg:$0xa] =	wrdreg s14;
	s12 =	sadd.s32 s0, s15  }
0x19: {  	s14 =	sshrl.u32 s17, $0x3;
	s15 =	sshrl.u32 s18, $0x3;
	s9 =	simm.s32 $0x7  }
0x1a: {  	[dreg:$0xb] =	wrdreg s12;
	s14 =	sadd.s32 s0, s14;
	s19 =	sadd.s32 s0, s15  }
0x1b: {  	s0 =	sadd.s32 s0, s20;
	s15 =	sadd.s32 s7, s3;
	[dreg:$0xc] =	wrdreg s14  }
0x1c: {  	s20 =	sadd.s32 s1, s25;
	s25 =	smax.u32 s8, $0x1;
	[dreg:$0xd] =	wrdreg s19  }
0x1d: {  	s8 =	simm.s32 $0x5;
	s12 =	simm.s32 $0x8;
	[dreg:$0xe] =	wrdreg s0  }
0x1e: {  	s14 =	sadd.s32 s7, s2;
	s0 =	sadd.s32 s1, s21;
	s19 =	sadd.s32 s1, s24  }
0x1f: {  	s21 =	sadd.s32 s1, s26;
	s24 =	sadd.s32 $0x9200, s5;
	s26 =	simm.s32 $0x100  }
0x20: {  	s7 =	simm.s32 $0x4;
	[dreg:$0xf] =	wrdreg s0;
	s0 =	sadd.s32 s1, s22  }
0x21: {  	s22 =	sadd.s32 s1, s6;
	s6 =	simm.s32 $0x2;
	[dreg:$0x10] =	wrdreg s0  }
0x22: {  	s0 =	sadd.s32 s1, s23;
	s23 =	sadd.s32 $0x1200, s5;
	s1 =	simm.s32 $0x4100  }
0x23: {  	v0 =	vimm.f32 $0.0e+00;
	s5 =	simm.s32 $0x8100;
	[dreg:$0x11] =	wrdreg s0;
	s0 =	simm.s32 $0x80  }
.LBB2_1:
0x24: {  	s16 =	rddreg [dreg:$0x6]  }
0x25: {  	[tilespmem:s4], [sflag:$0x1] =	stream.linear.gather [hbm4b:s16+s4], $0x80, $0x38;
	[tilespmem:$0x16100] =	vst v63  }
0x26: {  	s18 =	rddreg [dreg:$0x7];
	s17 =	simm.s32 $0x200;
	s16 =	simm.s32 $0x0  }
0x27: {  	[tilespmem:s26], [sflag:$0x3] =	stream.linear.gather [hbm4b:s18+s4], $0x4000, $0x38;
	[tilespmem:$0x16100] =	vst v63  }
.LBB2_2:
0x28: {  	p0 =	sne.s32 s17, $0x7E00;
	[tilespmem:s16+$0x10170] =	vst v0  }
0x29: {  	[tilespmem:s16+$0x10100] =	vst v0  }
0x2a: {  	[tilespmem:s16+$0x10110] =	vst v0  }
.Ltmp0:
0x2b: {  	[tilespmem:s16+$0x10120] =	vst v0;
	(pc) =	sbr.rel @p0 .LBB2_2-.Ltmp0, $4  }
0x2c: {  	[tilespmem:s16+$0x10130] =	vst v0  }
0x2d: {  	[tilespmem:s16+$0x10140] =	vst v0  }
0x2e: {  	[tilespmem:s16+$0x10150] =	vst v0  }
0x2f: {  	[tilespmem:s16+$0x10160] =	vst v0;
	s16 =	sshra.s32 s17, $0x2;
	s17 =	sadd.s32 $0x200, s17  }
0x30: {  	[tilespmem:s16+$0x10170] =	vst v0  }
0x31: {  	[tilespmem:s16+$0x10100] =	vst v0  }
0x32: {  	[tilespmem:s16+$0x10110] =	vst v0  }
0x33: {  	[tilespmem:s16+$0x10120] =	vst v0  }
0x34: {  	[tilespmem:s16+$0x10130] =	vst v0  }
0x35: {  	[tilespmem:s16+$0x10140] =	vst v0  }
0x36: {  	[tilespmem:s16+$0x10150] =	vst v0  }
0x37: {  	[tilespmem:s16+$0x10160] =	vst v0  }
0x38: {  	[spmem:s14] =	stream.linear.scatter [tilespmem:s28], [sflag:$0x9], $0x2000, $0x38;
	[tilespmem:$0x16100] =	vst v63  }
0x39: {  	_ =	swait.ge [sflag:s29], $0x2000  }
0x3a: {  	[sflag:s29] =	ssyncset.done $0x0  }
0x3b: {  	[sflag:s29] =	ssyncadd.s32 $0xFFFFE000  }
0x3c: {  	[spmem:s15] =	stream.linear.scatter [tilespmem:s28], [sflag:$0x9], $0x2000, $0x38;
	[tilespmem:$0x16100] =	vst v63  }
0x3d: {  	_ =	swait.ge [sflag:s29], $0x2000  }
0x3e: {  	[sflag:s29] =	ssyncset.done $0x0  }
0x3f: {  	[sflag:s29] =	ssyncadd.s32 $0xFFFFE000  }
0x40: {  	[bflag:$0x0] =	sbarrier.arrive $0xFFFF  }
0x41: {  	_ =	swait.ge [sflag:s30], $0x80  }
0x42: {  	[sflag:s30] =	ssyncset.done $0x0  }
0x43: {  	[sflag:s30] =	ssyncadd.s32 $0xFFFFFF80  }
0x44: {  	_ =	swait.ge [sflag:s31], $0x4000  }
0x45: {  	[sflag:s31] =	ssyncset.done $0x0  }
0x46: {  	s16 =	simm.s32 $0x0;
	[sflag:s31] =	ssyncadd.s32 $0xFFFFC000  }
0x47: {  	[spmem:s2] =	stream.indirect.scatter.add.f32 [tilespmem:s26], [sflag:$0x5], $0x80, s16, s0, $0xb8;
	[tilespmem:$0x16100] =	vst v63  }
0x48: {  	s17 =	rddreg [dreg:$0x8]  }
0x49: {  	[tilespmem:s0], [sflag:$0x2] =	stream.linear.gather [hbm4b:s17+s16], $0x80, $0x38;
	[tilespmem:$0x16100] =	vst v63  }
0x4a: {  	s18 =	rddreg [dreg:$0xf];
	s17 =	simm.s32 $0x0  }
0x4b: {  	[tilespmem:s1], [sflag:$0x4] =	stream.linear.gather [hbm4b:s18+s16], $0x4000, $0x38;
	[tilespmem:$0x16100] =	vst v63  }
0x4c: {  	v2 =	vld [tilespmem:s17+$0x170]  }
0x4d: {  	v6 =	vld [tilespmem:s17+$0x100]  }
0x4e: {  	v7 =	vld [tilespmem:s17+$0x110]  }
0x4f: {  	v5 =	vld [tilespmem:s17+$0x120]  }
0x50: {  	v4 =	vld [tilespmem:s17+$0x130]  }
0x51: {  	v1 =	vld [tilespmem:s17+$0x140];
	v8 =	vmul.f32 v2, v2  }
0x52: {  	v2 =	vld [tilespmem:s17+$0x150];
	v6 =	vmul.f32 v6, v6  }
0x53: {  	s16 =	simm.s32 $0x80;
	s18 =	simm.s32 $0x400;
	v3 =	vld [tilespmem:s17+$0x160];
	v7 =	vmul.f32 v7, v7;
	[tilespmem:s17+$0x8170] =	vst v8  }
.LBB2_4:
0x54: {  	p0 =	sne.s32 s18, $0xFE00;
	v8 =	vld [tilespmem:s16+$0x170];
	[tilespmem:s17+$0x8100] =	vst v6;
	v5 =	vmul.f32 v5, v5  }
0x55: {  	v6 =	vld [tilespmem:s16+$0x100];
	[tilespmem:s17+$0x8110] =	vst v7;
	v4 =	vmul.f32 v4, v4  }
0x56: {  	v7 =	vld [tilespmem:s16+$0x110];
	[tilespmem:s17+$0x8120] =	vst v5;
	v1 =	vmul.f32 v1, v1  }
.Ltmp1:
0x57: {  	v5 =	vld [tilespmem:s16+$0x120];
	[tilespmem:s17+$0x8130] =	vst v4;
	v2 =	vmul.f32 v2, v2;
	(pc) =	sbr.rel @p0 .LBB2_4-.Ltmp1, $4  }
0x58: {  	v4 =	vld [tilespmem:s16+$0x130];
	[tilespmem:s17+$0x8140] =	vst v1;
	v3 =	vmul.f32 v3, v3  }
0x59: {  	v1 =	vld [tilespmem:s16+$0x140];
	v8 =	vmul.f32 v8, v8;
	[tilespmem:s17+$0x8150] =	vst v2  }
0x5a: {  	v6 =	vmul.f32 v6, v6;
	v2 =	vld [tilespmem:s16+$0x150];
	[tilespmem:s17+$0x8160] =	vst v3;
	s17 =	smov.u32 s16  }
0x5b: {  	s16 =	sshra.s32 s18, $0x2;
	s18 =	sadd.s32 $0x200, s18;
	v7 =	vmul.f32 v7, v7;
	v3 =	vld [tilespmem:s17+$0x160];
	[tilespmem:s17+$0x8170] =	vst v8  }
0x5c: {  	v8 =	vld [tilespmem:s16+$0x170];
	[tilespmem:s17+$0x8100] =	vst v6;
	v5 =	vmul.f32 v5, v5  }
0x5d: {  	v6 =	vld [tilespmem:s16+$0x100];
	[tilespmem:s17+$0x8110] =	vst v7;
	v4 =	vmul.f32 v4, v4  }
0x5e: {  	v7 =	vld [tilespmem:s16+$0x110];
	[tilespmem:s17+$0x8120] =	vst v5;
	v1 =	vmul.f32 v1, v1  }
0x5f: {  	v5 =	vld [tilespmem:s16+$0x120];
	[tilespmem:s17+$0x8130] =	vst v4;
	v2 =	vmul.f32 v2, v2  }
0x60: {  	v4 =	vld [tilespmem:s16+$0x130];
	[tilespmem:s17+$0x8140] =	vst v1;
	v3 =	vmul.f32 v3, v3  }
0x61: {  	v1 =	vld [tilespmem:s16+$0x140];
	[tilespmem:s17+$0x8150] =	vst v2;
	v8 =	vmul.f32 v8, v8  }
0x62: {  	v2 =	vld [tilespmem:s16+$0x150];
	[tilespmem:s17+$0x8160] =	vst v3;
	v3 =	vmul.f32 v6, v6  }
0x63: {  	v6 =	vld [tilespmem:s16+$0x160];
	v7 =	vmul.f32 v7, v7;
	[tilespmem:s16+$0x8170] =	vst v8  }
0x64: {  	[tilespmem:s16+$0x8100] =	vst v3;
	v3 =	vmul.f32 v5, v5  }
0x65: {  	[tilespmem:s16+$0x8110] =	vst v7;
	v4 =	vmul.f32 v4, v4  }
0x66: {  	[tilespmem:s16+$0x8120] =	vst v3;
	v1 =	vmul.f32 v1, v1  }
0x67: {  	[tilespmem:s16+$0x8130] =	vst v4;
	v2 =	vmul.f32 v2, v2  }
0x68: {  	[tilespmem:s16+$0x8140] =	vst v1;
	v1 =	vmul.f32 v6, v6  }
0x69: {  	[tilespmem:s16+$0x8150] =	vst v2  }
0x6a: {  	[tilespmem:s16+$0x8160] =	vst v1;
	s16 =	simm.s32 $0x0  }
0x6b: {  	[spmem:s3] =	stream.indirect.scatter.add.f32 [tilespmem:s5], [sflag:$0x7], $0x80, s16, s0, $0xb8;
	[tilespmem:$0x16100] =	vst v63  }
0x6c: {  	_ =	swait.ge [sflag:s6], $0x80  }
0x6d: {  	[sflag:s6] =	ssyncset.done $0x0  }
0x6e: {  	[sflag:s6] =	ssyncadd.s32 $0xFFFFFF80  }
0x6f: {  	_ =	swait.ge [sflag:s7], $0x4000  }
0x70: {  	[sflag:s7] =	ssyncset.done $0x0  }
0x71: {  	[sflag:s7] =	ssyncadd.s32 $0xFFFFC000  }
0x72: {  	[spmem:s2] =	stream.indirect.scatter.add.f32 [tilespmem:s1], [sflag:$0x6], $0x80, s0, s0, $0xb8;
	[tilespmem:$0x16100] =	vst v63  }
0x73: {  	_ =	swait.ge [sflag:s8], $0x4000  }
0x74: {  	[sflag:s8] =	ssyncset.done $0x0  }
0x75: {  	[sflag:s8] =	ssyncadd.s32 $0xFFFFC000  }
0x76: {  	_ =	swait.ge [sflag:s9], $0x4000  }
0x77: {  	[sflag:s9] =	ssyncset.done $0x0  }
0x78: {  	s18 =	rddreg [dreg:$0x9];
	[sflag:s9] =	ssyncadd.s32 $0xFFFFC000  }
0x79: {  	[tilespmem:s16], [sflag:$0x1] =	stream.linear.gather [hbm4b:s18+s16], $0x80, $0x38;
	[tilespmem:$0x16100] =	vst v63  }
0x7a: {  	s17 =	simm.s32 $0x0;
	s18 =	rddreg [dreg:$0x10]  }
0x7b: {  	[tilespmem:s26], [sflag:$0x3] =	stream.linear.gather [hbm4b:s18+s16], $0x4000, $0x38;
	[tilespmem:$0x16100] =	vst v63  }
0x7c: {  	v2 =	vld [tilespmem:s17+$0x4170]  }
0x7d: {  	v6 =	vld [tilespmem:s17+$0x4100]  }
0x7e: {  	v7 =	vld [tilespmem:s17+$0x4110]  }
0x7f: {  	v5 =	vld [tilespmem:s17+$0x4120]  }
0x80: {  	v4 =	vld [tilespmem:s17+$0x4130]  }
0x81: {  	v1 =	vld [tilespmem:s17+$0x4140];
	v8 =	vmul.f32 v2, v2  }
0x82: {  	v2 =	vld [tilespmem:s17+$0x4150];
	v6 =	vmul.f32 v6, v6  }
0x83: {  	s16 =	simm.s32 $0x80;
	s18 =	simm.s32 $0x400;
	v3 =	vld [tilespmem:s17+$0x4160];
	v7 =	vmul.f32 v7, v7;
	[tilespmem:s17+$0xC170] =	vst v8  }
.LBB2_6:
0x84: {  	p0 =	sne.s32 s18, $0xFE00;
	v8 =	vld [tilespmem:s16+$0x4170];
	[tilespmem:s17+$0xC100] =	vst v6;
	v5 =	vmul.f32 v5, v5  }
0x85: {  	v6 =	vld [tilespmem:s16+$0x4100];
	[tilespmem:s17+$0xC110] =	vst v7;
	v4 =	vmul.f32 v4, v4  }
0x86: {  	v7 =	vld [tilespmem:s16+$0x4110];
	[tilespmem:s17+$0xC120] =	vst v5;
	v1 =	vmul.f32 v1, v1  }
.Ltmp2:
0x87: {  	v5 =	vld [tilespmem:s16+$0x4120];
	[tilespmem:s17+$0xC130] =	vst v4;
	v2 =	vmul.f32 v2, v2;
	(pc) =	sbr.rel @p0 .LBB2_6-.Ltmp2, $4  }
0x88: {  	v4 =	vld [tilespmem:s16+$0x4130];
	[tilespmem:s17+$0xC140] =	vst v1;
	v3 =	vmul.f32 v3, v3  }
0x89: {  	v1 =	vld [tilespmem:s16+$0x4140];
	v8 =	vmul.f32 v8, v8;
	[tilespmem:s17+$0xC150] =	vst v2  }
0x8a: {  	v6 =	vmul.f32 v6, v6;
	v2 =	vld [tilespmem:s16+$0x4150];
	[tilespmem:s17+$0xC160] =	vst v3;
	s17 =	smov.u32 s16  }
0x8b: {  	s16 =	sshra.s32 s18, $0x2;
	s18 =	sadd.s32 $0x200, s18;
	v7 =	vmul.f32 v7, v7;
	v3 =	vld [tilespmem:s17+$0x4160];
	[tilespmem:s17+$0xC170] =	vst v8  }
0x8c: {  	v8 =	vld [tilespmem:s16+$0x4170];
	[tilespmem:s17+$0xC100] =	vst v6;
	v5 =	vmul.f32 v5, v5  }
0x8d: {  	v6 =	vld [tilespmem:s16+$0x4100];
	[tilespmem:s17+$0xC110] =	vst v7;
	v4 =	vmul.f32 v4, v4  }
0x8e: {  	v7 =	vld [tilespmem:s16+$0x4110];
	[tilespmem:s17+$0xC120] =	vst v5;
	v1 =	vmul.f32 v1, v1  }
0x8f: {  	v5 =	vld [tilespmem:s16+$0x4120];
	[tilespmem:s17+$0xC130] =	vst v4;
	v2 =	vmul.f32 v2, v2  }
0x90: {  	v4 =	vld [tilespmem:s16+$0x4130];
	[tilespmem:s17+$0xC140] =	vst v1;
	v3 =	vmul.f32 v3, v3  }
0x91: {  	v1 =	vld [tilespmem:s16+$0x4140];
	[tilespmem:s17+$0xC150] =	vst v2;
	v8 =	vmul.f32 v8, v8  }
0x92: {  	v2 =	vld [tilespmem:s16+$0x4150];
	[tilespmem:s17+$0xC160] =	vst v3;
	v3 =	vmul.f32 v6, v6  }
0x93: {  	v6 =	vld [tilespmem:s16+$0x4160];
	v7 =	vmul.f32 v7, v7;
	[tilespmem:s16+$0xC170] =	vst v8  }
0x94: {  	[tilespmem:s16+$0xC100] =	vst v3;
	v3 =	vmul.f32 v5, v5  }
0x95: {  	[tilespmem:s16+$0xC110] =	vst v7;
	v4 =	vmul.f32 v4, v4  }
0x96: {  	[tilespmem:s16+$0xC120] =	vst v3;
	v1 =	vmul.f32 v1, v1  }
0x97: {  	[tilespmem:s16+$0xC130] =	vst v4;
	v2 =	vmul.f32 v2, v2  }
0x98: {  	[tilespmem:s16+$0xC140] =	vst v1;
	v1 =	vmul.f32 v6, v6  }
0x99: {  	[tilespmem:s16+$0xC150] =	vst v2  }
0x9a: {  	[tilespmem:s16+$0xC160] =	vst v1  }
0x9b: {  	[spmem:s3] =	stream.indirect.scatter.add.f32 [tilespmem:s10], [sflag:$0x8], $0x80, s0, s0, $0xb8;
	[tilespmem:$0x16100] =	vst v63  }
0x9c: {  	_ =	swait.ge [sflag:s30], $0x80  }
0x9d: {  	[sflag:s30] =	ssyncset.done $0x0  }
0x9e: {  	[sflag:s30] =	ssyncadd.s32 $0xFFFFFF80  }
0x9f: {  	_ =	swait.ge [sflag:s31], $0x4000  }
0xa0: {  	[sflag:s31] =	ssyncset.done $0x0  }
0xa1: {  	s16 =	simm.s32 $0x0;
	[sflag:s31] =	ssyncadd.s32 $0xFFFFC000  }
0xa2: {  	[spmem:s2] =	stream.indirect.scatter.add.f32 [tilespmem:s26], [sflag:$0x5], $0x80, s16, s0, $0xb8;
	[tilespmem:$0x16100] =	vst v63  }
0xa3: {  	_ =	swait.ge [sflag:s11], $0x4000  }
0xa4: {  	[sflag:s11] =	ssyncset.done $0x0  }
0xa5: {  	[sflag:s11] =	ssyncadd.s32 $0xFFFFC000  }
0xa6: {  	_ =	swait.ge [sflag:s12], $0x4000  }
0xa7: {  	[sflag:s12] =	ssyncset.done $0x0  }
0xa8: {  	s18 =	rddreg [dreg:$0xa];
	[sflag:s12] =	ssyncadd.s32 $0xFFFFC000  }
0xa9: {  	[tilespmem:s0], [sflag:$0x2] =	stream.linear.gather [hbm4b:s18+s16], $0x80, $0x38;
	[tilespmem:$0x16100] =	vst v63  }
0xaa: {  	s17 =	simm.s32 $0x0;
	s18 =	rddreg [dreg:$0x11]  }
0xab: {  	[tilespmem:s1], [sflag:$0x4] =	stream.linear.gather [hbm4b:s18+s16], $0x4000, $0x38;
	[tilespmem:$0x16100] =	vst v63  }
0xac: {  	v2 =	vld [tilespmem:s17+$0x170]  }
0xad: {  	v6 =	vld [tilespmem:s17+$0x100]  }
0xae: {  	v7 =	vld [tilespmem:s17+$0x110]  }
0xaf: {  	v5 =	vld [tilespmem:s17+$0x120]  }
0xb0: {  	v4 =	vld [tilespmem:s17+$0x130]  }
0xb1: {  	v1 =	vld [tilespmem:s17+$0x140];
	v8 =	vmul.f32 v2, v2  }
0xb2: {  	v2 =	vld [tilespmem:s17+$0x150];
	v6 =	vmul.f32 v6, v6  }
0xb3: {  	s16 =	simm.s32 $0x80;
	s18 =	simm.s32 $0x400;
	v3 =	vld [tilespmem:s17+$0x160];
	v7 =	vmul.f32 v7, v7;
	[tilespmem:s17+$0x8170] =	vst v8  }
.LBB2_8:
0xb4: {  	p0 =	sne.s32 s18, $0xFE00;
	v8 =	vld [tilespmem:s16+$0x170];
	[tilespmem:s17+$0x8100] =	vst v6;
	v5 =	vmul.f32 v5, v5  }
0xb5: {  	v6 =	vld [tilespmem:s16+$0x100];
	[tilespmem:s17+$0x8110] =	vst v7;
	v4 =	vmul.f32 v4, v4  }
0xb6: {  	v7 =	vld [tilespmem:s16+$0x110];
	[tilespmem:s17+$0x8120] =	vst v5;
	v1 =	vmul.f32 v1, v1  }
.Ltmp3:
0xb7: {  	v5 =	vld [tilespmem:s16+$0x120];
	[tilespmem:s17+$0x8130] =	vst v4;
	v2 =	vmul.f32 v2, v2;
	(pc) =	sbr.rel @p0 .LBB2_8-.Ltmp3, $4  }
0xb8: {  	v4 =	vld [tilespmem:s16+$0x130];
	[tilespmem:s17+$0x8140] =	vst v1;
	v3 =	vmul.f32 v3, v3  }
0xb9: {  	v1 =	vld [tilespmem:s16+$0x140];
	v8 =	vmul.f32 v8, v8;
	[tilespmem:s17+$0x8150] =	vst v2  }
0xba: {  	v6 =	vmul.f32 v6, v6;
	v2 =	vld [tilespmem:s16+$0x150];
	[tilespmem:s17+$0x8160] =	vst v3;
	s17 =	smov.u32 s16  }
0xbb: {  	s16 =	sshra.s32 s18, $0x2;
	s18 =	sadd.s32 $0x200, s18;
	v7 =	vmul.f32 v7, v7;
	v3 =	vld [tilespmem:s17+$0x160];
	[tilespmem:s17+$0x8170] =	vst v8  }
0xbc: {  	v8 =	vld [tilespmem:s16+$0x170];
	[tilespmem:s17+$0x8100] =	vst v6;
	v5 =	vmul.f32 v5, v5  }
0xbd: {  	v6 =	vld [tilespmem:s16+$0x100];
	[tilespmem:s17+$0x8110] =	vst v7;
	v4 =	vmul.f32 v4, v4  }
0xbe: {  	v7 =	vld [tilespmem:s16+$0x110];
	[tilespmem:s17+$0x8120] =	vst v5;
	v1 =	vmul.f32 v1, v1  }
0xbf: {  	v5 =	vld [tilespmem:s16+$0x120];
	[tilespmem:s17+$0x8130] =	vst v4;
	v2 =	vmul.f32 v2, v2  }
0xc0: {  	v4 =	vld [tilespmem:s16+$0x130];
	[tilespmem:s17+$0x8140] =	vst v1;
	v3 =	vmul.f32 v3, v3  }
0xc1: {  	v1 =	vld [tilespmem:s16+$0x140];
	[tilespmem:s17+$0x8150] =	vst v2;
	v8 =	vmul.f32 v8, v8  }
0xc2: {  	v2 =	vld [tilespmem:s16+$0x150];
	[tilespmem:s17+$0x8160] =	vst v3;
	v3 =	vmul.f32 v6, v6  }
0xc3: {  	v6 =	vld [tilespmem:s16+$0x160];
	v7 =	vmul.f32 v7, v7;
	[tilespmem:s16+$0x8170] =	vst v8  }
0xc4: {  	[tilespmem:s16+$0x8100] =	vst v3;
	v3 =	vmul.f32 v5, v5  }
0xc5: {  	[tilespmem:s16+$0x8110] =	vst v7;
	v4 =	vmul.f32 v4, v4  }
0xc6: {  	[tilespmem:s16+$0x8120] =	vst v3;
	v1 =	vmul.f32 v1, v1  }
0xc7: {  	[tilespmem:s16+$0x8130] =	vst v4;
	v2 =	vmul.f32 v2, v2  }
0xc8: {  	[tilespmem:s16+$0x8140] =	vst v1;
	v1 =	vmul.f32 v6, v6  }
0xc9: {  	[tilespmem:s16+$0x8150] =	vst v2  }
0xca: {  	[tilespmem:s16+$0x8160] =	vst v1;
	s16 =	simm.s32 $0x0  }
0xcb: {  	[spmem:s3] =	stream.indirect.scatter.add.f32 [tilespmem:s5], [sflag:$0x7], $0x80, s16, s0, $0xb8;
	[tilespmem:$0x16100] =	vst v63  }
0xcc: {  	_ =	swait.ge [sflag:s6], $0x80  }
0xcd: {  	[sflag:s6] =	ssyncset.done $0x0  }
0xce: {  	[sflag:s6] =	ssyncadd.s32 $0xFFFFFF80  }
0xcf: {  	_ =	swait.ge [sflag:s7], $0x4000  }
0xd0: {  	[sflag:s7] =	ssyncset.done $0x0  }
0xd1: {  	[sflag:s7] =	ssyncadd.s32 $0xFFFFC000  }
0xd2: {  	[spmem:s2] =	stream.indirect.scatter.add.f32 [tilespmem:s1], [sflag:$0x6], $0x80, s0, s0, $0xb8;
	[tilespmem:$0x16100] =	vst v63  }
0xd3: {  	_ =	swait.ge [sflag:s8], $0x4000  }
0xd4: {  	[sflag:s8] =	ssyncset.done $0x0  }
0xd5: {  	[sflag:s8] =	ssyncadd.s32 $0xFFFFC000  }
0xd6: {  	_ =	swait.ge [sflag:s9], $0x4000  }
0xd7: {  	[sflag:s9] =	ssyncset.done $0x0  }
0xd8: {  	s18 =	rddreg [dreg:$0xb];
	[sflag:s9] =	ssyncadd.s32 $0xFFFFC000  }
0xd9: {  	[tilespmem:s16], [sflag:$0x1] =	stream.linear.gather [hbm4b:s18+s16], $0x80, $0x38;
	[tilespmem:$0x16100] =	vst v63  }
0xda: {  	s17 =	simm.s32 $0x0  }
0xdb: {  	[tilespmem:s26], [sflag:$0x3] =	stream.linear.gather [hbm4b:s19+s16], $0x4000, $0x38;
	[tilespmem:$0x16100] =	vst v63  }
0xdc: {  	v2 =	vld [tilespmem:s17+$0x4170]  }
0xdd: {  	v6 =	vld [tilespmem:s17+$0x4100]  }
0xde: {  	v7 =	vld [tilespmem:s17+$0x4110]  }
0xdf: {  	v5 =	vld [tilespmem:s17+$0x4120]  }
0xe0: {  	v4 =	vld [tilespmem:s17+$0x4130]  }
0xe1: {  	v1 =	vld [tilespmem:s17+$0x4140];
	v8 =	vmul.f32 v2, v2  }
0xe2: {  	v2 =	vld [tilespmem:s17+$0x4150];
	v6 =	vmul.f32 v6, v6  }
0xe3: {  	s18 =	simm.s32 $0x400;
	s16 =	simm.s32 $0x80;
	v3 =	vld [tilespmem:s17+$0x4160];
	v7 =	vmul.f32 v7, v7;
	[tilespmem:s17+$0xC170] =	vst v8  }
.LBB2_10:
0xe4: {  	p0 =	sne.s32 s18, $0xFE00;
	v8 =	vld [tilespmem:s16+$0x4170];
	[tilespmem:s17+$0xC100] =	vst v6;
	v5 =	vmul.f32 v5, v5  }
0xe5: {  	v6 =	vld [tilespmem:s16+$0x4100];
	[tilespmem:s17+$0xC110] =	vst v7;
	v4 =	vmul.f32 v4, v4  }
0xe6: {  	v7 =	vld [tilespmem:s16+$0x4110];
	[tilespmem:s17+$0xC120] =	vst v5;
	v1 =	vmul.f32 v1, v1  }
.Ltmp4:
0xe7: {  	v5 =	vld [tilespmem:s16+$0x4120];
	[tilespmem:s17+$0xC130] =	vst v4;
	v2 =	vmul.f32 v2, v2;
	(pc) =	sbr.rel @p0 .LBB2_10-.Ltmp4, $4  }
0xe8: {  	v4 =	vld [tilespmem:s16+$0x4130];
	[tilespmem:s17+$0xC140] =	vst v1;
	v3 =	vmul.f32 v3, v3  }
0xe9: {  	v1 =	vld [tilespmem:s16+$0x4140];
	v8 =	vmul.f32 v8, v8;
	[tilespmem:s17+$0xC150] =	vst v2  }
0xea: {  	v6 =	vmul.f32 v6, v6;
	v2 =	vld [tilespmem:s16+$0x4150];
	[tilespmem:s17+$0xC160] =	vst v3;
	s17 =	smov.u32 s16  }
0xeb: {  	s16 =	sshra.s32 s18, $0x2;
	s18 =	sadd.s32 $0x200, s18;
	v7 =	vmul.f32 v7, v7;
	v3 =	vld [tilespmem:s17+$0x4160];
	[tilespmem:s17+$0xC170] =	vst v8  }
0xec: {  	v8 =	vld [tilespmem:s16+$0x4170];
	[tilespmem:s17+$0xC100] =	vst v6;
	v5 =	vmul.f32 v5, v5  }
0xed: {  	v6 =	vld [tilespmem:s16+$0x4100];
	[tilespmem:s17+$0xC110] =	vst v7;
	v4 =	vmul.f32 v4, v4  }
0xee: {  	v7 =	vld [tilespmem:s16+$0x4110];
	[tilespmem:s17+$0xC120] =	vst v5;
	v1 =	vmul.f32 v1, v1  }
0xef: {  	v5 =	vld [tilespmem:s16+$0x4120];
	[tilespmem:s17+$0xC130] =	vst v4;
	v2 =	vmul.f32 v2, v2  }
0xf0: {  	v4 =	vld [tilespmem:s16+$0x4130];
	[tilespmem:s17+$0xC140] =	vst v1;
	v3 =	vmul.f32 v3, v3  }
0xf1: {  	v1 =	vld [tilespmem:s16+$0x4140];
	[tilespmem:s17+$0xC150] =	vst v2;
	v8 =	vmul.f32 v8, v8  }
0xf2: {  	v2 =	vld [tilespmem:s16+$0x4150];
	[tilespmem:s17+$0xC160] =	vst v3;
	v3 =	vmul.f32 v6, v6  }
0xf3: {  	v6 =	vld [tilespmem:s16+$0x4160];
	v7 =	vmul.f32 v7, v7;
	[tilespmem:s16+$0xC170] =	vst v8  }
0xf4: {  	[tilespmem:s16+$0xC100] =	vst v3;
	v3 =	vmul.f32 v5, v5  }
0xf5: {  	[tilespmem:s16+$0xC110] =	vst v7;
	v4 =	vmul.f32 v4, v4  }
0xf6: {  	[tilespmem:s16+$0xC120] =	vst v3;
	v1 =	vmul.f32 v1, v1  }
0xf7: {  	[tilespmem:s16+$0xC130] =	vst v4;
	v2 =	vmul.f32 v2, v2  }
0xf8: {  	[tilespmem:s16+$0xC140] =	vst v1;
	v1 =	vmul.f32 v6, v6  }
0xf9: {  	[tilespmem:s16+$0xC150] =	vst v2  }
0xfa: {  	[tilespmem:s16+$0xC160] =	vst v1  }
0xfb: {  	[spmem:s3] =	stream.indirect.scatter.add.f32 [tilespmem:s10], [sflag:$0x8], $0x80, s0, s0, $0xb8;
	[tilespmem:$0x16100] =	vst v63  }
0xfc: {  	_ =	swait.ge [sflag:s30], $0x80  }
0xfd: {  	[sflag:s30] =	ssyncset.done $0x0  }
0xfe: {  	[sflag:s30] =	ssyncadd.s32 $0xFFFFFF80  }
0xff: {  	_ =	swait.ge [sflag:s31], $0x4000  }
0x100: {  	[sflag:s31] =	ssyncset.done $0x0  }
0x101: {  	s16 =	simm.s32 $0x0;
	[sflag:s31] =	ssyncadd.s32 $0xFFFFC000  }
0x102: {  	[spmem:s2] =	stream.indirect.scatter.add.f32 [tilespmem:s26], [sflag:$0x5], $0x80, s16, s0, $0xb8;
	[tilespmem:$0x16100] =	vst v63  }
0x103: {  	_ =	swait.ge [sflag:s11], $0x4000  }
0x104: {  	[sflag:s11] =	ssyncset.done $0x0  }
0x105: {  	[sflag:s11] =	ssyncadd.s32 $0xFFFFC000  }
0x106: {  	_ =	swait.ge [sflag:s12], $0x4000  }
0x107: {  	[sflag:s12] =	ssyncset.done $0x0  }
0x108: {  	s18 =	rddreg [dreg:$0xc];
	[sflag:s12] =	ssyncadd.s32 $0xFFFFC000  }
0x109: {  	[tilespmem:s0], [sflag:$0x2] =	stream.linear.gather [hbm4b:s18+s16], $0x80, $0x38;
	[tilespmem:$0x16100] =	vst v63  }
0x10a: {  	s17 =	simm.s32 $0x0  }
0x10b: {  	[tilespmem:s1], [sflag:$0x4] =	stream.linear.gather [hbm4b:s20+s16], $0x4000, $0x38;
	[tilespmem:$0x16100] =	vst v63  }
0x10c: {  	v2 =	vld [tilespmem:s17+$0x170]  }
0x10d: {  	v6 =	vld [tilespmem:s17+$0x100]  }
0x10e: {  	v7 =	vld [tilespmem:s17+$0x110]  }
0x10f: {  	v5 =	vld [tilespmem:s17+$0x120]  }
0x110: {  	v4 =	vld [tilespmem:s17+$0x130]  }
0x111: {  	v1 =	vld [tilespmem:s17+$0x140];
	v8 =	vmul.f32 v2, v2  }
0x112: {  	v2 =	vld [tilespmem:s17+$0x150];
	v6 =	vmul.f32 v6, v6  }
0x113: {  	s18 =	simm.s32 $0x400;
	s16 =	simm.s32 $0x80;
	v3 =	vld [tilespmem:s17+$0x160];
	v7 =	vmul.f32 v7, v7;
	[tilespmem:s17+$0x8170] =	vst v8  }
.LBB2_12:
0x114: {  	p0 =	sne.s32 s18, $0xFE00;
	v8 =	vld [tilespmem:s16+$0x170];
	[tilespmem:s17+$0x8100] =	vst v6;
	v5 =	vmul.f32 v5, v5  }
0x115: {  	v6 =	vld [tilespmem:s16+$0x100];
	[tilespmem:s17+$0x8110] =	vst v7;
	v4 =	vmul.f32 v4, v4  }
0x116: {  	v7 =	vld [tilespmem:s16+$0x110];
	[tilespmem:s17+$0x8120] =	vst v5;
	v1 =	vmul.f32 v1, v1  }
.Ltmp5:
0x117: {  	v5 =	vld [tilespmem:s16+$0x120];
	[tilespmem:s17+$0x8130] =	vst v4;
	v2 =	vmul.f32 v2, v2;
	(pc) =	sbr.rel @p0 .LBB2_12-.Ltmp5, $4  }
0x118: {  	v4 =	vld [tilespmem:s16+$0x130];
	[tilespmem:s17+$0x8140] =	vst v1;
	v3 =	vmul.f32 v3, v3  }
0x119: {  	v1 =	vld [tilespmem:s16+$0x140];
	v8 =	vmul.f32 v8, v8;
	[tilespmem:s17+$0x8150] =	vst v2  }
0x11a: {  	v6 =	vmul.f32 v6, v6;
	v2 =	vld [tilespmem:s16+$0x150];
	[tilespmem:s17+$0x8160] =	vst v3;
	s17 =	smov.u32 s16  }
0x11b: {  	s16 =	sshra.s32 s18, $0x2;
	s18 =	sadd.s32 $0x200, s18;
	v7 =	vmul.f32 v7, v7;
	v3 =	vld [tilespmem:s17+$0x160];
	[tilespmem:s17+$0x8170] =	vst v8  }
0x11c: {  	v8 =	vld [tilespmem:s16+$0x170];
	[tilespmem:s17+$0x8100] =	vst v6;
	v5 =	vmul.f32 v5, v5  }
0x11d: {  	v6 =	vld [tilespmem:s16+$0x100];
	[tilespmem:s17+$0x8110] =	vst v7;
	v4 =	vmul.f32 v4, v4  }
0x11e: {  	v7 =	vld [tilespmem:s16+$0x110];
	[tilespmem:s17+$0x8120] =	vst v5;
	v1 =	vmul.f32 v1, v1  }
0x11f: {  	v5 =	vld [tilespmem:s16+$0x120];
	[tilespmem:s17+$0x8130] =	vst v4;
	v2 =	vmul.f32 v2, v2  }
0x120: {  	v4 =	vld [tilespmem:s16+$0x130];
	[tilespmem:s17+$0x8140] =	vst v1;
	v3 =	vmul.f32 v3, v3  }
0x121: {  	v1 =	vld [tilespmem:s16+$0x140];
	[tilespmem:s17+$0x8150] =	vst v2;
	v8 =	vmul.f32 v8, v8  }
0x122: {  	v2 =	vld [tilespmem:s16+$0x150];
	[tilespmem:s17+$0x8160] =	vst v3;
	v3 =	vmul.f32 v6, v6  }
0x123: {  	v6 =	vld [tilespmem:s16+$0x160];
	v7 =	vmul.f32 v7, v7;
	[tilespmem:s16+$0x8170] =	vst v8  }
0x124: {  	[tilespmem:s16+$0x8100] =	vst v3;
	v3 =	vmul.f32 v5, v5  }
0x125: {  	[tilespmem:s16+$0x8110] =	vst v7;
	v4 =	vmul.f32 v4, v4  }
0x126: {  	[tilespmem:s16+$0x8120] =	vst v3;
	v1 =	vmul.f32 v1, v1  }
0x127: {  	[tilespmem:s16+$0x8130] =	vst v4;
	v2 =	vmul.f32 v2, v2  }
0x128: {  	[tilespmem:s16+$0x8140] =	vst v1;
	v1 =	vmul.f32 v6, v6  }
0x129: {  	[tilespmem:s16+$0x8150] =	vst v2  }
0x12a: {  	[tilespmem:s16+$0x8160] =	vst v1;
	s16 =	simm.s32 $0x0  }
0x12b: {  	[spmem:s3] =	stream.indirect.scatter.add.f32 [tilespmem:s5], [sflag:$0x7], $0x80, s16, s0, $0xb8;
	[tilespmem:$0x16100] =	vst v63  }
0x12c: {  	_ =	swait.ge [sflag:s6], $0x80  }
0x12d: {  	[sflag:s6] =	ssyncset.done $0x0  }
0x12e: {  	[sflag:s6] =	ssyncadd.s32 $0xFFFFFF80  }
0x12f: {  	_ =	swait.ge [sflag:s7], $0x4000  }
0x130: {  	[sflag:s7] =	ssyncset.done $0x0  }
0x131: {  	[sflag:s7] =	ssyncadd.s32 $0xFFFFC000  }
0x132: {  	[spmem:s2] =	stream.indirect.scatter.add.f32 [tilespmem:s1], [sflag:$0x6], $0x80, s0, s0, $0xb8;
	[tilespmem:$0x16100] =	vst v63  }
0x133: {  	_ =	swait.ge [sflag:s8], $0x4000  }
0x134: {  	[sflag:s8] =	ssyncset.done $0x0  }
0x135: {  	[sflag:s8] =	ssyncadd.s32 $0xFFFFC000  }
0x136: {  	_ =	swait.ge [sflag:s9], $0x4000  }
0x137: {  	[sflag:s9] =	ssyncset.done $0x0  }
0x138: {  	s18 =	rddreg [dreg:$0xd];
	[sflag:s9] =	ssyncadd.s32 $0xFFFFC000  }
0x139: {  	[tilespmem:s16], [sflag:$0x1] =	stream.linear.gather [hbm4b:s18+s16], $0x80, $0x38;
	[tilespmem:$0x16100] =	vst v63  }
0x13a: {  	s17 =	simm.s32 $0x0  }
0x13b: {  	[tilespmem:s26], [sflag:$0x3] =	stream.linear.gather [hbm4b:s21+s16], $0x4000, $0x38;
	[tilespmem:$0x16100] =	vst v63  }
0x13c: {  	v2 =	vld [tilespmem:s17+$0x4170]  }
0x13d: {  	v6 =	vld [tilespmem:s17+$0x4100]  }
0x13e: {  	v7 =	vld [tilespmem:s17+$0x4110]  }
0x13f: {  	v5 =	vld [tilespmem:s17+$0x4120]  }
0x140: {  	v4 =	vld [tilespmem:s17+$0x4130]  }
0x141: {  	v1 =	vld [tilespmem:s17+$0x4140];
	v8 =	vmul.f32 v2, v2  }
0x142: {  	v2 =	vld [tilespmem:s17+$0x4150];
	v6 =	vmul.f32 v6, v6  }
0x143: {  	s18 =	simm.s32 $0x400;
	s16 =	simm.s32 $0x80;
	v3 =	vld [tilespmem:s17+$0x4160];
	v7 =	vmul.f32 v7, v7;
	[tilespmem:s17+$0xC170] =	vst v8  }
.LBB2_14:
0x144: {  	p0 =	sne.s32 s18, $0xFE00;
	v8 =	vld [tilespmem:s16+$0x4170];
	[tilespmem:s17+$0xC100] =	vst v6;
	v5 =	vmul.f32 v5, v5  }
0x145: {  	v6 =	vld [tilespmem:s16+$0x4100];
	[tilespmem:s17+$0xC110] =	vst v7;
	v4 =	vmul.f32 v4, v4  }
0x146: {  	v7 =	vld [tilespmem:s16+$0x4110];
	[tilespmem:s17+$0xC120] =	vst v5;
	v1 =	vmul.f32 v1, v1  }
.Ltmp6:
0x147: {  	v5 =	vld [tilespmem:s16+$0x4120];
	[tilespmem:s17+$0xC130] =	vst v4;
	v2 =	vmul.f32 v2, v2;
	(pc) =	sbr.rel @p0 .LBB2_14-.Ltmp6, $4  }
0x148: {  	v4 =	vld [tilespmem:s16+$0x4130];
	[tilespmem:s17+$0xC140] =	vst v1;
	v3 =	vmul.f32 v3, v3  }
0x149: {  	v1 =	vld [tilespmem:s16+$0x4140];
	v8 =	vmul.f32 v8, v8;
	[tilespmem:s17+$0xC150] =	vst v2  }
0x14a: {  	v6 =	vmul.f32 v6, v6;
	v2 =	vld [tilespmem:s16+$0x4150];
	[tilespmem:s17+$0xC160] =	vst v3;
	s17 =	smov.u32 s16  }
0x14b: {  	s16 =	sshra.s32 s18, $0x2;
	s18 =	sadd.s32 $0x200, s18;
	v7 =	vmul.f32 v7, v7;
	v3 =	vld [tilespmem:s17+$0x4160];
	[tilespmem:s17+$0xC170] =	vst v8  }
0x14c: {  	v8 =	vld [tilespmem:s16+$0x4170];
	[tilespmem:s17+$0xC100] =	vst v6;
	v5 =	vmul.f32 v5, v5  }
0x14d: {  	v6 =	vld [tilespmem:s16+$0x4100];
	[tilespmem:s17+$0xC110] =	vst v7;
	v4 =	vmul.f32 v4, v4  }
0x14e: {  	v7 =	vld [tilespmem:s16+$0x4110];
	[tilespmem:s17+$0xC120] =	vst v5;
	v1 =	vmul.f32 v1, v1  }
0x14f: {  	v5 =	vld [tilespmem:s16+$0x4120];
	[tilespmem:s17+$0xC130] =	vst v4;
	v2 =	vmul.f32 v2, v2  }
0x150: {  	v4 =	vld [tilespmem:s16+$0x4130];
	[tilespmem:s17+$0xC140] =	vst v1;
	v3 =	vmul.f32 v3, v3  }
0x151: {  	v1 =	vld [tilespmem:s16+$0x4140];
	[tilespmem:s17+$0xC150] =	vst v2;
	v8 =	vmul.f32 v8, v8  }
0x152: {  	v2 =	vld [tilespmem:s16+$0x4150];
	[tilespmem:s17+$0xC160] =	vst v3;
	v3 =	vmul.f32 v6, v6  }
0x153: {  	v6 =	vld [tilespmem:s16+$0x4160];
	v7 =	vmul.f32 v7, v7;
	[tilespmem:s16+$0xC170] =	vst v8  }
0x154: {  	[tilespmem:s16+$0xC100] =	vst v3;
	v3 =	vmul.f32 v5, v5  }
0x155: {  	[tilespmem:s16+$0xC110] =	vst v7;
	v4 =	vmul.f32 v4, v4  }
0x156: {  	[tilespmem:s16+$0xC120] =	vst v3;
	v1 =	vmul.f32 v1, v1  }
0x157: {  	[tilespmem:s16+$0xC130] =	vst v4;
	v2 =	vmul.f32 v2, v2  }
0x158: {  	[tilespmem:s16+$0xC140] =	vst v1;
	v1 =	vmul.f32 v6, v6  }
0x159: {  	[tilespmem:s16+$0xC150] =	vst v2  }
0x15a: {  	[tilespmem:s16+$0xC160] =	vst v1  }
0x15b: {  	[spmem:s3] =	stream.indirect.scatter.add.f32 [tilespmem:s10], [sflag:$0x8], $0x80, s0, s0, $0xb8;
	[tilespmem:$0x16100] =	vst v63  }
0x15c: {  	_ =	swait.ge [sflag:s30], $0x80  }
0x15d: {  	[sflag:s30] =	ssyncset.done $0x0  }
0x15e: {  	[sflag:s30] =	ssyncadd.s32 $0xFFFFFF80  }
0x15f: {  	_ =	swait.ge [sflag:s31], $0x4000  }
0x160: {  	[sflag:s31] =	ssyncset.done $0x0  }
0x161: {  	s16 =	simm.s32 $0x0;
	[sflag:s31] =	ssyncadd.s32 $0xFFFFC000  }
0x162: {  	[spmem:s2] =	stream.indirect.scatter.add.f32 [tilespmem:s26], [sflag:$0x5], $0x80, s16, s0, $0xb8;
	[tilespmem:$0x16100] =	vst v63  }
0x163: {  	_ =	swait.ge [sflag:s11], $0x4000  }
0x164: {  	[sflag:s11] =	ssyncset.done $0x0  }
0x165: {  	[sflag:s11] =	ssyncadd.s32 $0xFFFFC000  }
0x166: {  	_ =	swait.ge [sflag:s12], $0x4000  }
0x167: {  	[sflag:s12] =	ssyncset.done $0x0  }
0x168: {  	s18 =	rddreg [dreg:$0xe];
	[sflag:s12] =	ssyncadd.s32 $0xFFFFC000  }
0x169: {  	[tilespmem:s0], [sflag:$0x2] =	stream.linear.gather [hbm4b:s18+s16], $0x80, $0x38;
	[tilespmem:$0x16100] =	vst v63  }
0x16a: {  	s17 =	simm.s32 $0x0  }
0x16b: {  	[tilespmem:s1], [sflag:$0x4] =	stream.linear.gather [hbm4b:s22+s16], $0x4000, $0x38;
	[tilespmem:$0x16100] =	vst v63  }
0x16c: {  	v2 =	vld [tilespmem:s17+$0x170]  }
0x16d: {  	v6 =	vld [tilespmem:s17+$0x100]  }
0x16e: {  	v7 =	vld [tilespmem:s17+$0x110]  }
0x16f: {  	v5 =	vld [tilespmem:s17+$0x120]  }
0x170: {  	v4 =	vld [tilespmem:s17+$0x130]  }
0x171: {  	v1 =	vld [tilespmem:s17+$0x140];
	v8 =	vmul.f32 v2, v2  }
0x172: {  	v2 =	vld [tilespmem:s17+$0x150];
	v6 =	vmul.f32 v6, v6  }
0x173: {  	s18 =	simm.s32 $0x400;
	s16 =	simm.s32 $0x80;
	v3 =	vld [tilespmem:s17+$0x160];
	v7 =	vmul.f32 v7, v7;
	[tilespmem:s17+$0x8170] =	vst v8  }
.LBB2_16:
0x174: {  	p0 =	sne.s32 s18, $0xFE00;
	v8 =	vld [tilespmem:s16+$0x170];
	[tilespmem:s17+$0x8100] =	vst v6;
	v5 =	vmul.f32 v5, v5  }
0x175: {  	v6 =	vld [tilespmem:s16+$0x100];
	[tilespmem:s17+$0x8110] =	vst v7;
	v4 =	vmul.f32 v4, v4  }
0x176: {  	v7 =	vld [tilespmem:s16+$0x110];
	[tilespmem:s17+$0x8120] =	vst v5;
	v1 =	vmul.f32 v1, v1  }
.Ltmp7:
0x177: {  	v5 =	vld [tilespmem:s16+$0x120];
	[tilespmem:s17+$0x8130] =	vst v4;
	v2 =	vmul.f32 v2, v2;
	(pc) =	sbr.rel @p0 .LBB2_16-.Ltmp7, $4  }
0x178: {  	v4 =	vld [tilespmem:s16+$0x130];
	[tilespmem:s17+$0x8140] =	vst v1;
	v3 =	vmul.f32 v3, v3  }
0x179: {  	v1 =	vld [tilespmem:s16+$0x140];
	v8 =	vmul.f32 v8, v8;
	[tilespmem:s17+$0x8150] =	vst v2  }
0x17a: {  	v6 =	vmul.f32 v6, v6;
	v2 =	vld [tilespmem:s16+$0x150];
	[tilespmem:s17+$0x8160] =	vst v3;
	s17 =	smov.u32 s16  }
0x17b: {  	s16 =	sshra.s32 s18, $0x2;
	s18 =	sadd.s32 $0x200, s18;
	v7 =	vmul.f32 v7, v7;
	v3 =	vld [tilespmem:s17+$0x160];
	[tilespmem:s17+$0x8170] =	vst v8  }
0x17c: {  	v8 =	vld [tilespmem:s16+$0x170];
	[tilespmem:s17+$0x8100] =	vst v6;
	v5 =	vmul.f32 v5, v5  }
0x17d: {  	v6 =	vld [tilespmem:s16+$0x100];
	[tilespmem:s17+$0x8110] =	vst v7;
	v4 =	vmul.f32 v4, v4  }
0x17e: {  	v7 =	vld [tilespmem:s16+$0x110];
	[tilespmem:s17+$0x8120] =	vst v5;
	v1 =	vmul.f32 v1, v1  }
0x17f: {  	v5 =	vld [tilespmem:s16+$0x120];
	[tilespmem:s17+$0x8130] =	vst v4;
	v2 =	vmul.f32 v2, v2  }
0x180: {  	v4 =	vld [tilespmem:s16+$0x130];
	[tilespmem:s17+$0x8140] =	vst v1;
	v3 =	vmul.f32 v3, v3  }
0x181: {  	v1 =	vld [tilespmem:s16+$0x140];
	[tilespmem:s17+$0x8150] =	vst v2;
	v8 =	vmul.f32 v8, v8  }
0x182: {  	v2 =	vld [tilespmem:s16+$0x150];
	[tilespmem:s17+$0x8160] =	vst v3;
	v3 =	vmul.f32 v6, v6  }
0x183: {  	v6 =	vld [tilespmem:s16+$0x160];
	v7 =	vmul.f32 v7, v7;
	[tilespmem:s16+$0x8170] =	vst v8  }
0x184: {  	[tilespmem:s16+$0x8100] =	vst v3;
	v3 =	vmul.f32 v5, v5  }
0x185: {  	[tilespmem:s16+$0x8110] =	vst v7;
	v4 =	vmul.f32 v4, v4  }
0x186: {  	[tilespmem:s16+$0x8120] =	vst v3;
	v1 =	vmul.f32 v1, v1  }
0x187: {  	[tilespmem:s16+$0x8130] =	vst v4;
	v2 =	vmul.f32 v2, v2  }
0x188: {  	[tilespmem:s16+$0x8140] =	vst v1;
	v1 =	vmul.f32 v6, v6  }
0x189: {  	[tilespmem:s16+$0x8150] =	vst v2  }
0x18a: {  	s18 =	simm.s32 $0x0;
	[tilespmem:s16+$0x8160] =	vst v1  }
0x18b: {  	[spmem:s3] =	stream.indirect.scatter.add.f32 [tilespmem:s5], [sflag:$0x7], $0x80, s18, s0, $0xb8;
	[tilespmem:$0x16100] =	vst v63  }
0x18c: {  	_ =	swait.ge [sflag:s6], $0x80  }
0x18d: {  	[sflag:s6] =	ssyncset.done $0x0  }
0x18e: {  	[sflag:s6] =	ssyncadd.s32 $0xFFFFFF80  }
0x18f: {  	_ =	swait.ge [sflag:s7], $0x4000  }
0x190: {  	[sflag:s7] =	ssyncset.done $0x0  }
0x191: {  	s17 =	simm.s32 $0x0;
	[sflag:s7] =	ssyncadd.s32 $0xFFFFC000  }
0x192: {  	[spmem:s2] =	stream.indirect.scatter.add.f32 [tilespmem:s1], [sflag:$0x6], $0x80, s0, s0, $0xb8;
	[tilespmem:$0x16100] =	vst v63  }
0x193: {  	v2 =	vld [tilespmem:s17+$0x4170]  }
0x194: {  	v6 =	vld [tilespmem:s17+$0x4100]  }
0x195: {  	v7 =	vld [tilespmem:s17+$0x4110]  }
0x196: {  	v5 =	vld [tilespmem:s17+$0x4120]  }
0x197: {  	v4 =	vld [tilespmem:s17+$0x4130]  }
0x198: {  	v1 =	vld [tilespmem:s17+$0x4140];
	v8 =	vmul.f32 v2, v2  }
0x199: {  	v2 =	vld [tilespmem:s17+$0x4150];
	v6 =	vmul.f32 v6, v6  }
0x19a: {  	s16 =	simm.s32 $0x80;
	s18 =	simm.s32 $0x400;
	v3 =	vld [tilespmem:s17+$0x4160];
	v7 =	vmul.f32 v7, v7;
	[tilespmem:s17+$0xC170] =	vst v8  }
.LBB2_18:
0x19b: {  	p0 =	sne.s32 s18, $0xFE00;
	v8 =	vld [tilespmem:s16+$0x4170];
	[tilespmem:s17+$0xC100] =	vst v6;
	v5 =	vmul.f32 v5, v5  }
0x19c: {  	v6 =	vld [tilespmem:s16+$0x4100];
	[tilespmem:s17+$0xC110] =	vst v7;
	v4 =	vmul.f32 v4, v4  }
0x19d: {  	v7 =	vld [tilespmem:s16+$0x4110];
	[tilespmem:s17+$0xC120] =	vst v5;
	v1 =	vmul.f32 v1, v1  }
.Ltmp8:
0x19e: {  	v5 =	vld [tilespmem:s16+$0x4120];
	[tilespmem:s17+$0xC130] =	vst v4;
	v2 =	vmul.f32 v2, v2;
	(pc) =	sbr.rel @p0 .LBB2_18-.Ltmp8, $4  }
0x19f: {  	v4 =	vld [tilespmem:s16+$0x4130];
	[tilespmem:s17+$0xC140] =	vst v1;
	v3 =	vmul.f32 v3, v3  }
0x1a0: {  	v1 =	vld [tilespmem:s16+$0x4140];
	v8 =	vmul.f32 v8, v8;
	[tilespmem:s17+$0xC150] =	vst v2  }
0x1a1: {  	v6 =	vmul.f32 v6, v6;
	v2 =	vld [tilespmem:s16+$0x4150];
	[tilespmem:s17+$0xC160] =	vst v3;
	s17 =	smov.u32 s16  }
0x1a2: {  	s16 =	sshra.s32 s18, $0x2;
	s18 =	sadd.s32 $0x200, s18;
	v7 =	vmul.f32 v7, v7;
	v3 =	vld [tilespmem:s17+$0x4160];
	[tilespmem:s17+$0xC170] =	vst v8  }
0x1a3: {  	v8 =	vld [tilespmem:s16+$0x4170];
	[tilespmem:s17+$0xC100] =	vst v6;
	v5 =	vmul.f32 v5, v5  }
0x1a4: {  	v6 =	vld [tilespmem:s16+$0x4100];
	[tilespmem:s17+$0xC110] =	vst v7;
	v4 =	vmul.f32 v4, v4  }
0x1a5: {  	v7 =	vld [tilespmem:s16+$0x4110];
	[tilespmem:s17+$0xC120] =	vst v5;
	v1 =	vmul.f32 v1, v1  }
0x1a6: {  	v5 =	vld [tilespmem:s16+$0x4120];
	[tilespmem:s17+$0xC130] =	vst v4;
	v2 =	vmul.f32 v2, v2  }
0x1a7: {  	v4 =	vld [tilespmem:s16+$0x4130];
	[tilespmem:s17+$0xC140] =	vst v1;
	v3 =	vmul.f32 v3, v3  }
0x1a8: {  	v1 =	vld [tilespmem:s16+$0x4140];
	[tilespmem:s17+$0xC150] =	vst v2;
	v8 =	vmul.f32 v8, v8  }
0x1a9: {  	v2 =	vld [tilespmem:s16+$0x4150];
	[tilespmem:s17+$0xC160] =	vst v3;
	v3 =	vmul.f32 v6, v6  }
0x1aa: {  	v63 =	vld [tilespmem:s16+$0x4160];
	v7 =	vmul.f32 v7, v7;
	[tilespmem:s16+$0xC170] =	vst v8  }
0x1ab: {  	[tilespmem:s16+$0xC100] =	vst v3;
	v3 =	vmul.f32 v5, v5  }
0x1ac: {  	[tilespmem:s16+$0xC110] =	vst v7;
	v4 =	vmul.f32 v4, v4  }
0x1ad: {  	[tilespmem:s16+$0xC120] =	vst v3;
	v1 =	vmul.f32 v1, v1  }
0x1ae: {  	[tilespmem:s16+$0xC130] =	vst v4;
	v2 =	vmul.f32 v2, v2  }
0x1af: {  	[tilespmem:s16+$0xC140] =	vst v1;
	v1 =	vmul.f32 v63, v63  }
0x1b0: {  	[tilespmem:s16+$0xC150] =	vst v2  }
0x1b1: {  	[tilespmem:s16+$0xC160] =	vst v1  }
0x1b2: {  	[spmem:s3] =	stream.indirect.scatter.add.f32 [tilespmem:s10], [sflag:$0x8], $0x80, s0, s0, $0xb8;
	[tilespmem:$0x16100] =	vst v63  }
0x1b3: {  	_ =	swait.ge [sflag:s8], $0x4000  }
0x1b4: {  	[sflag:s8] =	ssyncset.done $0x0  }
0x1b5: {  	[sflag:s8] =	ssyncadd.s32 $0xFFFFC000  }
0x1b6: {  	_ =	swait.ge [sflag:s9], $0x4000  }
0x1b7: {  	[sflag:s9] =	ssyncset.done $0x0  }
0x1b8: {  	[sflag:s9] =	ssyncadd.s32 $0xFFFFC000  }
0x1b9: {  	_ =	swait.ge [sflag:s11], $0x4000  }
0x1ba: {  	[sflag:s11] =	ssyncset.done $0x0  }
0x1bb: {  	[sflag:s11] =	ssyncadd.s32 $0xFFFFC000  }
0x1bc: {  	_ =	swait.ge [sflag:s12], $0x4000  }
0x1bd: {  	[sflag:s12] =	ssyncset.done $0x0  }
0x1be: {  	[sflag:s12] =	ssyncadd.s32 $0xFFFFC000  }
0x1bf: {  	[bflag:$0x0] =	sbarrier.arrive $0xFFFF  }
0x1c0: {  	[tilespmem:s28], [sflag:$0x9] =	stream.linear.gather [spmem:s14], $0x2000, $0x38;
	[tilespmem:$0x16100] =	vst v63  }
0x1c1: {  	_ =	swait.ge [sflag:s29], $0x2000  }
0x1c2: {  	[sflag:s29] =	ssyncset.done $0x0  }
0x1c3: {  	[sflag:s29] =	ssyncadd.s32 $0xFFFFE000  }
0x1c4: {  	[hbm4b:s23+s4] =	stream.linear.scatter [tilespmem:s28], [sflag:$0x9], $0x2000, $0x38;
	[tilespmem:$0x16100] =	vst v63  }
0x1c5: {  	_ =	swait.ge [sflag:s29], $0x2000  }
0x1c6: {  	[sflag:s29] =	ssyncset.done $0x0  }
0x1c7: {  	[sflag:s29] =	ssyncadd.s32 $0xFFFFE000  }
0x1c8: {  	[tilespmem:s28], [sflag:$0x9] =	stream.linear.gather [spmem:s15], $0x2000, $0x38;
	[tilespmem:$0x16100] =	vst v63  }
0x1c9: {  	s13 =	sadd.s32 $0x1, s13;
	_ =	swait.ge [sflag:s29], $0x2000  }
0x1ca: {  	p0 =	sne.s32 s13, s25;
	[sflag:s29] =	ssyncset.done $0x0  }
.Ltmp9:
0x1cb: {  	[sflag:s29] =	ssyncadd.s32 $0xFFFFE000;
	(pc) =	sbr.rel @p0 .LBB2_1-.Ltmp9, $4  }
0x1cc: {  	[hbm4b:s24+s4] =	stream.linear.scatter [tilespmem:s28], [sflag:$0x9], $0x2000, $0x38;
	[tilespmem:$0x16100] =	vst v63  }
0x1cd: {  	_ =	swait.ge [sflag:s29], $0x2000  }
0x1ce: {  	[sflag:s29] =	ssyncset.done $0x0  }
0x1cf: {  	[sflag:s29] =	ssyncadd.s32 $0xFFFFE000  }
0x1d0: {  	_ =	sfence.sel $0x180000  }
0x1d1: {  	[bflag:$0x0] =	sbarrier.arrive $0xFFFF  }
0x1d2: {  	_ =	strace $0x90000047  }
0x1d3: {  	s0 =	stileid.u32;
	[bflag:$0x2] =	sbarrier.arrive $0xFFFF  }
0x1d4: {  	p0 =	sne.s32 s0, $0x0;
	s0 =	rddreg [dreg:$0x5]  }
0x1d5: {  	s0 =	sadd.s32 @!p0 $0x100000, s0  }
0x1d6: {  	[sflag:s0] =	ssyncadd.tile.s32 @!p0 $0x1;
	_ =	shalt  }
.Lfunc_end2:
_tile_overlayer_lowered:
.L_overlay_start_2:
0x1d7: {  	(tag) =	ssettag $0x2  }
0x1d8: {  	s0 =	rddreg [dreg:$0x0];
	s2 =	stileid.u32  }
0x1d9: {  	s1 =	rddreg [dreg:$0x1];
	p0 =	sne.s32 s2, $0x0  }
0x1da: {  	s3 =	rddreg [dreg:$0x2];
	[bflag:$0x3] =	sbarrier.arrive $0xFFFF;
	s2 =	simm.s32 @!p0 $0x1C09  }
0x1db: {  	[timem:s3], [sflag:s2] =	dma.local @!p0 [hbm:s0], s1  }
0x1dc: {  	s0 =	simm.s32 @!p0 $0x9  }
0x1dd: {  	_ =	swait.ge @!p0 [sflag:s0], s1  }
0x1de: {  	s1 =	ssub.s32 @!p0 $0x0, s1;
	[sflag:s0] =	ssyncset.done @!p0 $0x0  }
0x1df: {  	[sflag:s0] =	ssyncadd.s32 @!p0 s1  }
0x1e0: {  	[bflag:$0x3] =	sbarrier.arrive $0xFFFF  }
0x1e1: {  	_ =	shalt  }

// kernel: kernel.9.cloned.1.call-start
scs
__scs_entry_jumppad:
0x0: {  	(pc) =	sbr.rel $0x88, $3  }
0x1: {  	(tag) =	ssettag $0x0;
	lr =	simm.s32 $0x1  }
0x2: {  	[smem:$0x3F9F] =	sst lr;
	_ =	strace $0xD0000000  }
0x3: {  	_ = 	snop  }
0x4: {  	_ = 	snop  }
0x5: {  	_ = 	snop  }
0x6: {  	_ = 	snop  }
0x7: {  	_ = 	snop  }
__scs_overlays_trampoline_lowered:
0x8: {  	[smem:$0x3FAE] =	sst s0  }
0x9: {  	[smem:$0x3FAF] =	sst s1  }
0xa: {  	[smem:$0x3FB0] =	sst s2  }
0xb: {  	[smem:$0x3FB1] =	sst s3  }
0xc: {  	[smem:$0x3FB2] =	sst s4  }
0xd: {  	[smem:$0x3FB3] =	sst s5  }
0xe: {  	[smem:$0x3FB4] =	sst s6  }
0xf: {  	[smem:$0x3FB5] =	sst s7  }
0x10: {  	[smem:$0x3FB6] =	sst s8  }
0x11: {  	[smem:$0x3FB7] =	sst s9;
	s0 =	simm.s32 @!p0 $0x0  }
0x12: {  	s1 =	sld [smem:$0x3F9D];
	s0 =	simm.s32 @p0 $0x1  }
0x13: {  	[smem:$0x3FB8] =	sst s0;
	s0 =	simm.s32 @!p1 $0x0  }
0x14: {  	s2 =	sld [smem:$0x3F9C];
	s0 =	simm.s32 @p1 $0x1  }
0x15: {  	[smem:$0x3FB9] =	sst s0;
	s0 =	simm.s32 @!p2 $0x0  }
0x16: {  	s3 =	sld [smem:$0x3FDB];
	s0 =	simm.s32 @p2 $0x1  }
0x17: {  	s4 =	simm.s32 $0x1BF5;
	[smem:$0x3FBB] =	sst s0  }
0x18: {  	s0 =	sld [smem:$0x3F9E];
	_ =	swait.ge [sflag:s4], $0x0  }
0x19: {  	s7 =	sld [smem:$0x3F9F]  }
0x1a: {  	s8 =	sadd.s32 $0xFFFFE003, lr  }
0x1b: {  	s9 =	sadd.s32 $0xFFFFFEF7, lr;
	s5 =	simm.s32 $0xFFFFFFFF;
	p2 =	slt.u32 s8, $0xFFFFF086  }
0x1c: {  	p1 =	slt.u32 s9, $0xF7A;
	s5 =	simm.s32 @!p2 $0x0  }
0x1d: {  	s5 =	simm.s32 @p1 $0x1;
	p0 =	seq.s32 s7, s2  }
0x1e: {  	s7 =	smul.u32 @!p0 $0xF7A, s2;
	p2 =	seq.s32 @!p0 s5, $0x0  }
0x1f: {  	s9 =	smul.u32 $0xF7A, s1;
	s8 =	simm.s32 @!p0 $0x1BF5;
	p2 =	por !p2, p0  }
0x20: {  	[sflag:s8] =	ssyncset.s32 @!p0 $0xFFFFF086;
	s6 =	sadd.s32 @!p0 s3, s7;
	s7 =	simm.s32 @!p0 $0x108  }
0x21: {  	s3 =	sadd.s32 s3, s9;
	s6 =	sadd.s32 @!p0 $0x88, s6;
	s7 =	simm.s32 @p2 $0x1082  }
0x22: {  	[simem:s7], [sflag:s8] =	dma.local @!p0 [hbm:s6], $0xF7A  }
0x23: {  	s9 =	sor.u32 $0xD0000000, s2;
	s6 =	simm.s32 $0x108;
	_ =	swait.ge @!p0 [sflag:s8], $0x0  }
0x24: {  	s3 =	sadd.s32 $0x88, s3;
	s6 =	simm.s32 @!p1 $0x1082;
	[sflag:s4] =	ssyncset.s32 $0xFFFFF086  }
0x25: {  	[simem:s6], [sflag:s4] =	dma.local [hbm:s3], $0xF7A  }
0x26: {  	[smem:$0x3F9F] =	sst s1;
	(tag) =	ssettag s2;
	_ =	strace s9  }
0x27: {  	s1 =	sld [smem:$0x3FAF]  }
0x28: {  	s2 =	sld [smem:$0x3FB0]  }
0x29: {  	s4 =	sld [smem:$0x3FB2]  }
0x2a: {  	p0 =	seq.s32 s5, $0x0;
	s5 =	sld [smem:$0x3FB3]  }
0x2b: {  	s6 =	sld [smem:$0x3FB4]  }
0x2c: {  	s7 =	sld [smem:$0x3FB5]  }
0x2d: {  	s3 =	simm.s32 $0x108;
	s8 =	sld [smem:$0x3FB6]  }
0x2e: {  	s3 =	simm.s32 @!p0 $0x1082;
	s9 =	sld [smem:$0x3FB7]  }
0x2f: {  	lr =	sadd.s32 s0, s3;
	s0 =	sld [smem:$0x3FAE]  }
0x30: {  	s3 =	sld [smem:$0x3FB1]  }
0x31: {  	[smem:$0x3FBA] =	sst s10  }
0x32: {  	s10 =	sld [smem:$0x3FB8];
	_ =	sdelay $0x3  }
0x33: {  	p0 =	seq.s32 s10, $0x1;
	s10 =	sld [smem:$0x3FBA];
	_ =	sdelay $0x3  }
0x34: {  	[smem:$0x3FBA] =	sst s10  }
0x35: {  	s10 =	sld [smem:$0x3FB9];
	_ =	sdelay $0x3  }
0x36: {  	p1 =	seq.s32 s10, $0x1;
	s10 =	sld [smem:$0x3FBA];
	_ =	sdelay $0x3  }
0x37: {  	[smem:$0x3FBA] =	sst s10  }
0x38: {  	s10 =	sld [smem:$0x3FBB]  }
0x39: {  	_ = 	snop;
	(pc) =	sbr.ind lr, $3  }
0x3a: {  	_ = 	snop  }
0x3b: {  	_ = 	snop  }
0x3c: {  	p2 =	seq.s32 s10, $0x1;
	s10 =	sld [smem:$0x3FBA]  }
0x3d: {  	_ =	shalt  }
0x3e: {  	_ =	shalt  }
0x3f: {  	_ =	shalt  }
0x40: {  	_ =	shalt  }
0x41: {  	_ =	shalt  }
0x42: {  	_ =	shalt  }
0x43: {  	_ =	shalt  }
0x44: {  	_ =	shalt  }
0x45: {  	_ =	shalt  }
0x46: {  	_ =	shalt  }
0x47: {  	_ =	shalt  }
0x48: {  	_ =	shalt  }
0x49: {  	_ =	shalt  }
0x4a: {  	_ =	shalt  }
0x4b: {  	_ =	shalt  }
0x4c: {  	_ =	shalt  }
0x4d: {  	_ =	shalt  }
0x4e: {  	_ =	shalt  }
0x4f: {  	_ =	shalt  }
0x50: {  	_ =	shalt  }
0x51: {  	_ =	shalt  }
0x52: {  	_ =	shalt  }
0x53: {  	_ =	shalt  }
0x54: {  	_ =	shalt  }
0x55: {  	_ =	shalt  }
0x56: {  	_ =	shalt  }
0x57: {  	_ =	shalt  }
0x58: {  	_ =	shalt  }
0x59: {  	_ =	shalt  }
0x5a: {  	_ =	shalt  }
0x5b: {  	_ =	shalt  }
0x5c: {  	_ =	shalt  }
0x5d: {  	_ =	shalt  }
0x5e: {  	_ =	shalt  }
0x5f: {  	_ =	shalt  }
0x60: {  	_ =	shalt  }
0x61: {  	_ =	shalt  }
0x62: {  	_ =	shalt  }
0x63: {  	_ =	shalt  }
0x64: {  	_ =	shalt  }
0x65: {  	_ =	shalt  }
0x66: {  	_ =	shalt  }
0x67: {  	_ =	shalt  }
0x68: {  	_ =	shalt  }
0x69: {  	_ =	shalt  }
0x6a: {  	_ =	shalt  }
0x6b: {  	_ =	shalt  }
0x6c: {  	_ =	shalt  }
0x6d: {  	_ =	shalt  }
0x6e: {  	_ =	shalt  }
0x6f: {  	_ =	shalt  }
0x70: {  	_ =	shalt  }
0x71: {  	_ =	shalt  }
0x72: {  	_ =	shalt  }
0x73: {  	_ =	shalt  }
0x74: {  	_ =	shalt  }
0x75: {  	_ =	shalt  }
0x76: {  	_ =	shalt  }
0x77: {  	_ =	shalt  }
0x78: {  	_ =	shalt  }
0x79: {  	_ =	shalt  }
0x7a: {  	_ =	shalt  }
0x7b: {  	_ =	shalt  }
0x7c: {  	_ =	shalt  }
0x7d: {  	_ =	shalt  }
0x7e: {  	_ =	shalt  }
0x7f: {  	_ =	shalt  }
0x80: {  	_ =	shalt  }
0x81: {  	_ =	shalt  }
0x82: {  	_ =	shalt  }
0x83: {  	_ =	shalt  }
0x84: {  	_ =	shalt  }
0x85: {  	_ =	shalt  }
0x86: {  	_ =	shalt  }
0x87: {  	_ =	shalt  }
.Lfunc_end0:
.L_simem_size_0:
called_computation.1_lowered:
.L_overlay_start_0:
0x88: {  	s2 =	sld [smem:$0x3FD9]  }
0x89: {  	s3 =	sld [smem:$0x3FFE];
	_ =	sdelay $0x1  }
0x8a: {  	s1 =	srdreg.scid  }
0x8b: {  	s0 =	sand.u32 $0x1, s1  }
0x8c: {  	s14 =	sshll.u32 s0, $0xA;
	s2 =	sadd.s32 s3, s2  }
0x8d: {  	s2 =	sadd.s32 s2, s14  }
0x8e: {  	[smem:$0x3FC6] =	sst s2  }
0x8f: {  	_ = 	snop  }
0x90: {  	s2 =	sld [smem:$0x3FD0];
	_ =	sdelay $0x2  }
0x91: {  	s4 =	simm.s32 $0xA;
	s5 =	simm.s32 $0x10;
	s15 =	sld [smem:$0x3FC9]  }
0x92: {  	[smem:s5], [sflag:s4] =	dma.local [hbm:s2], $0x1  }
0x93: {  	_ =	swait.eq [sflag:s4], $0x1  }
0x94: {  	[sflag:s4] =	ssyncset.done $0x0  }
0x95: {  	s16 =	sld [smem:$0x10];
	[sflag:s4] =	ssyncadd.s32 $0xFFFFFFFF  }
0x96: {  	s17 =	sld [smem:$0x11];
	(tm) =	ssettm $0x1  }
0x97: {  	s18 =	sld [smem:$0x3FFB];
	_ =	sdelay $0x3  }
0x98: {  	_ =	strace s18  }
0x99: {  	s5 =	sld [smem:$0x3FFC];
	_ =	sdelay $0x3  }
0x9a: {  	_ =	strace s5  }
0x9b: {  	s5 =	sld [smem:$0x3FFD];
	_ =	sdelay $0x3  }
0x9c: {  	_ =	strace s5  }
0x9d: {  	_ =	strace $0x8FFFFFFF  }
0x9e: {  	s19 =	sld [smem:$0x3FDB];
	_ =	sdelay $0x1  }
0x9f: {  	s6 =	simm.s32 $_scs_section_size  }
0xa0: {  	s7 =	simm.s32 $_size__tile_overlayer_lowered;
	s8 =	simm.s32 $_tile_overlayer_lowered  }
0xa1: {  	s22 =	simm.s32 $0x1BFF;
	s21 =	sshll.u32 s8, $0x1;
	s5 =	sadd.s32 s6, s19  }
0xa2: {  	s9 =	simm.s32 $0x0;
	s20 =	sshll.u32 s7, $0x1;
	s7 =	sadd.s32 s21, s5  }
0xa3: {  	[timem:s9], [sflag:s22] =	dma.local [hbm:s7], s20  }
0xa4: {  	_ =	swait.ge [sflag:s22], s20  }
0xa5: {  	s6 =	ssub.s32 $0x0, s20;
	[sflag:s22] =	ssyncset.done $0x0  }
0xa6: {  	[sflag:s22] =	ssyncadd.s32 s6;
	_ =	sdelay $0x1  }
0xa7: {  	s23 =	simm.s32 $0x1B8B  }
0xa8: {  	_ =	swait.ge [sflag:s23], $0x1  }
0xa9: {  	[sflag:s23] =	ssyncset.done $0x0  }
0xaa: {  	s25 =	simm.s32 $0x1B8E;
	s24 =	sld [smem:$0x3FFE];
	[sflag:s23] =	ssyncadd.s32 $0xFFFFFFFF  }
0xab: {  	s26 =	simm.s32 $execute0_lowered;
	[smem:$0x3FD2] =	sst s25  }
0xac: {  	s7 =	sshll.u32 s26, $0x1;
	_ =	strace $0x80000049;
	[dreg:$0x1] =	wrdreg $0xFFFFFFFF  }
0xad: {  	s28 =	simm.s32 $_size_execute0_lowered;
	s5 =	sadd.s32 s5, s7;
	[dreg:$0x0] =	wrdreg $0x0  }
0xae: {  	s7 =	sshll.u32 s28, $0x1;
	[dreg:$0x2] =	wrdreg s5  }
0xaf: {  	[dreg:$0x3] =	wrdreg s7  }
0xb0: {  	[dreg:$0x4] =	wrdreg $0xC0  }
0xb1: {  	_ =	task [dreg:s9], $0x5FFFF  }
0xb2: {  	[dreg:$0x1] =	wrdreg $0xFFFFFFFF  }
0xb3: {  	[dreg:$0x0] =	wrdreg $0x60  }
0xb4: {  	[dreg:$0x2] =	wrdreg s15  }
0xb5: {  	[dreg:$0x3] =	wrdreg s24  }
0xb6: {  	[dreg:$0x4] =	wrdreg s16  }
0xb7: {  	[dreg:$0x5] =	wrdreg s17  }
0xb8: {  	[dreg:$0x6] =	wrdreg $0x1A4000  }
0xb9: {  	[dreg:$0x7] =	wrdreg $0x1C4000  }
0xba: {  	[dreg:$0x8] =	wrdreg $0x9  }
0xbb: {  	_ =	task.clear_ibuf [dreg:s9], $0x9FFFF;
	_ =	strace $0x90000049  }
0xbc: {  	s29 =	simm.s32 $0x9;
	_ =	strace $0x8000004B  }
0xbd: {  	_ =	swait.ge [sflag:s29], $0x1  }
0xbe: {  	[sflag:s29] =	ssyncadd.s32 $0xFFFFFFFF  }
0xbf: {  	_ =	strace $0x9000004B  }
0xc0: {  	_ =	sfence  }
0xc1: {  	s30 =	sld [smem:$0x0];
	_ =	sdelay $0x2  }
0xc2: {  	s31 =	sshll.u32 s1, $0xD;
	s1 =	sshrl.u32 s1, $0x2  }
0xc3: {  	s3 =	sand.u32 $0x4000, s31;
	s1 =	sadd.s32 s1, s30  }
0xc4: {  	s0 =	sor.u32 s3, s0;
	s1 =	sshll.u32 s1, $0x11  }
0xc5: {  	s0 =	sor.u32 s1, s0  }
0xc6: {  	s0 =	sadd.s32 $0x8F2B, s0  }
0xc7: {  	[sflag:s0] =	ssyncadd.remote.s32 $0x1  }
0xc8: {  	_ =	sfence.sel $0xFFFF  }
0xc9: {  	[dreg:$0x0] =	wrdreg $0xFFFFFFFF;
	(pc) =	sbr.abs _section_cstart, $3  }
0xca: {  	[dreg:$0x1] =	wrdreg $0xFFFFFFFF  }
0xcb: {  	_ =	task.clear_ibuf [dreg:s9], $0x2FFFF;
	_ =	strace $0x9FFFFFFF  }
0xcc: {  	(tm) =	ssettm $0x7FFFFFFF  }
0xcd: {  	_ =	shalt  }
tec
execute0_lowered:
.L_overlay_start_1:
0x0: {  	(tag) =	ssettag $0x1  }
0x1: {  	s1 =	rddreg [dreg:$0x0]  }
0x2: {  	s3 =	rddreg [dreg:$0x1]  }
0x3: {  	s4 =	rddreg [dreg:$0x2]  }
0x4: {  	s5 =	rddreg [dreg:$0x3]  }
0x5: {  	s0 =	rddreg [dreg:$0x4];
	s2 =	simm.s32 $0x0  }
0x6: {  	s6 =	srdreg.scid;
	s12 =	stileid.u32;
	s28 =	simm.s32 $0x14400  }
0x7: {  	s31 =	simm.s32 $0x0;
	[smem:$0x7FF] =	sst s2;
	s7 =	sadd.s32 $0x1200, s3  }
0x8: {  	s6 =	sand.u32 $0x1, s6;
	s8 =	sshll.u32 s12, $0xA;
	s10 =	sadd.s32 $0x9200, s3  }
0x9: {  	s9 =	ssub.s32 $0x2, s6;
	s6 =	sshll.u32 s6, $0xE;
	s3 =	sadd.s32 s8, s3  }
0xa: {  	s24 =	sadd.s32 s7, s8;
	s25 =	sor.u32 $0x4000, s8;
	s26 =	sadd.s32 s10, s8  }
0xb: {  	s11 =	sshrl.u32 s9, $0x1;
	s6 =	sor.u32 s8, s6;
	[dreg:$0x8] =	wrdreg s24  }
0xc: {  	s7 =	sadd.s32 s7, s25;
	[dreg:$0xa] =	wrdreg s26;
	s3 =	sadd.s32 $0x11200, s3  }
0xd: {  	s9 =	ssub.s32 s9, s11;
	s23 =	sshrl.u32 s6, $0x3;
	s6 =	sshll.u32 s6, $0x4  }
0xe: {  	[dreg:$0x9] =	wrdreg s7;
	s1 =	sadd.s32 s1, s23;
	s7 =	sadd.s32 s4, s6  }
0xf: {  	s8 =	sor.u32 $0x800, s6;
	s13 =	sor.u32 $0x1000, s6;
	[dreg:$0x7] =	wrdreg s1  }
0x10: {  	s15 =	sor.u32 $0x1800, s6;
	s1 =	sadd.s32 s10, s25;
	[dreg:$0xc] =	wrdreg s7  }
0x11: {  	s17 =	sor.u32 $0x2000, s6;
	s10 =	sadd.s32 s5, s6;
	[dreg:$0xb] =	wrdreg s1  }
0x12: {  	s19 =	sor.u32 $0x2800, s6;
	s11 =	sadd.s32 s4, s8;
	[dreg:$0xd] =	wrdreg s10  }
0x13: {  	s21 =	sor.u32 $0x3000, s6;
	s14 =	sadd.s32 s4, s13;
	[dreg:$0xe] =	wrdreg s11  }
0x14: {  	s22 =	sor.u32 $0x3800, s6;
	s7 =	sadd.s32 s5, s13;
	[dreg:$0x10] =	wrdreg s14  }
0x15: {  	s30 =	smax.u32 s9, $0x1;
	s16 =	sadd.s32 s4, s15;
	[dreg:$0x11] =	wrdreg s7  }
0x16: {  	s9 =	simm.s32 $0x80;
	s18 =	sadd.s32 s4, s17;
	[dreg:$0x12] =	wrdreg s16  }
0x17: {  	s20 =	sadd.s32 s4, s19;
	s23 =	sadd.s32 s4, s21;
	[dreg:$0x14] =	wrdreg s18  }
0x18: {  	s24 =	sadd.s32 s5, s21;
	s4 =	sadd.s32 s4, s22;
	[dreg:$0x16] =	wrdreg s20  }
0x19: {  	s25 =	sshll.u32 s12, $0xD;
	s6 =	simm.s32 $0x2;
	[dreg:$0x18] =	wrdreg s23  }
0x1a: {  	s12 =	simm.s32 $0x4400;
	s13 =	simm.s32 $0xC400;
	[dreg:$0x19] =	wrdreg s24  }
0x1b: {  	s21 =	simm.s32 $0x200;
	s1 =	sadd.s32 s5, s8;
	[dreg:$0x1a] =	wrdreg s4  }
0x1c: {  	s7 =	sadd.s32 s5, s17;
	s24 =	rddreg [dreg:$0x5];
	s26 =	sadd.s32 s25, s0  }
0x1d: {  	s20 =	simm.s32 $0x3;
	s4 =	simm.s32 $0x5;
	s8 =	simm.s32 $0x1  }
0x1e: {  	s10 =	simm.s32 $0x400;
	s11 =	simm.s32 $0x8400;
	s14 =	simm.s32 $0x7  }
0x1f: {  	s16 =	simm.s32 $0x100;
	s17 =	simm.s32 $0x8;
	s18 =	simm.s32 $0xA  }
0x20: {  	s23 =	simm.s32 $0x300;
	[dreg:$0xf] =	wrdreg s1;
	s1 =	sadd.s32 s5, s15  }
0x21: {  	[dreg:$0x15] =	wrdreg s7;
	s29 =	sadd.s32 s25, s24;
	s7 =	simm.s32 $0xB  }
0x22: {  	s15 =	simm.s32 $0x9;
	[dreg:$0x13] =	wrdreg s1;
	s1 =	sadd.s32 s5, s19  }
0x23: {  	s25 =	simm.s32 $0x380;
	[dreg:$0x17] =	wrdreg s1;
	s1 =	sadd.s32 s5, s22  }
0x24: {  	s19 =	simm.s32 $0x180;
	s5 =	simm.s32 $0x6;
	[dreg:$0x1b] =	wrdreg s1  }
0x25: {  	s22 =	simm.s32 $0x280;
	_ =	strace $0x8000004A;
	[dreg:$0x1c] =	wrdreg s3  }
0x26: {  	[dreg:$0x1d] =	wrdreg s26;
	s26 =	simm.s32 $0x10400;
	s3 =	simm.s32 $0x4  }
.LBB2_1:
0x27: {  	s1 =	rddreg [dreg:$0x7]  }
0x28: {  	[tilespmem:s2], [sflag:$0x1] =	stream.linear.gather [hbm4b:s1+s2], $0x400, $0x38;
	[tilespmem:$0x1E400] =	vst v63  }
0x29: {  	s1 =	rddreg [dreg:$0x8]  }
0x2a: {  	[tilespmem:s26], [sflag:$0x3] =	stream.linear.gather [hbm4b:s1+s2], $0x2000, $0x38;
	[tilespmem:$0x1E400] =	vst v63  }
0x2b: {  	s1 =	rddreg [dreg:$0x9];
	s26 =	simm.s32 $0x12400  }
0x2c: {  	[tilespmem:s26], [sflag:$0x4] =	stream.linear.gather [hbm4b:s1+s2], $0x2000, $0x38;
	[tilespmem:$0x1E400] =	vst v63  }
0x2d: {  	s26 =	rddreg [dreg:$0xa]  }
0x2e: {  	[tilespmem:s28], [sflag:$0x5] =	stream.linear.gather [hbm4b:s26+s2], $0x2000, $0x38;
	[tilespmem:$0x1E400] =	vst v63  }
0x2f: {  	s26 =	rddreg [dreg:$0xb];
	s28 =	simm.s32 $0x16400  }
0x30: {  	[tilespmem:s28], [sflag:$0x6] =	stream.linear.gather [hbm4b:s26+s2], $0x2000, $0x38;
	[tilespmem:$0x1E400] =	vst v63  }
0x31: {  	s26 =	rddreg [dreg:$0x1c];
	s28 =	simm.s32 $0x18400  }
0x32: {  	[tilespmem:s28], [sflag:$0x2] =	stream.linear.gather [hbm4b:s26+s2], $0x2000, $0x38;
	[tilespmem:$0x1E400] =	vst v63  }
0x33: {  	_ =	swait.ge [sflag:s20], $0x2000  }
0x34: {  	[sflag:s20] =	ssyncset.done $0x0  }
0x35: {  	[sflag:s20] =	ssyncadd.s32 $0xFFFFE000  }
0x36: {  	_ =	swait.ge [sflag:s3], $0x2000  }
0x37: {  	[sflag:s3] =	ssyncset.done $0x0  }
0x38: {  	[sflag:s3] =	ssyncadd.s32 $0xFFFFE000  }
0x39: {  	_ =	swait.ge [sflag:s4], $0x2000  }
0x3a: {  	[sflag:s4] =	ssyncset.done $0x0  }
0x3b: {  	[sflag:s4] =	ssyncadd.s32 $0xFFFFE000  }
0x3c: {  	_ =	swait.ge [sflag:s5], $0x2000  }
0x3d: {  	[sflag:s5] =	ssyncset.done $0x0  }
0x3e: {  	[sflag:s5] =	ssyncadd.s32 $0xFFFFE000  }
0x3f: {  	_ =	swait.ge [sflag:s6], $0x2000  }
0x40: {  	[sflag:s6] =	ssyncset.done $0x0  }
0x41: {  	s1 =	simm.s32 $0x0;
	[sflag:s6] =	ssyncadd.s32 $0xFFFFE000  }
0x42: {  	v0 =	vld [tilespmem:s1+$0x16450]  }
0x43: {  	v2 =	vld [tilespmem:s1+$0x14450]  }
0x44: {  	v3 =	vld [tilespmem:s1+$0x18450]  }
0x45: {  	v1 =	vld [tilespmem:s1+$0x12450]  }
0x46: {  	v9 =	vld [tilespmem:s1+$0x16440]  }
0x47: {  	v10 =	vld [tilespmem:s1+$0x14440]  }
0x48: {  	v11 =	vld [tilespmem:s1+$0x14460]  }
0x49: {  	v16 =	vld [tilespmem:s1+$0x18440]  }
0x4a: {  	v4 =	vld [tilespmem:s1+$0x10450]  }
0x4b: {  	v13 =	vld [tilespmem:s1+$0x16460]  }
0x4c: {  	v14 =	vld [tilespmem:s1+$0x18430]  }
0x4d: {  	v8 =	vld [tilespmem:s1+$0x10440]  }
0x4e: {  	v12 =	vld [tilespmem:s1+$0x12430]  }
0x4f: {  	v15 =	vld [tilespmem:s1+$0x16430]  }
0x50: {  	v17 =	vld [tilespmem:s1+$0x10430]  }
0x51: {  	v6 =	vld [tilespmem:s1+$0x12460]  }
0x52: {  	v7 =	vld [tilespmem:s1+$0x12410]  }
0x53: {  	v18 =	vld [tilespmem:s1+$0x18460]  }
0x54: {  	v19 =	vld [tilespmem:s1+$0x10410];
	v4 =	vadd.f32 v1, v4  }
0x55: {  	v20 =	vld [tilespmem:s1+$0x14430]  }
0x56: {  	v21 =	vld [tilespmem:s1+$0x12470];
	v5 =	vadd.f32 v0, v2;
	v4 =	vmul.f32 v4, v3  }
0x57: {  	v22 =	vld [tilespmem:s1+$0x12440]  }
0x58: {  	v24 =	vld [tilespmem:s1+$0x10470];
	v3 =	vmul.f32 v5, v3;
	v5 =	vmul.f32 v4, v4  }
0x59: {  	v25 =	vld [tilespmem:s1+$0x14420]  }
0x5a: {  	v1 =	vld [tilespmem:s1+$0x14400];
	v5 =	vsub.f32 v3, v5  }
0x5b: {  	v2 =	vld [tilespmem:s1+$0x18410]  }
0x5c: {  	[tilespmem:s1+$0x14450] =	vst v5;
	v5 =	vld [tilespmem:s1+$0x10460]  }
0x5d: {  	v0 =	vld [tilespmem:s1+$0x18400]  }
0x5e: {  	v7 =	vadd.f32 v7, v19;
	v19 =	vld [tilespmem:s1+$0x16420]  }
0x5f: {  	v17 =	vadd.f32 v12, v17;
	v12 =	vld [tilespmem:s1+$0x16410]  }
0x60: {  	v22 =	vadd.f32 v22, v8;
	v20 =	vadd.f32 v15, v20;
	v8 =	vld [tilespmem:s1+$0x14470]  }
0x61: {  	v15 =	vld [tilespmem:s1+$0x10400];
	v17 =	vmul.f32 v17, v14;
	v5 =	vadd.f32 v6, v5  }
0x62: {  	v11 =	vadd.f32 v13, v11;
	v13 =	vld [tilespmem:s1+$0x16400];
	v22 =	vmul.f32 v22, v16;
	v14 =	vmul.f32 v20, v14  }
0x63: {  	[tilespmem:s1+$0x10450] =	vst v4;
	v4 =	vld [tilespmem:s1+$0x14410];
	v62 =	vmul.f32 v17, v17;
	v23 =	vmul.f32 v5, v18  }
0x64: {  	v9 =	vadd.f32 v9, v10;
	[tilespmem:s1+$0x10440] =	vst v22;
	v7 =	vmul.f32 v7, v2;
	v3 =	vld [tilespmem:s1+$0x10420]  }
0x65: {  	v11 =	vmul.f32 v11, v18;
	[tilespmem:s1+$0x10430] =	vst v17;
	v20 =	vsub.f32 v14, v62;
	v6 =	vld [tilespmem:s1+$0x12400];
	v18 =	vmul.f32 v23, v23  }
0x66: {  	v63 =	vmul.f32 v9, v16;
	v17 =	vmul.f32 v22, v22;
	v14 =	vld [tilespmem:s1+$0x12420];
	[tilespmem:s1+$0x10410] =	vst v7  }
0x67: {  	v10 =	vadd.f32 v21, v24;
	[tilespmem:s1+$0x14430] =	vst v20;
	v5 =	vld [tilespmem:s1+$0x16470];
	v16 =	vsub.f32 v11, v18  }
0x68: {  	s26 =	simm.s32 $0x200;
	v9 =	vadd.f32 v19, v25;
	v17 =	vsub.f32 v63, v17;
	[tilespmem:s1+$0x10460] =	vst v23;
	v11 =	vld [tilespmem:s1+$0x18470]  }
.LBB2_2:
0x69: {  	s28 =	sshra.s32 s26, $0x2;
	p0 =	sne.s32 s26, $0x7E00;
	s26 =	sadd.s32 $0x200, s26;
	v4 =	vadd.f32 v12, v4;
	v12 =	vld [tilespmem:s1+$0x18420];
	[tilespmem:s1+$0x14460] =	vst v16  }
0x6a: {  	v16 =	vld [tilespmem:s28+$0x16450];
	v6 =	vadd.f32 v6, v15;
	[tilespmem:s1+$0x14440] =	vst v17  }
0x6b: {  	v15 =	vld [tilespmem:s28+$0x14450];
	v2 =	vmul.f32 v4, v2;
	v4 =	vmul.f32 v7, v7  }
0x6c: {  	v1 =	vadd.f32 v13, v1;
	v7 =	vld [tilespmem:s28+$0x18450];
	v6 =	vmul.f32 v6, v0  }
0x6d: {  	v3 =	vadd.f32 v14, v3;
	v13 =	vld [tilespmem:s28+$0x12450];
	v2 =	vsub.f32 v2, v4;
	v4 =	vmul.f32 v10, v11  }
0x6e: {  	v5 =	vadd.f32 v5, v8;
	v0 =	vmul.f32 v1, v0;
	v10 =	vld [tilespmem:s28+$0x16440];
	v1 =	vmul.f32 v6, v6  }
0x6f: {  	v3 =	vmul.f32 v3, v12;
	v9 =	vmul.f32 v9, v12;
	v8 =	vld [tilespmem:s28+$0x14440];
	[tilespmem:s1+$0x10470] =	vst v4  }
0x70: {  	v4 =	vmul.f32 v4, v4;
	v12 =	vld [tilespmem:s28+$0x14460];
	[tilespmem:s1+$0x10400] =	vst v6;
	v0 =	vsub.f32 v0, v1;
	v1 =	vmul.f32 v5, v11  }
0x71: {  	v5 =	vadd.f32 v16, v15;
	v11 =	vld [tilespmem:s28+$0x18440];
	[tilespmem:s1+$0x14410] =	vst v2;
	v2 =	vmul.f32 v3, v3  }
0x72: {  	v6 =	vld [tilespmem:s28+$0x10450];
	[tilespmem:s1+$0x14400] =	vst v0;
	v0 =	vsub.f32 v1, v4  }
0x73: {  	v5 =	vmul.f32 v5, v7;
	v1 =	vld [tilespmem:s28+$0x16460];
	[tilespmem:s1+$0x10420] =	vst v3;
	v2 =	vsub.f32 v9, v2  }
0x74: {  	v9 =	vld [tilespmem:s28+$0x18430];
	[tilespmem:s1+$0x14470] =	vst v0  }
0x75: {  	v14 =	vld [tilespmem:s28+$0x10440];
	[tilespmem:s1+$0x14420] =	vst v2;
	s1 =	smov.u32 s28  }
0x76: {  	v15 =	vld [tilespmem:s1+$0x12430]  }
0x77: {  	v16 =	vld [tilespmem:s1+$0x16430];
	v0 =	vadd.f32 v13, v6  }
0x78: {  	v13 =	vld [tilespmem:s1+$0x10430];
	v6 =	vadd.f32 v1, v12  }
0x79: {  	v1 =	vld [tilespmem:s1+$0x14400];
	v3 =	vmul.f32 v0, v7  }
0x7a: {  	v2 =	vld [tilespmem:s1+$0x18410]  }
0x7b: {  	v0 =	vld [tilespmem:s1+$0x18400];
	[tilespmem:s1+$0x10450] =	vst v3;
	v3 =	vmul.f32 v3, v3  }
0x7c: {  	v7 =	vld [tilespmem:s1+$0x12460]  }
0x7d: {  	v4 =	vld [tilespmem:s1+$0x14410];
	v5 =	vsub.f32 v5, v3  }
0x7e: {  	v3 =	vld [tilespmem:s1+$0x10420]  }
0x7f: {  	[tilespmem:s1+$0x14450] =	vst v5;
	v5 =	vld [tilespmem:s1+$0x10460]  }
0x80: {  	v12 =	vld [tilespmem:s1+$0x12410]  }
0x81: {  	v17 =	vld [tilespmem:s1+$0x18460]  }
0x82: {  	v18 =	vld [tilespmem:s1+$0x10410]  }
0x83: {  	v19 =	vld [tilespmem:s1+$0x14430]  }
0x84: {  	v5 =	vadd.f32 v7, v5;
	v20 =	vld [tilespmem:s1+$0x12470]  }
0x85: {  	v21 =	vld [tilespmem:s1+$0x12440]  }
0x86: {  	v5 =	vmul.f32 v5, v17;
	v17 =	vmul.f32 v6, v17;
	v22 =	vld [tilespmem:s1+$0x10470]  }
0x87: {  	v6 =	vld [tilespmem:s1+$0x12400];
	v7 =	vadd.f32 v12, v18;
	v12 =	vadd.f32 v15, v13  }
0x88: {  	v13 =	vadd.f32 v16, v19;
	[tilespmem:s1+$0x10460] =	vst v5;
	v15 =	vmul.f32 v5, v5;
	v5 =	vld [tilespmem:s1+$0x16470]  }
0x89: {  	v7 =	vmul.f32 v7, v2;
	v18 =	vld [tilespmem:s1+$0x16420];
	v19 =	vmul.f32 v12, v9  }
0x8a: {  	v23 =	vld [tilespmem:s1+$0x14420];
	v14 =	vadd.f32 v21, v14;
	v21 =	vadd.f32 v10, v8  }
0x8b: {  	v9 =	vmul.f32 v13, v9;
	[tilespmem:s1+$0x10410] =	vst v7;
	v12 =	vld [tilespmem:s1+$0x16410];
	v13 =	vmul.f32 v19, v19;
	v10 =	vadd.f32 v20, v22  }
.Ltmp0:
0x8c: {  	v16 =	vsub.f32 v17, v15;
	v14 =	vmul.f32 v14, v11;
	v8 =	vld [tilespmem:s1+$0x14470];
	(pc) =	sbr.rel @p0 .LBB2_2-.Ltmp0, $4  }
0x8d: {  	v15 =	vld [tilespmem:s1+$0x10400];
	v17 =	vsub.f32 v9, v13  }
0x8e: {  	v11 =	vmul.f32 v21, v11;
	v13 =	vld [tilespmem:s1+$0x16400];
	[tilespmem:s1+$0x10440] =	vst v14;
	v20 =	vmul.f32 v14, v14  }
0x8f: {  	v14 =	vld [tilespmem:s1+$0x12420];
	v9 =	vadd.f32 v18, v23;
	[tilespmem:s1+$0x10430] =	vst v19  }
0x90: {  	[tilespmem:s1+$0x14430] =	vst v17;
	v17 =	vsub.f32 v11, v20;
	v11 =	vld [tilespmem:s1+$0x18470]  }
0x91: {  	v52 =	vld [tilespmem:s1+$0x18420]  }
0x92: {  	v4 =	vadd.f32 v12, v4;
	v6 =	vadd.f32 v6, v15  }
0x93: {  	v54 =	vmul.f32 v7, v7;
	v1 =	vadd.f32 v13, v1  }
0x94: {  	[tilespmem:s1+$0x14460] =	vst v16;
	v2 =	vmul.f32 v4, v2;
	v53 =	vmul.f32 v6, v0;
	v3 =	vadd.f32 v14, v3  }
0x95: {  	v5 =	vadd.f32 v5, v8;
	[tilespmem:s1+$0x14440] =	vst v17;
	v55 =	vmul.f32 v10, v11;
	v56 =	vmul.f32 v1, v0  }
0x96: {  	v2 =	vsub.f32 v2, v54;
	v57 =	vmul.f32 v53, v53;
	v3 =	vmul.f32 v3, v52;
	[tilespmem:s1+$0x10400] =	vst v53  }
0x97: {  	v58 =	vmul.f32 v5, v11;
	[tilespmem:s1+$0x10470] =	vst v55;
	v59 =	vmul.f32 v55, v55  }
0x98: {  	v60 =	vmul.f32 v9, v52;
	[tilespmem:s1+$0x14410] =	vst v2;
	v0 =	vsub.f32 v56, v57;
	v61 =	vmul.f32 v3, v3  }
0x99: {  	[tilespmem:s1+$0x10420] =	vst v3;
	v62 =	vsub.f32 v58, v59  }
0x9a: {  	[tilespmem:s1+$0x14400] =	vst v0;
	v63 =	vsub.f32 v60, v61  }
0x9b: {  	[tilespmem:s1+$0x14470] =	vst v62  }
0x9c: {  	s26 =	simm.s32 $0x10400;
	[tilespmem:s1+$0x14420] =	vst v63;
	s1 =	rddreg [dreg:$0x1d]  }
0x9d: {  	[spmem:s1] =	stream.linear.scatter [tilespmem:s26], [sflag:$0xB], $0x2000, $0x38;
	[tilespmem:$0x1E400] =	vst v63  }
0x9e: {  	_ =	swait.ge [sflag:s7], $0x2000  }
0x9f: {  	[sflag:s7] =	ssyncset.done $0x0  }
0xa0: {  	s28 =	simm.s32 $0x14400;
	[sflag:s7] =	ssyncadd.s32 $0xFFFFE000  }
0xa1: {  	[spmem:s29] =	stream.linear.scatter [tilespmem:s28], [sflag:$0xB], $0x2000, $0x38;
	[tilespmem:$0x1E400] =	vst v63  }
0xa2: {  	_ =	swait.ge [sflag:s7], $0x2000  }
0xa3: {  	[sflag:s7] =	ssyncset.done $0x0  }
0xa4: {  	[sflag:s7] =	ssyncadd.s32 $0xFFFFE000  }
0xa5: {  	[bflag:$0x0] =	sbarrier.arrive $0xFFFF  }
0xa6: {  	_ =	swait.ge [sflag:s8], $0x400  }
0xa7: {  	[sflag:s8] =	ssyncset.done $0x0  }
0xa8: {  	[sflag:s8] =	ssyncadd.s32 $0xFFFFFC00  }
0xa9: {  	[tilespmem:s10], [sflag:$0x3] =	stream.indirect.gather [spmem:s0], $0x80, s2, s9, $0xb8;
	[tilespmem:$0x1E400] =	vst v63  }
0xaa: {  	_ = 	snop  }
0xab: {  	[tilespmem:s11], [sflag:$0x5] =	stream.indirect.gather [spmem:s24], $0x80, s2, s9, $0xb8;
	[tilespmem:$0x1E400] =	vst v63  }
0xac: {  	_ =	swait.ge [sflag:s20], $0x4000  }
0xad: {  	[sflag:s20] =	ssyncset.done $0x0  }
0xae: {  	[sflag:s20] =	ssyncadd.s32 $0xFFFFC000  }
0xaf: {  	_ =	swait.ge [sflag:s4], $0x4000  }
0xb0: {  	[sflag:s4] =	ssyncset.done $0x0  }
0xb1: {  	s1 =	rddreg [dreg:$0xc];
	[sflag:s4] =	ssyncadd.s32 $0xFFFFC000  }
0xb2: {  	[hbm4b:s1+s2] =	stream.linear.scatter [tilespmem:s10], [sflag:$0x7], $0x4000, $0x38;
	[tilespmem:$0x1E400] =	vst v63  }
0xb3: {  	s1 =	rddreg [dreg:$0xd]  }
0xb4: {  	[hbm4b:s1+s2] =	stream.linear.scatter [tilespmem:s11], [sflag:$0x9], $0x4000, $0x38;
	[tilespmem:$0x1E400] =	vst v63  }
0xb5: {  	_ = 	snop  }
0xb6: {  	[tilespmem:s12], [sflag:$0x4] =	stream.indirect.gather [spmem:s0], $0x80, s9, s9, $0xb8;
	[tilespmem:$0x1E400] =	vst v63  }
0xb7: {  	_ = 	snop  }
0xb8: {  	[tilespmem:s13], [sflag:$0x6] =	stream.indirect.gather [spmem:s24], $0x80, s9, s9, $0xb8;
	[tilespmem:$0x1E400] =	vst v63  }
0xb9: {  	_ =	swait.ge [sflag:s3], $0x4000  }
0xba: {  	[sflag:s3] =	ssyncset.done $0x0  }
0xbb: {  	[sflag:s3] =	ssyncadd.s32 $0xFFFFC000  }
0xbc: {  	_ =	swait.ge [sflag:s5], $0x4000  }
0xbd: {  	[sflag:s5] =	ssyncset.done $0x0  }
0xbe: {  	s1 =	rddreg [dreg:$0xe];
	[sflag:s5] =	ssyncadd.s32 $0xFFFFC000  }
0xbf: {  	[hbm4b:s1+s2] =	stream.linear.scatter [tilespmem:s12], [sflag:$0x8], $0x4000, $0x38;
	[tilespmem:$0x1E400] =	vst v63  }
0xc0: {  	s1 =	rddreg [dreg:$0xf]  }
0xc1: {  	[hbm4b:s1+s2] =	stream.linear.scatter [tilespmem:s13], [sflag:$0xA], $0x4000, $0x38;
	[tilespmem:$0x1E400] =	vst v63  }
0xc2: {  	_ =	swait.ge [sflag:s14], $0x4000  }
0xc3: {  	[sflag:s14] =	ssyncset.done $0x0  }
0xc4: {  	[sflag:s14] =	ssyncadd.s32 $0xFFFFC000  }
0xc5: {  	_ =	swait.ge [sflag:s15], $0x4000  }
0xc6: {  	[sflag:s15] =	ssyncset.done $0x0  }
0xc7: {  	[sflag:s15] =	ssyncadd.s32 $0xFFFFC000  }
0xc8: {  	[tilespmem:s10], [sflag:$0x3] =	stream.indirect.gather [spmem:s0], $0x80, s16, s9, $0xb8;
	[tilespmem:$0x1E400] =	vst v63  }
0xc9: {  	_ = 	snop  }
0xca: {  	[tilespmem:s11], [sflag:$0x5] =	stream.indirect.gather [spmem:s24], $0x80, s16, s9, $0xb8;
	[tilespmem:$0x1E400] =	vst v63  }
0xcb: {  	_ =	swait.ge [sflag:s20], $0x4000  }
0xcc: {  	[sflag:s20] =	ssyncset.done $0x0  }
0xcd: {  	[sflag:s20] =	ssyncadd.s32 $0xFFFFC000  }
0xce: {  	_ =	swait.ge [sflag:s4], $0x4000  }
0xcf: {  	[sflag:s4] =	ssyncset.done $0x0  }
0xd0: {  	s1 =	rddreg [dreg:$0x10];
	[sflag:s4] =	ssyncadd.s32 $0xFFFFC000  }
0xd1: {  	[hbm4b:s1+s2] =	stream.linear.scatter [tilespmem:s10], [sflag:$0x7], $0x4000, $0x38;
	[tilespmem:$0x1E400] =	vst v63  }
0xd2: {  	s1 =	rddreg [dreg:$0x11]  }
0xd3: {  	[hbm4b:s1+s2] =	stream.linear.scatter [tilespmem:s11], [sflag:$0x9], $0x4000, $0x38;
	[tilespmem:$0x1E400] =	vst v63  }
0xd4: {  	_ =	swait.ge [sflag:s17], $0x4000  }
0xd5: {  	[sflag:s17] =	ssyncset.done $0x0  }
0xd6: {  	[sflag:s17] =	ssyncadd.s32 $0xFFFFC000  }
0xd7: {  	_ =	swait.ge [sflag:s18], $0x4000  }
0xd8: {  	[sflag:s18] =	ssyncset.done $0x0  }
0xd9: {  	[sflag:s18] =	ssyncadd.s32 $0xFFFFC000  }
0xda: {  	[tilespmem:s12], [sflag:$0x4] =	stream.indirect.gather [spmem:s0], $0x80, s19, s9, $0xb8;
	[tilespmem:$0x1E400] =	vst v63  }
0xdb: {  	_ = 	snop  }
0xdc: {  	[tilespmem:s13], [sflag:$0x6] =	stream.indirect.gather [spmem:s24], $0x80, s19, s9, $0xb8;
	[tilespmem:$0x1E400] =	vst v63  }
0xdd: {  	_ =	swait.ge [sflag:s3], $0x4000  }
0xde: {  	[sflag:s3] =	ssyncset.done $0x0  }
0xdf: {  	[sflag:s3] =	ssyncadd.s32 $0xFFFFC000  }
0xe0: {  	_ =	swait.ge [sflag:s5], $0x4000  }
0xe1: {  	[sflag:s5] =	ssyncset.done $0x0  }
0xe2: {  	s1 =	rddreg [dreg:$0x12];
	[sflag:s5] =	ssyncadd.s32 $0xFFFFC000  }
0xe3: {  	[hbm4b:s1+s2] =	stream.linear.scatter [tilespmem:s12], [sflag:$0x8], $0x4000, $0x38;
	[tilespmem:$0x1E400] =	vst v63  }
0xe4: {  	s1 =	rddreg [dreg:$0x13]  }
0xe5: {  	[hbm4b:s1+s2] =	stream.linear.scatter [tilespmem:s13], [sflag:$0xA], $0x4000, $0x38;
	[tilespmem:$0x1E400] =	vst v63  }
0xe6: {  	_ =	swait.ge [sflag:s14], $0x4000  }
0xe7: {  	[sflag:s14] =	ssyncset.done $0x0  }
0xe8: {  	[sflag:s14] =	ssyncadd.s32 $0xFFFFC000  }
0xe9: {  	_ =	swait.ge [sflag:s15], $0x4000  }
0xea: {  	[sflag:s15] =	ssyncset.done $0x0  }
0xeb: {  	[sflag:s15] =	ssyncadd.s32 $0xFFFFC000  }
0xec: {  	[tilespmem:s10], [sflag:$0x3] =	stream.indirect.gather [spmem:s0], $0x80, s21, s9, $0xb8;
	[tilespmem:$0x1E400] =	vst v63  }
0xed: {  	_ = 	snop  }
0xee: {  	[tilespmem:s11], [sflag:$0x5] =	stream.indirect.gather [spmem:s24], $0x80, s21, s9, $0xb8;
	[tilespmem:$0x1E400] =	vst v63  }
0xef: {  	_ =	swait.ge [sflag:s20], $0x4000  }
0xf0: {  	[sflag:s20] =	ssyncset.done $0x0  }
0xf1: {  	[sflag:s20] =	ssyncadd.s32 $0xFFFFC000  }
0xf2: {  	_ =	swait.ge [sflag:s4], $0x4000  }
0xf3: {  	[sflag:s4] =	ssyncset.done $0x0  }
0xf4: {  	s1 =	rddreg [dreg:$0x14];
	[sflag:s4] =	ssyncadd.s32 $0xFFFFC000  }
0xf5: {  	[hbm4b:s1+s2] =	stream.linear.scatter [tilespmem:s10], [sflag:$0x7], $0x4000, $0x38;
	[tilespmem:$0x1E400] =	vst v63  }
0xf6: {  	s1 =	rddreg [dreg:$0x15]  }
0xf7: {  	[hbm4b:s1+s2] =	stream.linear.scatter [tilespmem:s11], [sflag:$0x9], $0x4000, $0x38;
	[tilespmem:$0x1E400] =	vst v63  }
0xf8: {  	_ =	swait.ge [sflag:s17], $0x4000  }
0xf9: {  	[sflag:s17] =	ssyncset.done $0x0  }
0xfa: {  	[sflag:s17] =	ssyncadd.s32 $0xFFFFC000  }
0xfb: {  	_ =	swait.ge [sflag:s18], $0x4000  }
0xfc: {  	[sflag:s18] =	ssyncset.done $0x0  }
0xfd: {  	[sflag:s18] =	ssyncadd.s32 $0xFFFFC000  }
0xfe: {  	[tilespmem:s12], [sflag:$0x4] =	stream.indirect.gather [spmem:s0], $0x80, s22, s9, $0xb8;
	[tilespmem:$0x1E400] =	vst v63  }
0xff: {  	_ = 	snop  }
0x100: {  	[tilespmem:s13], [sflag:$0x6] =	stream.indirect.gather [spmem:s24], $0x80, s22, s9, $0xb8;
	[tilespmem:$0x1E400] =	vst v63  }
0x101: {  	_ =	swait.ge [sflag:s3], $0x4000  }
0x102: {  	[sflag:s3] =	ssyncset.done $0x0  }
0x103: {  	[sflag:s3] =	ssyncadd.s32 $0xFFFFC000  }
0x104: {  	_ =	swait.ge [sflag:s5], $0x4000  }
0x105: {  	[sflag:s5] =	ssyncset.done $0x0  }
0x106: {  	s1 =	rddreg [dreg:$0x16];
	[sflag:s5] =	ssyncadd.s32 $0xFFFFC000  }
0x107: {  	[hbm4b:s1+s2] =	stream.linear.scatter [tilespmem:s12], [sflag:$0x8], $0x4000, $0x38;
	[tilespmem:$0x1E400] =	vst v63  }
0x108: {  	s1 =	rddreg [dreg:$0x17]  }
0x109: {  	[hbm4b:s1+s2] =	stream.linear.scatter [tilespmem:s13], [sflag:$0xA], $0x4000, $0x38;
	[tilespmem:$0x1E400] =	vst v63  }
0x10a: {  	_ =	swait.ge [sflag:s14], $0x4000  }
0x10b: {  	[sflag:s14] =	ssyncset.done $0x0  }
0x10c: {  	[sflag:s14] =	ssyncadd.s32 $0xFFFFC000  }
0x10d: {  	_ =	swait.ge [sflag:s15], $0x4000  }
0x10e: {  	[sflag:s15] =	ssyncset.done $0x0  }
0x10f: {  	[sflag:s15] =	ssyncadd.s32 $0xFFFFC000  }
0x110: {  	[tilespmem:s10], [sflag:$0x3] =	stream.indirect.gather [spmem:s0], $0x80, s23, s9, $0xb8;
	[tilespmem:$0x1E400] =	vst v63  }
0x111: {  	_ = 	snop  }
0x112: {  	[tilespmem:s11], [sflag:$0x5] =	stream.indirect.gather [spmem:s24], $0x80, s23, s9, $0xb8;
	[tilespmem:$0x1E400] =	vst v63  }
0x113: {  	_ =	swait.ge [sflag:s20], $0x4000  }
0x114: {  	[sflag:s20] =	ssyncset.done $0x0  }
0x115: {  	[sflag:s20] =	ssyncadd.s32 $0xFFFFC000  }
0x116: {  	_ =	swait.ge [sflag:s4], $0x4000  }
0x117: {  	[sflag:s4] =	ssyncset.done $0x0  }
0x118: {  	s1 =	rddreg [dreg:$0x18];
	[sflag:s4] =	ssyncadd.s32 $0xFFFFC000  }
0x119: {  	[hbm4b:s1+s2] =	stream.linear.scatter [tilespmem:s10], [sflag:$0x7], $0x4000, $0x38;
	[tilespmem:$0x1E400] =	vst v63  }
0x11a: {  	s1 =	rddreg [dreg:$0x19]  }
0x11b: {  	[hbm4b:s1+s2] =	stream.linear.scatter [tilespmem:s11], [sflag:$0x9], $0x4000, $0x38;
	[tilespmem:$0x1E400] =	vst v63  }
0x11c: {  	_ =	swait.ge [sflag:s17], $0x4000  }
0x11d: {  	[sflag:s17] =	ssyncset.done $0x0  }
0x11e: {  	[sflag:s17] =	ssyncadd.s32 $0xFFFFC000  }
0x11f: {  	_ =	swait.ge [sflag:s18], $0x4000  }
0x120: {  	[sflag:s18] =	ssyncset.done $0x0  }
0x121: {  	[sflag:s18] =	ssyncadd.s32 $0xFFFFC000  }
0x122: {  	[tilespmem:s12], [sflag:$0x4] =	stream.indirect.gather [spmem:s0], $0x80, s25, s9, $0xb8;
	[tilespmem:$0x1E400] =	vst v63  }
0x123: {  	_ = 	snop  }
0x124: {  	[tilespmem:s13], [sflag:$0x6] =	stream.indirect.gather [spmem:s24], $0x80, s25, s9, $0xb8;
	[tilespmem:$0x1E400] =	vst v63  }
0x125: {  	_ =	swait.ge [sflag:s3], $0x4000  }
0x126: {  	[sflag:s3] =	ssyncset.done $0x0  }
0x127: {  	[sflag:s3] =	ssyncadd.s32 $0xFFFFC000  }
0x128: {  	_ =	swait.ge [sflag:s5], $0x4000  }
0x129: {  	[sflag:s5] =	ssyncset.done $0x0  }
0x12a: {  	s1 =	rddreg [dreg:$0x1a];
	[sflag:s5] =	ssyncadd.s32 $0xFFFFC000  }
0x12b: {  	[hbm4b:s1+s2] =	stream.linear.scatter [tilespmem:s12], [sflag:$0x8], $0x4000, $0x38;
	[tilespmem:$0x1E400] =	vst v63  }
0x12c: {  	s1 =	rddreg [dreg:$0x1b]  }
0x12d: {  	[hbm4b:s1+s2] =	stream.linear.scatter [tilespmem:s13], [sflag:$0xA], $0x4000, $0x38;
	[tilespmem:$0x1E400] =	vst v63  }
0x12e: {  	_ =	swait.ge [sflag:s14], $0x4000  }
0x12f: {  	[sflag:s14] =	ssyncset.done $0x0  }
0x130: {  	[sflag:s14] =	ssyncadd.s32 $0xFFFFC000  }
0x131: {  	_ =	swait.ge [sflag:s15], $0x4000  }
0x132: {  	[sflag:s15] =	ssyncset.done $0x0  }
0x133: {  	s31 =	sadd.s32 $0x1, s31;
	[sflag:s15] =	ssyncadd.s32 $0xFFFFC000  }
0x134: {  	p0 =	sne.s32 s31, s30;
	_ =	swait.ge [sflag:s17], $0x4000  }
.Ltmp1:
0x135: {  	[sflag:s17] =	ssyncset.done $0x0;
	(pc) =	sbr.rel @p0 .LBB2_1-.Ltmp1, $4  }
0x136: {  	[sflag:s17] =	ssyncadd.s32 $0xFFFFC000  }
0x137: {  	_ =	swait.ge [sflag:s18], $0x4000  }
0x138: {  	[sflag:s18] =	ssyncset.done $0x0  }
0x139: {  	[sflag:s18] =	ssyncadd.s32 $0xFFFFC000  }
0x13a: {  	_ =	sfence.sel $0x180000  }
0x13b: {  	[bflag:$0x0] =	sbarrier.arrive $0xFFFF  }
0x13c: {  	_ =	strace $0x9000004A  }
0x13d: {  	s0 =	stileid.u32;
	[bflag:$0x2] =	sbarrier.arrive $0xFFFF  }
0x13e: {  	p0 =	sne.s32 s0, $0x0;
	s0 =	rddreg [dreg:$0x6]  }
0x13f: {  	s0 =	sadd.s32 @!p0 $0x100000, s0  }
0x140: {  	[sflag:s0] =	ssyncadd.tile.s32 @!p0 $0x1;
	_ =	shalt  }
.Lfunc_end2:
_tile_overlayer_lowered:
.L_overlay_start_2:
0x141: {  	(tag) =	ssettag $0x2  }
0x142: {  	s0 =	rddreg [dreg:$0x0];
	s2 =	stileid.u32  }
0x143: {  	s1 =	rddreg [dreg:$0x1];
	p0 =	sne.s32 s2, $0x0  }
0x144: {  	s3 =	rddreg [dreg:$0x2];
	[bflag:$0x3] =	sbarrier.arrive $0xFFFF;
	s2 =	simm.s32 @!p0 $0x1C0B  }
0x145: {  	[timem:s3], [sflag:s2] =	dma.local @!p0 [hbm:s0], s1  }
0x146: {  	s0 =	simm.s32 @!p0 $0xB  }
0x147: {  	_ =	swait.ge @!p0 [sflag:s0], s1  }
0x148: {  	s1 =	ssub.s32 @!p0 $0x0, s1;
	[sflag:s0] =	ssyncset.done @!p0 $0x0  }
0x149: {  	[sflag:s0] =	ssyncadd.s32 @!p0 s1  }
0x14a: {  	[bflag:$0x3] =	sbarrier.arrive $0xFFFF  }
0x14b: {  	_ =	shalt  }

</sc_bundles>
